<compile_context>
chip_gen: v7x
topology: tpu7x:2x2x1
jax: 0.10.2.dev20260603
libtpu: 0.0.44.dev20260713+nightly
codegen_flags: <defaults>
</compile_context>

<pallas_src>
import functools

import jax
import jax.numpy as jnp
from jax import lax
from jax.experimental import pallas as pl
from jax.experimental.pallas import tpu as pltpu
from jax.experimental.pallas import tpu_sc as plsc

N = 10000
NP = 10240
E = 320000
D = 128

NC = 2
NS = 16
NW = NC * NS
C = 64
NB = 4
CPT = 160
NCHP = NW * CPT
EPAD = NCHP * C - E
HALF = CPT // 4
RPT = NP // NS
K = RPT // C


def _sc_body(x_hbm, srcp_hbm, dstp_hbm, zagg_hbm,
             aggp_hbm, degp_hbm,
             src_sl, dst_sl, rows_v0, rows_v1, rows_v2, rows_v3,
             ones_v, deg640_v, agg_sh, deg_sh,
             sem_g0, sem_g1, sem_g2, sem_g3,
             sem_s0, sem_s1, sem_s2, sem_s3,
             sem_d0, sem_d1, sem_d2, sem_d3):
    rows_vs = [rows_v0, rows_v1, rows_v2, rows_v3]
    sem_gs = [sem_g0, sem_g1, sem_g2, sem_g3]
    sem_ss = [sem_s0, sem_s1, sem_s2, sem_s3]
    sem_ds = [sem_d0, sem_d1, sem_d2, sem_d3]
    c = lax.axis_index("c")
    s = lax.axis_index("s")
    wid = s * NC + c
    r0 = s * RPT

    for i in range(C // 16):
        ones_v[pl.ds(i * 16, 16)] = jnp.ones((16,), jnp.float32)
    for i in range(RPT // 16):
        deg640_v[pl.ds(i * 16, 16)] = jnp.zeros((16,), jnp.float32)
    pltpu.sync_copy(deg640_v, deg_sh.at[pl.ds(r0, RPT)])
    pltpu.sync_copy(zagg_hbm, rows_v0)
    for k in range(K):
        pltpu.sync_copy(rows_v0, agg_sh.at[pl.ds(r0 + k * C, C)])
    plsc.subcore_barrier()

    def fire_gather(b, lj):
        lj = jnp.minimum(lj, HALF - 1)
        pltpu.async_copy(x_hbm.at[src_sl.at[lj]], rows_vs[b], sem_gs[b])

    def wait_gather(b):
        pltpu.make_async_copy(x_hbm.at[src_sl.at[0]], rows_vs[b],
                              sem_gs[b]).wait()

    def fire_scatter(b, lj):
        pltpu.async_copy(rows_vs[b], agg_sh.at[dst_sl.at[lj]],
                         sem_ss[b], add=True)
        pltpu.async_copy(ones_v, deg_sh.at[dst_sl.at[lj]],
                         sem_ds[b], add=True)

    def wait_scatter(b):
        pltpu.make_async_copy(rows_vs[b], agg_sh.at[dst_sl.at[0]],
                              sem_ss[b]).wait()
        pltpu.make_async_copy(ones_v, deg_sh.at[dst_sl.at[0]],
                              sem_ds[b]).wait()

    def half(ch_base):
        row0 = wid * CPT + ch_base
        pltpu.sync_copy(srcp_hbm.at[pl.ds(row0, HALF)], src_sl)
        pltpu.sync_copy(dstp_hbm.at[pl.ds(row0, HALF)], dst_sl)

        def step(b, j, drain):
            b2 = (b + 2) % NB
            if drain:
                wait_scatter(b2)
            fire_gather(b2, j + 2)
            wait_gather(b)
            fire_scatter(b, j)

        fire_gather(0, 0)
        fire_gather(1, 1)
        for b in range(NB):
            step(b, b, drain=(b >= 2))

        def body(t, carry):
            for b in range(NB):
                step(b, t * NB + b, drain=True)
            return carry

        lax.fori_loop(1, HALF // NB, body, 0)

        wait_scatter(2)
        wait_scatter(3)
        wait_gather(0)
        wait_gather(1)

    for q in range(CPT // HALF):
        half(q * HALF)
    plsc.subcore_barrier()

    for k in range(K):
        pltpu.sync_copy(agg_sh.at[pl.ds(r0 + k * C, C)], rows_v0)
        pltpu.sync_copy(rows_v0, aggp_hbm.at[c, pl.ds(r0 + k * C, C)])
    pltpu.sync_copy(deg_sh.at[pl.ds(r0, RPT)], deg640_v)
    pltpu.sync_copy(deg640_v, degp_hbm.at[pl.ds(c * NP + r0, RPT)])


_sc_aggregate = functools.partial(
    pl.kernel,
    out_type=[
        jax.ShapeDtypeStruct((NC, NP, D), jnp.float32),
        jax.ShapeDtypeStruct((NC * NP,), jnp.float32),
    ],
    mesh=plsc.VectorSubcoreMesh(core_axis_name="c", subcore_axis_name="s"),
    scratch_types=[
        pltpu.VMEM((HALF, C), jnp.int32),
        pltpu.VMEM((HALF, C), jnp.int32),
        pltpu.VMEM((C, D), jnp.float32),
        pltpu.VMEM((C, D), jnp.float32),
        pltpu.VMEM((C, D), jnp.float32),
        pltpu.VMEM((C, D), jnp.float32),
        pltpu.VMEM((C,), jnp.float32),
        pltpu.VMEM((RPT,), jnp.float32),
        pltpu.VMEM_SHARED((NP, D), jnp.float32),
        pltpu.VMEM_SHARED((NP,), jnp.float32),
        pltpu.SemaphoreType.DMA,
        pltpu.SemaphoreType.DMA,
        pltpu.SemaphoreType.DMA,
        pltpu.SemaphoreType.DMA,
        pltpu.SemaphoreType.DMA,
        pltpu.SemaphoreType.DMA,
        pltpu.SemaphoreType.DMA,
        pltpu.SemaphoreType.DMA,
        pltpu.SemaphoreType.DMA,
        pltpu.SemaphoreType.DMA,
        pltpu.SemaphoreType.DMA,
        pltpu.SemaphoreType.DMA,
    ],
)(_sc_body)


R = 1000


def _combine_body(aggp_ref, degp_ref, w_ref, b_ref, out_ref):
    ssum = aggp_ref[0] + aggp_ref[1]
    deg = degp_ref[0, :, 0] + degp_ref[1, :, 0]
    deg2 = deg[:, None]
    num = jnp.dot(ssum, w_ref[...], preferred_element_type=jnp.float32)
    num = num + deg2 * b_ref[...]
    out_ref[...] = jnp.maximum(num / jnp.maximum(deg2, 1.0), 0.0)


def _combine(aggp, degp, W, b):
    return pl.pallas_call(
        _combine_body,
        grid=(N // R,),
        in_specs=[
            pl.BlockSpec((NC, R, D), lambda i: (0, i, 0)),
            pl.BlockSpec((NC, R, 1), lambda i: (0, i, 0)),
            pl.BlockSpec((D, D), lambda i: (0, 0)),
            pl.BlockSpec((1, D), lambda i: (0, 0)),
        ],
        out_specs=pl.BlockSpec((R, D), lambda i: (i, 0)),
        out_shape=jax.ShapeDtypeStruct((N, D), jnp.float32),
    )(aggp, degp, W, b)


def kernel(x, edge_index, W, b):
    pad_ix = jax.lax.iota(jnp.int32, EPAD)
    srcp = jnp.concatenate([edge_index[0], pad_ix % N]).reshape(NCHP, C)
    dstp = jnp.concatenate([edge_index[1], N + pad_ix % (NP - N)]).reshape(NCHP, C)
    zagg = jnp.zeros((C, D), jnp.float32)
    aggp, degp = _sc_aggregate(x, srcp, dstp, zagg)
    return _combine(aggp, degp.reshape(NC, NP, 1), W, b.reshape(1, D))

# --- scband reference (transcript-rebuilt; emitter-appended) ---
"""Pipeline reference for scband-gnn-base-90314572300443 (READ-ONLY COPY).

The authoritative reference and input builder live on the scoring server;
editing this copy changes nothing except your own understanding.
"""

import jax, jax.numpy as jnp
import numpy as np

N = 10000
E = 320000
D_IN = 128
D_OUT = 128


def setup_inputs(seed: int = 0) -> dict:
    key = jax.random.key(seed)
    k1, k2, k3, k4 = jax.random.split(key, 4)
    x = jax.random.normal(k1, (N, D_IN), dtype=jnp.float32)
    edge_index = jax.random.randint(k2, (2, E), 0, N, dtype=jnp.int32)
    W = jax.random.normal(k3, (D_IN, D_OUT), dtype=jnp.float32) * (1.0 / np.sqrt(D_IN))
    b = jnp.zeros((D_OUT,), dtype=jnp.float32)
    return {"x": x, "edge_index": edge_index, "W": W, "b": b}


def reference(x, edge_index, W, b):
    # StateEncoder-style linear encode of node features
    h = x @ W + b
    src = edge_index[0]
    dst = edge_index[1]
    # gather messages from source nodes (memory-bound gather)
    msgs = jnp.take(h, src, axis=0)
    # scatter-add aggregation to destination nodes with mean normalization
    deg = jnp.zeros((N,), dtype=x.dtype).at[dst].add(1.0)
    agg = jnp.zeros((N, D_OUT), dtype=x.dtype).at[dst].add(msgs)
    out = agg / jnp.clip(deg, 1.0)[:, None]
    out = jax.nn.relu(out)
    return out

if __name__ == "__main__":
    import jax
    _d = setup_inputs()
    print(jax.jit(kernel)(*tuple(_d.values())))

</pallas_src>

<mosaic_0001>
#map = affine_map<(d0, d1) -> (0, 0)>
#map1 = affine_map<(d0, d1) -> (0, 0, 0)>
#map2 = affine_map<(d0, d1) -> (0)>
module attributes {stable_mosaic.version = 14 : i64} {
  func.func @_sc_body(%arg0: i32, %arg1: i32, %arg2: memref<10000x128xf32, #tpu.memory_space<hbm>>, %arg3: memref<5120x64xi32, #tpu.memory_space<hbm>>, %arg4: memref<5120x64xi32, #tpu.memory_space<hbm>>, %arg5: memref<64x128xf32, #tpu.memory_space<hbm>>, %arg6: memref<2x10240x128xf32, #tpu.memory_space<hbm>>, %arg7: memref<20480xf32, #tpu.memory_space<hbm>>, %arg8: memref<40x64xi32, #tpu.memory_space<vmem>>, %arg9: memref<40x64xi32, #tpu.memory_space<vmem>>, %arg10: memref<64x128xf32, #tpu.memory_space<vmem>>, %arg11: memref<64x128xf32, #tpu.memory_space<vmem>>, %arg12: memref<64x128xf32, #tpu.memory_space<vmem>>, %arg13: memref<64x128xf32, #tpu.memory_space<vmem>>, %arg14: memref<64xf32, #tpu.memory_space<vmem>>, %arg15: memref<640xf32, #tpu.memory_space<vmem>>, %arg16: memref<10240x128xf32, #tpu.memory_space<vmem_shared>>, %arg17: memref<10240xf32, #tpu.memory_space<vmem_shared>>, %arg18: memref<!tpu.dma_semaphore, #tpu.memory_space<semaphore_mem>>, %arg19: memref<!tpu.dma_semaphore, #tpu.memory_space<semaphore_mem>>, %arg20: memref<!tpu.dma_semaphore, #tpu.memory_space<semaphore_mem>>, %arg21: memref<!tpu.dma_semaphore, #tpu.memory_space<semaphore_mem>>, %arg22: memref<!tpu.dma_semaphore, #tpu.memory_space<semaphore_mem>>, %arg23: memref<!tpu.dma_semaphore, #tpu.memory_space<semaphore_mem>>, %arg24: memref<!tpu.dma_semaphore, #tpu.memory_space<semaphore_mem>>, %arg25: memref<!tpu.dma_semaphore, #tpu.memory_space<semaphore_mem>>, %arg26: memref<!tpu.dma_semaphore, #tpu.memory_space<semaphore_mem>>, %arg27: memref<!tpu.dma_semaphore, #tpu.memory_space<semaphore_mem>>, %arg28: memref<!tpu.dma_semaphore, #tpu.memory_space<semaphore_mem>>, %arg29: memref<!tpu.dma_semaphore, #tpu.memory_space<semaphore_mem>>) attributes {dimension_semantics = [#tpu.dimension_semantics<core_parallel>, #tpu.dimension_semantics<subcore_parallel>], iteration_bounds = array<i64: 2, 16>, scalar_prefetch = 0 : i64, scratch_operands = 22 : i64, tpu.core_type = #tpu.core_type<sc_vector_subcore>, window_params = [{transform_indices = #map}, {transform_indices = #map}, {transform_indices = #map}, {transform_indices = #map}, {transform_indices = #map1}, {transform_indices = #map2}]} {
    %mul3A = arith.constant 2 : i32
    %mul3A_0 = arith.muli %arg1, %mul3A : i32
    %add3A = arith.addi %mul3A_0, %arg0 : i32
    %mul3A_1 = arith.constant 640 : i32
    %mul3A_2 = arith.muli %arg1, %mul3A_1 : i32
    %broadcast_in_dim3A = arith.constant 1.000000e+00 : f32
    %broadcast_in_dim3A_3 = vector.broadcast %broadcast_in_dim3A : f32 to vector<16xf32>
    %swap3A = arith.constant 0 : index
    %swap3A_4 = tpu.vector_load %arg14[%swap3A] {strides = array<i32>} : memref<64xf32, #tpu.memory_space<vmem>>, vector<16xf32>,
    %swap3A_5 = vector.shape_cast %swap3A_4 : vector<16xf32> to vector<16xf32>
    %swap3A_6 = vector.shape_cast %broadcast_in_dim3A_3 : vector<16xf32> to vector<16xf32>
    tpu.vector_store %arg14[%swap3A], %swap3A_6 {strides = array<i32>} : memref<64xf32, #tpu.memory_space<vmem>>, vector<16xf32>,
    %broadcast_in_dim3A_7 = arith.constant 1.000000e+00 : f32
    %broadcast_in_dim3A_8 = vector.broadcast %broadcast_in_dim3A_7 : f32 to vector<16xf32>
    %swap3A_9 = arith.constant 16 : index
    %swap3A_10 = tpu.vector_load %arg14[%swap3A_9] {strides = array<i32>} : memref<64xf32, #tpu.memory_space<vmem>>, vector<16xf32>,
    %swap3A_11 = vector.shape_cast %swap3A_10 : vector<16xf32> to vector<16xf32>
    %swap3A_12 = vector.shape_cast %broadcast_in_dim3A_8 : vector<16xf32> to vector<16xf32>
    tpu.vector_store %arg14[%swap3A_9], %swap3A_12 {strides = array<i32>} : memref<64xf32, #tpu.memory_space<vmem>>, vector<16xf32>,
    %broadcast_in_dim3A_13 = arith.constant 1.000000e+00 : f32
    %broadcast_in_dim3A_14 = vector.broadcast %broadcast_in_dim3A_13 : f32 to vector<16xf32>
    %swap3A_15 = arith.constant 32 : index
    %swap3A_16 = tpu.vector_load %arg14[%swap3A_15] {strides = array<i32>} : memref<64xf32, #tpu.memory_space<vmem>>, vector<16xf32>,
    %swap3A_17 = vector.shape_cast %swap3A_16 : vector<16xf32> to vector<16xf32>
    %swap3A_18 = vector.shape_cast %broadcast_in_dim3A_14 : vector<16xf32> to vector<16xf32>
    tpu.vector_store %arg14[%swap3A_15], %swap3A_18 {strides = array<i32>} : memref<64xf32, #tpu.memory_space<vmem>>, vector<16xf32>,
    %broadcast_in_dim3A_19 = arith.constant 1.000000e+00 : f32
    %broadcast_in_dim3A_20 = vector.broadcast %broadcast_in_dim3A_19 : f32 to vector<16xf32>
    %swap3A_21 = arith.constant 48 : index
    %swap3A_22 = tpu.vector_load %arg14[%swap3A_21] {strides = array<i32>} : memref<64xf32, #tpu.memory_space<vmem>>, vector<16xf32>,
    %swap3A_23 = vector.shape_cast %swap3A_22 : vector<16xf32> to vector<16xf32>
    %swap3A_24 = vector.shape_cast %broadcast_in_dim3A_20 : vector<16xf32> to vector<16xf32>
    tpu.vector_store %arg14[%swap3A_21], %swap3A_24 {strides = array<i32>} : memref<64xf32, #tpu.memory_space<vmem>>, vector<16xf32>,
    %broadcast_in_dim3A_25 = arith.constant 0.000000e+00 : f32
    %broadcast_in_dim3A_26 = vector.broadcast %broadcast_in_dim3A_25 : f32 to vector<16xf32>
    %swap3A_27 = arith.constant 0 : index
    %swap3A_28 = tpu.vector_load %arg15[%swap3A_27] {strides = array<i32>} : memref<640xf32, #tpu.memory_space<vmem>>, vector<16xf32>,
    %swap3A_29 = vector.shape_cast %swap3A_28 : vector<16xf32> to vector<16xf32>
    %swap3A_30 = vector.shape_cast %broadcast_in_dim3A_26 : vector<16xf32> to vector<16xf32>
    tpu.vector_store %arg15[%swap3A_27], %swap3A_30 {strides = array<i32>} : memref<640xf32, #tpu.memory_space<vmem>>, vector<16xf32>,
    %broadcast_in_dim3A_31 = arith.constant 0.000000e+00 : f32
    %broadcast_in_dim3A_32 = vector.broadcast %broadcast_in_dim3A_31 : f32 to vector<16xf32>
    %swap3A_33 = arith.constant 16 : index
    %swap3A_34 = tpu.vector_load %arg15[%swap3A_33] {strides = array<i32>} : memref<640xf32, #tpu.memory_space<vmem>>, vector<16xf32>,
    %swap3A_35 = vector.shape_cast %swap3A_34 : vector<16xf32> to vector<16xf32>
    %swap3A_36 = vector.shape_cast %broadcast_in_dim3A_32 : vector<16xf32> to vector<16xf32>
    tpu.vector_store %arg15[%swap3A_33], %swap3A_36 {strides = array<i32>} : memref<640xf32, #tpu.memory_space<vmem>>, vector<16xf32>,
    %broadcast_in_dim3A_37 = arith.constant 0.000000e+00 : f32
    %broadcast_in_dim3A_38 = vector.broadcast %broadcast_in_dim3A_37 : f32 to vector<16xf32>
    %swap3A_39 = arith.constant 32 : index
    %swap3A_40 = tpu.vector_load %arg15[%swap3A_39] {strides = array<i32>} : memref<640xf32, #tpu.memory_space<vmem>>, vector<16xf32>,
    %swap3A_41 = vector.shape_cast %swap3A_40 : vector<16xf32> to vector<16xf32>
    %swap3A_42 = vector.shape_cast %broadcast_in_dim3A_38 : vector<16xf32> to vector<16xf32>
    tpu.vector_store %arg15[%swap3A_39], %swap3A_42 {strides = array<i32>} : memref<640xf32, #tpu.memory_space<vmem>>, vector<16xf32>,
    %broadcast_in_dim3A_43 = arith.constant 0.000000e+00 : f32
    %broadcast_in_dim3A_44 = vector.broadcast %broadcast_in_dim3A_43 : f32 to vector<16xf32>
    %swap3A_45 = arith.constant 48 : index
    %swap3A_46 = tpu.vector_load %arg15[%swap3A_45] {strides = array<i32>} : memref<640xf32, #tpu.memory_space<vmem>>, vector<16xf32>,
    %swap3A_47 = vector.shape_cast %swap3A_46 : vector<16xf32> to vector<16xf32>
    %swap3A_48 = vector.shape_cast %broadcast_in_dim3A_44 : vector<16xf32> to vector<16xf32>
    tpu.vector_store %arg15[%swap3A_45], %swap3A_48 {strides = array<i32>} : memref<640xf32, #tpu.memory_space<vmem>>, vector<16xf32>,
    %broadcast_in_dim3A_49 = arith.constant 0.000000e+00 : f32
    %broadcast_in_dim3A_50 = vector.broadcast %broadcast_in_dim3A_49 : f32 to vector<16xf32>
    %swap3A_51 = arith.constant 64 : index
    %swap3A_52 = tpu.vector_load %arg15[%swap3A_51] {strides = array<i32>} : memref<640xf32, #tpu.memory_space<vmem>>, vector<16xf32>,
    %swap3A_53 = vector.shape_cast %swap3A_52 : vector<16xf32> to vector<16xf32>
    %swap3A_54 = vector.shape_cast %broadcast_in_dim3A_50 : vector<16xf32> to vector<16xf32>
    tpu.vector_store %arg15[%swap3A_51], %swap3A_54 {strides = array<i32>} : memref<640xf32, #tpu.memory_space<vmem>>, vector<16xf32>,
    %broadcast_in_dim3A_55 = arith.constant 0.000000e+00 : f32
    %broadcast_in_dim3A_56 = vector.broadcast %broadcast_in_dim3A_55 : f32 to vector<16xf32>
    %swap3A_57 = arith.constant 80 : index
    %swap3A_58 = tpu.vector_load %arg15[%swap3A_57] {strides = array<i32>} : memref<640xf32, #tpu.memory_space<vmem>>, vector<16xf32>,
    %swap3A_59 = vector.shape_cast %swap3A_58 : vector<16xf32> to vector<16xf32>
    %swap3A_60 = vector.shape_cast %broadcast_in_dim3A_56 : vector<16xf32> to vector<16xf32>
    tpu.vector_store %arg15[%swap3A_57], %swap3A_60 {strides = array<i32>} : memref<640xf32, #tpu.memory_space<vmem>>, vector<16xf32>,
    %broadcast_in_dim3A_61 = arith.constant 0.000000e+00 : f32
    %broadcast_in_dim3A_62 = vector.broadcast %broadcast_in_dim3A_61 : f32 to vector<16xf32>
    %swap3A_63 = arith.constant 96 : index
    %swap3A_64 = tpu.vector_load %arg15[%swap3A_63] {strides = array<i32>} : memref<640xf32, #tpu.memory_space<vmem>>, vector<16xf32>,
    %swap3A_65 = vector.shape_cast %swap3A_64 : vector<16xf32> to vector<16xf32>
    %swap3A_66 = vector.shape_cast %broadcast_in_dim3A_62 : vector<16xf32> to vector<16xf32>
    tpu.vector_store %arg15[%swap3A_63], %swap3A_66 {strides = array<i32>} : memref<640xf32, #tpu.memory_space<vmem>>, vector<16xf32>,
    %broadcast_in_dim3A_67 = arith.constant 0.000000e+00 : f32
    %broadcast_in_dim3A_68 = vector.broadcast %broadcast_in_dim3A_67 : f32 to vector<16xf32>
    %swap3A_69 = arith.constant 112 : index
    %swap3A_70 = tpu.vector_load %arg15[%swap3A_69] {strides = array<i32>} : memref<640xf32, #tpu.memory_space<vmem>>, vector<16xf32>,
    %swap3A_71 = vector.shape_cast %swap3A_70 : vector<16xf32> to vector<16xf32>
    %swap3A_72 = vector.shape_cast %broadcast_in_dim3A_68 : vector<16xf32> to vector<16xf32>
    tpu.vector_store %arg15[%swap3A_69], %swap3A_72 {strides = array<i32>} : memref<640xf32, #tpu.memory_space<vmem>>, vector<16xf32>,
    %broadcast_in_dim3A_73 = arith.constant 0.000000e+00 : f32
    %broadcast_in_dim3A_74 = vector.broadcast %broadcast_in_dim3A_73 : f32 to vector<16xf32>
    %swap3A_75 = arith.constant 128 : index
    %swap3A_76 = tpu.vector_load %arg15[%swap3A_75] {strides = array<i32>} : memref<640xf32, #tpu.memory_space<vmem>>, vector<16xf32>,
    %swap3A_77 = vector.shape_cast %swap3A_76 : vector<16xf32> to vector<16xf32>
    %swap3A_78 = vector.shape_cast %broadcast_in_dim3A_74 : vector<16xf32> to vector<16xf32>
    tpu.vector_store %arg15[%swap3A_75], %swap3A_78 {strides = array<i32>} : memref<640xf32, #tpu.memory_space<vmem>>, vector<16xf32>,
    %broadcast_in_dim3A_79 = arith.constant 0.000000e+00 : f32
    %broadcast_in_dim3A_80 = vector.broadcast %broadcast_in_dim3A_79 : f32 to vector<16xf32>
    %swap3A_81 = arith.constant 144 : index
    %swap3A_82 = tpu.vector_load %arg15[%swap3A_81] {strides = array<i32>} : memref<640xf32, #tpu.memory_space<vmem>>, vector<16xf32>,
    %swap3A_83 = vector.shape_cast %swap3A_82 : vector<16xf32> to vector<16xf32>
    %swap3A_84 = vector.shape_cast %broadcast_in_dim3A_80 : vector<16xf32> to vector<16xf32>
    tpu.vector_store %arg15[%swap3A_81], %swap3A_84 {strides = array<i32>} : memref<640xf32, #tpu.memory_space<vmem>>, vector<16xf32>,
    %broadcast_in_dim3A_85 = arith.constant 0.000000e+00 : f32
    %broadcast_in_dim3A_86 = vector.broadcast %broadcast_in_dim3A_85 : f32 to vector<16xf32>
    %swap3A_87 = arith.constant 160 : index
    %swap3A_88 = tpu.vector_load %arg15[%swap3A_87] {strides = array<i32>} : memref<640xf32, #tpu.memory_space<vmem>>, vector<16xf32>,
    %swap3A_89 = vector.shape_cast %swap3A_88 : vector<16xf32> to vector<16xf32>
    %swap3A_90 = vector.shape_cast %broadcast_in_dim3A_86 : vector<16xf32> to vector<16xf32>
    tpu.vector_store %arg15[%swap3A_87], %swap3A_90 {strides = array<i32>} : memref<640xf32, #tpu.memory_space<vmem>>, vector<16xf32>,
    %broadcast_in_dim3A_91 = arith.constant 0.000000e+00 : f32
    %broadcast_in_dim3A_92 = vector.broadcast %broadcast_in_dim3A_91 : f32 to vector<16xf32>
    %swap3A_93 = arith.constant 176 : index
    %swap3A_94 = tpu.vector_load %arg15[%swap3A_93] {strides = array<i32>} : memref<640xf32, #tpu.memory_space<vmem>>, vector<16xf32>,
    %swap3A_95 = vector.shape_cast %swap3A_94 : vector<16xf32> to vector<16xf32>
    %swap3A_96 = vector.shape_cast %broadcast_in_dim3A_92 : vector<16xf32> to vector<16xf32>
    tpu.vector_store %arg15[%swap3A_93], %swap3A_96 {strides = array<i32>} : memref<640xf32, #tpu.memory_space<vmem>>, vector<16xf32>,
    %broadcast_in_dim3A_97 = arith.constant 0.000000e+00 : f32
    %broadcast_in_dim3A_98 = vector.broadcast %broadcast_in_dim3A_97 : f32 to vector<16xf32>
    %swap3A_99 = arith.constant 192 : index
    %swap3A_100 = tpu.vector_load %arg15[%swap3A_99] {strides = array<i32>} : memref<640xf32, #tpu.memory_space<vmem>>, vector<16xf32>,
    %swap3A_101 = vector.shape_cast %swap3A_100 : vector<16xf32> to vector<16xf32>
    %swap3A_102 = vector.shape_cast %broadcast_in_dim3A_98 : vector<16xf32> to vector<16xf32>
    tpu.vector_store %arg15[%swap3A_99], %swap3A_102 {strides = array<i32>} : memref<640xf32, #tpu.memory_space<vmem>>, vector<16xf32>,
    %broadcast_in_dim3A_103 = arith.constant 0.000000e+00 : f32
    %broadcast_in_dim3A_104 = vector.broadcast %broadcast_in_dim3A_103 : f32 to vector<16xf32>
    %swap3A_105 = arith.constant 208 : index
    %swap3A_106 = tpu.vector_load %arg15[%swap3A_105] {strides = array<i32>} : memref<640xf32, #tpu.memory_space<vmem>>, vector<16xf32>,
    %swap3A_107 = vector.shape_cast %swap3A_106 : vector<16xf32> to vector<16xf32>
    %swap3A_108 = vector.shape_cast %broadcast_in_dim3A_104 : vector<16xf32> to vector<16xf32>
    tpu.vector_store %arg15[%swap3A_105], %swap3A_108 {strides = array<i32>} : memref<640xf32, #tpu.memory_space<vmem>>, vector<16xf32>,
    %broadcast_in_dim3A_109 = arith.constant 0.000000e+00 : f32
    %broadcast_in_dim3A_110 = vector.broadcast %broadcast_in_dim3A_109 : f32 to vector<16xf32>
    %swap3A_111 = arith.constant 224 : index
    %swap3A_112 = tpu.vector_load %arg15[%swap3A_111] {strides = array<i32>} : memref<640xf32, #tpu.memory_space<vmem>>, vector<16xf32>,
    %swap3A_113 = vector.shape_cast %swap3A_112 : vector<16xf32> to vector<16xf32>
    %swap3A_114 = vector.shape_cast %broadcast_in_dim3A_110 : vector<16xf32> to vector<16xf32>
    tpu.vector_store %arg15[%swap3A_111], %swap3A_114 {strides = array<i32>} : memref<640xf32, #tpu.memory_space<vmem>>, vector<16xf32>,
    %broadcast_in_dim3A_115 = arith.constant 0.000000e+00 : f32
    %broadcast_in_dim3A_116 = vector.broadcast %broadcast_in_dim3A_115 : f32 to vector<16xf32>
    %swap3A_117 = arith.constant 240 : index
    %swap3A_118 = tpu.vector_load %arg15[%swap3A_117] {strides = array<i32>} : memref<640xf32, #tpu.memory_space<vmem>>, vector<16xf32>,
    %swap3A_119 = vector.shape_cast %swap3A_118 : vector<16xf32> to vector<16xf32>
    %swap3A_120 = vector.shape_cast %broadcast_in_dim3A_116 : vector<16xf32> to vector<16xf32>
    tpu.vector_store %arg15[%swap3A_117], %swap3A_120 {strides = array<i32>} : memref<640xf32, #tpu.memory_space<vmem>>, vector<16xf32>,
    %broadcast_in_dim3A_121 = arith.constant 0.000000e+00 : f32
    %broadcast_in_dim3A_122 = vector.broadcast %broadcast_in_dim3A_121 : f32 to vector<16xf32>
    %swap3A_123 = arith.constant 256 : index
    %swap3A_124 = tpu.vector_load %arg15[%swap3A_123] {strides = array<i32>} : memref<640xf32, #tpu.memory_space<vmem>>, vector<16xf32>,
    %swap3A_125 = vector.shape_cast %swap3A_124 : vector<16xf32> to vector<16xf32>
    %swap3A_126 = vector.shape_cast %broadcast_in_dim3A_122 : vector<16xf32> to vector<16xf32>
    tpu.vector_store %arg15[%swap3A_123], %swap3A_126 {strides = array<i32>} : memref<640xf32, #tpu.memory_space<vmem>>, vector<16xf32>,
    %broadcast_in_dim3A_127 = arith.constant 0.000000e+00 : f32
    %broadcast_in_dim3A_128 = vector.broadcast %broadcast_in_dim3A_127 : f32 to vector<16xf32>
    %swap3A_129 = arith.constant 272 : index
    %swap3A_130 = tpu.vector_load %arg15[%swap3A_129] {strides = array<i32>} : memref<640xf32, #tpu.memory_space<vmem>>, vector<16xf32>,
    %swap3A_131 = vector.shape_cast %swap3A_130 : vector<16xf32> to vector<16xf32>
    %swap3A_132 = vector.shape_cast %broadcast_in_dim3A_128 : vector<16xf32> to vector<16xf32>
    tpu.vector_store %arg15[%swap3A_129], %swap3A_132 {strides = array<i32>} : memref<640xf32, #tpu.memory_space<vmem>>, vector<16xf32>,
    %broadcast_in_dim3A_133 = arith.constant 0.000000e+00 : f32
    %broadcast_in_dim3A_134 = vector.broadcast %broadcast_in_dim3A_133 : f32 to vector<16xf32>
    %swap3A_135 = arith.constant 288 : index
    %swap3A_136 = tpu.vector_load %arg15[%swap3A_135] {strides = array<i32>} : memref<640xf32, #tpu.memory_space<vmem>>, vector<16xf32>,
    %swap3A_137 = vector.shape_cast %swap3A_136 : vector<16xf32> to vector<16xf32>
    %swap3A_138 = vector.shape_cast %broadcast_in_dim3A_134 : vector<16xf32> to vector<16xf32>
    tpu.vector_store %arg15[%swap3A_135], %swap3A_138 {strides = array<i32>} : memref<640xf32, #tpu.memory_space<vmem>>, vector<16xf32>,
    %broadcast_in_dim3A_139 = arith.constant 0.000000e+00 : f32
    %broadcast_in_dim3A_140 = vector.broadcast %broadcast_in_dim3A_139 : f32 to vector<16xf32>
    %swap3A_141 = arith.constant 304 : index
    %swap3A_142 = tpu.vector_load %arg15[%swap3A_141] {strides = array<i32>} : memref<640xf32, #tpu.memory_space<vmem>>, vector<16xf32>,
    %swap3A_143 = vector.shape_cast %swap3A_142 : vector<16xf32> to vector<16xf32>
    %swap3A_144 = vector.shape_cast %broadcast_in_dim3A_140 : vector<16xf32> to vector<16xf32>
    tpu.vector_store %arg15[%swap3A_141], %swap3A_144 {strides = array<i32>} : memref<640xf32, #tpu.memory_space<vmem>>, vector<16xf32>,
    %broadcast_in_dim3A_145 = arith.constant 0.000000e+00 : f32
    %broadcast_in_dim3A_146 = vector.broadcast %broadcast_in_dim3A_145 : f32 to vector<16xf32>
    %swap3A_147 = arith.constant 320 : index
    %swap3A_148 = tpu.vector_load %arg15[%swap3A_147] {strides = array<i32>} : memref<640xf32, #tpu.memory_space<vmem>>, vector<16xf32>,
    %swap3A_149 = vector.shape_cast %swap3A_148 : vector<16xf32> to vector<16xf32>
    %swap3A_150 = vector.shape_cast %broadcast_in_dim3A_146 : vector<16xf32> to vector<16xf32>
    tpu.vector_store %arg15[%swap3A_147], %swap3A_150 {strides = array<i32>} : memref<640xf32, #tpu.memory_space<vmem>>, vector<16xf32>,
    %broadcast_in_dim3A_151 = arith.constant 0.000000e+00 : f32
    %broadcast_in_dim3A_152 = vector.broadcast %broadcast_in_dim3A_151 : f32 to vector<16xf32>
    %swap3A_153 = arith.constant 336 : index
    %swap3A_154 = tpu.vector_load %arg15[%swap3A_153] {strides = array<i32>} : memref<640xf32, #tpu.memory_space<vmem>>, vector<16xf32>,
    %swap3A_155 = vector.shape_cast %swap3A_154 : vector<16xf32> to vector<16xf32>
    %swap3A_156 = vector.shape_cast %broadcast_in_dim3A_152 : vector<16xf32> to vector<16xf32>
    tpu.vector_store %arg15[%swap3A_153], %swap3A_156 {strides = array<i32>} : memref<640xf32, #tpu.memory_space<vmem>>, vector<16xf32>,
    %broadcast_in_dim3A_157 = arith.constant 0.000000e+00 : f32
    %broadcast_in_dim3A_158 = vector.broadcast %broadcast_in_dim3A_157 : f32 to vector<16xf32>
    %swap3A_159 = arith.constant 352 : index
    %swap3A_160 = tpu.vector_load %arg15[%swap3A_159] {strides = array<i32>} : memref<640xf32, #tpu.memory_space<vmem>>, vector<16xf32>,
    %swap3A_161 = vector.shape_cast %swap3A_160 : vector<16xf32> to vector<16xf32>
    %swap3A_162 = vector.shape_cast %broadcast_in_dim3A_158 : vector<16xf32> to vector<16xf32>
    tpu.vector_store %arg15[%swap3A_159], %swap3A_162 {strides = array<i32>} : memref<640xf32, #tpu.memory_space<vmem>>, vector<16xf32>,
    %broadcast_in_dim3A_163 = arith.constant 0.000000e+00 : f32
    %broadcast_in_dim3A_164 = vector.broadcast %broadcast_in_dim3A_163 : f32 to vector<16xf32>
    %swap3A_165 = arith.constant 368 : index
    %swap3A_166 = tpu.vector_load %arg15[%swap3A_165] {strides = array<i32>} : memref<640xf32, #tpu.memory_space<vmem>>, vector<16xf32>,
    %swap3A_167 = vector.shape_cast %swap3A_166 : vector<16xf32> to vector<16xf32>
    %swap3A_168 = vector.shape_cast %broadcast_in_dim3A_164 : vector<16xf32> to vector<16xf32>
    tpu.vector_store %arg15[%swap3A_165], %swap3A_168 {strides = array<i32>} : memref<640xf32, #tpu.memory_space<vmem>>, vector<16xf32>,
    %broadcast_in_dim3A_169 = arith.constant 0.000000e+00 : f32
    %broadcast_in_dim3A_170 = vector.broadcast %broadcast_in_dim3A_169 : f32 to vector<16xf32>
    %swap3A_171 = arith.constant 384 : index
    %swap3A_172 = tpu.vector_load %arg15[%swap3A_171] {strides = array<i32>} : memref<640xf32, #tpu.memory_space<vmem>>, vector<16xf32>,
    %swap3A_173 = vector.shape_cast %swap3A_172 : vector<16xf32> to vector<16xf32>
    %swap3A_174 = vector.shape_cast %broadcast_in_dim3A_170 : vector<16xf32> to vector<16xf32>
    tpu.vector_store %arg15[%swap3A_171], %swap3A_174 {strides = array<i32>} : memref<640xf32, #tpu.memory_space<vmem>>, vector<16xf32>,
    %broadcast_in_dim3A_175 = arith.constant 0.000000e+00 : f32
    %broadcast_in_dim3A_176 = vector.broadcast %broadcast_in_dim3A_175 : f32 to vector<16xf32>
    %swap3A_177 = arith.constant 400 : index
    %swap3A_178 = tpu.vector_load %arg15[%swap3A_177] {strides = array<i32>} : memref<640xf32, #tpu.memory_space<vmem>>, vector<16xf32>,
    %swap3A_179 = vector.shape_cast %swap3A_178 : vector<16xf32> to vector<16xf32>
    %swap3A_180 = vector.shape_cast %broadcast_in_dim3A_176 : vector<16xf32> to vector<16xf32>
    tpu.vector_store %arg15[%swap3A_177], %swap3A_180 {strides = array<i32>} : memref<640xf32, #tpu.memory_space<vmem>>, vector<16xf32>,
    %broadcast_in_dim3A_181 = arith.constant 0.000000e+00 : f32
    %broadcast_in_dim3A_182 = vector.broadcast %broadcast_in_dim3A_181 : f32 to vector<16xf32>
    %swap3A_183 = arith.constant 416 : index
    %swap3A_184 = tpu.vector_load %arg15[%swap3A_183] {strides = array<i32>} : memref<640xf32, #tpu.memory_space<vmem>>, vector<16xf32>,
    %swap3A_185 = vector.shape_cast %swap3A_184 : vector<16xf32> to vector<16xf32>
    %swap3A_186 = vector.shape_cast %broadcast_in_dim3A_182 : vector<16xf32> to vector<16xf32>
    tpu.vector_store %arg15[%swap3A_183], %swap3A_186 {strides = array<i32>} : memref<640xf32, #tpu.memory_space<vmem>>, vector<16xf32>,
    %broadcast_in_dim3A_187 = arith.constant 0.000000e+00 : f32
    %broadcast_in_dim3A_188 = vector.broadcast %broadcast_in_dim3A_187 : f32 to vector<16xf32>
    %swap3A_189 = arith.constant 432 : index
    %swap3A_190 = tpu.vector_load %arg15[%swap3A_189] {strides = array<i32>} : memref<640xf32, #tpu.memory_space<vmem>>, vector<16xf32>,
    %swap3A_191 = vector.shape_cast %swap3A_190 : vector<16xf32> to vector<16xf32>
    %swap3A_192 = vector.shape_cast %broadcast_in_dim3A_188 : vector<16xf32> to vector<16xf32>
    tpu.vector_store %arg15[%swap3A_189], %swap3A_192 {strides = array<i32>} : memref<640xf32, #tpu.memory_space<vmem>>, vector<16xf32>,
    %broadcast_in_dim3A_193 = arith.constant 0.000000e+00 : f32
    %broadcast_in_dim3A_194 = vector.broadcast %broadcast_in_dim3A_193 : f32 to vector<16xf32>
    %swap3A_195 = arith.constant 448 : index
    %swap3A_196 = tpu.vector_load %arg15[%swap3A_195] {strides = array<i32>} : memref<640xf32, #tpu.memory_space<vmem>>, vector<16xf32>,
    %swap3A_197 = vector.shape_cast %swap3A_196 : vector<16xf32> to vector<16xf32>
    %swap3A_198 = vector.shape_cast %broadcast_in_dim3A_194 : vector<16xf32> to vector<16xf32>
    tpu.vector_store %arg15[%swap3A_195], %swap3A_198 {strides = array<i32>} : memref<640xf32, #tpu.memory_space<vmem>>, vector<16xf32>,
    %broadcast_in_dim3A_199 = arith.constant 0.000000e+00 : f32
    %broadcast_in_dim3A_200 = vector.broadcast %broadcast_in_dim3A_199 : f32 to vector<16xf32>
    %swap3A_201 = arith.constant 464 : index
    %swap3A_202 = tpu.vector_load %arg15[%swap3A_201] {strides = array<i32>} : memref<640xf32, #tpu.memory_space<vmem>>, vector<16xf32>,
    %swap3A_203 = vector.shape_cast %swap3A_202 : vector<16xf32> to vector<16xf32>
    %swap3A_204 = vector.shape_cast %broadcast_in_dim3A_200 : vector<16xf32> to vector<16xf32>
    tpu.vector_store %arg15[%swap3A_201], %swap3A_204 {strides = array<i32>} : memref<640xf32, #tpu.memory_space<vmem>>, vector<16xf32>,
    %broadcast_in_dim3A_205 = arith.constant 0.000000e+00 : f32
    %broadcast_in_dim3A_206 = vector.broadcast %broadcast_in_dim3A_205 : f32 to vector<16xf32>
    %swap3A_207 = arith.constant 480 : index
    %swap3A_208 = tpu.vector_load %arg15[%swap3A_207] {strides = array<i32>} : memref<640xf32, #tpu.memory_space<vmem>>, vector<16xf32>,
    %swap3A_209 = vector.shape_cast %swap3A_208 : vector<16xf32> to vector<16xf32>
    %swap3A_210 = vector.shape_cast %broadcast_in_dim3A_206 : vector<16xf32> to vector<16xf32>
    tpu.vector_store %arg15[%swap3A_207], %swap3A_210 {strides = array<i32>} : memref<640xf32, #tpu.memory_space<vmem>>, vector<16xf32>,
    %broadcast_in_dim3A_211 = arith.constant 0.000000e+00 : f32
    %broadcast_in_dim3A_212 = vector.broadcast %broadcast_in_dim3A_211 : f32 to vector<16xf32>
    %swap3A_213 = arith.constant 496 : index
    %swap3A_214 = tpu.vector_load %arg15[%swap3A_213] {strides = array<i32>} : memref<640xf32, #tpu.memory_space<vmem>>, vector<16xf32>,
    %swap3A_215 = vector.shape_cast %swap3A_214 : vector<16xf32> to vector<16xf32>
    %swap3A_216 = vector.shape_cast %broadcast_in_dim3A_212 : vector<16xf32> to vector<16xf32>
    tpu.vector_store %arg15[%swap3A_213], %swap3A_216 {strides = array<i32>} : memref<640xf32, #tpu.memory_space<vmem>>, vector<16xf32>,
    %broadcast_in_dim3A_217 = arith.constant 0.000000e+00 : f32
    %broadcast_in_dim3A_218 = vector.broadcast %broadcast_in_dim3A_217 : f32 to vector<16xf32>
    %swap3A_219 = arith.constant 512 : index
    %swap3A_220 = tpu.vector_load %arg15[%swap3A_219] {strides = array<i32>} : memref<640xf32, #tpu.memory_space<vmem>>, vector<16xf32>,
    %swap3A_221 = vector.shape_cast %swap3A_220 : vector<16xf32> to vector<16xf32>
    %swap3A_222 = vector.shape_cast %broadcast_in_dim3A_218 : vector<16xf32> to vector<16xf32>
    tpu.vector_store %arg15[%swap3A_219], %swap3A_222 {strides = array<i32>} : memref<640xf32, #tpu.memory_space<vmem>>, vector<16xf32>,
    %broadcast_in_dim3A_223 = arith.constant 0.000000e+00 : f32
    %broadcast_in_dim3A_224 = vector.broadcast %broadcast_in_dim3A_223 : f32 to vector<16xf32>
    %swap3A_225 = arith.constant 528 : index
    %swap3A_226 = tpu.vector_load %arg15[%swap3A_225] {strides = array<i32>} : memref<640xf32, #tpu.memory_space<vmem>>, vector<16xf32>,
    %swap3A_227 = vector.shape_cast %swap3A_226 : vector<16xf32> to vector<16xf32>
    %swap3A_228 = vector.shape_cast %broadcast_in_dim3A_224 : vector<16xf32> to vector<16xf32>
    tpu.vector_store %arg15[%swap3A_225], %swap3A_228 {strides = array<i32>} : memref<640xf32, #tpu.memory_space<vmem>>, vector<16xf32>,
    %broadcast_in_dim3A_229 = arith.constant 0.000000e+00 : f32
    %broadcast_in_dim3A_230 = vector.broadcast %broadcast_in_dim3A_229 : f32 to vector<16xf32>
    %swap3A_231 = arith.constant 544 : index
    %swap3A_232 = tpu.vector_load %arg15[%swap3A_231] {strides = array<i32>} : memref<640xf32, #tpu.memory_space<vmem>>, vector<16xf32>,
    %swap3A_233 = vector.shape_cast %swap3A_232 : vector<16xf32> to vector<16xf32>
    %swap3A_234 = vector.shape_cast %broadcast_in_dim3A_230 : vector<16xf32> to vector<16xf32>
    tpu.vector_store %arg15[%swap3A_231], %swap3A_234 {strides = array<i32>} : memref<640xf32, #tpu.memory_space<vmem>>, vector<16xf32>,
    %broadcast_in_dim3A_235 = arith.constant 0.000000e+00 : f32
    %broadcast_in_dim3A_236 = vector.broadcast %broadcast_in_dim3A_235 : f32 to vector<16xf32>
    %swap3A_237 = arith.constant 560 : index
    %swap3A_238 = tpu.vector_load %arg15[%swap3A_237] {strides = array<i32>} : memref<640xf32, #tpu.memory_space<vmem>>, vector<16xf32>,
    %swap3A_239 = vector.shape_cast %swap3A_238 : vector<16xf32> to vector<16xf32>
    %swap3A_240 = vector.shape_cast %broadcast_in_dim3A_236 : vector<16xf32> to vector<16xf32>
    tpu.vector_store %arg15[%swap3A_237], %swap3A_240 {strides = array<i32>} : memref<640xf32, #tpu.memory_space<vmem>>, vector<16xf32>,
    %broadcast_in_dim3A_241 = arith.constant 0.000000e+00 : f32
    %broadcast_in_dim3A_242 = vector.broadcast %broadcast_in_dim3A_241 : f32 to vector<16xf32>
    %swap3A_243 = arith.constant 576 : index
    %swap3A_244 = tpu.vector_load %arg15[%swap3A_243] {strides = array<i32>} : memref<640xf32, #tpu.memory_space<vmem>>, vector<16xf32>,
    %swap3A_245 = vector.shape_cast %swap3A_244 : vector<16xf32> to vector<16xf32>
    %swap3A_246 = vector.shape_cast %broadcast_in_dim3A_242 : vector<16xf32> to vector<16xf32>
    tpu.vector_store %arg15[%swap3A_243], %swap3A_246 {strides = array<i32>} : memref<640xf32, #tpu.memory_space<vmem>>, vector<16xf32>,
    %broadcast_in_dim3A_247 = arith.constant 0.000000e+00 : f32
    %broadcast_in_dim3A_248 = vector.broadcast %broadcast_in_dim3A_247 : f32 to vector<16xf32>
    %swap3A_249 = arith.constant 592 : index
    %swap3A_250 = tpu.vector_load %arg15[%swap3A_249] {strides = array<i32>} : memref<640xf32, #tpu.memory_space<vmem>>, vector<16xf32>,
    %swap3A_251 = vector.shape_cast %swap3A_250 : vector<16xf32> to vector<16xf32>
    %swap3A_252 = vector.shape_cast %broadcast_in_dim3A_248 : vector<16xf32> to vector<16xf32>
    tpu.vector_store %arg15[%swap3A_249], %swap3A_252 {strides = array<i32>} : memref<640xf32, #tpu.memory_space<vmem>>, vector<16xf32>,
    %broadcast_in_dim3A_253 = arith.constant 0.000000e+00 : f32
    %broadcast_in_dim3A_254 = vector.broadcast %broadcast_in_dim3A_253 : f32 to vector<16xf32>
    %swap3A_255 = arith.constant 608 : index
    %swap3A_256 = tpu.vector_load %arg15[%swap3A_255] {strides = array<i32>} : memref<640xf32, #tpu.memory_space<vmem>>, vector<16xf32>,
    %swap3A_257 = vector.shape_cast %swap3A_256 : vector<16xf32> to vector<16xf32>
    %swap3A_258 = vector.shape_cast %broadcast_in_dim3A_254 : vector<16xf32> to vector<16xf32>
    tpu.vector_store %arg15[%swap3A_255], %swap3A_258 {strides = array<i32>} : memref<640xf32, #tpu.memory_space<vmem>>, vector<16xf32>,
    %broadcast_in_dim3A_259 = arith.constant 0.000000e+00 : f32
    %broadcast_in_dim3A_260 = vector.broadcast %broadcast_in_dim3A_259 : f32 to vector<16xf32>
    %swap3A_261 = arith.constant 624 : index
    %swap3A_262 = tpu.vector_load %arg15[%swap3A_261] {strides = array<i32>} : memref<640xf32, #tpu.memory_space<vmem>>, vector<16xf32>,
    %swap3A_263 = vector.shape_cast %swap3A_262 : vector<16xf32> to vector<16xf32>
    %swap3A_264 = vector.shape_cast %broadcast_in_dim3A_260 : vector<16xf32> to vector<16xf32>
    tpu.vector_store %arg15[%swap3A_261], %swap3A_264 {strides = array<i32>} : memref<640xf32, #tpu.memory_space<vmem>>, vector<16xf32>,
    "tpu.region"() ({
      %run_scoped3A = tpu.sem_alloc : memref<!tpu.dma_semaphore, #tpu.memory_space<semaphore_mem>>
      %dma_start3A_1165 = tpu.memref_slice %arg17[%mul3A_2] : memref<10240xf32, #tpu.memory_space<vmem_shared>> -> memref<640xf32, #tpu.memory_space<vmem_shared>>
      %dma_start3A_1166 = tpu.memref_slice %arg17[%mul3A_2] : memref<10240xf32, #tpu.memory_space<vmem_shared>> -> memref<640xf32, #tpu.memory_space<vmem_shared>>
      tpu.enqueue_dma source(%arg15 : memref<640xf32, #tpu.memory_space<vmem>>) target(%dma_start3A_1166 : memref<640xf32, #tpu.memory_space<vmem_shared>>) target_semaphore(%run_scoped3A : memref<!tpu.dma_semaphore, #tpu.memory_space<semaphore_mem>>)
      %dma_wait3A_1167 = tpu.memref_slice %arg17[%mul3A_2] : memref<10240xf32, #tpu.memory_space<vmem_shared>> -> memref<640xf32, #tpu.memory_space<vmem_shared>>
      %dma_wait3A_1168 = tpu.memref_slice %arg17[%mul3A_2] : memref<10240xf32, #tpu.memory_space<vmem_shared>> -> memref<640xf32, #tpu.memory_space<vmem_shared>>
      tpu.wait_dma2 semaphore(%run_scoped3A : memref<!tpu.dma_semaphore, #tpu.memory_space<semaphore_mem>>) src(%arg15 : memref<640xf32, #tpu.memory_space<vmem>>) dst(%dma_wait3A_1168 : memref<640xf32, #tpu.memory_space<vmem_shared>>)
      tpu.yield
    }) : () -> ()
    "tpu.region"() ({
      %run_scoped3A = tpu.sem_alloc : memref<!tpu.dma_semaphore, #tpu.memory_space<semaphore_mem>>
      tpu.enqueue_dma source(%arg5 : memref<64x128xf32, #tpu.memory_space<hbm>>) target(%arg10 : memref<64x128xf32, #tpu.memory_space<vmem>>) target_semaphore(%run_scoped3A : memref<!tpu.dma_semaphore, #tpu.memory_space<semaphore_mem>>)
      tpu.wait_dma2 semaphore(%run_scoped3A : memref<!tpu.dma_semaphore, #tpu.memory_space<semaphore_mem>>) src(%arg5 : memref<64x128xf32, #tpu.memory_space<hbm>>) dst(%arg10 : memref<64x128xf32, #tpu.memory_space<vmem>>)
      tpu.yield
    }) : () -> ()
    %add3A_265 = arith.constant 0 : i32
    %add3A_266 = arith.addi %mul3A_2, %add3A_265 : i32
    "tpu.region"() ({
      %run_scoped3A = tpu.sem_alloc : memref<!tpu.dma_semaphore, #tpu.memory_space<semaphore_mem>>
      %dma_start3A_1165 = arith.constant 0 : i32
      %dma_start3A_1166 = tpu.memref_slice %arg16[%add3A_266, %dma_start3A_1165] : memref<10240x128xf32, #tpu.memory_space<vmem_shared>> -> memref<64x128xf32, #tpu.memory_space<vmem_shared>>
      %dma_start3A_1167 = arith.constant 0 : i32
      %dma_start3A_1168 = tpu.memref_slice %arg16[%add3A_266, %dma_start3A_1167] : memref<10240x128xf32, #tpu.memory_space<vmem_shared>> -> memref<64x128xf32, #tpu.memory_space<vmem_shared>>
      tpu.enqueue_dma source(%arg10 : memref<64x128xf32, #tpu.memory_space<vmem>>) target(%dma_start3A_1168 : memref<64x128xf32, #tpu.memory_space<vmem_shared>>) target_semaphore(%run_scoped3A : memref<!tpu.dma_semaphore, #tpu.memory_space<semaphore_mem>>)
      %dma_wait3A_1169 = arith.constant 0 : i32
      %dma_wait3A_1170 = tpu.memref_slice %arg16[%add3A_266, %dma_wait3A_1169] : memref<10240x128xf32, #tpu.memory_space<vmem_shared>> -> memref<64x128xf32, #tpu.memory_space<vmem_shared>>
      %dma_wait3A_1171 = arith.constant 0 : i32
      %dma_wait3A_1172 = tpu.memref_slice %arg16[%add3A_266, %dma_wait3A_1171] : memref<10240x128xf32, #tpu.memory_space<vmem_shared>> -> memref<64x128xf32, #tpu.memory_space<vmem_shared>>
      tpu.wait_dma2 semaphore(%run_scoped3A : memref<!tpu.dma_semaphore, #tpu.memory_space<semaphore_mem>>) src(%arg10 : memref<64x128xf32, #tpu.memory_space<vmem>>) dst(%dma_wait3A_1172 : memref<64x128xf32, #tpu.memory_space<vmem_shared>>)
      tpu.yield
    }) : () -> ()
    %add3A_267 = arith.constant 64 : i32
    %add3A_268 = arith.addi %mul3A_2, %add3A_267 : i32
    "tpu.region"() ({
      %run_scoped3A = tpu.sem_alloc : memref<!tpu.dma_semaphore, #tpu.memory_space<semaphore_mem>>
      %dma_start3A_1165 = arith.constant 0 : i32
      %dma_start3A_1166 = tpu.memref_slice %arg16[%add3A_268, %dma_start3A_1165] : memref<10240x128xf32, #tpu.memory_space<vmem_shared>> -> memref<64x128xf32, #tpu.memory_space<vmem_shared>>
      %dma_start3A_1167 = arith.constant 0 : i32
      %dma_start3A_1168 = tpu.memref_slice %arg16[%add3A_268, %dma_start3A_1167] : memref<10240x128xf32, #tpu.memory_space<vmem_shared>> -> memref<64x128xf32, #tpu.memory_space<vmem_shared>>
      tpu.enqueue_dma source(%arg10 : memref<64x128xf32, #tpu.memory_space<vmem>>) target(%dma_start3A_1168 : memref<64x128xf32, #tpu.memory_space<vmem_shared>>) target_semaphore(%run_scoped3A : memref<!tpu.dma_semaphore, #tpu.memory_space<semaphore_mem>>)
      %dma_wait3A_1169 = arith.constant 0 : i32
      %dma_wait3A_1170 = tpu.memref_slice %arg16[%add3A_268, %dma_wait3A_1169] : memref<10240x128xf32, #tpu.memory_space<vmem_shared>> -> memref<64x128xf32, #tpu.memory_space<vmem_shared>>
      %dma_wait3A_1171 = arith.constant 0 : i32
      %dma_wait3A_1172 = tpu.memref_slice %arg16[%add3A_268, %dma_wait3A_1171] : memref<10240x128xf32, #tpu.memory_space<vmem_shared>> -> memref<64x128xf32, #tpu.memory_space<vmem_shared>>
      tpu.wait_dma2 semaphore(%run_scoped3A : memref<!tpu.dma_semaphore, #tpu.memory_space<semaphore_mem>>) src(%arg10 : memref<64x128xf32, #tpu.memory_space<vmem>>) dst(%dma_wait3A_1172 : memref<64x128xf32, #tpu.memory_space<vmem_shared>>)
      tpu.yield
    }) : () -> ()
    %add3A_269 = arith.constant 128 : i32
    %add3A_270 = arith.addi %mul3A_2, %add3A_269 : i32
    "tpu.region"() ({
      %run_scoped3A = tpu.sem_alloc : memref<!tpu.dma_semaphore, #tpu.memory_space<semaphore_mem>>
      %dma_start3A_1165 = arith.constant 0 : i32
      %dma_start3A_1166 = tpu.memref_slice %arg16[%add3A_270, %dma_start3A_1165] : memref<10240x128xf32, #tpu.memory_space<vmem_shared>> -> memref<64x128xf32, #tpu.memory_space<vmem_shared>>
      %dma_start3A_1167 = arith.constant 0 : i32
      %dma_start3A_1168 = tpu.memref_slice %arg16[%add3A_270, %dma_start3A_1167] : memref<10240x128xf32, #tpu.memory_space<vmem_shared>> -> memref<64x128xf32, #tpu.memory_space<vmem_shared>>
      tpu.enqueue_dma source(%arg10 : memref<64x128xf32, #tpu.memory_space<vmem>>) target(%dma_start3A_1168 : memref<64x128xf32, #tpu.memory_space<vmem_shared>>) target_semaphore(%run_scoped3A : memref<!tpu.dma_semaphore, #tpu.memory_space<semaphore_mem>>)
      %dma_wait3A_1169 = arith.constant 0 : i32
      %dma_wait3A_1170 = tpu.memref_slice %arg16[%add3A_270, %dma_wait3A_1169] : memref<10240x128xf32, #tpu.memory_space<vmem_shared>> -> memref<64x128xf32, #tpu.memory_space<vmem_shared>>
      %dma_wait3A_1171 = arith.constant 0 : i32
      %dma_wait3A_1172 = tpu.memref_slice %arg16[%add3A_270, %dma_wait3A_1171] : memref<10240x128xf32, #tpu.memory_space<vmem_shared>> -> memref<64x128xf32, #tpu.memory_space<vmem_shared>>
      tpu.wait_dma2 semaphore(%run_scoped3A : memref<!tpu.dma_semaphore, #tpu.memory_space<semaphore_mem>>) src(%arg10 : memref<64x128xf32, #tpu.memory_space<vmem>>) dst(%dma_wait3A_1172 : memref<64x128xf32, #tpu.memory_space<vmem_shared>>)
      tpu.yield
    }) : () -> ()
    %add3A_271 = arith.constant 192 : i32
    %add3A_272 = arith.addi %mul3A_2, %add3A_271 : i32
    "tpu.region"() ({
      %run_scoped3A = tpu.sem_alloc : memref<!tpu.dma_semaphore, #tpu.memory_space<semaphore_mem>>
      %dma_start3A_1165 = arith.constant 0 : i32
      %dma_start3A_1166 = tpu.memref_slice %arg16[%add3A_272, %dma_start3A_1165] : memref<10240x128xf32, #tpu.memory_space<vmem_shared>> -> memref<64x128xf32, #tpu.memory_space<vmem_shared>>
      %dma_start3A_1167 = arith.constant 0 : i32
      %dma_start3A_1168 = tpu.memref_slice %arg16[%add3A_272, %dma_start3A_1167] : memref<10240x128xf32, #tpu.memory_space<vmem_shared>> -> memref<64x128xf32, #tpu.memory_space<vmem_shared>>
      tpu.enqueue_dma source(%arg10 : memref<64x128xf32, #tpu.memory_space<vmem>>) target(%dma_start3A_1168 : memref<64x128xf32, #tpu.memory_space<vmem_shared>>) target_semaphore(%run_scoped3A : memref<!tpu.dma_semaphore, #tpu.memory_space<semaphore_mem>>)
      %dma_wait3A_1169 = arith.constant 0 : i32
      %dma_wait3A_1170 = tpu.memref_slice %arg16[%add3A_272, %dma_wait3A_1169] : memref<10240x128xf32, #tpu.memory_space<vmem_shared>> -> memref<64x128xf32, #tpu.memory_space<vmem_shared>>
      %dma_wait3A_1171 = arith.constant 0 : i32
      %dma_wait3A_1172 = tpu.memref_slice %arg16[%add3A_272, %dma_wait3A_1171] : memref<10240x128xf32, #tpu.memory_space<vmem_shared>> -> memref<64x128xf32, #tpu.memory_space<vmem_shared>>
      tpu.wait_dma2 semaphore(%run_scoped3A : memref<!tpu.dma_semaphore, #tpu.memory_space<semaphore_mem>>) src(%arg10 : memref<64x128xf32, #tpu.memory_space<vmem>>) dst(%dma_wait3A_1172 : memref<64x128xf32, #tpu.memory_space<vmem_shared>>)
      tpu.yield
    }) : () -> ()
    %add3A_273 = arith.constant 256 : i32
    %add3A_274 = arith.addi %mul3A_2, %add3A_273 : i32
    "tpu.region"() ({
      %run_scoped3A = tpu.sem_alloc : memref<!tpu.dma_semaphore, #tpu.memory_space<semaphore_mem>>
      %dma_start3A_1165 = arith.constant 0 : i32
      %dma_start3A_1166 = tpu.memref_slice %arg16[%add3A_274, %dma_start3A_1165] : memref<10240x128xf32, #tpu.memory_space<vmem_shared>> -> memref<64x128xf32, #tpu.memory_space<vmem_shared>>
      %dma_start3A_1167 = arith.constant 0 : i32
      %dma_start3A_1168 = tpu.memref_slice %arg16[%add3A_274, %dma_start3A_1167] : memref<10240x128xf32, #tpu.memory_space<vmem_shared>> -> memref<64x128xf32, #tpu.memory_space<vmem_shared>>
      tpu.enqueue_dma source(%arg10 : memref<64x128xf32, #tpu.memory_space<vmem>>) target(%dma_start3A_1168 : memref<64x128xf32, #tpu.memory_space<vmem_shared>>) target_semaphore(%run_scoped3A : memref<!tpu.dma_semaphore, #tpu.memory_space<semaphore_mem>>)
      %dma_wait3A_1169 = arith.constant 0 : i32
      %dma_wait3A_1170 = tpu.memref_slice %arg16[%add3A_274, %dma_wait3A_1169] : memref<10240x128xf32, #tpu.memory_space<vmem_shared>> -> memref<64x128xf32, #tpu.memory_space<vmem_shared>>
      %dma_wait3A_1171 = arith.constant 0 : i32
      %dma_wait3A_1172 = tpu.memref_slice %arg16[%add3A_274, %dma_wait3A_1171] : memref<10240x128xf32, #tpu.memory_space<vmem_shared>> -> memref<64x128xf32, #tpu.memory_space<vmem_shared>>
      tpu.wait_dma2 semaphore(%run_scoped3A : memref<!tpu.dma_semaphore, #tpu.memory_space<semaphore_mem>>) src(%arg10 : memref<64x128xf32, #tpu.memory_space<vmem>>) dst(%dma_wait3A_1172 : memref<64x128xf32, #tpu.memory_space<vmem_shared>>)
      tpu.yield
    }) : () -> ()
    %add3A_275 = arith.constant 320 : i32
    %add3A_276 = arith.addi %mul3A_2, %add3A_275 : i32
    "tpu.region"() ({
      %run_scoped3A = tpu.sem_alloc : memref<!tpu.dma_semaphore, #tpu.memory_space<semaphore_mem>>
      %dma_start3A_1165 = arith.constant 0 : i32
      %dma_start3A_1166 = tpu.memref_slice %arg16[%add3A_276, %dma_start3A_1165] : memref<10240x128xf32, #tpu.memory_space<vmem_shared>> -> memref<64x128xf32, #tpu.memory_space<vmem_shared>>
      %dma_start3A_1167 = arith.constant 0 : i32
      %dma_start3A_1168 = tpu.memref_slice %arg16[%add3A_276, %dma_start3A_1167] : memref<10240x128xf32, #tpu.memory_space<vmem_shared>> -> memref<64x128xf32, #tpu.memory_space<vmem_shared>>
      tpu.enqueue_dma source(%arg10 : memref<64x128xf32, #tpu.memory_space<vmem>>) target(%dma_start3A_1168 : memref<64x128xf32, #tpu.memory_space<vmem_shared>>) target_semaphore(%run_scoped3A : memref<!tpu.dma_semaphore, #tpu.memory_space<semaphore_mem>>)
      %dma_wait3A_1169 = arith.constant 0 : i32
      %dma_wait3A_1170 = tpu.memref_slice %arg16[%add3A_276, %dma_wait3A_1169] : memref<10240x128xf32, #tpu.memory_space<vmem_shared>> -> memref<64x128xf32, #tpu.memory_space<vmem_shared>>
      %dma_wait3A_1171 = arith.constant 0 : i32
      %dma_wait3A_1172 = tpu.memref_slice %arg16[%add3A_276, %dma_wait3A_1171] : memref<10240x128xf32, #tpu.memory_space<vmem_shared>> -> memref<64x128xf32, #tpu.memory_space<vmem_shared>>
      tpu.wait_dma2 semaphore(%run_scoped3A : memref<!tpu.dma_semaphore, #tpu.memory_space<semaphore_mem>>) src(%arg10 : memref<64x128xf32, #tpu.memory_space<vmem>>) dst(%dma_wait3A_1172 : memref<64x128xf32, #tpu.memory_space<vmem_shared>>)
      tpu.yield
    }) : () -> ()
    %add3A_277 = arith.constant 384 : i32
    %add3A_278 = arith.addi %mul3A_2, %add3A_277 : i32
    "tpu.region"() ({
      %run_scoped3A = tpu.sem_alloc : memref<!tpu.dma_semaphore, #tpu.memory_space<semaphore_mem>>
      %dma_start3A_1165 = arith.constant 0 : i32
      %dma_start3A_1166 = tpu.memref_slice %arg16[%add3A_278, %dma_start3A_1165] : memref<10240x128xf32, #tpu.memory_space<vmem_shared>> -> memref<64x128xf32, #tpu.memory_space<vmem_shared>>
      %dma_start3A_1167 = arith.constant 0 : i32
      %dma_start3A_1168 = tpu.memref_slice %arg16[%add3A_278, %dma_start3A_1167] : memref<10240x128xf32, #tpu.memory_space<vmem_shared>> -> memref<64x128xf32, #tpu.memory_space<vmem_shared>>
      tpu.enqueue_dma source(%arg10 : memref<64x128xf32, #tpu.memory_space<vmem>>) target(%dma_start3A_1168 : memref<64x128xf32, #tpu.memory_space<vmem_shared>>) target_semaphore(%run_scoped3A : memref<!tpu.dma_semaphore, #tpu.memory_space<semaphore_mem>>)
      %dma_wait3A_1169 = arith.constant 0 : i32
      %dma_wait3A_1170 = tpu.memref_slice %arg16[%add3A_278, %dma_wait3A_1169] : memref<10240x128xf32, #tpu.memory_space<vmem_shared>> -> memref<64x128xf32, #tpu.memory_space<vmem_shared>>
      %dma_wait3A_1171 = arith.constant 0 : i32
      %dma_wait3A_1172 = tpu.memref_slice %arg16[%add3A_278, %dma_wait3A_1171] : memref<10240x128xf32, #tpu.memory_space<vmem_shared>> -> memref<64x128xf32, #tpu.memory_space<vmem_shared>>
      tpu.wait_dma2 semaphore(%run_scoped3A : memref<!tpu.dma_semaphore, #tpu.memory_space<semaphore_mem>>) src(%arg10 : memref<64x128xf32, #tpu.memory_space<vmem>>) dst(%dma_wait3A_1172 : memref<64x128xf32, #tpu.memory_space<vmem_shared>>)
      tpu.yield
    }) : () -> ()
    %add3A_279 = arith.constant 448 : i32
    %add3A_280 = arith.addi %mul3A_2, %add3A_279 : i32
    "tpu.region"() ({
      %run_scoped3A = tpu.sem_alloc : memref<!tpu.dma_semaphore, #tpu.memory_space<semaphore_mem>>
      %dma_start3A_1165 = arith.constant 0 : i32
      %dma_start3A_1166 = tpu.memref_slice %arg16[%add3A_280, %dma_start3A_1165] : memref<10240x128xf32, #tpu.memory_space<vmem_shared>> -> memref<64x128xf32, #tpu.memory_space<vmem_shared>>
      %dma_start3A_1167 = arith.constant 0 : i32
      %dma_start3A_1168 = tpu.memref_slice %arg16[%add3A_280, %dma_start3A_1167] : memref<10240x128xf32, #tpu.memory_space<vmem_shared>> -> memref<64x128xf32, #tpu.memory_space<vmem_shared>>
      tpu.enqueue_dma source(%arg10 : memref<64x128xf32, #tpu.memory_space<vmem>>) target(%dma_start3A_1168 : memref<64x128xf32, #tpu.memory_space<vmem_shared>>) target_semaphore(%run_scoped3A : memref<!tpu.dma_semaphore, #tpu.memory_space<semaphore_mem>>)
      %dma_wait3A_1169 = arith.constant 0 : i32
      %dma_wait3A_1170 = tpu.memref_slice %arg16[%add3A_280, %dma_wait3A_1169] : memref<10240x128xf32, #tpu.memory_space<vmem_shared>> -> memref<64x128xf32, #tpu.memory_space<vmem_shared>>
      %dma_wait3A_1171 = arith.constant 0 : i32
      %dma_wait3A_1172 = tpu.memref_slice %arg16[%add3A_280, %dma_wait3A_1171] : memref<10240x128xf32, #tpu.memory_space<vmem_shared>> -> memref<64x128xf32, #tpu.memory_space<vmem_shared>>
      tpu.wait_dma2 semaphore(%run_scoped3A : memref<!tpu.dma_semaphore, #tpu.memory_space<semaphore_mem>>) src(%arg10 : memref<64x128xf32, #tpu.memory_space<vmem>>) dst(%dma_wait3A_1172 : memref<64x128xf32, #tpu.memory_space<vmem_shared>>)
      tpu.yield
    }) : () -> ()
    %add3A_281 = arith.constant 512 : i32
    %add3A_282 = arith.addi %mul3A_2, %add3A_281 : i32
    "tpu.region"() ({
      %run_scoped3A = tpu.sem_alloc : memref<!tpu.dma_semaphore, #tpu.memory_space<semaphore_mem>>
      %dma_start3A_1165 = arith.constant 0 : i32
      %dma_start3A_1166 = tpu.memref_slice %arg16[%add3A_282, %dma_start3A_1165] : memref<10240x128xf32, #tpu.memory_space<vmem_shared>> -> memref<64x128xf32, #tpu.memory_space<vmem_shared>>
      %dma_start3A_1167 = arith.constant 0 : i32
      %dma_start3A_1168 = tpu.memref_slice %arg16[%add3A_282, %dma_start3A_1167] : memref<10240x128xf32, #tpu.memory_space<vmem_shared>> -> memref<64x128xf32, #tpu.memory_space<vmem_shared>>
      tpu.enqueue_dma source(%arg10 : memref<64x128xf32, #tpu.memory_space<vmem>>) target(%dma_start3A_1168 : memref<64x128xf32, #tpu.memory_space<vmem_shared>>) target_semaphore(%run_scoped3A : memref<!tpu.dma_semaphore, #tpu.memory_space<semaphore_mem>>)
      %dma_wait3A_1169 = arith.constant 0 : i32
      %dma_wait3A_1170 = tpu.memref_slice %arg16[%add3A_282, %dma_wait3A_1169] : memref<10240x128xf32, #tpu.memory_space<vmem_shared>> -> memref<64x128xf32, #tpu.memory_space<vmem_shared>>
      %dma_wait3A_1171 = arith.constant 0 : i32
      %dma_wait3A_1172 = tpu.memref_slice %arg16[%add3A_282, %dma_wait3A_1171] : memref<10240x128xf32, #tpu.memory_space<vmem_shared>> -> memref<64x128xf32, #tpu.memory_space<vmem_shared>>
      tpu.wait_dma2 semaphore(%run_scoped3A : memref<!tpu.dma_semaphore, #tpu.memory_space<semaphore_mem>>) src(%arg10 : memref<64x128xf32, #tpu.memory_space<vmem>>) dst(%dma_wait3A_1172 : memref<64x128xf32, #tpu.memory_space<vmem_shared>>)
      tpu.yield
    }) : () -> ()
    %add3A_283 = arith.constant 576 : i32
    %add3A_284 = arith.addi %mul3A_2, %add3A_283 : i32
    "tpu.region"() ({
      %run_scoped3A = tpu.sem_alloc : memref<!tpu.dma_semaphore, #tpu.memory_space<semaphore_mem>>
      %dma_start3A_1165 = arith.constant 0 : i32
      %dma_start3A_1166 = tpu.memref_slice %arg16[%add3A_284, %dma_start3A_1165] : memref<10240x128xf32, #tpu.memory_space<vmem_shared>> -> memref<64x128xf32, #tpu.memory_space<vmem_shared>>
      %dma_start3A_1167 = arith.constant 0 : i32
      %dma_start3A_1168 = tpu.memref_slice %arg16[%add3A_284, %dma_start3A_1167] : memref<10240x128xf32, #tpu.memory_space<vmem_shared>> -> memref<64x128xf32, #tpu.memory_space<vmem_shared>>
      tpu.enqueue_dma source(%arg10 : memref<64x128xf32, #tpu.memory_space<vmem>>) target(%dma_start3A_1168 : memref<64x128xf32, #tpu.memory_space<vmem_shared>>) target_semaphore(%run_scoped3A : memref<!tpu.dma_semaphore, #tpu.memory_space<semaphore_mem>>)
      %dma_wait3A_1169 = arith.constant 0 : i32
      %dma_wait3A_1170 = tpu.memref_slice %arg16[%add3A_284, %dma_wait3A_1169] : memref<10240x128xf32, #tpu.memory_space<vmem_shared>> -> memref<64x128xf32, #tpu.memory_space<vmem_shared>>
      %dma_wait3A_1171 = arith.constant 0 : i32
      %dma_wait3A_1172 = tpu.memref_slice %arg16[%add3A_284, %dma_wait3A_1171] : memref<10240x128xf32, #tpu.memory_space<vmem_shared>> -> memref<64x128xf32, #tpu.memory_space<vmem_shared>>
      tpu.wait_dma2 semaphore(%run_scoped3A : memref<!tpu.dma_semaphore, #tpu.memory_space<semaphore_mem>>) src(%arg10 : memref<64x128xf32, #tpu.memory_space<vmem>>) dst(%dma_wait3A_1172 : memref<64x128xf32, #tpu.memory_space<vmem_shared>>)
      tpu.yield
    }) : () -> ()
    %barrier3A = arith.constant 0 : index
    tpu.barrier barrier_id(%barrier3A)
    %mul3A_285 = arith.constant 160 : i32
    %mul3A_286 = arith.muli %add3A, %mul3A_285 : i32
    %add3A_287 = arith.constant 0 : i32
    %add3A_288 = arith.addi %mul3A_286, %add3A_287 : i32
    "tpu.region"() ({
      %run_scoped3A = tpu.sem_alloc : memref<!tpu.dma_semaphore, #tpu.memory_space<semaphore_mem>>
      %dma_start3A_1165 = arith.constant 0 : i32
      %dma_start3A_1166 = tpu.memref_slice %arg3[%add3A_288, %dma_start3A_1165] : memref<5120x64xi32, #tpu.memory_space<hbm>> -> memref<40x64xi32, #tpu.memory_space<hbm>>
      %dma_start3A_1167 = arith.constant 0 : i32
      %dma_start3A_1168 = tpu.memref_slice %arg3[%add3A_288, %dma_start3A_1167] : memref<5120x64xi32, #tpu.memory_space<hbm>> -> memref<40x64xi32, #tpu.memory_space<hbm>>
      tpu.enqueue_dma source(%dma_start3A_1168 : memref<40x64xi32, #tpu.memory_space<hbm>>) target(%arg8 : memref<40x64xi32, #tpu.memory_space<vmem>>) target_semaphore(%run_scoped3A : memref<!tpu.dma_semaphore, #tpu.memory_space<semaphore_mem>>)
      %dma_wait3A_1169 = arith.constant 0 : i32
      %dma_wait3A_1170 = tpu.memref_slice %arg3[%add3A_288, %dma_wait3A_1169] : memref<5120x64xi32, #tpu.memory_space<hbm>> -> memref<40x64xi32, #tpu.memory_space<hbm>>
      %dma_wait3A_1171 = arith.constant 0 : i32
      %dma_wait3A_1172 = tpu.memref_slice %arg3[%add3A_288, %dma_wait3A_1171] : memref<5120x64xi32, #tpu.memory_space<hbm>> -> memref<40x64xi32, #tpu.memory_space<hbm>>
      tpu.wait_dma2 semaphore(%run_scoped3A : memref<!tpu.dma_semaphore, #tpu.memory_space<semaphore_mem>>) src(%dma_wait3A_1172 : memref<40x64xi32, #tpu.memory_space<hbm>>) dst(%arg8 : memref<40x64xi32, #tpu.memory_space<vmem>>)
      tpu.yield
    }) : () -> ()
    "tpu.region"() ({
      %run_scoped3A = tpu.sem_alloc : memref<!tpu.dma_semaphore, #tpu.memory_space<semaphore_mem>>
      %dma_start3A_1165 = arith.constant 0 : i32
      %dma_start3A_1166 = tpu.memref_slice %arg4[%add3A_288, %dma_start3A_1165] : memref<5120x64xi32, #tpu.memory_space<hbm>> -> memref<40x64xi32, #tpu.memory_space<hbm>>
      %dma_start3A_1167 = arith.constant 0 : i32
      %dma_start3A_1168 = tpu.memref_slice %arg4[%add3A_288, %dma_start3A_1167] : memref<5120x64xi32, #tpu.memory_space<hbm>> -> memref<40x64xi32, #tpu.memory_space<hbm>>
      tpu.enqueue_dma source(%dma_start3A_1168 : memref<40x64xi32, #tpu.memory_space<hbm>>) target(%arg9 : memref<40x64xi32, #tpu.memory_space<vmem>>) target_semaphore(%run_scoped3A : memref<!tpu.dma_semaphore, #tpu.memory_space<semaphore_mem>>)
      %dma_wait3A_1169 = arith.constant 0 : i32
      %dma_wait3A_1170 = tpu.memref_slice %arg4[%add3A_288, %dma_wait3A_1169] : memref<5120x64xi32, #tpu.memory_space<hbm>> -> memref<40x64xi32, #tpu.memory_space<hbm>>
      %dma_wait3A_1171 = arith.constant 0 : i32
      %dma_wait3A_1172 = tpu.memref_slice %arg4[%add3A_288, %dma_wait3A_1171] : memref<5120x64xi32, #tpu.memory_space<hbm>> -> memref<40x64xi32, #tpu.memory_space<hbm>>
      tpu.wait_dma2 semaphore(%run_scoped3A : memref<!tpu.dma_semaphore, #tpu.memory_space<semaphore_mem>>) src(%dma_wait3A_1172 : memref<40x64xi32, #tpu.memory_space<hbm>>) dst(%arg9 : memref<40x64xi32, #tpu.memory_space<vmem>>)
      tpu.yield
    }) : () -> ()
    %min3A = arith.constant 0 : i32
    %min3A_289 = arith.constant 39 : i32
    %min3A_290 = arith.minsi %min3A, %min3A_289 : i32
    %dma_start3A = arith.constant 0 : i32
    %dma_start3A_291 = tpu.memref_slice %arg8[%min3A_290, %dma_start3A] : memref<40x64xi32, #tpu.memory_space<vmem>> -> memref<1x64xi32, #tpu.memory_space<vmem>>
    %dma_start3A_292 = tpu.memref_squeeze %dma_start3A_291 : memref<1x64xi32, #tpu.memory_space<vmem>> -> memref<64xi32, #tpu.memory_space<vmem>>
    %dma_start3A_293 = arith.constant 0 : i32
    %dma_start3A_294 = arith.constant 0 : i32
    %dma_start3A_295 = tpu.memref_slice %arg2[%dma_start3A_293, %dma_start3A_294] : memref<10000x128xf32, #tpu.memory_space<hbm>> -> memref<10000x128xf32, #tpu.memory_space<hbm>>
    tpu.enqueue_indirect_dma source(%dma_start3A_295 : memref<10000x128xf32, #tpu.memory_space<hbm>>) target(%arg10 : memref<64x128xf32, #tpu.memory_space<vmem>>) offsets(%dma_start3A_292 : memref<64xi32, #tpu.memory_space<vmem>>) semaphore(%arg18 : memref<!tpu.dma_semaphore, #tpu.memory_space<semaphore_mem>>)
    %min3A_296 = arith.constant 1 : i32
    %min3A_297 = arith.constant 39 : i32
    %min3A_298 = arith.minsi %min3A_296, %min3A_297 : i32
    %dma_start3A_299 = arith.constant 0 : i32
    %dma_start3A_300 = tpu.memref_slice %arg8[%min3A_298, %dma_start3A_299] : memref<40x64xi32, #tpu.memory_space<vmem>> -> memref<1x64xi32, #tpu.memory_space<vmem>>
    %dma_start3A_301 = tpu.memref_squeeze %dma_start3A_300 : memref<1x64xi32, #tpu.memory_space<vmem>> -> memref<64xi32, #tpu.memory_space<vmem>>
    %dma_start3A_302 = arith.constant 0 : i32
    %dma_start3A_303 = arith.constant 0 : i32
    %dma_start3A_304 = tpu.memref_slice %arg2[%dma_start3A_302, %dma_start3A_303] : memref<10000x128xf32, #tpu.memory_space<hbm>> -> memref<10000x128xf32, #tpu.memory_space<hbm>>
    tpu.enqueue_indirect_dma source(%dma_start3A_304 : memref<10000x128xf32, #tpu.memory_space<hbm>>) target(%arg11 : memref<64x128xf32, #tpu.memory_space<vmem>>) offsets(%dma_start3A_301 : memref<64xi32, #tpu.memory_space<vmem>>) semaphore(%arg19 : memref<!tpu.dma_semaphore, #tpu.memory_space<semaphore_mem>>)
    %min3A_305 = arith.constant 2 : i32
    %min3A_306 = arith.constant 39 : i32
    %min3A_307 = arith.minsi %min3A_305, %min3A_306 : i32
    %dma_start3A_308 = arith.constant 0 : i32
    %dma_start3A_309 = tpu.memref_slice %arg8[%min3A_307, %dma_start3A_308] : memref<40x64xi32, #tpu.memory_space<vmem>> -> memref<1x64xi32, #tpu.memory_space<vmem>>
    %dma_start3A_310 = tpu.memref_squeeze %dma_start3A_309 : memref<1x64xi32, #tpu.memory_space<vmem>> -> memref<64xi32, #tpu.memory_space<vmem>>
    %dma_start3A_311 = arith.constant 0 : i32
    %dma_start3A_312 = arith.constant 0 : i32
    %dma_start3A_313 = tpu.memref_slice %arg2[%dma_start3A_311, %dma_start3A_312] : memref<10000x128xf32, #tpu.memory_space<hbm>> -> memref<10000x128xf32, #tpu.memory_space<hbm>>
    tpu.enqueue_indirect_dma source(%dma_start3A_313 : memref<10000x128xf32, #tpu.memory_space<hbm>>) target(%arg12 : memref<64x128xf32, #tpu.memory_space<vmem>>) offsets(%dma_start3A_310 : memref<64xi32, #tpu.memory_space<vmem>>) semaphore(%arg20 : memref<!tpu.dma_semaphore, #tpu.memory_space<semaphore_mem>>)
    %dma_wait3A = arith.constant 0 : i32
    %dma_wait3A_314 = arith.constant 0 : i32
    %dma_wait3A_315 = tpu.memref_slice %arg8[%dma_wait3A, %dma_wait3A_314] : memref<40x64xi32, #tpu.memory_space<vmem>> -> memref<1x64xi32, #tpu.memory_space<vmem>>
    %dma_wait3A_316 = tpu.memref_squeeze %dma_wait3A_315 : memref<1x64xi32, #tpu.memory_space<vmem>> -> memref<64xi32, #tpu.memory_space<vmem>>
    %dma_wait3A_317 = arith.constant 0 : i32
    %dma_wait3A_318 = arith.constant 0 : i32
    %dma_wait3A_319 = tpu.memref_slice %arg2[%dma_wait3A_317, %dma_wait3A_318] : memref<10000x128xf32, #tpu.memory_space<hbm>> -> memref<10000x128xf32, #tpu.memory_space<hbm>>
    tpu.wait_indirect_dma semaphore(%arg18 : memref<!tpu.dma_semaphore, #tpu.memory_space<semaphore_mem>>) src(%dma_wait3A_319 : memref<10000x128xf32, #tpu.memory_space<hbm>>) dst(%arg10 : memref<64x128xf32, #tpu.memory_space<vmem>>)
    %dma_start3A_320 = arith.constant 0 : i32
    %dma_start3A_321 = arith.constant 0 : i32
    %dma_start3A_322 = tpu.memref_slice %arg9[%dma_start3A_320, %dma_start3A_321] : memref<40x64xi32, #tpu.memory_space<vmem>> -> memref<1x64xi32, #tpu.memory_space<vmem>>
    %dma_start3A_323 = tpu.memref_squeeze %dma_start3A_322 : memref<1x64xi32, #tpu.memory_space<vmem>> -> memref<64xi32, #tpu.memory_space<vmem>>
    %dma_start3A_324 = arith.constant 0 : i32
    %dma_start3A_325 = arith.constant 0 : i32
    %dma_start3A_326 = tpu.memref_slice %arg16[%dma_start3A_324, %dma_start3A_325] : memref<10240x128xf32, #tpu.memory_space<vmem_shared>> -> memref<10240x128xf32, #tpu.memory_space<vmem_shared>>
    tpu.enqueue_indirect_dma source(%arg10 : memref<64x128xf32, #tpu.memory_space<vmem>>) target(%dma_start3A_326 : memref<10240x128xf32, #tpu.memory_space<vmem_shared>>) offsets(%dma_start3A_323 : memref<64xi32, #tpu.memory_space<vmem>>) semaphore(%arg22 : memref<!tpu.dma_semaphore, #tpu.memory_space<semaphore_mem>>) {add = true}
    %dma_start3A_327 = arith.constant 0 : i32
    %dma_start3A_328 = arith.constant 0 : i32
    %dma_start3A_329 = tpu.memref_slice %arg9[%dma_start3A_327, %dma_start3A_328] : memref<40x64xi32, #tpu.memory_space<vmem>> -> memref<1x64xi32, #tpu.memory_space<vmem>>
    %dma_start3A_330 = tpu.memref_squeeze %dma_start3A_329 : memref<1x64xi32, #tpu.memory_space<vmem>> -> memref<64xi32, #tpu.memory_space<vmem>>
    %dma_start3A_331 = arith.constant 0 : i32
    %dma_start3A_332 = tpu.memref_slice %arg17[%dma_start3A_331] : memref<10240xf32, #tpu.memory_space<vmem_shared>> -> memref<10240xf32, #tpu.memory_space<vmem_shared>>
    tpu.enqueue_indirect_dma source(%arg14 : memref<64xf32, #tpu.memory_space<vmem>>) target(%dma_start3A_332 : memref<10240xf32, #tpu.memory_space<vmem_shared>>) offsets(%dma_start3A_330 : memref<64xi32, #tpu.memory_space<vmem>>) semaphore(%arg26 : memref<!tpu.dma_semaphore, #tpu.memory_space<semaphore_mem>>) {add = true}
    %min3A_333 = arith.constant 3 : i32
    %min3A_334 = arith.constant 39 : i32
    %min3A_335 = arith.minsi %min3A_333, %min3A_334 : i32
    %dma_start3A_336 = arith.constant 0 : i32
    %dma_start3A_337 = tpu.memref_slice %arg8[%min3A_335, %dma_start3A_336] : memref<40x64xi32, #tpu.memory_space<vmem>> -> memref<1x64xi32, #tpu.memory_space<vmem>>
    %dma_start3A_338 = tpu.memref_squeeze %dma_start3A_337 : memref<1x64xi32, #tpu.memory_space<vmem>> -> memref<64xi32, #tpu.memory_space<vmem>>
    %dma_start3A_339 = arith.constant 0 : i32
    %dma_start3A_340 = arith.constant 0 : i32
    %dma_start3A_341 = tpu.memref_slice %arg2[%dma_start3A_339, %dma_start3A_340] : memref<10000x128xf32, #tpu.memory_space<hbm>> -> memref<10000x128xf32, #tpu.memory_space<hbm>>
    tpu.enqueue_indirect_dma source(%dma_start3A_341 : memref<10000x128xf32, #tpu.memory_space<hbm>>) target(%arg13 : memref<64x128xf32, #tpu.memory_space<vmem>>) offsets(%dma_start3A_338 : memref<64xi32, #tpu.memory_space<vmem>>) semaphore(%arg21 : memref<!tpu.dma_semaphore, #tpu.memory_space<semaphore_mem>>)
    %dma_wait3A_342 = arith.constant 0 : i32
    %dma_wait3A_343 = arith.constant 0 : i32
    %dma_wait3A_344 = tpu.memref_slice %arg8[%dma_wait3A_342, %dma_wait3A_343] : memref<40x64xi32, #tpu.memory_space<vmem>> -> memref<1x64xi32, #tpu.memory_space<vmem>>
    %dma_wait3A_345 = tpu.memref_squeeze %dma_wait3A_344 : memref<1x64xi32, #tpu.memory_space<vmem>> -> memref<64xi32, #tpu.memory_space<vmem>>
    %dma_wait3A_346 = arith.constant 0 : i32
    %dma_wait3A_347 = arith.constant 0 : i32
    %dma_wait3A_348 = tpu.memref_slice %arg2[%dma_wait3A_346, %dma_wait3A_347] : memref<10000x128xf32, #tpu.memory_space<hbm>> -> memref<10000x128xf32, #tpu.memory_space<hbm>>
    tpu.wait_indirect_dma semaphore(%arg19 : memref<!tpu.dma_semaphore, #tpu.memory_space<semaphore_mem>>) src(%dma_wait3A_348 : memref<10000x128xf32, #tpu.memory_space<hbm>>) dst(%arg11 : memref<64x128xf32, #tpu.memory_space<vmem>>)
    %dma_start3A_349 = arith.constant 1 : i32
    %dma_start3A_350 = arith.constant 0 : i32
    %dma_start3A_351 = tpu.memref_slice %arg9[%dma_start3A_349, %dma_start3A_350] : memref<40x64xi32, #tpu.memory_space<vmem>> -> memref<1x64xi32, #tpu.memory_space<vmem>>
    %dma_start3A_352 = tpu.memref_squeeze %dma_start3A_351 : memref<1x64xi32, #tpu.memory_space<vmem>> -> memref<64xi32, #tpu.memory_space<vmem>>
    %dma_start3A_353 = arith.constant 0 : i32
    %dma_start3A_354 = arith.constant 0 : i32
    %dma_start3A_355 = tpu.memref_slice %arg16[%dma_start3A_353, %dma_start3A_354] : memref<10240x128xf32, #tpu.memory_space<vmem_shared>> -> memref<10240x128xf32, #tpu.memory_space<vmem_shared>>
    tpu.enqueue_indirect_dma source(%arg11 : memref<64x128xf32, #tpu.memory_space<vmem>>) target(%dma_start3A_355 : memref<10240x128xf32, #tpu.memory_space<vmem_shared>>) offsets(%dma_start3A_352 : memref<64xi32, #tpu.memory_space<vmem>>) semaphore(%arg23 : memref<!tpu.dma_semaphore, #tpu.memory_space<semaphore_mem>>) {add = true}
    %dma_start3A_356 = arith.constant 1 : i32
    %dma_start3A_357 = arith.constant 0 : i32
    %dma_start3A_358 = tpu.memref_slice %arg9[%dma_start3A_356, %dma_start3A_357] : memref<40x64xi32, #tpu.memory_space<vmem>> -> memref<1x64xi32, #tpu.memory_space<vmem>>
    %dma_start3A_359 = tpu.memref_squeeze %dma_start3A_358 : memref<1x64xi32, #tpu.memory_space<vmem>> -> memref<64xi32, #tpu.memory_space<vmem>>
    %dma_start3A_360 = arith.constant 0 : i32
    %dma_start3A_361 = tpu.memref_slice %arg17[%dma_start3A_360] : memref<10240xf32, #tpu.memory_space<vmem_shared>> -> memref<10240xf32, #tpu.memory_space<vmem_shared>>
    tpu.enqueue_indirect_dma source(%arg14 : memref<64xf32, #tpu.memory_space<vmem>>) target(%dma_start3A_361 : memref<10240xf32, #tpu.memory_space<vmem_shared>>) offsets(%dma_start3A_359 : memref<64xi32, #tpu.memory_space<vmem>>) semaphore(%arg27 : memref<!tpu.dma_semaphore, #tpu.memory_space<semaphore_mem>>) {add = true}
    %dma_wait3A_362 = arith.constant 0 : i32
    %dma_wait3A_363 = arith.constant 0 : i32
    %dma_wait3A_364 = tpu.memref_slice %arg9[%dma_wait3A_362, %dma_wait3A_363] : memref<40x64xi32, #tpu.memory_space<vmem>> -> memref<1x64xi32, #tpu.memory_space<vmem>>
    %dma_wait3A_365 = tpu.memref_squeeze %dma_wait3A_364 : memref<1x64xi32, #tpu.memory_space<vmem>> -> memref<64xi32, #tpu.memory_space<vmem>>
    %dma_wait3A_366 = arith.constant 0 : i32
    %dma_wait3A_367 = arith.constant 0 : i32
    %dma_wait3A_368 = tpu.memref_slice %arg16[%dma_wait3A_366, %dma_wait3A_367] : memref<10240x128xf32, #tpu.memory_space<vmem_shared>> -> memref<10240x128xf32, #tpu.memory_space<vmem_shared>>
    tpu.wait_indirect_dma semaphore(%arg22 : memref<!tpu.dma_semaphore, #tpu.memory_space<semaphore_mem>>) src(%arg10 : memref<64x128xf32, #tpu.memory_space<vmem>>) dst(%dma_wait3A_368 : memref<10240x128xf32, #tpu.memory_space<vmem_shared>>)
    %dma_wait3A_369 = arith.constant 0 : i32
    %dma_wait3A_370 = arith.constant 0 : i32
    %dma_wait3A_371 = tpu.memref_slice %arg9[%dma_wait3A_369, %dma_wait3A_370] : memref<40x64xi32, #tpu.memory_space<vmem>> -> memref<1x64xi32, #tpu.memory_space<vmem>>
    %dma_wait3A_372 = tpu.memref_squeeze %dma_wait3A_371 : memref<1x64xi32, #tpu.memory_space<vmem>> -> memref<64xi32, #tpu.memory_space<vmem>>
    %dma_wait3A_373 = arith.constant 0 : i32
    %dma_wait3A_374 = tpu.memref_slice %arg17[%dma_wait3A_373] : memref<10240xf32, #tpu.memory_space<vmem_shared>> -> memref<10240xf32, #tpu.memory_space<vmem_shared>>
    tpu.wait_indirect_dma semaphore(%arg26 : memref<!tpu.dma_semaphore, #tpu.memory_space<semaphore_mem>>) src(%arg14 : memref<64xf32, #tpu.memory_space<vmem>>) dst(%dma_wait3A_374 : memref<10240xf32, #tpu.memory_space<vmem_shared>>)
    %min3A_375 = arith.constant 4 : i32
    %min3A_376 = arith.constant 39 : i32
    %min3A_377 = arith.minsi %min3A_375, %min3A_376 : i32
    %dma_start3A_378 = arith.constant 0 : i32
    %dma_start3A_379 = tpu.memref_slice %arg8[%min3A_377, %dma_start3A_378] : memref<40x64xi32, #tpu.memory_space<vmem>> -> memref<1x64xi32, #tpu.memory_space<vmem>>
    %dma_start3A_380 = tpu.memref_squeeze %dma_start3A_379 : memref<1x64xi32, #tpu.memory_space<vmem>> -> memref<64xi32, #tpu.memory_space<vmem>>
    %dma_start3A_381 = arith.constant 0 : i32
    %dma_start3A_382 = arith.constant 0 : i32
    %dma_start3A_383 = tpu.memref_slice %arg2[%dma_start3A_381, %dma_start3A_382] : memref<10000x128xf32, #tpu.memory_space<hbm>> -> memref<10000x128xf32, #tpu.memory_space<hbm>>
    tpu.enqueue_indirect_dma source(%dma_start3A_383 : memref<10000x128xf32, #tpu.memory_space<hbm>>) target(%arg10 : memref<64x128xf32, #tpu.memory_space<vmem>>) offsets(%dma_start3A_380 : memref<64xi32, #tpu.memory_space<vmem>>) semaphore(%arg18 : memref<!tpu.dma_semaphore, #tpu.memory_space<semaphore_mem>>)
    %dma_wait3A_384 = arith.constant 0 : i32
    %dma_wait3A_385 = arith.constant 0 : i32
    %dma_wait3A_386 = tpu.memref_slice %arg8[%dma_wait3A_384, %dma_wait3A_385] : memref<40x64xi32, #tpu.memory_space<vmem>> -> memref<1x64xi32, #tpu.memory_space<vmem>>
    %dma_wait3A_387 = tpu.memref_squeeze %dma_wait3A_386 : memref<1x64xi32, #tpu.memory_space<vmem>> -> memref<64xi32, #tpu.memory_space<vmem>>
    %dma_wait3A_388 = arith.constant 0 : i32
    %dma_wait3A_389 = arith.constant 0 : i32
    %dma_wait3A_390 = tpu.memref_slice %arg2[%dma_wait3A_388, %dma_wait3A_389] : memref<10000x128xf32, #tpu.memory_space<hbm>> -> memref<10000x128xf32, #tpu.memory_space<hbm>>
    tpu.wait_indirect_dma semaphore(%arg20 : memref<!tpu.dma_semaphore, #tpu.memory_space<semaphore_mem>>) src(%dma_wait3A_390 : memref<10000x128xf32, #tpu.memory_space<hbm>>) dst(%arg12 : memref<64x128xf32, #tpu.memory_space<vmem>>)
    %dma_start3A_391 = arith.constant 2 : i32
    %dma_start3A_392 = arith.constant 0 : i32
    %dma_start3A_393 = tpu.memref_slice %arg9[%dma_start3A_391, %dma_start3A_392] : memref<40x64xi32, #tpu.memory_space<vmem>> -> memref<1x64xi32, #tpu.memory_space<vmem>>
    %dma_start3A_394 = tpu.memref_squeeze %dma_start3A_393 : memref<1x64xi32, #tpu.memory_space<vmem>> -> memref<64xi32, #tpu.memory_space<vmem>>
    %dma_start3A_395 = arith.constant 0 : i32
    %dma_start3A_396 = arith.constant 0 : i32
    %dma_start3A_397 = tpu.memref_slice %arg16[%dma_start3A_395, %dma_start3A_396] : memref<10240x128xf32, #tpu.memory_space<vmem_shared>> -> memref<10240x128xf32, #tpu.memory_space<vmem_shared>>
    tpu.enqueue_indirect_dma source(%arg12 : memref<64x128xf32, #tpu.memory_space<vmem>>) target(%dma_start3A_397 : memref<10240x128xf32, #tpu.memory_space<vmem_shared>>) offsets(%dma_start3A_394 : memref<64xi32, #tpu.memory_space<vmem>>) semaphore(%arg24 : memref<!tpu.dma_semaphore, #tpu.memory_space<semaphore_mem>>) {add = true}
    %dma_start3A_398 = arith.constant 2 : i32
    %dma_start3A_399 = arith.constant 0 : i32
    %dma_start3A_400 = tpu.memref_slice %arg9[%dma_start3A_398, %dma_start3A_399] : memref<40x64xi32, #tpu.memory_space<vmem>> -> memref<1x64xi32, #tpu.memory_space<vmem>>
    %dma_start3A_401 = tpu.memref_squeeze %dma_start3A_400 : memref<1x64xi32, #tpu.memory_space<vmem>> -> memref<64xi32, #tpu.memory_space<vmem>>
    %dma_start3A_402 = arith.constant 0 : i32
    %dma_start3A_403 = tpu.memref_slice %arg17[%dma_start3A_402] : memref<10240xf32, #tpu.memory_space<vmem_shared>> -> memref<10240xf32, #tpu.memory_space<vmem_shared>>
    tpu.enqueue_indirect_dma source(%arg14 : memref<64xf32, #tpu.memory_space<vmem>>) target(%dma_start3A_403 : memref<10240xf32, #tpu.memory_space<vmem_shared>>) offsets(%dma_start3A_401 : memref<64xi32, #tpu.memory_space<vmem>>) semaphore(%arg28 : memref<!tpu.dma_semaphore, #tpu.memory_space<semaphore_mem>>) {add = true}
    %dma_wait3A_404 = arith.constant 0 : i32
    %dma_wait3A_405 = arith.constant 0 : i32
    %dma_wait3A_406 = tpu.memref_slice %arg9[%dma_wait3A_404, %dma_wait3A_405] : memref<40x64xi32, #tpu.memory_space<vmem>> -> memref<1x64xi32, #tpu.memory_space<vmem>>
    %dma_wait3A_407 = tpu.memref_squeeze %dma_wait3A_406 : memref<1x64xi32, #tpu.memory_space<vmem>> -> memref<64xi32, #tpu.memory_space<vmem>>
    %dma_wait3A_408 = arith.constant 0 : i32
    %dma_wait3A_409 = arith.constant 0 : i32
    %dma_wait3A_410 = tpu.memref_slice %arg16[%dma_wait3A_408, %dma_wait3A_409] : memref<10240x128xf32, #tpu.memory_space<vmem_shared>> -> memref<10240x128xf32, #tpu.memory_space<vmem_shared>>
    tpu.wait_indirect_dma semaphore(%arg23 : memref<!tpu.dma_semaphore, #tpu.memory_space<semaphore_mem>>) src(%arg11 : memref<64x128xf32, #tpu.memory_space<vmem>>) dst(%dma_wait3A_410 : memref<10240x128xf32, #tpu.memory_space<vmem_shared>>)
    %dma_wait3A_411 = arith.constant 0 : i32
    %dma_wait3A_412 = arith.constant 0 : i32
    %dma_wait3A_413 = tpu.memref_slice %arg9[%dma_wait3A_411, %dma_wait3A_412] : memref<40x64xi32, #tpu.memory_space<vmem>> -> memref<1x64xi32, #tpu.memory_space<vmem>>
    %dma_wait3A_414 = tpu.memref_squeeze %dma_wait3A_413 : memref<1x64xi32, #tpu.memory_space<vmem>> -> memref<64xi32, #tpu.memory_space<vmem>>
    %dma_wait3A_415 = arith.constant 0 : i32
    %dma_wait3A_416 = tpu.memref_slice %arg17[%dma_wait3A_415] : memref<10240xf32, #tpu.memory_space<vmem_shared>> -> memref<10240xf32, #tpu.memory_space<vmem_shared>>
    tpu.wait_indirect_dma semaphore(%arg27 : memref<!tpu.dma_semaphore, #tpu.memory_space<semaphore_mem>>) src(%arg14 : memref<64xf32, #tpu.memory_space<vmem>>) dst(%dma_wait3A_416 : memref<10240xf32, #tpu.memory_space<vmem_shared>>)
    %min3A_417 = arith.constant 5 : i32
    %min3A_418 = arith.constant 39 : i32
    %min3A_419 = arith.minsi %min3A_417, %min3A_418 : i32
    %dma_start3A_420 = arith.constant 0 : i32
    %dma_start3A_421 = tpu.memref_slice %arg8[%min3A_419, %dma_start3A_420] : memref<40x64xi32, #tpu.memory_space<vmem>> -> memref<1x64xi32, #tpu.memory_space<vmem>>
    %dma_start3A_422 = tpu.memref_squeeze %dma_start3A_421 : memref<1x64xi32, #tpu.memory_space<vmem>> -> memref<64xi32, #tpu.memory_space<vmem>>
    %dma_start3A_423 = arith.constant 0 : i32
    %dma_start3A_424 = arith.constant 0 : i32
    %dma_start3A_425 = tpu.memref_slice %arg2[%dma_start3A_423, %dma_start3A_424] : memref<10000x128xf32, #tpu.memory_space<hbm>> -> memref<10000x128xf32, #tpu.memory_space<hbm>>
    tpu.enqueue_indirect_dma source(%dma_start3A_425 : memref<10000x128xf32, #tpu.memory_space<hbm>>) target(%arg11 : memref<64x128xf32, #tpu.memory_space<vmem>>) offsets(%dma_start3A_422 : memref<64xi32, #tpu.memory_space<vmem>>) semaphore(%arg19 : memref<!tpu.dma_semaphore, #tpu.memory_space<semaphore_mem>>)
    %dma_wait3A_426 = arith.constant 0 : i32
    %dma_wait3A_427 = arith.constant 0 : i32
    %dma_wait3A_428 = tpu.memref_slice %arg8[%dma_wait3A_426, %dma_wait3A_427] : memref<40x64xi32, #tpu.memory_space<vmem>> -> memref<1x64xi32, #tpu.memory_space<vmem>>
    %dma_wait3A_429 = tpu.memref_squeeze %dma_wait3A_428 : memref<1x64xi32, #tpu.memory_space<vmem>> -> memref<64xi32, #tpu.memory_space<vmem>>
    %dma_wait3A_430 = arith.constant 0 : i32
    %dma_wait3A_431 = arith.constant 0 : i32
    %dma_wait3A_432 = tpu.memref_slice %arg2[%dma_wait3A_430, %dma_wait3A_431] : memref<10000x128xf32, #tpu.memory_space<hbm>> -> memref<10000x128xf32, #tpu.memory_space<hbm>>
    tpu.wait_indirect_dma semaphore(%arg21 : memref<!tpu.dma_semaphore, #tpu.memory_space<semaphore_mem>>) src(%dma_wait3A_432 : memref<10000x128xf32, #tpu.memory_space<hbm>>) dst(%arg13 : memref<64x128xf32, #tpu.memory_space<vmem>>)
    %dma_start3A_433 = arith.constant 3 : i32
    %dma_start3A_434 = arith.constant 0 : i32
    %dma_start3A_435 = tpu.memref_slice %arg9[%dma_start3A_433, %dma_start3A_434] : memref<40x64xi32, #tpu.memory_space<vmem>> -> memref<1x64xi32, #tpu.memory_space<vmem>>
    %dma_start3A_436 = tpu.memref_squeeze %dma_start3A_435 : memref<1x64xi32, #tpu.memory_space<vmem>> -> memref<64xi32, #tpu.memory_space<vmem>>
    %dma_start3A_437 = arith.constant 0 : i32
    %dma_start3A_438 = arith.constant 0 : i32
    %dma_start3A_439 = tpu.memref_slice %arg16[%dma_start3A_437, %dma_start3A_438] : memref<10240x128xf32, #tpu.memory_space<vmem_shared>> -> memref<10240x128xf32, #tpu.memory_space<vmem_shared>>
    tpu.enqueue_indirect_dma source(%arg13 : memref<64x128xf32, #tpu.memory_space<vmem>>) target(%dma_start3A_439 : memref<10240x128xf32, #tpu.memory_space<vmem_shared>>) offsets(%dma_start3A_436 : memref<64xi32, #tpu.memory_space<vmem>>) semaphore(%arg25 : memref<!tpu.dma_semaphore, #tpu.memory_space<semaphore_mem>>) {add = true}
    %dma_start3A_440 = arith.constant 3 : i32
    %dma_start3A_441 = arith.constant 0 : i32
    %dma_start3A_442 = tpu.memref_slice %arg9[%dma_start3A_440, %dma_start3A_441] : memref<40x64xi32, #tpu.memory_space<vmem>> -> memref<1x64xi32, #tpu.memory_space<vmem>>
    %dma_start3A_443 = tpu.memref_squeeze %dma_start3A_442 : memref<1x64xi32, #tpu.memory_space<vmem>> -> memref<64xi32, #tpu.memory_space<vmem>>
    %dma_start3A_444 = arith.constant 0 : i32
    %dma_start3A_445 = tpu.memref_slice %arg17[%dma_start3A_444] : memref<10240xf32, #tpu.memory_space<vmem_shared>> -> memref<10240xf32, #tpu.memory_space<vmem_shared>>
    tpu.enqueue_indirect_dma source(%arg14 : memref<64xf32, #tpu.memory_space<vmem>>) target(%dma_start3A_445 : memref<10240xf32, #tpu.memory_space<vmem_shared>>) offsets(%dma_start3A_443 : memref<64xi32, #tpu.memory_space<vmem>>) semaphore(%arg29 : memref<!tpu.dma_semaphore, #tpu.memory_space<semaphore_mem>>) {add = true}
    %scan3A = arith.constant 0 : i32
    %scan3A_446 = arith.constant 1 : i32
    %scan3A_447 = arith.constant 9 : i32
    %scan3A_448 = arith.addi %scan3A_446, %scan3A_447 : i32
    %scan3A_449 = arith.constant 1 : i32
    scf.for %scan3A_1165 = %scan3A_446 to %scan3A_448 step %scan3A_449  : i32 {
      %mul3A_1166 = arith.constant 4 : i32
      %mul3A_1167 = arith.muli %scan3A_1165, %mul3A_1166 : i32
      %add3A_1168 = arith.constant 0 : i32
      %add3A_1169 = arith.addi %mul3A_1167, %add3A_1168 : i32
      %dma_wait3A_1170 = arith.constant 0 : i32
      %dma_wait3A_1171 = arith.constant 0 : i32
      %dma_wait3A_1172 = tpu.memref_slice %arg9[%dma_wait3A_1170, %dma_wait3A_1171] : memref<40x64xi32, #tpu.memory_space<vmem>> -> memref<1x64xi32, #tpu.memory_space<vmem>>
      %dma_wait3A_1173 = tpu.memref_squeeze %dma_wait3A_1172 : memref<1x64xi32, #tpu.memory_space<vmem>> -> memref<64xi32, #tpu.memory_space<vmem>>
      %dma_wait3A_1174 = arith.constant 0 : i32
      %dma_wait3A_1175 = arith.constant 0 : i32
      %dma_wait3A_1176 = tpu.memref_slice %arg16[%dma_wait3A_1174, %dma_wait3A_1175] : memref<10240x128xf32, #tpu.memory_space<vmem_shared>> -> memref<10240x128xf32, #tpu.memory_space<vmem_shared>>
      tpu.wait_indirect_dma semaphore(%arg24 : memref<!tpu.dma_semaphore, #tpu.memory_space<semaphore_mem>>) src(%arg12 : memref<64x128xf32, #tpu.memory_space<vmem>>) dst(%dma_wait3A_1176 : memref<10240x128xf32, #tpu.memory_space<vmem_shared>>)
      %dma_wait3A_1177 = arith.constant 0 : i32
      %dma_wait3A_1178 = arith.constant 0 : i32
      %dma_wait3A_1179 = tpu.memref_slice %arg9[%dma_wait3A_1177, %dma_wait3A_1178] : memref<40x64xi32, #tpu.memory_space<vmem>> -> memref<1x64xi32, #tpu.memory_space<vmem>>
      %dma_wait3A_1180 = tpu.memref_squeeze %dma_wait3A_1179 : memref<1x64xi32, #tpu.memory_space<vmem>> -> memref<64xi32, #tpu.memory_space<vmem>>
      %dma_wait3A_1181 = arith.constant 0 : i32
      %dma_wait3A_1182 = tpu.memref_slice %arg17[%dma_wait3A_1181] : memref<10240xf32, #tpu.memory_space<vmem_shared>> -> memref<10240xf32, #tpu.memory_space<vmem_shared>>
      tpu.wait_indirect_dma semaphore(%arg28 : memref<!tpu.dma_semaphore, #tpu.memory_space<semaphore_mem>>) src(%arg14 : memref<64xf32, #tpu.memory_space<vmem>>) dst(%dma_wait3A_1182 : memref<10240xf32, #tpu.memory_space<vmem_shared>>)
      %add3A_1183 = arith.constant 2 : i32
      %add3A_1184 = arith.addi %add3A_1169, %add3A_1183 : i32
      %min3A_1185 = arith.constant 39 : i32
      %min3A_1186 = arith.minsi %add3A_1184, %min3A_1185 : i32
      %dma_start3A_1187 = arith.constant 0 : i32
      %dma_start3A_1188 = tpu.memref_slice %arg8[%min3A_1186, %dma_start3A_1187] : memref<40x64xi32, #tpu.memory_space<vmem>> -> memref<1x64xi32, #tpu.memory_space<vmem>>
      %dma_start3A_1189 = tpu.memref_squeeze %dma_start3A_1188 : memref<1x64xi32, #tpu.memory_space<vmem>> -> memref<64xi32, #tpu.memory_space<vmem>>
      %dma_start3A_1190 = arith.constant 0 : i32
      %dma_start3A_1191 = arith.constant 0 : i32
      %dma_start3A_1192 = tpu.memref_slice %arg2[%dma_start3A_1190, %dma_start3A_1191] : memref<10000x128xf32, #tpu.memory_space<hbm>> -> memref<10000x128xf32, #tpu.memory_space<hbm>>
      tpu.enqueue_indirect_dma source(%dma_start3A_1192 : memref<10000x128xf32, #tpu.memory_space<hbm>>) target(%arg12 : memref<64x128xf32, #tpu.memory_space<vmem>>) offsets(%dma_start3A_1189 : memref<64xi32, #tpu.memory_space<vmem>>) semaphore(%arg20 : memref<!tpu.dma_semaphore, #tpu.memory_space<semaphore_mem>>)
      %dma_wait3A_1193 = arith.constant 0 : i32
      %dma_wait3A_1194 = arith.constant 0 : i32
      %dma_wait3A_1195 = tpu.memref_slice %arg8[%dma_wait3A_1193, %dma_wait3A_1194] : memref<40x64xi32, #tpu.memory_space<vmem>> -> memref<1x64xi32, #tpu.memory_space<vmem>>
      %dma_wait3A_1196 = tpu.memref_squeeze %dma_wait3A_1195 : memref<1x64xi32, #tpu.memory_space<vmem>> -> memref<64xi32, #tpu.memory_space<vmem>>
      %dma_wait3A_1197 = arith.constant 0 : i32
      %dma_wait3A_1198 = arith.constant 0 : i32
      %dma_wait3A_1199 = tpu.memref_slice %arg2[%dma_wait3A_1197, %dma_wait3A_1198] : memref<10000x128xf32, #tpu.memory_space<hbm>> -> memref<10000x128xf32, #tpu.memory_space<hbm>>
      tpu.wait_indirect_dma semaphore(%arg18 : memref<!tpu.dma_semaphore, #tpu.memory_space<semaphore_mem>>) src(%dma_wait3A_1199 : memref<10000x128xf32, #tpu.memory_space<hbm>>) dst(%arg10 : memref<64x128xf32, #tpu.memory_space<vmem>>)
      %dma_start3A_1200 = arith.constant 0 : i32
      %dma_start3A_1201 = tpu.memref_slice %arg9[%add3A_1169, %dma_start3A_1200] : memref<40x64xi32, #tpu.memory_space<vmem>> -> memref<1x64xi32, #tpu.memory_space<vmem>>
      %dma_start3A_1202 = tpu.memref_squeeze %dma_start3A_1201 : memref<1x64xi32, #tpu.memory_space<vmem>> -> memref<64xi32, #tpu.memory_space<vmem>>
      %dma_start3A_1203 = arith.constant 0 : i32
      %dma_start3A_1204 = arith.constant 0 : i32
      %dma_start3A_1205 = tpu.memref_slice %arg16[%dma_start3A_1203, %dma_start3A_1204] : memref<10240x128xf32, #tpu.memory_space<vmem_shared>> -> memref<10240x128xf32, #tpu.memory_space<vmem_shared>>
      tpu.enqueue_indirect_dma source(%arg10 : memref<64x128xf32, #tpu.memory_space<vmem>>) target(%dma_start3A_1205 : memref<10240x128xf32, #tpu.memory_space<vmem_shared>>) offsets(%dma_start3A_1202 : memref<64xi32, #tpu.memory_space<vmem>>) semaphore(%arg22 : memref<!tpu.dma_semaphore, #tpu.memory_space<semaphore_mem>>) {add = true}
      %dma_start3A_1206 = arith.constant 0 : i32
      %dma_start3A_1207 = tpu.memref_slice %arg9[%add3A_1169, %dma_start3A_1206] : memref<40x64xi32, #tpu.memory_space<vmem>> -> memref<1x64xi32, #tpu.memory_space<vmem>>
      %dma_start3A_1208 = tpu.memref_squeeze %dma_start3A_1207 : memref<1x64xi32, #tpu.memory_space<vmem>> -> memref<64xi32, #tpu.memory_space<vmem>>
      %dma_start3A_1209 = arith.constant 0 : i32
      %dma_start3A_1210 = tpu.memref_slice %arg17[%dma_start3A_1209] : memref<10240xf32, #tpu.memory_space<vmem_shared>> -> memref<10240xf32, #tpu.memory_space<vmem_shared>>
      tpu.enqueue_indirect_dma source(%arg14 : memref<64xf32, #tpu.memory_space<vmem>>) target(%dma_start3A_1210 : memref<10240xf32, #tpu.memory_space<vmem_shared>>) offsets(%dma_start3A_1208 : memref<64xi32, #tpu.memory_space<vmem>>) semaphore(%arg26 : memref<!tpu.dma_semaphore, #tpu.memory_space<semaphore_mem>>) {add = true}
      %mul3A_1211 = arith.constant 4 : i32
      %mul3A_1212 = arith.muli %scan3A_1165, %mul3A_1211 : i32
      %add3A_1213 = arith.constant 1 : i32
      %add3A_1214 = arith.addi %mul3A_1212, %add3A_1213 : i32
      %dma_wait3A_1215 = arith.constant 0 : i32
      %dma_wait3A_1216 = arith.constant 0 : i32
      %dma_wait3A_1217 = tpu.memref_slice %arg9[%dma_wait3A_1215, %dma_wait3A_1216] : memref<40x64xi32, #tpu.memory_space<vmem>> -> memref<1x64xi32, #tpu.memory_space<vmem>>
      %dma_wait3A_1218 = tpu.memref_squeeze %dma_wait3A_1217 : memref<1x64xi32, #tpu.memory_space<vmem>> -> memref<64xi32, #tpu.memory_space<vmem>>
      %dma_wait3A_1219 = arith.constant 0 : i32
      %dma_wait3A_1220 = arith.constant 0 : i32
      %dma_wait3A_1221 = tpu.memref_slice %arg16[%dma_wait3A_1219, %dma_wait3A_1220] : memref<10240x128xf32, #tpu.memory_space<vmem_shared>> -> memref<10240x128xf32, #tpu.memory_space<vmem_shared>>
      tpu.wait_indirect_dma semaphore(%arg25 : memref<!tpu.dma_semaphore, #tpu.memory_space<semaphore_mem>>) src(%arg13 : memref<64x128xf32, #tpu.memory_space<vmem>>) dst(%dma_wait3A_1221 : memref<10240x128xf32, #tpu.memory_space<vmem_shared>>)
      %dma_wait3A_1222 = arith.constant 0 : i32
      %dma_wait3A_1223 = arith.constant 0 : i32
      %dma_wait3A_1224 = tpu.memref_slice %arg9[%dma_wait3A_1222, %dma_wait3A_1223] : memref<40x64xi32, #tpu.memory_space<vmem>> -> memref<1x64xi32, #tpu.memory_space<vmem>>
      %dma_wait3A_1225 = tpu.memref_squeeze %dma_wait3A_1224 : memref<1x64xi32, #tpu.memory_space<vmem>> -> memref<64xi32, #tpu.memory_space<vmem>>
      %dma_wait3A_1226 = arith.constant 0 : i32
      %dma_wait3A_1227 = tpu.memref_slice %arg17[%dma_wait3A_1226] : memref<10240xf32, #tpu.memory_space<vmem_shared>> -> memref<10240xf32, #tpu.memory_space<vmem_shared>>
      tpu.wait_indirect_dma semaphore(%arg29 : memref<!tpu.dma_semaphore, #tpu.memory_space<semaphore_mem>>) src(%arg14 : memref<64xf32, #tpu.memory_space<vmem>>) dst(%dma_wait3A_1227 : memref<10240xf32, #tpu.memory_space<vmem_shared>>)
      %add3A_1228 = arith.constant 2 : i32
      %add3A_1229 = arith.addi %add3A_1214, %add3A_1228 : i32
      %min3A_1230 = arith.constant 39 : i32
      %min3A_1231 = arith.minsi %add3A_1229, %min3A_1230 : i32
      %dma_start3A_1232 = arith.constant 0 : i32
      %dma_start3A_1233 = tpu.memref_slice %arg8[%min3A_1231, %dma_start3A_1232] : memref<40x64xi32, #tpu.memory_space<vmem>> -> memref<1x64xi32, #tpu.memory_space<vmem>>
      %dma_start3A_1234 = tpu.memref_squeeze %dma_start3A_1233 : memref<1x64xi32, #tpu.memory_space<vmem>> -> memref<64xi32, #tpu.memory_space<vmem>>
      %dma_start3A_1235 = arith.constant 0 : i32
      %dma_start3A_1236 = arith.constant 0 : i32
      %dma_start3A_1237 = tpu.memref_slice %arg2[%dma_start3A_1235, %dma_start3A_1236] : memref<10000x128xf32, #tpu.memory_space<hbm>> -> memref<10000x128xf32, #tpu.memory_space<hbm>>
      tpu.enqueue_indirect_dma source(%dma_start3A_1237 : memref<10000x128xf32, #tpu.memory_space<hbm>>) target(%arg13 : memref<64x128xf32, #tpu.memory_space<vmem>>) offsets(%dma_start3A_1234 : memref<64xi32, #tpu.memory_space<vmem>>) semaphore(%arg21 : memref<!tpu.dma_semaphore, #tpu.memory_space<semaphore_mem>>)
      %dma_wait3A_1238 = arith.constant 0 : i32
      %dma_wait3A_1239 = arith.constant 0 : i32
      %dma_wait3A_1240 = tpu.memref_slice %arg8[%dma_wait3A_1238, %dma_wait3A_1239] : memref<40x64xi32, #tpu.memory_space<vmem>> -> memref<1x64xi32, #tpu.memory_space<vmem>>
      %dma_wait3A_1241 = tpu.memref_squeeze %dma_wait3A_1240 : memref<1x64xi32, #tpu.memory_space<vmem>> -> memref<64xi32, #tpu.memory_space<vmem>>
      %dma_wait3A_1242 = arith.constant 0 : i32
      %dma_wait3A_1243 = arith.constant 0 : i32
      %dma_wait3A_1244 = tpu.memref_slice %arg2[%dma_wait3A_1242, %dma_wait3A_1243] : memref<10000x128xf32, #tpu.memory_space<hbm>> -> memref<10000x128xf32, #tpu.memory_space<hbm>>
      tpu.wait_indirect_dma semaphore(%arg19 : memref<!tpu.dma_semaphore, #tpu.memory_space<semaphore_mem>>) src(%dma_wait3A_1244 : memref<10000x128xf32, #tpu.memory_space<hbm>>) dst(%arg11 : memref<64x128xf32, #tpu.memory_space<vmem>>)
      %dma_start3A_1245 = arith.constant 0 : i32
      %dma_start3A_1246 = tpu.memref_slice %arg9[%add3A_1214, %dma_start3A_1245] : memref<40x64xi32, #tpu.memory_space<vmem>> -> memref<1x64xi32, #tpu.memory_space<vmem>>
      %dma_start3A_1247 = tpu.memref_squeeze %dma_start3A_1246 : memref<1x64xi32, #tpu.memory_space<vmem>> -> memref<64xi32, #tpu.memory_space<vmem>>
      %dma_start3A_1248 = arith.constant 0 : i32
      %dma_start3A_1249 = arith.constant 0 : i32
      %dma_start3A_1250 = tpu.memref_slice %arg16[%dma_start3A_1248, %dma_start3A_1249] : memref<10240x128xf32, #tpu.memory_space<vmem_shared>> -> memref<10240x128xf32, #tpu.memory_space<vmem_shared>>
      tpu.enqueue_indirect_dma source(%arg11 : memref<64x128xf32, #tpu.memory_space<vmem>>) target(%dma_start3A_1250 : memref<10240x128xf32, #tpu.memory_space<vmem_shared>>) offsets(%dma_start3A_1247 : memref<64xi32, #tpu.memory_space<vmem>>) semaphore(%arg23 : memref<!tpu.dma_semaphore, #tpu.memory_space<semaphore_mem>>) {add = true}
      %dma_start3A_1251 = arith.constant 0 : i32
      %dma_start3A_1252 = tpu.memref_slice %arg9[%add3A_1214, %dma_start3A_1251] : memref<40x64xi32, #tpu.memory_space<vmem>> -> memref<1x64xi32, #tpu.memory_space<vmem>>
      %dma_start3A_1253 = tpu.memref_squeeze %dma_start3A_1252 : memref<1x64xi32, #tpu.memory_space<vmem>> -> memref<64xi32, #tpu.memory_space<vmem>>
      %dma_start3A_1254 = arith.constant 0 : i32
      %dma_start3A_1255 = tpu.memref_slice %arg17[%dma_start3A_1254] : memref<10240xf32, #tpu.memory_space<vmem_shared>> -> memref<10240xf32, #tpu.memory_space<vmem_shared>>
      tpu.enqueue_indirect_dma source(%arg14 : memref<64xf32, #tpu.memory_space<vmem>>) target(%dma_start3A_1255 : memref<10240xf32, #tpu.memory_space<vmem_shared>>) offsets(%dma_start3A_1253 : memref<64xi32, #tpu.memory_space<vmem>>) semaphore(%arg27 : memref<!tpu.dma_semaphore, #tpu.memory_space<semaphore_mem>>) {add = true}
      %mul3A_1256 = arith.constant 4 : i32
      %mul3A_1257 = arith.muli %scan3A_1165, %mul3A_1256 : i32
      %add3A_1258 = arith.constant 2 : i32
      %add3A_1259 = arith.addi %mul3A_1257, %add3A_1258 : i32
      %dma_wait3A_1260 = arith.constant 0 : i32
      %dma_wait3A_1261 = arith.constant 0 : i32
      %dma_wait3A_1262 = tpu.memref_slice %arg9[%dma_wait3A_1260, %dma_wait3A_1261] : memref<40x64xi32, #tpu.memory_space<vmem>> -> memref<1x64xi32, #tpu.memory_space<vmem>>
      %dma_wait3A_1263 = tpu.memref_squeeze %dma_wait3A_1262 : memref<1x64xi32, #tpu.memory_space<vmem>> -> memref<64xi32, #tpu.memory_space<vmem>>
      %dma_wait3A_1264 = arith.constant 0 : i32
      %dma_wait3A_1265 = arith.constant 0 : i32
      %dma_wait3A_1266 = tpu.memref_slice %arg16[%dma_wait3A_1264, %dma_wait3A_1265] : memref<10240x128xf32, #tpu.memory_space<vmem_shared>> -> memref<10240x128xf32, #tpu.memory_space<vmem_shared>>
      tpu.wait_indirect_dma semaphore(%arg22 : memref<!tpu.dma_semaphore, #tpu.memory_space<semaphore_mem>>) src(%arg10 : memref<64x128xf32, #tpu.memory_space<vmem>>) dst(%dma_wait3A_1266 : memref<10240x128xf32, #tpu.memory_space<vmem_shared>>)
      %dma_wait3A_1267 = arith.constant 0 : i32
      %dma_wait3A_1268 = arith.constant 0 : i32
      %dma_wait3A_1269 = tpu.memref_slice %arg9[%dma_wait3A_1267, %dma_wait3A_1268] : memref<40x64xi32, #tpu.memory_space<vmem>> -> memref<1x64xi32, #tpu.memory_space<vmem>>
      %dma_wait3A_1270 = tpu.memref_squeeze %dma_wait3A_1269 : memref<1x64xi32, #tpu.memory_space<vmem>> -> memref<64xi32, #tpu.memory_space<vmem>>
      %dma_wait3A_1271 = arith.constant 0 : i32
      %dma_wait3A_1272 = tpu.memref_slice %arg17[%dma_wait3A_1271] : memref<10240xf32, #tpu.memory_space<vmem_shared>> -> memref<10240xf32, #tpu.memory_space<vmem_shared>>
      tpu.wait_indirect_dma semaphore(%arg26 : memref<!tpu.dma_semaphore, #tpu.memory_space<semaphore_mem>>) src(%arg14 : memref<64xf32, #tpu.memory_space<vmem>>) dst(%dma_wait3A_1272 : memref<10240xf32, #tpu.memory_space<vmem_shared>>)
      %add3A_1273 = arith.constant 2 : i32
      %add3A_1274 = arith.addi %add3A_1259, %add3A_1273 : i32
      %min3A_1275 = arith.constant 39 : i32
      %min3A_1276 = arith.minsi %add3A_1274, %min3A_1275 : i32
      %dma_start3A_1277 = arith.constant 0 : i32
      %dma_start3A_1278 = tpu.memref_slice %arg8[%min3A_1276, %dma_start3A_1277] : memref<40x64xi32, #tpu.memory_space<vmem>> -> memref<1x64xi32, #tpu.memory_space<vmem>>
      %dma_start3A_1279 = tpu.memref_squeeze %dma_start3A_1278 : memref<1x64xi32, #tpu.memory_space<vmem>> -> memref<64xi32, #tpu.memory_space<vmem>>
      %dma_start3A_1280 = arith.constant 0 : i32
      %dma_start3A_1281 = arith.constant 0 : i32
      %dma_start3A_1282 = tpu.memref_slice %arg2[%dma_start3A_1280, %dma_start3A_1281] : memref<10000x128xf32, #tpu.memory_space<hbm>> -> memref<10000x128xf32, #tpu.memory_space<hbm>>
      tpu.enqueue_indirect_dma source(%dma_start3A_1282 : memref<10000x128xf32, #tpu.memory_space<hbm>>) target(%arg10 : memref<64x128xf32, #tpu.memory_space<vmem>>) offsets(%dma_start3A_1279 : memref<64xi32, #tpu.memory_space<vmem>>) semaphore(%arg18 : memref<!tpu.dma_semaphore, #tpu.memory_space<semaphore_mem>>)
      %dma_wait3A_1283 = arith.constant 0 : i32
      %dma_wait3A_1284 = arith.constant 0 : i32
      %dma_wait3A_1285 = tpu.memref_slice %arg8[%dma_wait3A_1283, %dma_wait3A_1284] : memref<40x64xi32, #tpu.memory_space<vmem>> -> memref<1x64xi32, #tpu.memory_space<vmem>>
      %dma_wait3A_1286 = tpu.memref_squeeze %dma_wait3A_1285 : memref<1x64xi32, #tpu.memory_space<vmem>> -> memref<64xi32, #tpu.memory_space<vmem>>
      %dma_wait3A_1287 = arith.constant 0 : i32
      %dma_wait3A_1288 = arith.constant 0 : i32
      %dma_wait3A_1289 = tpu.memref_slice %arg2[%dma_wait3A_1287, %dma_wait3A_1288] : memref<10000x128xf32, #tpu.memory_space<hbm>> -> memref<10000x128xf32, #tpu.memory_space<hbm>>
      tpu.wait_indirect_dma semaphore(%arg20 : memref<!tpu.dma_semaphore, #tpu.memory_space<semaphore_mem>>) src(%dma_wait3A_1289 : memref<10000x128xf32, #tpu.memory_space<hbm>>) dst(%arg12 : memref<64x128xf32, #tpu.memory_space<vmem>>)
      %dma_start3A_1290 = arith.constant 0 : i32
      %dma_start3A_1291 = tpu.memref_slice %arg9[%add3A_1259, %dma_start3A_1290] : memref<40x64xi32, #tpu.memory_space<vmem>> -> memref<1x64xi32, #tpu.memory_space<vmem>>
      %dma_start3A_1292 = tpu.memref_squeeze %dma_start3A_1291 : memref<1x64xi32, #tpu.memory_space<vmem>> -> memref<64xi32, #tpu.memory_space<vmem>>
      %dma_start3A_1293 = arith.constant 0 : i32
      %dma_start3A_1294 = arith.constant 0 : i32
      %dma_start3A_1295 = tpu.memref_slice %arg16[%dma_start3A_1293, %dma_start3A_1294] : memref<10240x128xf32, #tpu.memory_space<vmem_shared>> -> memref<10240x128xf32, #tpu.memory_space<vmem_shared>>
      tpu.enqueue_indirect_dma source(%arg12 : memref<64x128xf32, #tpu.memory_space<vmem>>) target(%dma_start3A_1295 : memref<10240x128xf32, #tpu.memory_space<vmem_shared>>) offsets(%dma_start3A_1292 : memref<64xi32, #tpu.memory_space<vmem>>) semaphore(%arg24 : memref<!tpu.dma_semaphore, #tpu.memory_space<semaphore_mem>>) {add = true}
      %dma_start3A_1296 = arith.constant 0 : i32
      %dma_start3A_1297 = tpu.memref_slice %arg9[%add3A_1259, %dma_start3A_1296] : memref<40x64xi32, #tpu.memory_space<vmem>> -> memref<1x64xi32, #tpu.memory_space<vmem>>
      %dma_start3A_1298 = tpu.memref_squeeze %dma_start3A_1297 : memref<1x64xi32, #tpu.memory_space<vmem>> -> memref<64xi32, #tpu.memory_space<vmem>>
      %dma_start3A_1299 = arith.constant 0 : i32
      %dma_start3A_1300 = tpu.memref_slice %arg17[%dma_start3A_1299] : memref<10240xf32, #tpu.memory_space<vmem_shared>> -> memref<10240xf32, #tpu.memory_space<vmem_shared>>
      tpu.enqueue_indirect_dma source(%arg14 : memref<64xf32, #tpu.memory_space<vmem>>) target(%dma_start3A_1300 : memref<10240xf32, #tpu.memory_space<vmem_shared>>) offsets(%dma_start3A_1298 : memref<64xi32, #tpu.memory_space<vmem>>) semaphore(%arg28 : memref<!tpu.dma_semaphore, #tpu.memory_space<semaphore_mem>>) {add = true}
      %mul3A_1301 = arith.constant 4 : i32
      %mul3A_1302 = arith.muli %scan3A_1165, %mul3A_1301 : i32
      %add3A_1303 = arith.constant 3 : i32
      %add3A_1304 = arith.addi %mul3A_1302, %add3A_1303 : i32
      %dma_wait3A_1305 = arith.constant 0 : i32
      %dma_wait3A_1306 = arith.constant 0 : i32
      %dma_wait3A_1307 = tpu.memref_slice %arg9[%dma_wait3A_1305, %dma_wait3A_1306] : memref<40x64xi32, #tpu.memory_space<vmem>> -> memref<1x64xi32, #tpu.memory_space<vmem>>
      %dma_wait3A_1308 = tpu.memref_squeeze %dma_wait3A_1307 : memref<1x64xi32, #tpu.memory_space<vmem>> -> memref<64xi32, #tpu.memory_space<vmem>>
      %dma_wait3A_1309 = arith.constant 0 : i32
      %dma_wait3A_1310 = arith.constant 0 : i32
      %dma_wait3A_1311 = tpu.memref_slice %arg16[%dma_wait3A_1309, %dma_wait3A_1310] : memref<10240x128xf32, #tpu.memory_space<vmem_shared>> -> memref<10240x128xf32, #tpu.memory_space<vmem_shared>>
      tpu.wait_indirect_dma semaphore(%arg23 : memref<!tpu.dma_semaphore, #tpu.memory_space<semaphore_mem>>) src(%arg11 : memref<64x128xf32, #tpu.memory_space<vmem>>) dst(%dma_wait3A_1311 : memref<10240x128xf32, #tpu.memory_space<vmem_shared>>)
      %dma_wait3A_1312 = arith.constant 0 : i32
      %dma_wait3A_1313 = arith.constant 0 : i32
      %dma_wait3A_1314 = tpu.memref_slice %arg9[%dma_wait3A_1312, %dma_wait3A_1313] : memref<40x64xi32, #tpu.memory_space<vmem>> -> memref<1x64xi32, #tpu.memory_space<vmem>>
      %dma_wait3A_1315 = tpu.memref_squeeze %dma_wait3A_1314 : memref<1x64xi32, #tpu.memory_space<vmem>> -> memref<64xi32, #tpu.memory_space<vmem>>
      %dma_wait3A_1316 = arith.constant 0 : i32
      %dma_wait3A_1317 = tpu.memref_slice %arg17[%dma_wait3A_1316] : memref<10240xf32, #tpu.memory_space<vmem_shared>> -> memref<10240xf32, #tpu.memory_space<vmem_shared>>
      tpu.wait_indirect_dma semaphore(%arg27 : memref<!tpu.dma_semaphore, #tpu.memory_space<semaphore_mem>>) src(%arg14 : memref<64xf32, #tpu.memory_space<vmem>>) dst(%dma_wait3A_1317 : memref<10240xf32, #tpu.memory_space<vmem_shared>>)
      %add3A_1318 = arith.constant 2 : i32
      %add3A_1319 = arith.addi %add3A_1304, %add3A_1318 : i32
      %min3A_1320 = arith.constant 39 : i32
      %min3A_1321 = arith.minsi %add3A_1319, %min3A_1320 : i32
      %dma_start3A_1322 = arith.constant 0 : i32
      %dma_start3A_1323 = tpu.memref_slice %arg8[%min3A_1321, %dma_start3A_1322] : memref<40x64xi32, #tpu.memory_space<vmem>> -> memref<1x64xi32, #tpu.memory_space<vmem>>
      %dma_start3A_1324 = tpu.memref_squeeze %dma_start3A_1323 : memref<1x64xi32, #tpu.memory_space<vmem>> -> memref<64xi32, #tpu.memory_space<vmem>>
      %dma_start3A_1325 = arith.constant 0 : i32
      %dma_start3A_1326 = arith.constant 0 : i32
      %dma_start3A_1327 = tpu.memref_slice %arg2[%dma_start3A_1325, %dma_start3A_1326] : memref<10000x128xf32, #tpu.memory_space<hbm>> -> memref<10000x128xf32, #tpu.memory_space<hbm>>
      tpu.enqueue_indirect_dma source(%dma_start3A_1327 : memref<10000x128xf32, #tpu.memory_space<hbm>>) target(%arg11 : memref<64x128xf32, #tpu.memory_space<vmem>>) offsets(%dma_start3A_1324 : memref<64xi32, #tpu.memory_space<vmem>>) semaphore(%arg19 : memref<!tpu.dma_semaphore, #tpu.memory_space<semaphore_mem>>)
      %dma_wait3A_1328 = arith.constant 0 : i32
      %dma_wait3A_1329 = arith.constant 0 : i32
      %dma_wait3A_1330 = tpu.memref_slice %arg8[%dma_wait3A_1328, %dma_wait3A_1329] : memref<40x64xi32, #tpu.memory_space<vmem>> -> memref<1x64xi32, #tpu.memory_space<vmem>>
      %dma_wait3A_1331 = tpu.memref_squeeze %dma_wait3A_1330 : memref<1x64xi32, #tpu.memory_space<vmem>> -> memref<64xi32, #tpu.memory_space<vmem>>
      %dma_wait3A_1332 = arith.constant 0 : i32
      %dma_wait3A_1333 = arith.constant 0 : i32
      %dma_wait3A_1334 = tpu.memref_slice %arg2[%dma_wait3A_1332, %dma_wait3A_1333] : memref<10000x128xf32, #tpu.memory_space<hbm>> -> memref<10000x128xf32, #tpu.memory_space<hbm>>
      tpu.wait_indirect_dma semaphore(%arg21 : memref<!tpu.dma_semaphore, #tpu.memory_space<semaphore_mem>>) src(%dma_wait3A_1334 : memref<10000x128xf32, #tpu.memory_space<hbm>>) dst(%arg13 : memref<64x128xf32, #tpu.memory_space<vmem>>)
      %dma_start3A_1335 = arith.constant 0 : i32
      %dma_start3A_1336 = tpu.memref_slice %arg9[%add3A_1304, %dma_start3A_1335] : memref<40x64xi32, #tpu.memory_space<vmem>> -> memref<1x64xi32, #tpu.memory_space<vmem>>
      %dma_start3A_1337 = tpu.memref_squeeze %dma_start3A_1336 : memref<1x64xi32, #tpu.memory_space<vmem>> -> memref<64xi32, #tpu.memory_space<vmem>>
      %dma_start3A_1338 = arith.constant 0 : i32
      %dma_start3A_1339 = arith.constant 0 : i32
      %dma_start3A_1340 = tpu.memref_slice %arg16[%dma_start3A_1338, %dma_start3A_1339] : memref<10240x128xf32, #tpu.memory_space<vmem_shared>> -> memref<10240x128xf32, #tpu.memory_space<vmem_shared>>
      tpu.enqueue_indirect_dma source(%arg13 : memref<64x128xf32, #tpu.memory_space<vmem>>) target(%dma_start3A_1340 : memref<10240x128xf32, #tpu.memory_space<vmem_shared>>) offsets(%dma_start3A_1337 : memref<64xi32, #tpu.memory_space<vmem>>) semaphore(%arg25 : memref<!tpu.dma_semaphore, #tpu.memory_space<semaphore_mem>>) {add = true}
      %dma_start3A_1341 = arith.constant 0 : i32
      %dma_start3A_1342 = tpu.memref_slice %arg9[%add3A_1304, %dma_start3A_1341] : memref<40x64xi32, #tpu.memory_space<vmem>> -> memref<1x64xi32, #tpu.memory_space<vmem>>
      %dma_start3A_1343 = tpu.memref_squeeze %dma_start3A_1342 : memref<1x64xi32, #tpu.memory_space<vmem>> -> memref<64xi32, #tpu.memory_space<vmem>>
      %dma_start3A_1344 = arith.constant 0 : i32
      %dma_start3A_1345 = tpu.memref_slice %arg17[%dma_start3A_1344] : memref<10240xf32, #tpu.memory_space<vmem_shared>> -> memref<10240xf32, #tpu.memory_space<vmem_shared>>
      tpu.enqueue_indirect_dma source(%arg14 : memref<64xf32, #tpu.memory_space<vmem>>) target(%dma_start3A_1345 : memref<10240xf32, #tpu.memory_space<vmem_shared>>) offsets(%dma_start3A_1343 : memref<64xi32, #tpu.memory_space<vmem>>) semaphore(%arg29 : memref<!tpu.dma_semaphore, #tpu.memory_space<semaphore_mem>>) {add = true}
    }
    %scan3A_450 = arith.constant 9 : i32
    %dma_wait3A_451 = arith.constant 0 : i32
    %dma_wait3A_452 = arith.constant 0 : i32
    %dma_wait3A_453 = tpu.memref_slice %arg9[%dma_wait3A_451, %dma_wait3A_452] : memref<40x64xi32, #tpu.memory_space<vmem>> -> memref<1x64xi32, #tpu.memory_space<vmem>>
    %dma_wait3A_454 = tpu.memref_squeeze %dma_wait3A_453 : memref<1x64xi32, #tpu.memory_space<vmem>> -> memref<64xi32, #tpu.memory_space<vmem>>
    %dma_wait3A_455 = arith.constant 0 : i32
    %dma_wait3A_456 = arith.constant 0 : i32
    %dma_wait3A_457 = tpu.memref_slice %arg16[%dma_wait3A_455, %dma_wait3A_456] : memref<10240x128xf32, #tpu.memory_space<vmem_shared>> -> memref<10240x128xf32, #tpu.memory_space<vmem_shared>>
    tpu.wait_indirect_dma semaphore(%arg24 : memref<!tpu.dma_semaphore, #tpu.memory_space<semaphore_mem>>) src(%arg12 : memref<64x128xf32, #tpu.memory_space<vmem>>) dst(%dma_wait3A_457 : memref<10240x128xf32, #tpu.memory_space<vmem_shared>>)
    %dma_wait3A_458 = arith.constant 0 : i32
    %dma_wait3A_459 = arith.constant 0 : i32
    %dma_wait3A_460 = tpu.memref_slice %arg9[%dma_wait3A_458, %dma_wait3A_459] : memref<40x64xi32, #tpu.memory_space<vmem>> -> memref<1x64xi32, #tpu.memory_space<vmem>>
    %dma_wait3A_461 = tpu.memref_squeeze %dma_wait3A_460 : memref<1x64xi32, #tpu.memory_space<vmem>> -> memref<64xi32, #tpu.memory_space<vmem>>
    %dma_wait3A_462 = arith.constant 0 : i32
    %dma_wait3A_463 = tpu.memref_slice %arg17[%dma_wait3A_462] : memref<10240xf32, #tpu.memory_space<vmem_shared>> -> memref<10240xf32, #tpu.memory_space<vmem_shared>>
    tpu.wait_indirect_dma semaphore(%arg28 : memref<!tpu.dma_semaphore, #tpu.memory_space<semaphore_mem>>) src(%arg14 : memref<64xf32, #tpu.memory_space<vmem>>) dst(%dma_wait3A_463 : memref<10240xf32, #tpu.memory_space<vmem_shared>>)
    %dma_wait3A_464 = arith.constant 0 : i32
    %dma_wait3A_465 = arith.constant 0 : i32
    %dma_wait3A_466 = tpu.memref_slice %arg9[%dma_wait3A_464, %dma_wait3A_465] : memref<40x64xi32, #tpu.memory_space<vmem>> -> memref<1x64xi32, #tpu.memory_space<vmem>>
    %dma_wait3A_467 = tpu.memref_squeeze %dma_wait3A_466 : memref<1x64xi32, #tpu.memory_space<vmem>> -> memref<64xi32, #tpu.memory_space<vmem>>
    %dma_wait3A_468 = arith.constant 0 : i32
    %dma_wait3A_469 = arith.constant 0 : i32
    %dma_wait3A_470 = tpu.memref_slice %arg16[%dma_wait3A_468, %dma_wait3A_469] : memref<10240x128xf32, #tpu.memory_space<vmem_shared>> -> memref<10240x128xf32, #tpu.memory_space<vmem_shared>>
    tpu.wait_indirect_dma semaphore(%arg25 : memref<!tpu.dma_semaphore, #tpu.memory_space<semaphore_mem>>) src(%arg13 : memref<64x128xf32, #tpu.memory_space<vmem>>) dst(%dma_wait3A_470 : memref<10240x128xf32, #tpu.memory_space<vmem_shared>>)
    %dma_wait3A_471 = arith.constant 0 : i32
    %dma_wait3A_472 = arith.constant 0 : i32
    %dma_wait3A_473 = tpu.memref_slice %arg9[%dma_wait3A_471, %dma_wait3A_472] : memref<40x64xi32, #tpu.memory_space<vmem>> -> memref<1x64xi32, #tpu.memory_space<vmem>>
    %dma_wait3A_474 = tpu.memref_squeeze %dma_wait3A_473 : memref<1x64xi32, #tpu.memory_space<vmem>> -> memref<64xi32, #tpu.memory_space<vmem>>
    %dma_wait3A_475 = arith.constant 0 : i32
    %dma_wait3A_476 = tpu.memref_slice %arg17[%dma_wait3A_475] : memref<10240xf32, #tpu.memory_space<vmem_shared>> -> memref<10240xf32, #tpu.memory_space<vmem_shared>>
    tpu.wait_indirect_dma semaphore(%arg29 : memref<!tpu.dma_semaphore, #tpu.memory_space<semaphore_mem>>) src(%arg14 : memref<64xf32, #tpu.memory_space<vmem>>) dst(%dma_wait3A_476 : memref<10240xf32, #tpu.memory_space<vmem_shared>>)
    %dma_wait3A_477 = arith.constant 0 : i32
    %dma_wait3A_478 = arith.constant 0 : i32
    %dma_wait3A_479 = tpu.memref_slice %arg8[%dma_wait3A_477, %dma_wait3A_478] : memref<40x64xi32, #tpu.memory_space<vmem>> -> memref<1x64xi32, #tpu.memory_space<vmem>>
    %dma_wait3A_480 = tpu.memref_squeeze %dma_wait3A_479 : memref<1x64xi32, #tpu.memory_space<vmem>> -> memref<64xi32, #tpu.memory_space<vmem>>
    %dma_wait3A_481 = arith.constant 0 : i32
    %dma_wait3A_482 = arith.constant 0 : i32
    %dma_wait3A_483 = tpu.memref_slice %arg2[%dma_wait3A_481, %dma_wait3A_482] : memref<10000x128xf32, #tpu.memory_space<hbm>> -> memref<10000x128xf32, #tpu.memory_space<hbm>>
    tpu.wait_indirect_dma semaphore(%arg18 : memref<!tpu.dma_semaphore, #tpu.memory_space<semaphore_mem>>) src(%dma_wait3A_483 : memref<10000x128xf32, #tpu.memory_space<hbm>>) dst(%arg10 : memref<64x128xf32, #tpu.memory_space<vmem>>)
    %dma_wait3A_484 = arith.constant 0 : i32
    %dma_wait3A_485 = arith.constant 0 : i32
    %dma_wait3A_486 = tpu.memref_slice %arg8[%dma_wait3A_484, %dma_wait3A_485] : memref<40x64xi32, #tpu.memory_space<vmem>> -> memref<1x64xi32, #tpu.memory_space<vmem>>
    %dma_wait3A_487 = tpu.memref_squeeze %dma_wait3A_486 : memref<1x64xi32, #tpu.memory_space<vmem>> -> memref<64xi32, #tpu.memory_space<vmem>>
    %dma_wait3A_488 = arith.constant 0 : i32
    %dma_wait3A_489 = arith.constant 0 : i32
    %dma_wait3A_490 = tpu.memref_slice %arg2[%dma_wait3A_488, %dma_wait3A_489] : memref<10000x128xf32, #tpu.memory_space<hbm>> -> memref<10000x128xf32, #tpu.memory_space<hbm>>
    tpu.wait_indirect_dma semaphore(%arg19 : memref<!tpu.dma_semaphore, #tpu.memory_space<semaphore_mem>>) src(%dma_wait3A_490 : memref<10000x128xf32, #tpu.memory_space<hbm>>) dst(%arg11 : memref<64x128xf32, #tpu.memory_space<vmem>>)
    %mul3A_491 = arith.constant 160 : i32
    %mul3A_492 = arith.muli %add3A, %mul3A_491 : i32
    %add3A_493 = arith.constant 40 : i32
    %add3A_494 = arith.addi %mul3A_492, %add3A_493 : i32
    "tpu.region"() ({
      %run_scoped3A = tpu.sem_alloc : memref<!tpu.dma_semaphore, #tpu.memory_space<semaphore_mem>>
      %dma_start3A_1165 = arith.constant 0 : i32
      %dma_start3A_1166 = tpu.memref_slice %arg3[%add3A_494, %dma_start3A_1165] : memref<5120x64xi32, #tpu.memory_space<hbm>> -> memref<40x64xi32, #tpu.memory_space<hbm>>
      %dma_start3A_1167 = arith.constant 0 : i32
      %dma_start3A_1168 = tpu.memref_slice %arg3[%add3A_494, %dma_start3A_1167] : memref<5120x64xi32, #tpu.memory_space<hbm>> -> memref<40x64xi32, #tpu.memory_space<hbm>>
      tpu.enqueue_dma source(%dma_start3A_1168 : memref<40x64xi32, #tpu.memory_space<hbm>>) target(%arg8 : memref<40x64xi32, #tpu.memory_space<vmem>>) target_semaphore(%run_scoped3A : memref<!tpu.dma_semaphore, #tpu.memory_space<semaphore_mem>>)
      %dma_wait3A_1169 = arith.constant 0 : i32
      %dma_wait3A_1170 = tpu.memref_slice %arg3[%add3A_494, %dma_wait3A_1169] : memref<5120x64xi32, #tpu.memory_space<hbm>> -> memref<40x64xi32, #tpu.memory_space<hbm>>
      %dma_wait3A_1171 = arith.constant 0 : i32
      %dma_wait3A_1172 = tpu.memref_slice %arg3[%add3A_494, %dma_wait3A_1171] : memref<5120x64xi32, #tpu.memory_space<hbm>> -> memref<40x64xi32, #tpu.memory_space<hbm>>
      tpu.wait_dma2 semaphore(%run_scoped3A : memref<!tpu.dma_semaphore, #tpu.memory_space<semaphore_mem>>) src(%dma_wait3A_1172 : memref<40x64xi32, #tpu.memory_space<hbm>>) dst(%arg8 : memref<40x64xi32, #tpu.memory_space<vmem>>)
      tpu.yield
    }) : () -> ()
    "tpu.region"() ({
      %run_scoped3A = tpu.sem_alloc : memref<!tpu.dma_semaphore, #tpu.memory_space<semaphore_mem>>
      %dma_start3A_1165 = arith.constant 0 : i32
      %dma_start3A_1166 = tpu.memref_slice %arg4[%add3A_494, %dma_start3A_1165] : memref<5120x64xi32, #tpu.memory_space<hbm>> -> memref<40x64xi32, #tpu.memory_space<hbm>>
      %dma_start3A_1167 = arith.constant 0 : i32
      %dma_start3A_1168 = tpu.memref_slice %arg4[%add3A_494, %dma_start3A_1167] : memref<5120x64xi32, #tpu.memory_space<hbm>> -> memref<40x64xi32, #tpu.memory_space<hbm>>
      tpu.enqueue_dma source(%dma_start3A_1168 : memref<40x64xi32, #tpu.memory_space<hbm>>) target(%arg9 : memref<40x64xi32, #tpu.memory_space<vmem>>) target_semaphore(%run_scoped3A : memref<!tpu.dma_semaphore, #tpu.memory_space<semaphore_mem>>)
      %dma_wait3A_1169 = arith.constant 0 : i32
      %dma_wait3A_1170 = tpu.memref_slice %arg4[%add3A_494, %dma_wait3A_1169] : memref<5120x64xi32, #tpu.memory_space<hbm>> -> memref<40x64xi32, #tpu.memory_space<hbm>>
      %dma_wait3A_1171 = arith.constant 0 : i32
      %dma_wait3A_1172 = tpu.memref_slice %arg4[%add3A_494, %dma_wait3A_1171] : memref<5120x64xi32, #tpu.memory_space<hbm>> -> memref<40x64xi32, #tpu.memory_space<hbm>>
      tpu.wait_dma2 semaphore(%run_scoped3A : memref<!tpu.dma_semaphore, #tpu.memory_space<semaphore_mem>>) src(%dma_wait3A_1172 : memref<40x64xi32, #tpu.memory_space<hbm>>) dst(%arg9 : memref<40x64xi32, #tpu.memory_space<vmem>>)
      tpu.yield
    }) : () -> ()
    %min3A_495 = arith.constant 0 : i32
    %min3A_496 = arith.constant 39 : i32
    %min3A_497 = arith.minsi %min3A_495, %min3A_496 : i32
    %dma_start3A_498 = arith.constant 0 : i32
    %dma_start3A_499 = tpu.memref_slice %arg8[%min3A_497, %dma_start3A_498] : memref<40x64xi32, #tpu.memory_space<vmem>> -> memref<1x64xi32, #tpu.memory_space<vmem>>
    %dma_start3A_500 = tpu.memref_squeeze %dma_start3A_499 : memref<1x64xi32, #tpu.memory_space<vmem>> -> memref<64xi32, #tpu.memory_space<vmem>>
    %dma_start3A_501 = arith.constant 0 : i32
    %dma_start3A_502 = arith.constant 0 : i32
    %dma_start3A_503 = tpu.memref_slice %arg2[%dma_start3A_501, %dma_start3A_502] : memref<10000x128xf32, #tpu.memory_space<hbm>> -> memref<10000x128xf32, #tpu.memory_space<hbm>>
    tpu.enqueue_indirect_dma source(%dma_start3A_503 : memref<10000x128xf32, #tpu.memory_space<hbm>>) target(%arg10 : memref<64x128xf32, #tpu.memory_space<vmem>>) offsets(%dma_start3A_500 : memref<64xi32, #tpu.memory_space<vmem>>) semaphore(%arg18 : memref<!tpu.dma_semaphore, #tpu.memory_space<semaphore_mem>>)
    %min3A_504 = arith.constant 1 : i32
    %min3A_505 = arith.constant 39 : i32
    %min3A_506 = arith.minsi %min3A_504, %min3A_505 : i32
    %dma_start3A_507 = arith.constant 0 : i32
    %dma_start3A_508 = tpu.memref_slice %arg8[%min3A_506, %dma_start3A_507] : memref<40x64xi32, #tpu.memory_space<vmem>> -> memref<1x64xi32, #tpu.memory_space<vmem>>
    %dma_start3A_509 = tpu.memref_squeeze %dma_start3A_508 : memref<1x64xi32, #tpu.memory_space<vmem>> -> memref<64xi32, #tpu.memory_space<vmem>>
    %dma_start3A_510 = arith.constant 0 : i32
    %dma_start3A_511 = arith.constant 0 : i32
    %dma_start3A_512 = tpu.memref_slice %arg2[%dma_start3A_510, %dma_start3A_511] : memref<10000x128xf32, #tpu.memory_space<hbm>> -> memref<10000x128xf32, #tpu.memory_space<hbm>>
    tpu.enqueue_indirect_dma source(%dma_start3A_512 : memref<10000x128xf32, #tpu.memory_space<hbm>>) target(%arg11 : memref<64x128xf32, #tpu.memory_space<vmem>>) offsets(%dma_start3A_509 : memref<64xi32, #tpu.memory_space<vmem>>) semaphore(%arg19 : memref<!tpu.dma_semaphore, #tpu.memory_space<semaphore_mem>>)
    %min3A_513 = arith.constant 2 : i32
    %min3A_514 = arith.constant 39 : i32
    %min3A_515 = arith.minsi %min3A_513, %min3A_514 : i32
    %dma_start3A_516 = arith.constant 0 : i32
    %dma_start3A_517 = tpu.memref_slice %arg8[%min3A_515, %dma_start3A_516] : memref<40x64xi32, #tpu.memory_space<vmem>> -> memref<1x64xi32, #tpu.memory_space<vmem>>
    %dma_start3A_518 = tpu.memref_squeeze %dma_start3A_517 : memref<1x64xi32, #tpu.memory_space<vmem>> -> memref<64xi32, #tpu.memory_space<vmem>>
    %dma_start3A_519 = arith.constant 0 : i32
    %dma_start3A_520 = arith.constant 0 : i32
    %dma_start3A_521 = tpu.memref_slice %arg2[%dma_start3A_519, %dma_start3A_520] : memref<10000x128xf32, #tpu.memory_space<hbm>> -> memref<10000x128xf32, #tpu.memory_space<hbm>>
    tpu.enqueue_indirect_dma source(%dma_start3A_521 : memref<10000x128xf32, #tpu.memory_space<hbm>>) target(%arg12 : memref<64x128xf32, #tpu.memory_space<vmem>>) offsets(%dma_start3A_518 : memref<64xi32, #tpu.memory_space<vmem>>) semaphore(%arg20 : memref<!tpu.dma_semaphore, #tpu.memory_space<semaphore_mem>>)
    %dma_wait3A_522 = arith.constant 0 : i32
    %dma_wait3A_523 = arith.constant 0 : i32
    %dma_wait3A_524 = tpu.memref_slice %arg8[%dma_wait3A_522, %dma_wait3A_523] : memref<40x64xi32, #tpu.memory_space<vmem>> -> memref<1x64xi32, #tpu.memory_space<vmem>>
    %dma_wait3A_525 = tpu.memref_squeeze %dma_wait3A_524 : memref<1x64xi32, #tpu.memory_space<vmem>> -> memref<64xi32, #tpu.memory_space<vmem>>
    %dma_wait3A_526 = arith.constant 0 : i32
    %dma_wait3A_527 = arith.constant 0 : i32
    %dma_wait3A_528 = tpu.memref_slice %arg2[%dma_wait3A_526, %dma_wait3A_527] : memref<10000x128xf32, #tpu.memory_space<hbm>> -> memref<10000x128xf32, #tpu.memory_space<hbm>>
    tpu.wait_indirect_dma semaphore(%arg18 : memref<!tpu.dma_semaphore, #tpu.memory_space<semaphore_mem>>) src(%dma_wait3A_528 : memref<10000x128xf32, #tpu.memory_space<hbm>>) dst(%arg10 : memref<64x128xf32, #tpu.memory_space<vmem>>)
    %dma_start3A_529 = arith.constant 0 : i32
    %dma_start3A_530 = arith.constant 0 : i32
    %dma_start3A_531 = tpu.memref_slice %arg9[%dma_start3A_529, %dma_start3A_530] : memref<40x64xi32, #tpu.memory_space<vmem>> -> memref<1x64xi32, #tpu.memory_space<vmem>>
    %dma_start3A_532 = tpu.memref_squeeze %dma_start3A_531 : memref<1x64xi32, #tpu.memory_space<vmem>> -> memref<64xi32, #tpu.memory_space<vmem>>
    %dma_start3A_533 = arith.constant 0 : i32
    %dma_start3A_534 = arith.constant 0 : i32
    %dma_start3A_535 = tpu.memref_slice %arg16[%dma_start3A_533, %dma_start3A_534] : memref<10240x128xf32, #tpu.memory_space<vmem_shared>> -> memref<10240x128xf32, #tpu.memory_space<vmem_shared>>
    tpu.enqueue_indirect_dma source(%arg10 : memref<64x128xf32, #tpu.memory_space<vmem>>) target(%dma_start3A_535 : memref<10240x128xf32, #tpu.memory_space<vmem_shared>>) offsets(%dma_start3A_532 : memref<64xi32, #tpu.memory_space<vmem>>) semaphore(%arg22 : memref<!tpu.dma_semaphore, #tpu.memory_space<semaphore_mem>>) {add = true}
    %dma_start3A_536 = arith.constant 0 : i32
    %dma_start3A_537 = arith.constant 0 : i32
    %dma_start3A_538 = tpu.memref_slice %arg9[%dma_start3A_536, %dma_start3A_537] : memref<40x64xi32, #tpu.memory_space<vmem>> -> memref<1x64xi32, #tpu.memory_space<vmem>>
    %dma_start3A_539 = tpu.memref_squeeze %dma_start3A_538 : memref<1x64xi32, #tpu.memory_space<vmem>> -> memref<64xi32, #tpu.memory_space<vmem>>
    %dma_start3A_540 = arith.constant 0 : i32
    %dma_start3A_541 = tpu.memref_slice %arg17[%dma_start3A_540] : memref<10240xf32, #tpu.memory_space<vmem_shared>> -> memref<10240xf32, #tpu.memory_space<vmem_shared>>
    tpu.enqueue_indirect_dma source(%arg14 : memref<64xf32, #tpu.memory_space<vmem>>) target(%dma_start3A_541 : memref<10240xf32, #tpu.memory_space<vmem_shared>>) offsets(%dma_start3A_539 : memref<64xi32, #tpu.memory_space<vmem>>) semaphore(%arg26 : memref<!tpu.dma_semaphore, #tpu.memory_space<semaphore_mem>>) {add = true}
    %min3A_542 = arith.constant 3 : i32
    %min3A_543 = arith.constant 39 : i32
    %min3A_544 = arith.minsi %min3A_542, %min3A_543 : i32
    %dma_start3A_545 = arith.constant 0 : i32
    %dma_start3A_546 = tpu.memref_slice %arg8[%min3A_544, %dma_start3A_545] : memref<40x64xi32, #tpu.memory_space<vmem>> -> memref<1x64xi32, #tpu.memory_space<vmem>>
    %dma_start3A_547 = tpu.memref_squeeze %dma_start3A_546 : memref<1x64xi32, #tpu.memory_space<vmem>> -> memref<64xi32, #tpu.memory_space<vmem>>
    %dma_start3A_548 = arith.constant 0 : i32
    %dma_start3A_549 = arith.constant 0 : i32
    %dma_start3A_550 = tpu.memref_slice %arg2[%dma_start3A_548, %dma_start3A_549] : memref<10000x128xf32, #tpu.memory_space<hbm>> -> memref<10000x128xf32, #tpu.memory_space<hbm>>
    tpu.enqueue_indirect_dma source(%dma_start3A_550 : memref<10000x128xf32, #tpu.memory_space<hbm>>) target(%arg13 : memref<64x128xf32, #tpu.memory_space<vmem>>) offsets(%dma_start3A_547 : memref<64xi32, #tpu.memory_space<vmem>>) semaphore(%arg21 : memref<!tpu.dma_semaphore, #tpu.memory_space<semaphore_mem>>)
    %dma_wait3A_551 = arith.constant 0 : i32
    %dma_wait3A_552 = arith.constant 0 : i32
    %dma_wait3A_553 = tpu.memref_slice %arg8[%dma_wait3A_551, %dma_wait3A_552] : memref<40x64xi32, #tpu.memory_space<vmem>> -> memref<1x64xi32, #tpu.memory_space<vmem>>
    %dma_wait3A_554 = tpu.memref_squeeze %dma_wait3A_553 : memref<1x64xi32, #tpu.memory_space<vmem>> -> memref<64xi32, #tpu.memory_space<vmem>>
    %dma_wait3A_555 = arith.constant 0 : i32
    %dma_wait3A_556 = arith.constant 0 : i32
    %dma_wait3A_557 = tpu.memref_slice %arg2[%dma_wait3A_555, %dma_wait3A_556] : memref<10000x128xf32, #tpu.memory_space<hbm>> -> memref<10000x128xf32, #tpu.memory_space<hbm>>
    tpu.wait_indirect_dma semaphore(%arg19 : memref<!tpu.dma_semaphore, #tpu.memory_space<semaphore_mem>>) src(%dma_wait3A_557 : memref<10000x128xf32, #tpu.memory_space<hbm>>) dst(%arg11 : memref<64x128xf32, #tpu.memory_space<vmem>>)
    %dma_start3A_558 = arith.constant 1 : i32
    %dma_start3A_559 = arith.constant 0 : i32
    %dma_start3A_560 = tpu.memref_slice %arg9[%dma_start3A_558, %dma_start3A_559] : memref<40x64xi32, #tpu.memory_space<vmem>> -> memref<1x64xi32, #tpu.memory_space<vmem>>
    %dma_start3A_561 = tpu.memref_squeeze %dma_start3A_560 : memref<1x64xi32, #tpu.memory_space<vmem>> -> memref<64xi32, #tpu.memory_space<vmem>>
    %dma_start3A_562 = arith.constant 0 : i32
    %dma_start3A_563 = arith.constant 0 : i32
    %dma_start3A_564 = tpu.memref_slice %arg16[%dma_start3A_562, %dma_start3A_563] : memref<10240x128xf32, #tpu.memory_space<vmem_shared>> -> memref<10240x128xf32, #tpu.memory_space<vmem_shared>>
    tpu.enqueue_indirect_dma source(%arg11 : memref<64x128xf32, #tpu.memory_space<vmem>>) target(%dma_start3A_564 : memref<10240x128xf32, #tpu.memory_space<vmem_shared>>) offsets(%dma_start3A_561 : memref<64xi32, #tpu.memory_space<vmem>>) semaphore(%arg23 : memref<!tpu.dma_semaphore, #tpu.memory_space<semaphore_mem>>) {add = true}
    %dma_start3A_565 = arith.constant 1 : i32
    %dma_start3A_566 = arith.constant 0 : i32
    %dma_start3A_567 = tpu.memref_slice %arg9[%dma_start3A_565, %dma_start3A_566] : memref<40x64xi32, #tpu.memory_space<vmem>> -> memref<1x64xi32, #tpu.memory_space<vmem>>
    %dma_start3A_568 = tpu.memref_squeeze %dma_start3A_567 : memref<1x64xi32, #tpu.memory_space<vmem>> -> memref<64xi32, #tpu.memory_space<vmem>>
    %dma_start3A_569 = arith.constant 0 : i32
    %dma_start3A_570 = tpu.memref_slice %arg17[%dma_start3A_569] : memref<10240xf32, #tpu.memory_space<vmem_shared>> -> memref<10240xf32, #tpu.memory_space<vmem_shared>>
    tpu.enqueue_indirect_dma source(%arg14 : memref<64xf32, #tpu.memory_space<vmem>>) target(%dma_start3A_570 : memref<10240xf32, #tpu.memory_space<vmem_shared>>) offsets(%dma_start3A_568 : memref<64xi32, #tpu.memory_space<vmem>>) semaphore(%arg27 : memref<!tpu.dma_semaphore, #tpu.memory_space<semaphore_mem>>) {add = true}
    %dma_wait3A_571 = arith.constant 0 : i32
    %dma_wait3A_572 = arith.constant 0 : i32
    %dma_wait3A_573 = tpu.memref_slice %arg9[%dma_wait3A_571, %dma_wait3A_572] : memref<40x64xi32, #tpu.memory_space<vmem>> -> memref<1x64xi32, #tpu.memory_space<vmem>>
    %dma_wait3A_574 = tpu.memref_squeeze %dma_wait3A_573 : memref<1x64xi32, #tpu.memory_space<vmem>> -> memref<64xi32, #tpu.memory_space<vmem>>
    %dma_wait3A_575 = arith.constant 0 : i32
    %dma_wait3A_576 = arith.constant 0 : i32
    %dma_wait3A_577 = tpu.memref_slice %arg16[%dma_wait3A_575, %dma_wait3A_576] : memref<10240x128xf32, #tpu.memory_space<vmem_shared>> -> memref<10240x128xf32, #tpu.memory_space<vmem_shared>>
    tpu.wait_indirect_dma semaphore(%arg22 : memref<!tpu.dma_semaphore, #tpu.memory_space<semaphore_mem>>) src(%arg10 : memref<64x128xf32, #tpu.memory_space<vmem>>) dst(%dma_wait3A_577 : memref<10240x128xf32, #tpu.memory_space<vmem_shared>>)
    %dma_wait3A_578 = arith.constant 0 : i32
    %dma_wait3A_579 = arith.constant 0 : i32
    %dma_wait3A_580 = tpu.memref_slice %arg9[%dma_wait3A_578, %dma_wait3A_579] : memref<40x64xi32, #tpu.memory_space<vmem>> -> memref<1x64xi32, #tpu.memory_space<vmem>>
    %dma_wait3A_581 = tpu.memref_squeeze %dma_wait3A_580 : memref<1x64xi32, #tpu.memory_space<vmem>> -> memref<64xi32, #tpu.memory_space<vmem>>
    %dma_wait3A_582 = arith.constant 0 : i32
    %dma_wait3A_583 = tpu.memref_slice %arg17[%dma_wait3A_582] : memref<10240xf32, #tpu.memory_space<vmem_shared>> -> memref<10240xf32, #tpu.memory_space<vmem_shared>>
    tpu.wait_indirect_dma semaphore(%arg26 : memref<!tpu.dma_semaphore, #tpu.memory_space<semaphore_mem>>) src(%arg14 : memref<64xf32, #tpu.memory_space<vmem>>) dst(%dma_wait3A_583 : memref<10240xf32, #tpu.memory_space<vmem_shared>>)
    %min3A_584 = arith.constant 4 : i32
    %min3A_585 = arith.constant 39 : i32
    %min3A_586 = arith.minsi %min3A_584, %min3A_585 : i32
    %dma_start3A_587 = arith.constant 0 : i32
    %dma_start3A_588 = tpu.memref_slice %arg8[%min3A_586, %dma_start3A_587] : memref<40x64xi32, #tpu.memory_space<vmem>> -> memref<1x64xi32, #tpu.memory_space<vmem>>
    %dma_start3A_589 = tpu.memref_squeeze %dma_start3A_588 : memref<1x64xi32, #tpu.memory_space<vmem>> -> memref<64xi32, #tpu.memory_space<vmem>>
    %dma_start3A_590 = arith.constant 0 : i32
    %dma_start3A_591 = arith.constant 0 : i32
    %dma_start3A_592 = tpu.memref_slice %arg2[%dma_start3A_590, %dma_start3A_591] : memref<10000x128xf32, #tpu.memory_space<hbm>> -> memref<10000x128xf32, #tpu.memory_space<hbm>>
    tpu.enqueue_indirect_dma source(%dma_start3A_592 : memref<10000x128xf32, #tpu.memory_space<hbm>>) target(%arg10 : memref<64x128xf32, #tpu.memory_space<vmem>>) offsets(%dma_start3A_589 : memref<64xi32, #tpu.memory_space<vmem>>) semaphore(%arg18 : memref<!tpu.dma_semaphore, #tpu.memory_space<semaphore_mem>>)
    %dma_wait3A_593 = arith.constant 0 : i32
    %dma_wait3A_594 = arith.constant 0 : i32
    %dma_wait3A_595 = tpu.memref_slice %arg8[%dma_wait3A_593, %dma_wait3A_594] : memref<40x64xi32, #tpu.memory_space<vmem>> -> memref<1x64xi32, #tpu.memory_space<vmem>>
    %dma_wait3A_596 = tpu.memref_squeeze %dma_wait3A_595 : memref<1x64xi32, #tpu.memory_space<vmem>> -> memref<64xi32, #tpu.memory_space<vmem>>
    %dma_wait3A_597 = arith.constant 0 : i32
    %dma_wait3A_598 = arith.constant 0 : i32
    %dma_wait3A_599 = tpu.memref_slice %arg2[%dma_wait3A_597, %dma_wait3A_598] : memref<10000x128xf32, #tpu.memory_space<hbm>> -> memref<10000x128xf32, #tpu.memory_space<hbm>>
    tpu.wait_indirect_dma semaphore(%arg20 : memref<!tpu.dma_semaphore, #tpu.memory_space<semaphore_mem>>) src(%dma_wait3A_599 : memref<10000x128xf32, #tpu.memory_space<hbm>>) dst(%arg12 : memref<64x128xf32, #tpu.memory_space<vmem>>)
    %dma_start3A_600 = arith.constant 2 : i32
    %dma_start3A_601 = arith.constant 0 : i32
    %dma_start3A_602 = tpu.memref_slice %arg9[%dma_start3A_600, %dma_start3A_601] : memref<40x64xi32, #tpu.memory_space<vmem>> -> memref<1x64xi32, #tpu.memory_space<vmem>>
    %dma_start3A_603 = tpu.memref_squeeze %dma_start3A_602 : memref<1x64xi32, #tpu.memory_space<vmem>> -> memref<64xi32, #tpu.memory_space<vmem>>
    %dma_start3A_604 = arith.constant 0 : i32
    %dma_start3A_605 = arith.constant 0 : i32
    %dma_start3A_606 = tpu.memref_slice %arg16[%dma_start3A_604, %dma_start3A_605] : memref<10240x128xf32, #tpu.memory_space<vmem_shared>> -> memref<10240x128xf32, #tpu.memory_space<vmem_shared>>
    tpu.enqueue_indirect_dma source(%arg12 : memref<64x128xf32, #tpu.memory_space<vmem>>) target(%dma_start3A_606 : memref<10240x128xf32, #tpu.memory_space<vmem_shared>>) offsets(%dma_start3A_603 : memref<64xi32, #tpu.memory_space<vmem>>) semaphore(%arg24 : memref<!tpu.dma_semaphore, #tpu.memory_space<semaphore_mem>>) {add = true}
    %dma_start3A_607 = arith.constant 2 : i32
    %dma_start3A_608 = arith.constant 0 : i32
    %dma_start3A_609 = tpu.memref_slice %arg9[%dma_start3A_607, %dma_start3A_608] : memref<40x64xi32, #tpu.memory_space<vmem>> -> memref<1x64xi32, #tpu.memory_space<vmem>>
    %dma_start3A_610 = tpu.memref_squeeze %dma_start3A_609 : memref<1x64xi32, #tpu.memory_space<vmem>> -> memref<64xi32, #tpu.memory_space<vmem>>
    %dma_start3A_611 = arith.constant 0 : i32
    %dma_start3A_612 = tpu.memref_slice %arg17[%dma_start3A_611] : memref<10240xf32, #tpu.memory_space<vmem_shared>> -> memref<10240xf32, #tpu.memory_space<vmem_shared>>
    tpu.enqueue_indirect_dma source(%arg14 : memref<64xf32, #tpu.memory_space<vmem>>) target(%dma_start3A_612 : memref<10240xf32, #tpu.memory_space<vmem_shared>>) offsets(%dma_start3A_610 : memref<64xi32, #tpu.memory_space<vmem>>) semaphore(%arg28 : memref<!tpu.dma_semaphore, #tpu.memory_space<semaphore_mem>>) {add = true}
    %dma_wait3A_613 = arith.constant 0 : i32
    %dma_wait3A_614 = arith.constant 0 : i32
    %dma_wait3A_615 = tpu.memref_slice %arg9[%dma_wait3A_613, %dma_wait3A_614] : memref<40x64xi32, #tpu.memory_space<vmem>> -> memref<1x64xi32, #tpu.memory_space<vmem>>
    %dma_wait3A_616 = tpu.memref_squeeze %dma_wait3A_615 : memref<1x64xi32, #tpu.memory_space<vmem>> -> memref<64xi32, #tpu.memory_space<vmem>>
    %dma_wait3A_617 = arith.constant 0 : i32
    %dma_wait3A_618 = arith.constant 0 : i32
    %dma_wait3A_619 = tpu.memref_slice %arg16[%dma_wait3A_617, %dma_wait3A_618] : memref<10240x128xf32, #tpu.memory_space<vmem_shared>> -> memref<10240x128xf32, #tpu.memory_space<vmem_shared>>
    tpu.wait_indirect_dma semaphore(%arg23 : memref<!tpu.dma_semaphore, #tpu.memory_space<semaphore_mem>>) src(%arg11 : memref<64x128xf32, #tpu.memory_space<vmem>>) dst(%dma_wait3A_619 : memref<10240x128xf32, #tpu.memory_space<vmem_shared>>)
    %dma_wait3A_620 = arith.constant 0 : i32
    %dma_wait3A_621 = arith.constant 0 : i32
    %dma_wait3A_622 = tpu.memref_slice %arg9[%dma_wait3A_620, %dma_wait3A_621] : memref<40x64xi32, #tpu.memory_space<vmem>> -> memref<1x64xi32, #tpu.memory_space<vmem>>
    %dma_wait3A_623 = tpu.memref_squeeze %dma_wait3A_622 : memref<1x64xi32, #tpu.memory_space<vmem>> -> memref<64xi32, #tpu.memory_space<vmem>>
    %dma_wait3A_624 = arith.constant 0 : i32
    %dma_wait3A_625 = tpu.memref_slice %arg17[%dma_wait3A_624] : memref<10240xf32, #tpu.memory_space<vmem_shared>> -> memref<10240xf32, #tpu.memory_space<vmem_shared>>
    tpu.wait_indirect_dma semaphore(%arg27 : memref<!tpu.dma_semaphore, #tpu.memory_space<semaphore_mem>>) src(%arg14 : memref<64xf32, #tpu.memory_space<vmem>>) dst(%dma_wait3A_625 : memref<10240xf32, #tpu.memory_space<vmem_shared>>)
    %min3A_626 = arith.constant 5 : i32
    %min3A_627 = arith.constant 39 : i32
    %min3A_628 = arith.minsi %min3A_626, %min3A_627 : i32
    %dma_start3A_629 = arith.constant 0 : i32
    %dma_start3A_630 = tpu.memref_slice %arg8[%min3A_628, %dma_start3A_629] : memref<40x64xi32, #tpu.memory_space<vmem>> -> memref<1x64xi32, #tpu.memory_space<vmem>>
    %dma_start3A_631 = tpu.memref_squeeze %dma_start3A_630 : memref<1x64xi32, #tpu.memory_space<vmem>> -> memref<64xi32, #tpu.memory_space<vmem>>
    %dma_start3A_632 = arith.constant 0 : i32
    %dma_start3A_633 = arith.constant 0 : i32
    %dma_start3A_634 = tpu.memref_slice %arg2[%dma_start3A_632, %dma_start3A_633] : memref<10000x128xf32, #tpu.memory_space<hbm>> -> memref<10000x128xf32, #tpu.memory_space<hbm>>
    tpu.enqueue_indirect_dma source(%dma_start3A_634 : memref<10000x128xf32, #tpu.memory_space<hbm>>) target(%arg11 : memref<64x128xf32, #tpu.memory_space<vmem>>) offsets(%dma_start3A_631 : memref<64xi32, #tpu.memory_space<vmem>>) semaphore(%arg19 : memref<!tpu.dma_semaphore, #tpu.memory_space<semaphore_mem>>)
    %dma_wait3A_635 = arith.constant 0 : i32
    %dma_wait3A_636 = arith.constant 0 : i32
    %dma_wait3A_637 = tpu.memref_slice %arg8[%dma_wait3A_635, %dma_wait3A_636] : memref<40x64xi32, #tpu.memory_space<vmem>> -> memref<1x64xi32, #tpu.memory_space<vmem>>
    %dma_wait3A_638 = tpu.memref_squeeze %dma_wait3A_637 : memref<1x64xi32, #tpu.memory_space<vmem>> -> memref<64xi32, #tpu.memory_space<vmem>>
    %dma_wait3A_639 = arith.constant 0 : i32
    %dma_wait3A_640 = arith.constant 0 : i32
    %dma_wait3A_641 = tpu.memref_slice %arg2[%dma_wait3A_639, %dma_wait3A_640] : memref<10000x128xf32, #tpu.memory_space<hbm>> -> memref<10000x128xf32, #tpu.memory_space<hbm>>
    tpu.wait_indirect_dma semaphore(%arg21 : memref<!tpu.dma_semaphore, #tpu.memory_space<semaphore_mem>>) src(%dma_wait3A_641 : memref<10000x128xf32, #tpu.memory_space<hbm>>) dst(%arg13 : memref<64x128xf32, #tpu.memory_space<vmem>>)
    %dma_start3A_642 = arith.constant 3 : i32
    %dma_start3A_643 = arith.constant 0 : i32
    %dma_start3A_644 = tpu.memref_slice %arg9[%dma_start3A_642, %dma_start3A_643] : memref<40x64xi32, #tpu.memory_space<vmem>> -> memref<1x64xi32, #tpu.memory_space<vmem>>
    %dma_start3A_645 = tpu.memref_squeeze %dma_start3A_644 : memref<1x64xi32, #tpu.memory_space<vmem>> -> memref<64xi32, #tpu.memory_space<vmem>>
    %dma_start3A_646 = arith.constant 0 : i32
    %dma_start3A_647 = arith.constant 0 : i32
    %dma_start3A_648 = tpu.memref_slice %arg16[%dma_start3A_646, %dma_start3A_647] : memref<10240x128xf32, #tpu.memory_space<vmem_shared>> -> memref<10240x128xf32, #tpu.memory_space<vmem_shared>>
    tpu.enqueue_indirect_dma source(%arg13 : memref<64x128xf32, #tpu.memory_space<vmem>>) target(%dma_start3A_648 : memref<10240x128xf32, #tpu.memory_space<vmem_shared>>) offsets(%dma_start3A_645 : memref<64xi32, #tpu.memory_space<vmem>>) semaphore(%arg25 : memref<!tpu.dma_semaphore, #tpu.memory_space<semaphore_mem>>) {add = true}
    %dma_start3A_649 = arith.constant 3 : i32
    %dma_start3A_650 = arith.constant 0 : i32
    %dma_start3A_651 = tpu.memref_slice %arg9[%dma_start3A_649, %dma_start3A_650] : memref<40x64xi32, #tpu.memory_space<vmem>> -> memref<1x64xi32, #tpu.memory_space<vmem>>
    %dma_start3A_652 = tpu.memref_squeeze %dma_start3A_651 : memref<1x64xi32, #tpu.memory_space<vmem>> -> memref<64xi32, #tpu.memory_space<vmem>>
    %dma_start3A_653 = arith.constant 0 : i32
    %dma_start3A_654 = tpu.memref_slice %arg17[%dma_start3A_653] : memref<10240xf32, #tpu.memory_space<vmem_shared>> -> memref<10240xf32, #tpu.memory_space<vmem_shared>>
    tpu.enqueue_indirect_dma source(%arg14 : memref<64xf32, #tpu.memory_space<vmem>>) target(%dma_start3A_654 : memref<10240xf32, #tpu.memory_space<vmem_shared>>) offsets(%dma_start3A_652 : memref<64xi32, #tpu.memory_space<vmem>>) semaphore(%arg29 : memref<!tpu.dma_semaphore, #tpu.memory_space<semaphore_mem>>) {add = true}
    %scan3A_655 = arith.constant 0 : i32
    %scan3A_656 = arith.constant 1 : i32
    %scan3A_657 = arith.constant 9 : i32
    %scan3A_658 = arith.addi %scan3A_656, %scan3A_657 : i32
    %scan3A_659 = arith.constant 1 : i32
    scf.for %scan3A_1165 = %scan3A_656 to %scan3A_658 step %scan3A_659  : i32 {
      %mul3A_1166 = arith.constant 4 : i32
      %mul3A_1167 = arith.muli %scan3A_1165, %mul3A_1166 : i32
      %add3A_1168 = arith.constant 0 : i32
      %add3A_1169 = arith.addi %mul3A_1167, %add3A_1168 : i32
      %dma_wait3A_1170 = arith.constant 0 : i32
      %dma_wait3A_1171 = arith.constant 0 : i32
      %dma_wait3A_1172 = tpu.memref_slice %arg9[%dma_wait3A_1170, %dma_wait3A_1171] : memref<40x64xi32, #tpu.memory_space<vmem>> -> memref<1x64xi32, #tpu.memory_space<vmem>>
      %dma_wait3A_1173 = tpu.memref_squeeze %dma_wait3A_1172 : memref<1x64xi32, #tpu.memory_space<vmem>> -> memref<64xi32, #tpu.memory_space<vmem>>
      %dma_wait3A_1174 = arith.constant 0 : i32
      %dma_wait3A_1175 = arith.constant 0 : i32
      %dma_wait3A_1176 = tpu.memref_slice %arg16[%dma_wait3A_1174, %dma_wait3A_1175] : memref<10240x128xf32, #tpu.memory_space<vmem_shared>> -> memref<10240x128xf32, #tpu.memory_space<vmem_shared>>
      tpu.wait_indirect_dma semaphore(%arg24 : memref<!tpu.dma_semaphore, #tpu.memory_space<semaphore_mem>>) src(%arg12 : memref<64x128xf32, #tpu.memory_space<vmem>>) dst(%dma_wait3A_1176 : memref<10240x128xf32, #tpu.memory_space<vmem_shared>>)
      %dma_wait3A_1177 = arith.constant 0 : i32
      %dma_wait3A_1178 = arith.constant 0 : i32
      %dma_wait3A_1179 = tpu.memref_slice %arg9[%dma_wait3A_1177, %dma_wait3A_1178] : memref<40x64xi32, #tpu.memory_space<vmem>> -> memref<1x64xi32, #tpu.memory_space<vmem>>
      %dma_wait3A_1180 = tpu.memref_squeeze %dma_wait3A_1179 : memref<1x64xi32, #tpu.memory_space<vmem>> -> memref<64xi32, #tpu.memory_space<vmem>>
      %dma_wait3A_1181 = arith.constant 0 : i32
      %dma_wait3A_1182 = tpu.memref_slice %arg17[%dma_wait3A_1181] : memref<10240xf32, #tpu.memory_space<vmem_shared>> -> memref<10240xf32, #tpu.memory_space<vmem_shared>>
      tpu.wait_indirect_dma semaphore(%arg28 : memref<!tpu.dma_semaphore, #tpu.memory_space<semaphore_mem>>) src(%arg14 : memref<64xf32, #tpu.memory_space<vmem>>) dst(%dma_wait3A_1182 : memref<10240xf32, #tpu.memory_space<vmem_shared>>)
      %add3A_1183 = arith.constant 2 : i32
      %add3A_1184 = arith.addi %add3A_1169, %add3A_1183 : i32
      %min3A_1185 = arith.constant 39 : i32
      %min3A_1186 = arith.minsi %add3A_1184, %min3A_1185 : i32
      %dma_start3A_1187 = arith.constant 0 : i32
      %dma_start3A_1188 = tpu.memref_slice %arg8[%min3A_1186, %dma_start3A_1187] : memref<40x64xi32, #tpu.memory_space<vmem>> -> memref<1x64xi32, #tpu.memory_space<vmem>>
      %dma_start3A_1189 = tpu.memref_squeeze %dma_start3A_1188 : memref<1x64xi32, #tpu.memory_space<vmem>> -> memref<64xi32, #tpu.memory_space<vmem>>
      %dma_start3A_1190 = arith.constant 0 : i32
      %dma_start3A_1191 = arith.constant 0 : i32
      %dma_start3A_1192 = tpu.memref_slice %arg2[%dma_start3A_1190, %dma_start3A_1191] : memref<10000x128xf32, #tpu.memory_space<hbm>> -> memref<10000x128xf32, #tpu.memory_space<hbm>>
      tpu.enqueue_indirect_dma source(%dma_start3A_1192 : memref<10000x128xf32, #tpu.memory_space<hbm>>) target(%arg12 : memref<64x128xf32, #tpu.memory_space<vmem>>) offsets(%dma_start3A_1189 : memref<64xi32, #tpu.memory_space<vmem>>) semaphore(%arg20 : memref<!tpu.dma_semaphore, #tpu.memory_space<semaphore_mem>>)
      %dma_wait3A_1193 = arith.constant 0 : i32
      %dma_wait3A_1194 = arith.constant 0 : i32
      %dma_wait3A_1195 = tpu.memref_slice %arg8[%dma_wait3A_1193, %dma_wait3A_1194] : memref<40x64xi32, #tpu.memory_space<vmem>> -> memref<1x64xi32, #tpu.memory_space<vmem>>
      %dma_wait3A_1196 = tpu.memref_squeeze %dma_wait3A_1195 : memref<1x64xi32, #tpu.memory_space<vmem>> -> memref<64xi32, #tpu.memory_space<vmem>>
      %dma_wait3A_1197 = arith.constant 0 : i32
      %dma_wait3A_1198 = arith.constant 0 : i32
      %dma_wait3A_1199 = tpu.memref_slice %arg2[%dma_wait3A_1197, %dma_wait3A_1198] : memref<10000x128xf32, #tpu.memory_space<hbm>> -> memref<10000x128xf32, #tpu.memory_space<hbm>>
      tpu.wait_indirect_dma semaphore(%arg18 : memref<!tpu.dma_semaphore, #tpu.memory_space<semaphore_mem>>) src(%dma_wait3A_1199 : memref<10000x128xf32, #tpu.memory_space<hbm>>) dst(%arg10 : memref<64x128xf32, #tpu.memory_space<vmem>>)
      %dma_start3A_1200 = arith.constant 0 : i32
      %dma_start3A_1201 = tpu.memref_slice %arg9[%add3A_1169, %dma_start3A_1200] : memref<40x64xi32, #tpu.memory_space<vmem>> -> memref<1x64xi32, #tpu.memory_space<vmem>>
      %dma_start3A_1202 = tpu.memref_squeeze %dma_start3A_1201 : memref<1x64xi32, #tpu.memory_space<vmem>> -> memref<64xi32, #tpu.memory_space<vmem>>
      %dma_start3A_1203 = arith.constant 0 : i32
      %dma_start3A_1204 = arith.constant 0 : i32
      %dma_start3A_1205 = tpu.memref_slice %arg16[%dma_start3A_1203, %dma_start3A_1204] : memref<10240x128xf32, #tpu.memory_space<vmem_shared>> -> memref<10240x128xf32, #tpu.memory_space<vmem_shared>>
      tpu.enqueue_indirect_dma source(%arg10 : memref<64x128xf32, #tpu.memory_space<vmem>>) target(%dma_start3A_1205 : memref<10240x128xf32, #tpu.memory_space<vmem_shared>>) offsets(%dma_start3A_1202 : memref<64xi32, #tpu.memory_space<vmem>>) semaphore(%arg22 : memref<!tpu.dma_semaphore, #tpu.memory_space<semaphore_mem>>) {add = true}
      %dma_start3A_1206 = arith.constant 0 : i32
      %dma_start3A_1207 = tpu.memref_slice %arg9[%add3A_1169, %dma_start3A_1206] : memref<40x64xi32, #tpu.memory_space<vmem>> -> memref<1x64xi32, #tpu.memory_space<vmem>>
      %dma_start3A_1208 = tpu.memref_squeeze %dma_start3A_1207 : memref<1x64xi32, #tpu.memory_space<vmem>> -> memref<64xi32, #tpu.memory_space<vmem>>
      %dma_start3A_1209 = arith.constant 0 : i32
      %dma_start3A_1210 = tpu.memref_slice %arg17[%dma_start3A_1209] : memref<10240xf32, #tpu.memory_space<vmem_shared>> -> memref<10240xf32, #tpu.memory_space<vmem_shared>>
      tpu.enqueue_indirect_dma source(%arg14 : memref<64xf32, #tpu.memory_space<vmem>>) target(%dma_start3A_1210 : memref<10240xf32, #tpu.memory_space<vmem_shared>>) offsets(%dma_start3A_1208 : memref<64xi32, #tpu.memory_space<vmem>>) semaphore(%arg26 : memref<!tpu.dma_semaphore, #tpu.memory_space<semaphore_mem>>) {add = true}
      %mul3A_1211 = arith.constant 4 : i32
      %mul3A_1212 = arith.muli %scan3A_1165, %mul3A_1211 : i32
      %add3A_1213 = arith.constant 1 : i32
      %add3A_1214 = arith.addi %mul3A_1212, %add3A_1213 : i32
      %dma_wait3A_1215 = arith.constant 0 : i32
      %dma_wait3A_1216 = arith.constant 0 : i32
      %dma_wait3A_1217 = tpu.memref_slice %arg9[%dma_wait3A_1215, %dma_wait3A_1216] : memref<40x64xi32, #tpu.memory_space<vmem>> -> memref<1x64xi32, #tpu.memory_space<vmem>>
      %dma_wait3A_1218 = tpu.memref_squeeze %dma_wait3A_1217 : memref<1x64xi32, #tpu.memory_space<vmem>> -> memref<64xi32, #tpu.memory_space<vmem>>
      %dma_wait3A_1219 = arith.constant 0 : i32
      %dma_wait3A_1220 = arith.constant 0 : i32
      %dma_wait3A_1221 = tpu.memref_slice %arg16[%dma_wait3A_1219, %dma_wait3A_1220] : memref<10240x128xf32, #tpu.memory_space<vmem_shared>> -> memref<10240x128xf32, #tpu.memory_space<vmem_shared>>
      tpu.wait_indirect_dma semaphore(%arg25 : memref<!tpu.dma_semaphore, #tpu.memory_space<semaphore_mem>>) src(%arg13 : memref<64x128xf32, #tpu.memory_space<vmem>>) dst(%dma_wait3A_1221 : memref<10240x128xf32, #tpu.memory_space<vmem_shared>>)
      %dma_wait3A_1222 = arith.constant 0 : i32
      %dma_wait3A_1223 = arith.constant 0 : i32
      %dma_wait3A_1224 = tpu.memref_slice %arg9[%dma_wait3A_1222, %dma_wait3A_1223] : memref<40x64xi32, #tpu.memory_space<vmem>> -> memref<1x64xi32, #tpu.memory_space<vmem>>
      %dma_wait3A_1225 = tpu.memref_squeeze %dma_wait3A_1224 : memref<1x64xi32, #tpu.memory_space<vmem>> -> memref<64xi32, #tpu.memory_space<vmem>>
      %dma_wait3A_1226 = arith.constant 0 : i32
      %dma_wait3A_1227 = tpu.memref_slice %arg17[%dma_wait3A_1226] : memref<10240xf32, #tpu.memory_space<vmem_shared>> -> memref<10240xf32, #tpu.memory_space<vmem_shared>>
      tpu.wait_indirect_dma semaphore(%arg29 : memref<!tpu.dma_semaphore, #tpu.memory_space<semaphore_mem>>) src(%arg14 : memref<64xf32, #tpu.memory_space<vmem>>) dst(%dma_wait3A_1227 : memref<10240xf32, #tpu.memory_space<vmem_shared>>)
      %add3A_1228 = arith.constant 2 : i32
      %add3A_1229 = arith.addi %add3A_1214, %add3A_1228 : i32
      %min3A_1230 = arith.constant 39 : i32
      %min3A_1231 = arith.minsi %add3A_1229, %min3A_1230 : i32
      %dma_start3A_1232 = arith.constant 0 : i32
      %dma_start3A_1233 = tpu.memref_slice %arg8[%min3A_1231, %dma_start3A_1232] : memref<40x64xi32, #tpu.memory_space<vmem>> -> memref<1x64xi32, #tpu.memory_space<vmem>>
      %dma_start3A_1234 = tpu.memref_squeeze %dma_start3A_1233 : memref<1x64xi32, #tpu.memory_space<vmem>> -> memref<64xi32, #tpu.memory_space<vmem>>
      %dma_start3A_1235 = arith.constant 0 : i32
      %dma_start3A_1236 = arith.constant 0 : i32
      %dma_start3A_1237 = tpu.memref_slice %arg2[%dma_start3A_1235, %dma_start3A_1236] : memref<10000x128xf32, #tpu.memory_space<hbm>> -> memref<10000x128xf32, #tpu.memory_space<hbm>>
      tpu.enqueue_indirect_dma source(%dma_start3A_1237 : memref<10000x128xf32, #tpu.memory_space<hbm>>) target(%arg13 : memref<64x128xf32, #tpu.memory_space<vmem>>) offsets(%dma_start3A_1234 : memref<64xi32, #tpu.memory_space<vmem>>) semaphore(%arg21 : memref<!tpu.dma_semaphore, #tpu.memory_space<semaphore_mem>>)
      %dma_wait3A_1238 = arith.constant 0 : i32
      %dma_wait3A_1239 = arith.constant 0 : i32
      %dma_wait3A_1240 = tpu.memref_slice %arg8[%dma_wait3A_1238, %dma_wait3A_1239] : memref<40x64xi32, #tpu.memory_space<vmem>> -> memref<1x64xi32, #tpu.memory_space<vmem>>
      %dma_wait3A_1241 = tpu.memref_squeeze %dma_wait3A_1240 : memref<1x64xi32, #tpu.memory_space<vmem>> -> memref<64xi32, #tpu.memory_space<vmem>>
      %dma_wait3A_1242 = arith.constant 0 : i32
      %dma_wait3A_1243 = arith.constant 0 : i32
      %dma_wait3A_1244 = tpu.memref_slice %arg2[%dma_wait3A_1242, %dma_wait3A_1243] : memref<10000x128xf32, #tpu.memory_space<hbm>> -> memref<10000x128xf32, #tpu.memory_space<hbm>>
      tpu.wait_indirect_dma semaphore(%arg19 : memref<!tpu.dma_semaphore, #tpu.memory_space<semaphore_mem>>) src(%dma_wait3A_1244 : memref<10000x128xf32, #tpu.memory_space<hbm>>) dst(%arg11 : memref<64x128xf32, #tpu.memory_space<vmem>>)
      %dma_start3A_1245 = arith.constant 0 : i32
      %dma_start3A_1246 = tpu.memref_slice %arg9[%add3A_1214, %dma_start3A_1245] : memref<40x64xi32, #tpu.memory_space<vmem>> -> memref<1x64xi32, #tpu.memory_space<vmem>>
      %dma_start3A_1247 = tpu.memref_squeeze %dma_start3A_1246 : memref<1x64xi32, #tpu.memory_space<vmem>> -> memref<64xi32, #tpu.memory_space<vmem>>
      %dma_start3A_1248 = arith.constant 0 : i32
      %dma_start3A_1249 = arith.constant 0 : i32
      %dma_start3A_1250 = tpu.memref_slice %arg16[%dma_start3A_1248, %dma_start3A_1249] : memref<10240x128xf32, #tpu.memory_space<vmem_shared>> -> memref<10240x128xf32, #tpu.memory_space<vmem_shared>>
      tpu.enqueue_indirect_dma source(%arg11 : memref<64x128xf32, #tpu.memory_space<vmem>>) target(%dma_start3A_1250 : memref<10240x128xf32, #tpu.memory_space<vmem_shared>>) offsets(%dma_start3A_1247 : memref<64xi32, #tpu.memory_space<vmem>>) semaphore(%arg23 : memref<!tpu.dma_semaphore, #tpu.memory_space<semaphore_mem>>) {add = true}
      %dma_start3A_1251 = arith.constant 0 : i32
      %dma_start3A_1252 = tpu.memref_slice %arg9[%add3A_1214, %dma_start3A_1251] : memref<40x64xi32, #tpu.memory_space<vmem>> -> memref<1x64xi32, #tpu.memory_space<vmem>>
      %dma_start3A_1253 = tpu.memref_squeeze %dma_start3A_1252 : memref<1x64xi32, #tpu.memory_space<vmem>> -> memref<64xi32, #tpu.memory_space<vmem>>
      %dma_start3A_1254 = arith.constant 0 : i32
      %dma_start3A_1255 = tpu.memref_slice %arg17[%dma_start3A_1254] : memref<10240xf32, #tpu.memory_space<vmem_shared>> -> memref<10240xf32, #tpu.memory_space<vmem_shared>>
      tpu.enqueue_indirect_dma source(%arg14 : memref<64xf32, #tpu.memory_space<vmem>>) target(%dma_start3A_1255 : memref<10240xf32, #tpu.memory_space<vmem_shared>>) offsets(%dma_start3A_1253 : memref<64xi32, #tpu.memory_space<vmem>>) semaphore(%arg27 : memref<!tpu.dma_semaphore, #tpu.memory_space<semaphore_mem>>) {add = true}
      %mul3A_1256 = arith.constant 4 : i32
      %mul3A_1257 = arith.muli %scan3A_1165, %mul3A_1256 : i32
      %add3A_1258 = arith.constant 2 : i32
      %add3A_1259 = arith.addi %mul3A_1257, %add3A_1258 : i32
      %dma_wait3A_1260 = arith.constant 0 : i32
      %dma_wait3A_1261 = arith.constant 0 : i32
      %dma_wait3A_1262 = tpu.memref_slice %arg9[%dma_wait3A_1260, %dma_wait3A_1261] : memref<40x64xi32, #tpu.memory_space<vmem>> -> memref<1x64xi32, #tpu.memory_space<vmem>>
      %dma_wait3A_1263 = tpu.memref_squeeze %dma_wait3A_1262 : memref<1x64xi32, #tpu.memory_space<vmem>> -> memref<64xi32, #tpu.memory_space<vmem>>
      %dma_wait3A_1264 = arith.constant 0 : i32
      %dma_wait3A_1265 = arith.constant 0 : i32
      %dma_wait3A_1266 = tpu.memref_slice %arg16[%dma_wait3A_1264, %dma_wait3A_1265] : memref<10240x128xf32, #tpu.memory_space<vmem_shared>> -> memref<10240x128xf32, #tpu.memory_space<vmem_shared>>
      tpu.wait_indirect_dma semaphore(%arg22 : memref<!tpu.dma_semaphore, #tpu.memory_space<semaphore_mem>>) src(%arg10 : memref<64x128xf32, #tpu.memory_space<vmem>>) dst(%dma_wait3A_1266 : memref<10240x128xf32, #tpu.memory_space<vmem_shared>>)
      %dma_wait3A_1267 = arith.constant 0 : i32
      %dma_wait3A_1268 = arith.constant 0 : i32
      %dma_wait3A_1269 = tpu.memref_slice %arg9[%dma_wait3A_1267, %dma_wait3A_1268] : memref<40x64xi32, #tpu.memory_space<vmem>> -> memref<1x64xi32, #tpu.memory_space<vmem>>
      %dma_wait3A_1270 = tpu.memref_squeeze %dma_wait3A_1269 : memref<1x64xi32, #tpu.memory_space<vmem>> -> memref<64xi32, #tpu.memory_space<vmem>>
      %dma_wait3A_1271 = arith.constant 0 : i32
      %dma_wait3A_1272 = tpu.memref_slice %arg17[%dma_wait3A_1271] : memref<10240xf32, #tpu.memory_space<vmem_shared>> -> memref<10240xf32, #tpu.memory_space<vmem_shared>>
      tpu.wait_indirect_dma semaphore(%arg26 : memref<!tpu.dma_semaphore, #tpu.memory_space<semaphore_mem>>) src(%arg14 : memref<64xf32, #tpu.memory_space<vmem>>) dst(%dma_wait3A_1272 : memref<10240xf32, #tpu.memory_space<vmem_shared>>)
      %add3A_1273 = arith.constant 2 : i32
      %add3A_1274 = arith.addi %add3A_1259, %add3A_1273 : i32
      %min3A_1275 = arith.constant 39 : i32
      %min3A_1276 = arith.minsi %add3A_1274, %min3A_1275 : i32
      %dma_start3A_1277 = arith.constant 0 : i32
      %dma_start3A_1278 = tpu.memref_slice %arg8[%min3A_1276, %dma_start3A_1277] : memref<40x64xi32, #tpu.memory_space<vmem>> -> memref<1x64xi32, #tpu.memory_space<vmem>>
      %dma_start3A_1279 = tpu.memref_squeeze %dma_start3A_1278 : memref<1x64xi32, #tpu.memory_space<vmem>> -> memref<64xi32, #tpu.memory_space<vmem>>
      %dma_start3A_1280 = arith.constant 0 : i32
      %dma_start3A_1281 = arith.constant 0 : i32
      %dma_start3A_1282 = tpu.memref_slice %arg2[%dma_start3A_1280, %dma_start3A_1281] : memref<10000x128xf32, #tpu.memory_space<hbm>> -> memref<10000x128xf32, #tpu.memory_space<hbm>>
      tpu.enqueue_indirect_dma source(%dma_start3A_1282 : memref<10000x128xf32, #tpu.memory_space<hbm>>) target(%arg10 : memref<64x128xf32, #tpu.memory_space<vmem>>) offsets(%dma_start3A_1279 : memref<64xi32, #tpu.memory_space<vmem>>) semaphore(%arg18 : memref<!tpu.dma_semaphore, #tpu.memory_space<semaphore_mem>>)
      %dma_wait3A_1283 = arith.constant 0 : i32
      %dma_wait3A_1284 = arith.constant 0 : i32
      %dma_wait3A_1285 = tpu.memref_slice %arg8[%dma_wait3A_1283, %dma_wait3A_1284] : memref<40x64xi32, #tpu.memory_space<vmem>> -> memref<1x64xi32, #tpu.memory_space<vmem>>
      %dma_wait3A_1286 = tpu.memref_squeeze %dma_wait3A_1285 : memref<1x64xi32, #tpu.memory_space<vmem>> -> memref<64xi32, #tpu.memory_space<vmem>>
      %dma_wait3A_1287 = arith.constant 0 : i32
      %dma_wait3A_1288 = arith.constant 0 : i32
      %dma_wait3A_1289 = tpu.memref_slice %arg2[%dma_wait3A_1287, %dma_wait3A_1288] : memref<10000x128xf32, #tpu.memory_space<hbm>> -> memref<10000x128xf32, #tpu.memory_space<hbm>>
      tpu.wait_indirect_dma semaphore(%arg20 : memref<!tpu.dma_semaphore, #tpu.memory_space<semaphore_mem>>) src(%dma_wait3A_1289 : memref<10000x128xf32, #tpu.memory_space<hbm>>) dst(%arg12 : memref<64x128xf32, #tpu.memory_space<vmem>>)
      %dma_start3A_1290 = arith.constant 0 : i32
      %dma_start3A_1291 = tpu.memref_slice %arg9[%add3A_1259, %dma_start3A_1290] : memref<40x64xi32, #tpu.memory_space<vmem>> -> memref<1x64xi32, #tpu.memory_space<vmem>>
      %dma_start3A_1292 = tpu.memref_squeeze %dma_start3A_1291 : memref<1x64xi32, #tpu.memory_space<vmem>> -> memref<64xi32, #tpu.memory_space<vmem>>
      %dma_start3A_1293 = arith.constant 0 : i32
      %dma_start3A_1294 = arith.constant 0 : i32
      %dma_start3A_1295 = tpu.memref_slice %arg16[%dma_start3A_1293, %dma_start3A_1294] : memref<10240x128xf32, #tpu.memory_space<vmem_shared>> -> memref<10240x128xf32, #tpu.memory_space<vmem_shared>>
      tpu.enqueue_indirect_dma source(%arg12 : memref<64x128xf32, #tpu.memory_space<vmem>>) target(%dma_start3A_1295 : memref<10240x128xf32, #tpu.memory_space<vmem_shared>>) offsets(%dma_start3A_1292 : memref<64xi32, #tpu.memory_space<vmem>>) semaphore(%arg24 : memref<!tpu.dma_semaphore, #tpu.memory_space<semaphore_mem>>) {add = true}
      %dma_start3A_1296 = arith.constant 0 : i32
      %dma_start3A_1297 = tpu.memref_slice %arg9[%add3A_1259, %dma_start3A_1296] : memref<40x64xi32, #tpu.memory_space<vmem>> -> memref<1x64xi32, #tpu.memory_space<vmem>>
      %dma_start3A_1298 = tpu.memref_squeeze %dma_start3A_1297 : memref<1x64xi32, #tpu.memory_space<vmem>> -> memref<64xi32, #tpu.memory_space<vmem>>
      %dma_start3A_1299 = arith.constant 0 : i32
      %dma_start3A_1300 = tpu.memref_slice %arg17[%dma_start3A_1299] : memref<10240xf32, #tpu.memory_space<vmem_shared>> -> memref<10240xf32, #tpu.memory_space<vmem_shared>>
      tpu.enqueue_indirect_dma source(%arg14 : memref<64xf32, #tpu.memory_space<vmem>>) target(%dma_start3A_1300 : memref<10240xf32, #tpu.memory_space<vmem_shared>>) offsets(%dma_start3A_1298 : memref<64xi32, #tpu.memory_space<vmem>>) semaphore(%arg28 : memref<!tpu.dma_semaphore, #tpu.memory_space<semaphore_mem>>) {add = true}
      %mul3A_1301 = arith.constant 4 : i32
      %mul3A_1302 = arith.muli %scan3A_1165, %mul3A_1301 : i32
      %add3A_1303 = arith.constant 3 : i32
      %add3A_1304 = arith.addi %mul3A_1302, %add3A_1303 : i32
      %dma_wait3A_1305 = arith.constant 0 : i32
      %dma_wait3A_1306 = arith.constant 0 : i32
      %dma_wait3A_1307 = tpu.memref_slice %arg9[%dma_wait3A_1305, %dma_wait3A_1306] : memref<40x64xi32, #tpu.memory_space<vmem>> -> memref<1x64xi32, #tpu.memory_space<vmem>>
      %dma_wait3A_1308 = tpu.memref_squeeze %dma_wait3A_1307 : memref<1x64xi32, #tpu.memory_space<vmem>> -> memref<64xi32, #tpu.memory_space<vmem>>
      %dma_wait3A_1309 = arith.constant 0 : i32
      %dma_wait3A_1310 = arith.constant 0 : i32
      %dma_wait3A_1311 = tpu.memref_slice %arg16[%dma_wait3A_1309, %dma_wait3A_1310] : memref<10240x128xf32, #tpu.memory_space<vmem_shared>> -> memref<10240x128xf32, #tpu.memory_space<vmem_shared>>
      tpu.wait_indirect_dma semaphore(%arg23 : memref<!tpu.dma_semaphore, #tpu.memory_space<semaphore_mem>>) src(%arg11 : memref<64x128xf32, #tpu.memory_space<vmem>>) dst(%dma_wait3A_1311 : memref<10240x128xf32, #tpu.memory_space<vmem_shared>>)
      %dma_wait3A_1312 = arith.constant 0 : i32
      %dma_wait3A_1313 = arith.constant 0 : i32
      %dma_wait3A_1314 = tpu.memref_slice %arg9[%dma_wait3A_1312, %dma_wait3A_1313] : memref<40x64xi32, #tpu.memory_space<vmem>> -> memref<1x64xi32, #tpu.memory_space<vmem>>
      %dma_wait3A_1315 = tpu.memref_squeeze %dma_wait3A_1314 : memref<1x64xi32, #tpu.memory_space<vmem>> -> memref<64xi32, #tpu.memory_space<vmem>>
      %dma_wait3A_1316 = arith.constant 0 : i32
      %dma_wait3A_1317 = tpu.memref_slice %arg17[%dma_wait3A_1316] : memref<10240xf32, #tpu.memory_space<vmem_shared>> -> memref<10240xf32, #tpu.memory_space<vmem_shared>>
      tpu.wait_indirect_dma semaphore(%arg27 : memref<!tpu.dma_semaphore, #tpu.memory_space<semaphore_mem>>) src(%arg14 : memref<64xf32, #tpu.memory_space<vmem>>) dst(%dma_wait3A_1317 : memref<10240xf32, #tpu.memory_space<vmem_shared>>)
      %add3A_1318 = arith.constant 2 : i32
      %add3A_1319 = arith.addi %add3A_1304, %add3A_1318 : i32
      %min3A_1320 = arith.constant 39 : i32
      %min3A_1321 = arith.minsi %add3A_1319, %min3A_1320 : i32
      %dma_start3A_1322 = arith.constant 0 : i32
      %dma_start3A_1323 = tpu.memref_slice %arg8[%min3A_1321, %dma_start3A_1322] : memref<40x64xi32, #tpu.memory_space<vmem>> -> memref<1x64xi32, #tpu.memory_space<vmem>>
      %dma_start3A_1324 = tpu.memref_squeeze %dma_start3A_1323 : memref<1x64xi32, #tpu.memory_space<vmem>> -> memref<64xi32, #tpu.memory_space<vmem>>
      %dma_start3A_1325 = arith.constant 0 : i32
      %dma_start3A_1326 = arith.constant 0 : i32
      %dma_start3A_1327 = tpu.memref_slice %arg2[%dma_start3A_1325, %dma_start3A_1326] : memref<10000x128xf32, #tpu.memory_space<hbm>> -> memref<10000x128xf32, #tpu.memory_space<hbm>>
      tpu.enqueue_indirect_dma source(%dma_start3A_1327 : memref<10000x128xf32, #tpu.memory_space<hbm>>) target(%arg11 : memref<64x128xf32, #tpu.memory_space<vmem>>) offsets(%dma_start3A_1324 : memref<64xi32, #tpu.memory_space<vmem>>) semaphore(%arg19 : memref<!tpu.dma_semaphore, #tpu.memory_space<semaphore_mem>>)
      %dma_wait3A_1328 = arith.constant 0 : i32
      %dma_wait3A_1329 = arith.constant 0 : i32
      %dma_wait3A_1330 = tpu.memref_slice %arg8[%dma_wait3A_1328, %dma_wait3A_1329] : memref<40x64xi32, #tpu.memory_space<vmem>> -> memref<1x64xi32, #tpu.memory_space<vmem>>
      %dma_wait3A_1331 = tpu.memref_squeeze %dma_wait3A_1330 : memref<1x64xi32, #tpu.memory_space<vmem>> -> memref<64xi32, #tpu.memory_space<vmem>>
      %dma_wait3A_1332 = arith.constant 0 : i32
      %dma_wait3A_1333 = arith.constant 0 : i32
      %dma_wait3A_1334 = tpu.memref_slice %arg2[%dma_wait3A_1332, %dma_wait3A_1333] : memref<10000x128xf32, #tpu.memory_space<hbm>> -> memref<10000x128xf32, #tpu.memory_space<hbm>>
      tpu.wait_indirect_dma semaphore(%arg21 : memref<!tpu.dma_semaphore, #tpu.memory_space<semaphore_mem>>) src(%dma_wait3A_1334 : memref<10000x128xf32, #tpu.memory_space<hbm>>) dst(%arg13 : memref<64x128xf32, #tpu.memory_space<vmem>>)
      %dma_start3A_1335 = arith.constant 0 : i32
      %dma_start3A_1336 = tpu.memref_slice %arg9[%add3A_1304, %dma_start3A_1335] : memref<40x64xi32, #tpu.memory_space<vmem>> -> memref<1x64xi32, #tpu.memory_space<vmem>>
      %dma_start3A_1337 = tpu.memref_squeeze %dma_start3A_1336 : memref<1x64xi32, #tpu.memory_space<vmem>> -> memref<64xi32, #tpu.memory_space<vmem>>
      %dma_start3A_1338 = arith.constant 0 : i32
      %dma_start3A_1339 = arith.constant 0 : i32
      %dma_start3A_1340 = tpu.memref_slice %arg16[%dma_start3A_1338, %dma_start3A_1339] : memref<10240x128xf32, #tpu.memory_space<vmem_shared>> -> memref<10240x128xf32, #tpu.memory_space<vmem_shared>>
      tpu.enqueue_indirect_dma source(%arg13 : memref<64x128xf32, #tpu.memory_space<vmem>>) target(%dma_start3A_1340 : memref<10240x128xf32, #tpu.memory_space<vmem_shared>>) offsets(%dma_start3A_1337 : memref<64xi32, #tpu.memory_space<vmem>>) semaphore(%arg25 : memref<!tpu.dma_semaphore, #tpu.memory_space<semaphore_mem>>) {add = true}
      %dma_start3A_1341 = arith.constant 0 : i32
      %dma_start3A_1342 = tpu.memref_slice %arg9[%add3A_1304, %dma_start3A_1341] : memref<40x64xi32, #tpu.memory_space<vmem>> -> memref<1x64xi32, #tpu.memory_space<vmem>>
      %dma_start3A_1343 = tpu.memref_squeeze %dma_start3A_1342 : memref<1x64xi32, #tpu.memory_space<vmem>> -> memref<64xi32, #tpu.memory_space<vmem>>
      %dma_start3A_1344 = arith.constant 0 : i32
      %dma_start3A_1345 = tpu.memref_slice %arg17[%dma_start3A_1344] : memref<10240xf32, #tpu.memory_space<vmem_shared>> -> memref<10240xf32, #tpu.memory_space<vmem_shared>>
      tpu.enqueue_indirect_dma source(%arg14 : memref<64xf32, #tpu.memory_space<vmem>>) target(%dma_start3A_1345 : memref<10240xf32, #tpu.memory_space<vmem_shared>>) offsets(%dma_start3A_1343 : memref<64xi32, #tpu.memory_space<vmem>>) semaphore(%arg29 : memref<!tpu.dma_semaphore, #tpu.memory_space<semaphore_mem>>) {add = true}
    }
    %scan3A_660 = arith.constant 9 : i32
    %dma_wait3A_661 = arith.constant 0 : i32
    %dma_wait3A_662 = arith.constant 0 : i32
    %dma_wait3A_663 = tpu.memref_slice %arg9[%dma_wait3A_661, %dma_wait3A_662] : memref<40x64xi32, #tpu.memory_space<vmem>> -> memref<1x64xi32, #tpu.memory_space<vmem>>
    %dma_wait3A_664 = tpu.memref_squeeze %dma_wait3A_663 : memref<1x64xi32, #tpu.memory_space<vmem>> -> memref<64xi32, #tpu.memory_space<vmem>>
    %dma_wait3A_665 = arith.constant 0 : i32
    %dma_wait3A_666 = arith.constant 0 : i32
    %dma_wait3A_667 = tpu.memref_slice %arg16[%dma_wait3A_665, %dma_wait3A_666] : memref<10240x128xf32, #tpu.memory_space<vmem_shared>> -> memref<10240x128xf32, #tpu.memory_space<vmem_shared>>
    tpu.wait_indirect_dma semaphore(%arg24 : memref<!tpu.dma_semaphore, #tpu.memory_space<semaphore_mem>>) src(%arg12 : memref<64x128xf32, #tpu.memory_space<vmem>>) dst(%dma_wait3A_667 : memref<10240x128xf32, #tpu.memory_space<vmem_shared>>)
    %dma_wait3A_668 = arith.constant 0 : i32
    %dma_wait3A_669 = arith.constant 0 : i32
    %dma_wait3A_670 = tpu.memref_slice %arg9[%dma_wait3A_668, %dma_wait3A_669] : memref<40x64xi32, #tpu.memory_space<vmem>> -> memref<1x64xi32, #tpu.memory_space<vmem>>
    %dma_wait3A_671 = tpu.memref_squeeze %dma_wait3A_670 : memref<1x64xi32, #tpu.memory_space<vmem>> -> memref<64xi32, #tpu.memory_space<vmem>>
    %dma_wait3A_672 = arith.constant 0 : i32
    %dma_wait3A_673 = tpu.memref_slice %arg17[%dma_wait3A_672] : memref<10240xf32, #tpu.memory_space<vmem_shared>> -> memref<10240xf32, #tpu.memory_space<vmem_shared>>
    tpu.wait_indirect_dma semaphore(%arg28 : memref<!tpu.dma_semaphore, #tpu.memory_space<semaphore_mem>>) src(%arg14 : memref<64xf32, #tpu.memory_space<vmem>>) dst(%dma_wait3A_673 : memref<10240xf32, #tpu.memory_space<vmem_shared>>)
    %dma_wait3A_674 = arith.constant 0 : i32
    %dma_wait3A_675 = arith.constant 0 : i32
    %dma_wait3A_676 = tpu.memref_slice %arg9[%dma_wait3A_674, %dma_wait3A_675] : memref<40x64xi32, #tpu.memory_space<vmem>> -> memref<1x64xi32, #tpu.memory_space<vmem>>
    %dma_wait3A_677 = tpu.memref_squeeze %dma_wait3A_676 : memref<1x64xi32, #tpu.memory_space<vmem>> -> memref<64xi32, #tpu.memory_space<vmem>>
    %dma_wait3A_678 = arith.constant 0 : i32
    %dma_wait3A_679 = arith.constant 0 : i32
    %dma_wait3A_680 = tpu.memref_slice %arg16[%dma_wait3A_678, %dma_wait3A_679] : memref<10240x128xf32, #tpu.memory_space<vmem_shared>> -> memref<10240x128xf32, #tpu.memory_space<vmem_shared>>
    tpu.wait_indirect_dma semaphore(%arg25 : memref<!tpu.dma_semaphore, #tpu.memory_space<semaphore_mem>>) src(%arg13 : memref<64x128xf32, #tpu.memory_space<vmem>>) dst(%dma_wait3A_680 : memref<10240x128xf32, #tpu.memory_space<vmem_shared>>)
    %dma_wait3A_681 = arith.constant 0 : i32
    %dma_wait3A_682 = arith.constant 0 : i32
    %dma_wait3A_683 = tpu.memref_slice %arg9[%dma_wait3A_681, %dma_wait3A_682] : memref<40x64xi32, #tpu.memory_space<vmem>> -> memref<1x64xi32, #tpu.memory_space<vmem>>
    %dma_wait3A_684 = tpu.memref_squeeze %dma_wait3A_683 : memref<1x64xi32, #tpu.memory_space<vmem>> -> memref<64xi32, #tpu.memory_space<vmem>>
    %dma_wait3A_685 = arith.constant 0 : i32
    %dma_wait3A_686 = tpu.memref_slice %arg17[%dma_wait3A_685] : memref<10240xf32, #tpu.memory_space<vmem_shared>> -> memref<10240xf32, #tpu.memory_space<vmem_shared>>
    tpu.wait_indirect_dma semaphore(%arg29 : memref<!tpu.dma_semaphore, #tpu.memory_space<semaphore_mem>>) src(%arg14 : memref<64xf32, #tpu.memory_space<vmem>>) dst(%dma_wait3A_686 : memref<10240xf32, #tpu.memory_space<vmem_shared>>)
    %dma_wait3A_687 = arith.constant 0 : i32
    %dma_wait3A_688 = arith.constant 0 : i32
    %dma_wait3A_689 = tpu.memref_slice %arg8[%dma_wait3A_687, %dma_wait3A_688] : memref<40x64xi32, #tpu.memory_space<vmem>> -> memref<1x64xi32, #tpu.memory_space<vmem>>
    %dma_wait3A_690 = tpu.memref_squeeze %dma_wait3A_689 : memref<1x64xi32, #tpu.memory_space<vmem>> -> memref<64xi32, #tpu.memory_space<vmem>>
    %dma_wait3A_691 = arith.constant 0 : i32
    %dma_wait3A_692 = arith.constant 0 : i32
    %dma_wait3A_693 = tpu.memref_slice %arg2[%dma_wait3A_691, %dma_wait3A_692] : memref<10000x128xf32, #tpu.memory_space<hbm>> -> memref<10000x128xf32, #tpu.memory_space<hbm>>
    tpu.wait_indirect_dma semaphore(%arg18 : memref<!tpu.dma_semaphore, #tpu.memory_space<semaphore_mem>>) src(%dma_wait3A_693 : memref<10000x128xf32, #tpu.memory_space<hbm>>) dst(%arg10 : memref<64x128xf32, #tpu.memory_space<vmem>>)
    %dma_wait3A_694 = arith.constant 0 : i32
    %dma_wait3A_695 = arith.constant 0 : i32
    %dma_wait3A_696 = tpu.memref_slice %arg8[%dma_wait3A_694, %dma_wait3A_695] : memref<40x64xi32, #tpu.memory_space<vmem>> -> memref<1x64xi32, #tpu.memory_space<vmem>>
    %dma_wait3A_697 = tpu.memref_squeeze %dma_wait3A_696 : memref<1x64xi32, #tpu.memory_space<vmem>> -> memref<64xi32, #tpu.memory_space<vmem>>
    %dma_wait3A_698 = arith.constant 0 : i32
    %dma_wait3A_699 = arith.constant 0 : i32
    %dma_wait3A_700 = tpu.memref_slice %arg2[%dma_wait3A_698, %dma_wait3A_699] : memref<10000x128xf32, #tpu.memory_space<hbm>> -> memref<10000x128xf32, #tpu.memory_space<hbm>>
    tpu.wait_indirect_dma semaphore(%arg19 : memref<!tpu.dma_semaphore, #tpu.memory_space<semaphore_mem>>) src(%dma_wait3A_700 : memref<10000x128xf32, #tpu.memory_space<hbm>>) dst(%arg11 : memref<64x128xf32, #tpu.memory_space<vmem>>)
    %mul3A_701 = arith.constant 160 : i32
    %mul3A_702 = arith.muli %add3A, %mul3A_701 : i32
    %add3A_703 = arith.constant 80 : i32
    %add3A_704 = arith.addi %mul3A_702, %add3A_703 : i32
    "tpu.region"() ({
      %run_scoped3A = tpu.sem_alloc : memref<!tpu.dma_semaphore, #tpu.memory_space<semaphore_mem>>
      %dma_start3A_1165 = arith.constant 0 : i32
      %dma_start3A_1166 = tpu.memref_slice %arg3[%add3A_704, %dma_start3A_1165] : memref<5120x64xi32, #tpu.memory_space<hbm>> -> memref<40x64xi32, #tpu.memory_space<hbm>>
      %dma_start3A_1167 = arith.constant 0 : i32
      %dma_start3A_1168 = tpu.memref_slice %arg3[%add3A_704, %dma_start3A_1167] : memref<5120x64xi32, #tpu.memory_space<hbm>> -> memref<40x64xi32, #tpu.memory_space<hbm>>
      tpu.enqueue_dma source(%dma_start3A_1168 : memref<40x64xi32, #tpu.memory_space<hbm>>) target(%arg8 : memref<40x64xi32, #tpu.memory_space<vmem>>) target_semaphore(%run_scoped3A : memref<!tpu.dma_semaphore, #tpu.memory_space<semaphore_mem>>)
      %dma_wait3A_1169 = arith.constant 0 : i32
      %dma_wait3A_1170 = tpu.memref_slice %arg3[%add3A_704, %dma_wait3A_1169] : memref<5120x64xi32, #tpu.memory_space<hbm>> -> memref<40x64xi32, #tpu.memory_space<hbm>>
      %dma_wait3A_1171 = arith.constant 0 : i32
      %dma_wait3A_1172 = tpu.memref_slice %arg3[%add3A_704, %dma_wait3A_1171] : memref<5120x64xi32, #tpu.memory_space<hbm>> -> memref<40x64xi32, #tpu.memory_space<hbm>>
      tpu.wait_dma2 semaphore(%run_scoped3A : memref<!tpu.dma_semaphore, #tpu.memory_space<semaphore_mem>>) src(%dma_wait3A_1172 : memref<40x64xi32, #tpu.memory_space<hbm>>) dst(%arg8 : memref<40x64xi32, #tpu.memory_space<vmem>>)
      tpu.yield
    }) : () -> ()
    "tpu.region"() ({
      %run_scoped3A = tpu.sem_alloc : memref<!tpu.dma_semaphore, #tpu.memory_space<semaphore_mem>>
      %dma_start3A_1165 = arith.constant 0 : i32
      %dma_start3A_1166 = tpu.memref_slice %arg4[%add3A_704, %dma_start3A_1165] : memref<5120x64xi32, #tpu.memory_space<hbm>> -> memref<40x64xi32, #tpu.memory_space<hbm>>
      %dma_start3A_1167 = arith.constant 0 : i32
      %dma_start3A_1168 = tpu.memref_slice %arg4[%add3A_704, %dma_start3A_1167] : memref<5120x64xi32, #tpu.memory_space<hbm>> -> memref<40x64xi32, #tpu.memory_space<hbm>>
      tpu.enqueue_dma source(%dma_start3A_1168 : memref<40x64xi32, #tpu.memory_space<hbm>>) target(%arg9 : memref<40x64xi32, #tpu.memory_space<vmem>>) target_semaphore(%run_scoped3A : memref<!tpu.dma_semaphore, #tpu.memory_space<semaphore_mem>>)
      %dma_wait3A_1169 = arith.constant 0 : i32
      %dma_wait3A_1170 = tpu.memref_slice %arg4[%add3A_704, %dma_wait3A_1169] : memref<5120x64xi32, #tpu.memory_space<hbm>> -> memref<40x64xi32, #tpu.memory_space<hbm>>
      %dma_wait3A_1171 = arith.constant 0 : i32
      %dma_wait3A_1172 = tpu.memref_slice %arg4[%add3A_704, %dma_wait3A_1171] : memref<5120x64xi32, #tpu.memory_space<hbm>> -> memref<40x64xi32, #tpu.memory_space<hbm>>
      tpu.wait_dma2 semaphore(%run_scoped3A : memref<!tpu.dma_semaphore, #tpu.memory_space<semaphore_mem>>) src(%dma_wait3A_1172 : memref<40x64xi32, #tpu.memory_space<hbm>>) dst(%arg9 : memref<40x64xi32, #tpu.memory_space<vmem>>)
      tpu.yield
    }) : () -> ()
    %min3A_705 = arith.constant 0 : i32
    %min3A_706 = arith.constant 39 : i32
    %min3A_707 = arith.minsi %min3A_705, %min3A_706 : i32
    %dma_start3A_708 = arith.constant 0 : i32
    %dma_start3A_709 = tpu.memref_slice %arg8[%min3A_707, %dma_start3A_708] : memref<40x64xi32, #tpu.memory_space<vmem>> -> memref<1x64xi32, #tpu.memory_space<vmem>>
    %dma_start3A_710 = tpu.memref_squeeze %dma_start3A_709 : memref<1x64xi32, #tpu.memory_space<vmem>> -> memref<64xi32, #tpu.memory_space<vmem>>
    %dma_start3A_711 = arith.constant 0 : i32
    %dma_start3A_712 = arith.constant 0 : i32
    %dma_start3A_713 = tpu.memref_slice %arg2[%dma_start3A_711, %dma_start3A_712] : memref<10000x128xf32, #tpu.memory_space<hbm>> -> memref<10000x128xf32, #tpu.memory_space<hbm>>
    tpu.enqueue_indirect_dma source(%dma_start3A_713 : memref<10000x128xf32, #tpu.memory_space<hbm>>) target(%arg10 : memref<64x128xf32, #tpu.memory_space<vmem>>) offsets(%dma_start3A_710 : memref<64xi32, #tpu.memory_space<vmem>>) semaphore(%arg18 : memref<!tpu.dma_semaphore, #tpu.memory_space<semaphore_mem>>)
    %min3A_714 = arith.constant 1 : i32
    %min3A_715 = arith.constant 39 : i32
    %min3A_716 = arith.minsi %min3A_714, %min3A_715 : i32
    %dma_start3A_717 = arith.constant 0 : i32
    %dma_start3A_718 = tpu.memref_slice %arg8[%min3A_716, %dma_start3A_717] : memref<40x64xi32, #tpu.memory_space<vmem>> -> memref<1x64xi32, #tpu.memory_space<vmem>>
    %dma_start3A_719 = tpu.memref_squeeze %dma_start3A_718 : memref<1x64xi32, #tpu.memory_space<vmem>> -> memref<64xi32, #tpu.memory_space<vmem>>
    %dma_start3A_720 = arith.constant 0 : i32
    %dma_start3A_721 = arith.constant 0 : i32
    %dma_start3A_722 = tpu.memref_slice %arg2[%dma_start3A_720, %dma_start3A_721] : memref<10000x128xf32, #tpu.memory_space<hbm>> -> memref<10000x128xf32, #tpu.memory_space<hbm>>
    tpu.enqueue_indirect_dma source(%dma_start3A_722 : memref<10000x128xf32, #tpu.memory_space<hbm>>) target(%arg11 : memref<64x128xf32, #tpu.memory_space<vmem>>) offsets(%dma_start3A_719 : memref<64xi32, #tpu.memory_space<vmem>>) semaphore(%arg19 : memref<!tpu.dma_semaphore, #tpu.memory_space<semaphore_mem>>)
    %min3A_723 = arith.constant 2 : i32
    %min3A_724 = arith.constant 39 : i32
    %min3A_725 = arith.minsi %min3A_723, %min3A_724 : i32
    %dma_start3A_726 = arith.constant 0 : i32
    %dma_start3A_727 = tpu.memref_slice %arg8[%min3A_725, %dma_start3A_726] : memref<40x64xi32, #tpu.memory_space<vmem>> -> memref<1x64xi32, #tpu.memory_space<vmem>>
    %dma_start3A_728 = tpu.memref_squeeze %dma_start3A_727 : memref<1x64xi32, #tpu.memory_space<vmem>> -> memref<64xi32, #tpu.memory_space<vmem>>
    %dma_start3A_729 = arith.constant 0 : i32
    %dma_start3A_730 = arith.constant 0 : i32
    %dma_start3A_731 = tpu.memref_slice %arg2[%dma_start3A_729, %dma_start3A_730] : memref<10000x128xf32, #tpu.memory_space<hbm>> -> memref<10000x128xf32, #tpu.memory_space<hbm>>
    tpu.enqueue_indirect_dma source(%dma_start3A_731 : memref<10000x128xf32, #tpu.memory_space<hbm>>) target(%arg12 : memref<64x128xf32, #tpu.memory_space<vmem>>) offsets(%dma_start3A_728 : memref<64xi32, #tpu.memory_space<vmem>>) semaphore(%arg20 : memref<!tpu.dma_semaphore, #tpu.memory_space<semaphore_mem>>)
    %dma_wait3A_732 = arith.constant 0 : i32
    %dma_wait3A_733 = arith.constant 0 : i32
    %dma_wait3A_734 = tpu.memref_slice %arg8[%dma_wait3A_732, %dma_wait3A_733] : memref<40x64xi32, #tpu.memory_space<vmem>> -> memref<1x64xi32, #tpu.memory_space<vmem>>
    %dma_wait3A_735 = tpu.memref_squeeze %dma_wait3A_734 : memref<1x64xi32, #tpu.memory_space<vmem>> -> memref<64xi32, #tpu.memory_space<vmem>>
    %dma_wait3A_736 = arith.constant 0 : i32
    %dma_wait3A_737 = arith.constant 0 : i32
    %dma_wait3A_738 = tpu.memref_slice %arg2[%dma_wait3A_736, %dma_wait3A_737] : memref<10000x128xf32, #tpu.memory_space<hbm>> -> memref<10000x128xf32, #tpu.memory_space<hbm>>
    tpu.wait_indirect_dma semaphore(%arg18 : memref<!tpu.dma_semaphore, #tpu.memory_space<semaphore_mem>>) src(%dma_wait3A_738 : memref<10000x128xf32, #tpu.memory_space<hbm>>) dst(%arg10 : memref<64x128xf32, #tpu.memory_space<vmem>>)
    %dma_start3A_739 = arith.constant 0 : i32
    %dma_start3A_740 = arith.constant 0 : i32
    %dma_start3A_741 = tpu.memref_slice %arg9[%dma_start3A_739, %dma_start3A_740] : memref<40x64xi32, #tpu.memory_space<vmem>> -> memref<1x64xi32, #tpu.memory_space<vmem>>
    %dma_start3A_742 = tpu.memref_squeeze %dma_start3A_741 : memref<1x64xi32, #tpu.memory_space<vmem>> -> memref<64xi32, #tpu.memory_space<vmem>>
    %dma_start3A_743 = arith.constant 0 : i32
    %dma_start3A_744 = arith.constant 0 : i32
    %dma_start3A_745 = tpu.memref_slice %arg16[%dma_start3A_743, %dma_start3A_744] : memref<10240x128xf32, #tpu.memory_space<vmem_shared>> -> memref<10240x128xf32, #tpu.memory_space<vmem_shared>>
    tpu.enqueue_indirect_dma source(%arg10 : memref<64x128xf32, #tpu.memory_space<vmem>>) target(%dma_start3A_745 : memref<10240x128xf32, #tpu.memory_space<vmem_shared>>) offsets(%dma_start3A_742 : memref<64xi32, #tpu.memory_space<vmem>>) semaphore(%arg22 : memref<!tpu.dma_semaphore, #tpu.memory_space<semaphore_mem>>) {add = true}
    %dma_start3A_746 = arith.constant 0 : i32
    %dma_start3A_747 = arith.constant 0 : i32
    %dma_start3A_748 = tpu.memref_slice %arg9[%dma_start3A_746, %dma_start3A_747] : memref<40x64xi32, #tpu.memory_space<vmem>> -> memref<1x64xi32, #tpu.memory_space<vmem>>
    %dma_start3A_749 = tpu.memref_squeeze %dma_start3A_748 : memref<1x64xi32, #tpu.memory_space<vmem>> -> memref<64xi32, #tpu.memory_space<vmem>>
    %dma_start3A_750 = arith.constant 0 : i32
    %dma_start3A_751 = tpu.memref_slice %arg17[%dma_start3A_750] : memref<10240xf32, #tpu.memory_space<vmem_shared>> -> memref<10240xf32, #tpu.memory_space<vmem_shared>>
    tpu.enqueue_indirect_dma source(%arg14 : memref<64xf32, #tpu.memory_space<vmem>>) target(%dma_start3A_751 : memref<10240xf32, #tpu.memory_space<vmem_shared>>) offsets(%dma_start3A_749 : memref<64xi32, #tpu.memory_space<vmem>>) semaphore(%arg26 : memref<!tpu.dma_semaphore, #tpu.memory_space<semaphore_mem>>) {add = true}
    %min3A_752 = arith.constant 3 : i32
    %min3A_753 = arith.constant 39 : i32
    %min3A_754 = arith.minsi %min3A_752, %min3A_753 : i32
    %dma_start3A_755 = arith.constant 0 : i32
    %dma_start3A_756 = tpu.memref_slice %arg8[%min3A_754, %dma_start3A_755] : memref<40x64xi32, #tpu.memory_space<vmem>> -> memref<1x64xi32, #tpu.memory_space<vmem>>
    %dma_start3A_757 = tpu.memref_squeeze %dma_start3A_756 : memref<1x64xi32, #tpu.memory_space<vmem>> -> memref<64xi32, #tpu.memory_space<vmem>>
    %dma_start3A_758 = arith.constant 0 : i32
    %dma_start3A_759 = arith.constant 0 : i32
    %dma_start3A_760 = tpu.memref_slice %arg2[%dma_start3A_758, %dma_start3A_759] : memref<10000x128xf32, #tpu.memory_space<hbm>> -> memref<10000x128xf32, #tpu.memory_space<hbm>>
    tpu.enqueue_indirect_dma source(%dma_start3A_760 : memref<10000x128xf32, #tpu.memory_space<hbm>>) target(%arg13 : memref<64x128xf32, #tpu.memory_space<vmem>>) offsets(%dma_start3A_757 : memref<64xi32, #tpu.memory_space<vmem>>) semaphore(%arg21 : memref<!tpu.dma_semaphore, #tpu.memory_space<semaphore_mem>>)
    %dma_wait3A_761 = arith.constant 0 : i32
    %dma_wait3A_762 = arith.constant 0 : i32
    %dma_wait3A_763 = tpu.memref_slice %arg8[%dma_wait3A_761, %dma_wait3A_762] : memref<40x64xi32, #tpu.memory_space<vmem>> -> memref<1x64xi32, #tpu.memory_space<vmem>>
    %dma_wait3A_764 = tpu.memref_squeeze %dma_wait3A_763 : memref<1x64xi32, #tpu.memory_space<vmem>> -> memref<64xi32, #tpu.memory_space<vmem>>
    %dma_wait3A_765 = arith.constant 0 : i32
    %dma_wait3A_766 = arith.constant 0 : i32
    %dma_wait3A_767 = tpu.memref_slice %arg2[%dma_wait3A_765, %dma_wait3A_766] : memref<10000x128xf32, #tpu.memory_space<hbm>> -> memref<10000x128xf32, #tpu.memory_space<hbm>>
    tpu.wait_indirect_dma semaphore(%arg19 : memref<!tpu.dma_semaphore, #tpu.memory_space<semaphore_mem>>) src(%dma_wait3A_767 : memref<10000x128xf32, #tpu.memory_space<hbm>>) dst(%arg11 : memref<64x128xf32, #tpu.memory_space<vmem>>)
    %dma_start3A_768 = arith.constant 1 : i32
    %dma_start3A_769 = arith.constant 0 : i32
    %dma_start3A_770 = tpu.memref_slice %arg9[%dma_start3A_768, %dma_start3A_769] : memref<40x64xi32, #tpu.memory_space<vmem>> -> memref<1x64xi32, #tpu.memory_space<vmem>>
    %dma_start3A_771 = tpu.memref_squeeze %dma_start3A_770 : memref<1x64xi32, #tpu.memory_space<vmem>> -> memref<64xi32, #tpu.memory_space<vmem>>
    %dma_start3A_772 = arith.constant 0 : i32
    %dma_start3A_773 = arith.constant 0 : i32
    %dma_start3A_774 = tpu.memref_slice %arg16[%dma_start3A_772, %dma_start3A_773] : memref<10240x128xf32, #tpu.memory_space<vmem_shared>> -> memref<10240x128xf32, #tpu.memory_space<vmem_shared>>
    tpu.enqueue_indirect_dma source(%arg11 : memref<64x128xf32, #tpu.memory_space<vmem>>) target(%dma_start3A_774 : memref<10240x128xf32, #tpu.memory_space<vmem_shared>>) offsets(%dma_start3A_771 : memref<64xi32, #tpu.memory_space<vmem>>) semaphore(%arg23 : memref<!tpu.dma_semaphore, #tpu.memory_space<semaphore_mem>>) {add = true}
    %dma_start3A_775 = arith.constant 1 : i32
    %dma_start3A_776 = arith.constant 0 : i32
    %dma_start3A_777 = tpu.memref_slice %arg9[%dma_start3A_775, %dma_start3A_776] : memref<40x64xi32, #tpu.memory_space<vmem>> -> memref<1x64xi32, #tpu.memory_space<vmem>>
    %dma_start3A_778 = tpu.memref_squeeze %dma_start3A_777 : memref<1x64xi32, #tpu.memory_space<vmem>> -> memref<64xi32, #tpu.memory_space<vmem>>
    %dma_start3A_779 = arith.constant 0 : i32
    %dma_start3A_780 = tpu.memref_slice %arg17[%dma_start3A_779] : memref<10240xf32, #tpu.memory_space<vmem_shared>> -> memref<10240xf32, #tpu.memory_space<vmem_shared>>
    tpu.enqueue_indirect_dma source(%arg14 : memref<64xf32, #tpu.memory_space<vmem>>) target(%dma_start3A_780 : memref<10240xf32, #tpu.memory_space<vmem_shared>>) offsets(%dma_start3A_778 : memref<64xi32, #tpu.memory_space<vmem>>) semaphore(%arg27 : memref<!tpu.dma_semaphore, #tpu.memory_space<semaphore_mem>>) {add = true}
    %dma_wait3A_781 = arith.constant 0 : i32
    %dma_wait3A_782 = arith.constant 0 : i32
    %dma_wait3A_783 = tpu.memref_slice %arg9[%dma_wait3A_781, %dma_wait3A_782] : memref<40x64xi32, #tpu.memory_space<vmem>> -> memref<1x64xi32, #tpu.memory_space<vmem>>
    %dma_wait3A_784 = tpu.memref_squeeze %dma_wait3A_783 : memref<1x64xi32, #tpu.memory_space<vmem>> -> memref<64xi32, #tpu.memory_space<vmem>>
    %dma_wait3A_785 = arith.constant 0 : i32
    %dma_wait3A_786 = arith.constant 0 : i32
    %dma_wait3A_787 = tpu.memref_slice %arg16[%dma_wait3A_785, %dma_wait3A_786] : memref<10240x128xf32, #tpu.memory_space<vmem_shared>> -> memref<10240x128xf32, #tpu.memory_space<vmem_shared>>
    tpu.wait_indirect_dma semaphore(%arg22 : memref<!tpu.dma_semaphore, #tpu.memory_space<semaphore_mem>>) src(%arg10 : memref<64x128xf32, #tpu.memory_space<vmem>>) dst(%dma_wait3A_787 : memref<10240x128xf32, #tpu.memory_space<vmem_shared>>)
    %dma_wait3A_788 = arith.constant 0 : i32
    %dma_wait3A_789 = arith.constant 0 : i32
    %dma_wait3A_790 = tpu.memref_slice %arg9[%dma_wait3A_788, %dma_wait3A_789] : memref<40x64xi32, #tpu.memory_space<vmem>> -> memref<1x64xi32, #tpu.memory_space<vmem>>
    %dma_wait3A_791 = tpu.memref_squeeze %dma_wait3A_790 : memref<1x64xi32, #tpu.memory_space<vmem>> -> memref<64xi32, #tpu.memory_space<vmem>>
    %dma_wait3A_792 = arith.constant 0 : i32
    %dma_wait3A_793 = tpu.memref_slice %arg17[%dma_wait3A_792] : memref<10240xf32, #tpu.memory_space<vmem_shared>> -> memref<10240xf32, #tpu.memory_space<vmem_shared>>
    tpu.wait_indirect_dma semaphore(%arg26 : memref<!tpu.dma_semaphore, #tpu.memory_space<semaphore_mem>>) src(%arg14 : memref<64xf32, #tpu.memory_space<vmem>>) dst(%dma_wait3A_793 : memref<10240xf32, #tpu.memory_space<vmem_shared>>)
    %min3A_794 = arith.constant 4 : i32
    %min3A_795 = arith.constant 39 : i32
    %min3A_796 = arith.minsi %min3A_794, %min3A_795 : i32
    %dma_start3A_797 = arith.constant 0 : i32
    %dma_start3A_798 = tpu.memref_slice %arg8[%min3A_796, %dma_start3A_797] : memref<40x64xi32, #tpu.memory_space<vmem>> -> memref<1x64xi32, #tpu.memory_space<vmem>>
    %dma_start3A_799 = tpu.memref_squeeze %dma_start3A_798 : memref<1x64xi32, #tpu.memory_space<vmem>> -> memref<64xi32, #tpu.memory_space<vmem>>
    %dma_start3A_800 = arith.constant 0 : i32
    %dma_start3A_801 = arith.constant 0 : i32
    %dma_start3A_802 = tpu.memref_slice %arg2[%dma_start3A_800, %dma_start3A_801] : memref<10000x128xf32, #tpu.memory_space<hbm>> -> memref<10000x128xf32, #tpu.memory_space<hbm>>
    tpu.enqueue_indirect_dma source(%dma_start3A_802 : memref<10000x128xf32, #tpu.memory_space<hbm>>) target(%arg10 : memref<64x128xf32, #tpu.memory_space<vmem>>) offsets(%dma_start3A_799 : memref<64xi32, #tpu.memory_space<vmem>>) semaphore(%arg18 : memref<!tpu.dma_semaphore, #tpu.memory_space<semaphore_mem>>)
    %dma_wait3A_803 = arith.constant 0 : i32
    %dma_wait3A_804 = arith.constant 0 : i32
    %dma_wait3A_805 = tpu.memref_slice %arg8[%dma_wait3A_803, %dma_wait3A_804] : memref<40x64xi32, #tpu.memory_space<vmem>> -> memref<1x64xi32, #tpu.memory_space<vmem>>
    %dma_wait3A_806 = tpu.memref_squeeze %dma_wait3A_805 : memref<1x64xi32, #tpu.memory_space<vmem>> -> memref<64xi32, #tpu.memory_space<vmem>>
    %dma_wait3A_807 = arith.constant 0 : i32
    %dma_wait3A_808 = arith.constant 0 : i32
    %dma_wait3A_809 = tpu.memref_slice %arg2[%dma_wait3A_807, %dma_wait3A_808] : memref<10000x128xf32, #tpu.memory_space<hbm>> -> memref<10000x128xf32, #tpu.memory_space<hbm>>
    tpu.wait_indirect_dma semaphore(%arg20 : memref<!tpu.dma_semaphore, #tpu.memory_space<semaphore_mem>>) src(%dma_wait3A_809 : memref<10000x128xf32, #tpu.memory_space<hbm>>) dst(%arg12 : memref<64x128xf32, #tpu.memory_space<vmem>>)
    %dma_start3A_810 = arith.constant 2 : i32
    %dma_start3A_811 = arith.constant 0 : i32
    %dma_start3A_812 = tpu.memref_slice %arg9[%dma_start3A_810, %dma_start3A_811] : memref<40x64xi32, #tpu.memory_space<vmem>> -> memref<1x64xi32, #tpu.memory_space<vmem>>
    %dma_start3A_813 = tpu.memref_squeeze %dma_start3A_812 : memref<1x64xi32, #tpu.memory_space<vmem>> -> memref<64xi32, #tpu.memory_space<vmem>>
    %dma_start3A_814 = arith.constant 0 : i32
    %dma_start3A_815 = arith.constant 0 : i32
    %dma_start3A_816 = tpu.memref_slice %arg16[%dma_start3A_814, %dma_start3A_815] : memref<10240x128xf32, #tpu.memory_space<vmem_shared>> -> memref<10240x128xf32, #tpu.memory_space<vmem_shared>>
    tpu.enqueue_indirect_dma source(%arg12 : memref<64x128xf32, #tpu.memory_space<vmem>>) target(%dma_start3A_816 : memref<10240x128xf32, #tpu.memory_space<vmem_shared>>) offsets(%dma_start3A_813 : memref<64xi32, #tpu.memory_space<vmem>>) semaphore(%arg24 : memref<!tpu.dma_semaphore, #tpu.memory_space<semaphore_mem>>) {add = true}
    %dma_start3A_817 = arith.constant 2 : i32
    %dma_start3A_818 = arith.constant 0 : i32
    %dma_start3A_819 = tpu.memref_slice %arg9[%dma_start3A_817, %dma_start3A_818] : memref<40x64xi32, #tpu.memory_space<vmem>> -> memref<1x64xi32, #tpu.memory_space<vmem>>
    %dma_start3A_820 = tpu.memref_squeeze %dma_start3A_819 : memref<1x64xi32, #tpu.memory_space<vmem>> -> memref<64xi32, #tpu.memory_space<vmem>>
    %dma_start3A_821 = arith.constant 0 : i32
    %dma_start3A_822 = tpu.memref_slice %arg17[%dma_start3A_821] : memref<10240xf32, #tpu.memory_space<vmem_shared>> -> memref<10240xf32, #tpu.memory_space<vmem_shared>>
    tpu.enqueue_indirect_dma source(%arg14 : memref<64xf32, #tpu.memory_space<vmem>>) target(%dma_start3A_822 : memref<10240xf32, #tpu.memory_space<vmem_shared>>) offsets(%dma_start3A_820 : memref<64xi32, #tpu.memory_space<vmem>>) semaphore(%arg28 : memref<!tpu.dma_semaphore, #tpu.memory_space<semaphore_mem>>) {add = true}
    %dma_wait3A_823 = arith.constant 0 : i32
    %dma_wait3A_824 = arith.constant 0 : i32
    %dma_wait3A_825 = tpu.memref_slice %arg9[%dma_wait3A_823, %dma_wait3A_824] : memref<40x64xi32, #tpu.memory_space<vmem>> -> memref<1x64xi32, #tpu.memory_space<vmem>>
    %dma_wait3A_826 = tpu.memref_squeeze %dma_wait3A_825 : memref<1x64xi32, #tpu.memory_space<vmem>> -> memref<64xi32, #tpu.memory_space<vmem>>
    %dma_wait3A_827 = arith.constant 0 : i32
    %dma_wait3A_828 = arith.constant 0 : i32
    %dma_wait3A_829 = tpu.memref_slice %arg16[%dma_wait3A_827, %dma_wait3A_828] : memref<10240x128xf32, #tpu.memory_space<vmem_shared>> -> memref<10240x128xf32, #tpu.memory_space<vmem_shared>>
    tpu.wait_indirect_dma semaphore(%arg23 : memref<!tpu.dma_semaphore, #tpu.memory_space<semaphore_mem>>) src(%arg11 : memref<64x128xf32, #tpu.memory_space<vmem>>) dst(%dma_wait3A_829 : memref<10240x128xf32, #tpu.memory_space<vmem_shared>>)
    %dma_wait3A_830 = arith.constant 0 : i32
    %dma_wait3A_831 = arith.constant 0 : i32
    %dma_wait3A_832 = tpu.memref_slice %arg9[%dma_wait3A_830, %dma_wait3A_831] : memref<40x64xi32, #tpu.memory_space<vmem>> -> memref<1x64xi32, #tpu.memory_space<vmem>>
    %dma_wait3A_833 = tpu.memref_squeeze %dma_wait3A_832 : memref<1x64xi32, #tpu.memory_space<vmem>> -> memref<64xi32, #tpu.memory_space<vmem>>
    %dma_wait3A_834 = arith.constant 0 : i32
    %dma_wait3A_835 = tpu.memref_slice %arg17[%dma_wait3A_834] : memref<10240xf32, #tpu.memory_space<vmem_shared>> -> memref<10240xf32, #tpu.memory_space<vmem_shared>>
    tpu.wait_indirect_dma semaphore(%arg27 : memref<!tpu.dma_semaphore, #tpu.memory_space<semaphore_mem>>) src(%arg14 : memref<64xf32, #tpu.memory_space<vmem>>) dst(%dma_wait3A_835 : memref<10240xf32, #tpu.memory_space<vmem_shared>>)
    %min3A_836 = arith.constant 5 : i32
    %min3A_837 = arith.constant 39 : i32
    %min3A_838 = arith.minsi %min3A_836, %min3A_837 : i32
    %dma_start3A_839 = arith.constant 0 : i32
    %dma_start3A_840 = tpu.memref_slice %arg8[%min3A_838, %dma_start3A_839] : memref<40x64xi32, #tpu.memory_space<vmem>> -> memref<1x64xi32, #tpu.memory_space<vmem>>
    %dma_start3A_841 = tpu.memref_squeeze %dma_start3A_840 : memref<1x64xi32, #tpu.memory_space<vmem>> -> memref<64xi32, #tpu.memory_space<vmem>>
    %dma_start3A_842 = arith.constant 0 : i32
    %dma_start3A_843 = arith.constant 0 : i32
    %dma_start3A_844 = tpu.memref_slice %arg2[%dma_start3A_842, %dma_start3A_843] : memref<10000x128xf32, #tpu.memory_space<hbm>> -> memref<10000x128xf32, #tpu.memory_space<hbm>>
    tpu.enqueue_indirect_dma source(%dma_start3A_844 : memref<10000x128xf32, #tpu.memory_space<hbm>>) target(%arg11 : memref<64x128xf32, #tpu.memory_space<vmem>>) offsets(%dma_start3A_841 : memref<64xi32, #tpu.memory_space<vmem>>) semaphore(%arg19 : memref<!tpu.dma_semaphore, #tpu.memory_space<semaphore_mem>>)
    %dma_wait3A_845 = arith.constant 0 : i32
    %dma_wait3A_846 = arith.constant 0 : i32
    %dma_wait3A_847 = tpu.memref_slice %arg8[%dma_wait3A_845, %dma_wait3A_846] : memref<40x64xi32, #tpu.memory_space<vmem>> -> memref<1x64xi32, #tpu.memory_space<vmem>>
    %dma_wait3A_848 = tpu.memref_squeeze %dma_wait3A_847 : memref<1x64xi32, #tpu.memory_space<vmem>> -> memref<64xi32, #tpu.memory_space<vmem>>
    %dma_wait3A_849 = arith.constant 0 : i32
    %dma_wait3A_850 = arith.constant 0 : i32
    %dma_wait3A_851 = tpu.memref_slice %arg2[%dma_wait3A_849, %dma_wait3A_850] : memref<10000x128xf32, #tpu.memory_space<hbm>> -> memref<10000x128xf32, #tpu.memory_space<hbm>>
    tpu.wait_indirect_dma semaphore(%arg21 : memref<!tpu.dma_semaphore, #tpu.memory_space<semaphore_mem>>) src(%dma_wait3A_851 : memref<10000x128xf32, #tpu.memory_space<hbm>>) dst(%arg13 : memref<64x128xf32, #tpu.memory_space<vmem>>)
    %dma_start3A_852 = arith.constant 3 : i32
    %dma_start3A_853 = arith.constant 0 : i32
    %dma_start3A_854 = tpu.memref_slice %arg9[%dma_start3A_852, %dma_start3A_853] : memref<40x64xi32, #tpu.memory_space<vmem>> -> memref<1x64xi32, #tpu.memory_space<vmem>>
    %dma_start3A_855 = tpu.memref_squeeze %dma_start3A_854 : memref<1x64xi32, #tpu.memory_space<vmem>> -> memref<64xi32, #tpu.memory_space<vmem>>
    %dma_start3A_856 = arith.constant 0 : i32
    %dma_start3A_857 = arith.constant 0 : i32
    %dma_start3A_858 = tpu.memref_slice %arg16[%dma_start3A_856, %dma_start3A_857] : memref<10240x128xf32, #tpu.memory_space<vmem_shared>> -> memref<10240x128xf32, #tpu.memory_space<vmem_shared>>
    tpu.enqueue_indirect_dma source(%arg13 : memref<64x128xf32, #tpu.memory_space<vmem>>) target(%dma_start3A_858 : memref<10240x128xf32, #tpu.memory_space<vmem_shared>>) offsets(%dma_start3A_855 : memref<64xi32, #tpu.memory_space<vmem>>) semaphore(%arg25 : memref<!tpu.dma_semaphore, #tpu.memory_space<semaphore_mem>>) {add = true}
    %dma_start3A_859 = arith.constant 3 : i32
    %dma_start3A_860 = arith.constant 0 : i32
    %dma_start3A_861 = tpu.memref_slice %arg9[%dma_start3A_859, %dma_start3A_860] : memref<40x64xi32, #tpu.memory_space<vmem>> -> memref<1x64xi32, #tpu.memory_space<vmem>>
    %dma_start3A_862 = tpu.memref_squeeze %dma_start3A_861 : memref<1x64xi32, #tpu.memory_space<vmem>> -> memref<64xi32, #tpu.memory_space<vmem>>
    %dma_start3A_863 = arith.constant 0 : i32
    %dma_start3A_864 = tpu.memref_slice %arg17[%dma_start3A_863] : memref<10240xf32, #tpu.memory_space<vmem_shared>> -> memref<10240xf32, #tpu.memory_space<vmem_shared>>
    tpu.enqueue_indirect_dma source(%arg14 : memref<64xf32, #tpu.memory_space<vmem>>) target(%dma_start3A_864 : memref<10240xf32, #tpu.memory_space<vmem_shared>>) offsets(%dma_start3A_862 : memref<64xi32, #tpu.memory_space<vmem>>) semaphore(%arg29 : memref<!tpu.dma_semaphore, #tpu.memory_space<semaphore_mem>>) {add = true}
    %scan3A_865 = arith.constant 0 : i32
    %scan3A_866 = arith.constant 1 : i32
    %scan3A_867 = arith.constant 9 : i32
    %scan3A_868 = arith.addi %scan3A_866, %scan3A_867 : i32
    %scan3A_869 = arith.constant 1 : i32
    scf.for %scan3A_1165 = %scan3A_866 to %scan3A_868 step %scan3A_869  : i32 {
      %mul3A_1166 = arith.constant 4 : i32
      %mul3A_1167 = arith.muli %scan3A_1165, %mul3A_1166 : i32
      %add3A_1168 = arith.constant 0 : i32
      %add3A_1169 = arith.addi %mul3A_1167, %add3A_1168 : i32
      %dma_wait3A_1170 = arith.constant 0 : i32
      %dma_wait3A_1171 = arith.constant 0 : i32
      %dma_wait3A_1172 = tpu.memref_slice %arg9[%dma_wait3A_1170, %dma_wait3A_1171] : memref<40x64xi32, #tpu.memory_space<vmem>> -> memref<1x64xi32, #tpu.memory_space<vmem>>
      %dma_wait3A_1173 = tpu.memref_squeeze %dma_wait3A_1172 : memref<1x64xi32, #tpu.memory_space<vmem>> -> memref<64xi32, #tpu.memory_space<vmem>>
      %dma_wait3A_1174 = arith.constant 0 : i32
      %dma_wait3A_1175 = arith.constant 0 : i32
      %dma_wait3A_1176 = tpu.memref_slice %arg16[%dma_wait3A_1174, %dma_wait3A_1175] : memref<10240x128xf32, #tpu.memory_space<vmem_shared>> -> memref<10240x128xf32, #tpu.memory_space<vmem_shared>>
      tpu.wait_indirect_dma semaphore(%arg24 : memref<!tpu.dma_semaphore, #tpu.memory_space<semaphore_mem>>) src(%arg12 : memref<64x128xf32, #tpu.memory_space<vmem>>) dst(%dma_wait3A_1176 : memref<10240x128xf32, #tpu.memory_space<vmem_shared>>)
      %dma_wait3A_1177 = arith.constant 0 : i32
      %dma_wait3A_1178 = arith.constant 0 : i32
      %dma_wait3A_1179 = tpu.memref_slice %arg9[%dma_wait3A_1177, %dma_wait3A_1178] : memref<40x64xi32, #tpu.memory_space<vmem>> -> memref<1x64xi32, #tpu.memory_space<vmem>>
      %dma_wait3A_1180 = tpu.memref_squeeze %dma_wait3A_1179 : memref<1x64xi32, #tpu.memory_space<vmem>> -> memref<64xi32, #tpu.memory_space<vmem>>
      %dma_wait3A_1181 = arith.constant 0 : i32
      %dma_wait3A_1182 = tpu.memref_slice %arg17[%dma_wait3A_1181] : memref<10240xf32, #tpu.memory_space<vmem_shared>> -> memref<10240xf32, #tpu.memory_space<vmem_shared>>
      tpu.wait_indirect_dma semaphore(%arg28 : memref<!tpu.dma_semaphore, #tpu.memory_space<semaphore_mem>>) src(%arg14 : memref<64xf32, #tpu.memory_space<vmem>>) dst(%dma_wait3A_1182 : memref<10240xf32, #tpu.memory_space<vmem_shared>>)
      %add3A_1183 = arith.constant 2 : i32
      %add3A_1184 = arith.addi %add3A_1169, %add3A_1183 : i32
      %min3A_1185 = arith.constant 39 : i32
      %min3A_1186 = arith.minsi %add3A_1184, %min3A_1185 : i32
      %dma_start3A_1187 = arith.constant 0 : i32
      %dma_start3A_1188 = tpu.memref_slice %arg8[%min3A_1186, %dma_start3A_1187] : memref<40x64xi32, #tpu.memory_space<vmem>> -> memref<1x64xi32, #tpu.memory_space<vmem>>
      %dma_start3A_1189 = tpu.memref_squeeze %dma_start3A_1188 : memref<1x64xi32, #tpu.memory_space<vmem>> -> memref<64xi32, #tpu.memory_space<vmem>>
      %dma_start3A_1190 = arith.constant 0 : i32
      %dma_start3A_1191 = arith.constant 0 : i32
      %dma_start3A_1192 = tpu.memref_slice %arg2[%dma_start3A_1190, %dma_start3A_1191] : memref<10000x128xf32, #tpu.memory_space<hbm>> -> memref<10000x128xf32, #tpu.memory_space<hbm>>
      tpu.enqueue_indirect_dma source(%dma_start3A_1192 : memref<10000x128xf32, #tpu.memory_space<hbm>>) target(%arg12 : memref<64x128xf32, #tpu.memory_space<vmem>>) offsets(%dma_start3A_1189 : memref<64xi32, #tpu.memory_space<vmem>>) semaphore(%arg20 : memref<!tpu.dma_semaphore, #tpu.memory_space<semaphore_mem>>)
      %dma_wait3A_1193 = arith.constant 0 : i32
      %dma_wait3A_1194 = arith.constant 0 : i32
      %dma_wait3A_1195 = tpu.memref_slice %arg8[%dma_wait3A_1193, %dma_wait3A_1194] : memref<40x64xi32, #tpu.memory_space<vmem>> -> memref<1x64xi32, #tpu.memory_space<vmem>>
      %dma_wait3A_1196 = tpu.memref_squeeze %dma_wait3A_1195 : memref<1x64xi32, #tpu.memory_space<vmem>> -> memref<64xi32, #tpu.memory_space<vmem>>
      %dma_wait3A_1197 = arith.constant 0 : i32
      %dma_wait3A_1198 = arith.constant 0 : i32
      %dma_wait3A_1199 = tpu.memref_slice %arg2[%dma_wait3A_1197, %dma_wait3A_1198] : memref<10000x128xf32, #tpu.memory_space<hbm>> -> memref<10000x128xf32, #tpu.memory_space<hbm>>
      tpu.wait_indirect_dma semaphore(%arg18 : memref<!tpu.dma_semaphore, #tpu.memory_space<semaphore_mem>>) src(%dma_wait3A_1199 : memref<10000x128xf32, #tpu.memory_space<hbm>>) dst(%arg10 : memref<64x128xf32, #tpu.memory_space<vmem>>)
      %dma_start3A_1200 = arith.constant 0 : i32
      %dma_start3A_1201 = tpu.memref_slice %arg9[%add3A_1169, %dma_start3A_1200] : memref<40x64xi32, #tpu.memory_space<vmem>> -> memref<1x64xi32, #tpu.memory_space<vmem>>
      %dma_start3A_1202 = tpu.memref_squeeze %dma_start3A_1201 : memref<1x64xi32, #tpu.memory_space<vmem>> -> memref<64xi32, #tpu.memory_space<vmem>>
      %dma_start3A_1203 = arith.constant 0 : i32
      %dma_start3A_1204 = arith.constant 0 : i32
      %dma_start3A_1205 = tpu.memref_slice %arg16[%dma_start3A_1203, %dma_start3A_1204] : memref<10240x128xf32, #tpu.memory_space<vmem_shared>> -> memref<10240x128xf32, #tpu.memory_space<vmem_shared>>
      tpu.enqueue_indirect_dma source(%arg10 : memref<64x128xf32, #tpu.memory_space<vmem>>) target(%dma_start3A_1205 : memref<10240x128xf32, #tpu.memory_space<vmem_shared>>) offsets(%dma_start3A_1202 : memref<64xi32, #tpu.memory_space<vmem>>) semaphore(%arg22 : memref<!tpu.dma_semaphore, #tpu.memory_space<semaphore_mem>>) {add = true}
      %dma_start3A_1206 = arith.constant 0 : i32
      %dma_start3A_1207 = tpu.memref_slice %arg9[%add3A_1169, %dma_start3A_1206] : memref<40x64xi32, #tpu.memory_space<vmem>> -> memref<1x64xi32, #tpu.memory_space<vmem>>
      %dma_start3A_1208 = tpu.memref_squeeze %dma_start3A_1207 : memref<1x64xi32, #tpu.memory_space<vmem>> -> memref<64xi32, #tpu.memory_space<vmem>>
      %dma_start3A_1209 = arith.constant 0 : i32
      %dma_start3A_1210 = tpu.memref_slice %arg17[%dma_start3A_1209] : memref<10240xf32, #tpu.memory_space<vmem_shared>> -> memref<10240xf32, #tpu.memory_space<vmem_shared>>
      tpu.enqueue_indirect_dma source(%arg14 : memref<64xf32, #tpu.memory_space<vmem>>) target(%dma_start3A_1210 : memref<10240xf32, #tpu.memory_space<vmem_shared>>) offsets(%dma_start3A_1208 : memref<64xi32, #tpu.memory_space<vmem>>) semaphore(%arg26 : memref<!tpu.dma_semaphore, #tpu.memory_space<semaphore_mem>>) {add = true}
      %mul3A_1211 = arith.constant 4 : i32
      %mul3A_1212 = arith.muli %scan3A_1165, %mul3A_1211 : i32
      %add3A_1213 = arith.constant 1 : i32
      %add3A_1214 = arith.addi %mul3A_1212, %add3A_1213 : i32
      %dma_wait3A_1215 = arith.constant 0 : i32
      %dma_wait3A_1216 = arith.constant 0 : i32
      %dma_wait3A_1217 = tpu.memref_slice %arg9[%dma_wait3A_1215, %dma_wait3A_1216] : memref<40x64xi32, #tpu.memory_space<vmem>> -> memref<1x64xi32, #tpu.memory_space<vmem>>
      %dma_wait3A_1218 = tpu.memref_squeeze %dma_wait3A_1217 : memref<1x64xi32, #tpu.memory_space<vmem>> -> memref<64xi32, #tpu.memory_space<vmem>>
      %dma_wait3A_1219 = arith.constant 0 : i32
      %dma_wait3A_1220 = arith.constant 0 : i32
      %dma_wait3A_1221 = tpu.memref_slice %arg16[%dma_wait3A_1219, %dma_wait3A_1220] : memref<10240x128xf32, #tpu.memory_space<vmem_shared>> -> memref<10240x128xf32, #tpu.memory_space<vmem_shared>>
      tpu.wait_indirect_dma semaphore(%arg25 : memref<!tpu.dma_semaphore, #tpu.memory_space<semaphore_mem>>) src(%arg13 : memref<64x128xf32, #tpu.memory_space<vmem>>) dst(%dma_wait3A_1221 : memref<10240x128xf32, #tpu.memory_space<vmem_shared>>)
      %dma_wait3A_1222 = arith.constant 0 : i32
      %dma_wait3A_1223 = arith.constant 0 : i32
      %dma_wait3A_1224 = tpu.memref_slice %arg9[%dma_wait3A_1222, %dma_wait3A_1223] : memref<40x64xi32, #tpu.memory_space<vmem>> -> memref<1x64xi32, #tpu.memory_space<vmem>>
      %dma_wait3A_1225 = tpu.memref_squeeze %dma_wait3A_1224 : memref<1x64xi32, #tpu.memory_space<vmem>> -> memref<64xi32, #tpu.memory_space<vmem>>
      %dma_wait3A_1226 = arith.constant 0 : i32
      %dma_wait3A_1227 = tpu.memref_slice %arg17[%dma_wait3A_1226] : memref<10240xf32, #tpu.memory_space<vmem_shared>> -> memref<10240xf32, #tpu.memory_space<vmem_shared>>
      tpu.wait_indirect_dma semaphore(%arg29 : memref<!tpu.dma_semaphore, #tpu.memory_space<semaphore_mem>>) src(%arg14 : memref<64xf32, #tpu.memory_space<vmem>>) dst(%dma_wait3A_1227 : memref<10240xf32, #tpu.memory_space<vmem_shared>>)
      %add3A_1228 = arith.constant 2 : i32
      %add3A_1229 = arith.addi %add3A_1214, %add3A_1228 : i32
      %min3A_1230 = arith.constant 39 : i32
      %min3A_1231 = arith.minsi %add3A_1229, %min3A_1230 : i32
      %dma_start3A_1232 = arith.constant 0 : i32
      %dma_start3A_1233 = tpu.memref_slice %arg8[%min3A_1231, %dma_start3A_1232] : memref<40x64xi32, #tpu.memory_space<vmem>> -> memref<1x64xi32, #tpu.memory_space<vmem>>
      %dma_start3A_1234 = tpu.memref_squeeze %dma_start3A_1233 : memref<1x64xi32, #tpu.memory_space<vmem>> -> memref<64xi32, #tpu.memory_space<vmem>>
      %dma_start3A_1235 = arith.constant 0 : i32
      %dma_start3A_1236 = arith.constant 0 : i32
      %dma_start3A_1237 = tpu.memref_slice %arg2[%dma_start3A_1235, %dma_start3A_1236] : memref<10000x128xf32, #tpu.memory_space<hbm>> -> memref<10000x128xf32, #tpu.memory_space<hbm>>
      tpu.enqueue_indirect_dma source(%dma_start3A_1237 : memref<10000x128xf32, #tpu.memory_space<hbm>>) target(%arg13 : memref<64x128xf32, #tpu.memory_space<vmem>>) offsets(%dma_start3A_1234 : memref<64xi32, #tpu.memory_space<vmem>>) semaphore(%arg21 : memref<!tpu.dma_semaphore, #tpu.memory_space<semaphore_mem>>)
      %dma_wait3A_1238 = arith.constant 0 : i32
      %dma_wait3A_1239 = arith.constant 0 : i32
      %dma_wait3A_1240 = tpu.memref_slice %arg8[%dma_wait3A_1238, %dma_wait3A_1239] : memref<40x64xi32, #tpu.memory_space<vmem>> -> memref<1x64xi32, #tpu.memory_space<vmem>>
      %dma_wait3A_1241 = tpu.memref_squeeze %dma_wait3A_1240 : memref<1x64xi32, #tpu.memory_space<vmem>> -> memref<64xi32, #tpu.memory_space<vmem>>
      %dma_wait3A_1242 = arith.constant 0 : i32
      %dma_wait3A_1243 = arith.constant 0 : i32
      %dma_wait3A_1244 = tpu.memref_slice %arg2[%dma_wait3A_1242, %dma_wait3A_1243] : memref<10000x128xf32, #tpu.memory_space<hbm>> -> memref<10000x128xf32, #tpu.memory_space<hbm>>
      tpu.wait_indirect_dma semaphore(%arg19 : memref<!tpu.dma_semaphore, #tpu.memory_space<semaphore_mem>>) src(%dma_wait3A_1244 : memref<10000x128xf32, #tpu.memory_space<hbm>>) dst(%arg11 : memref<64x128xf32, #tpu.memory_space<vmem>>)
      %dma_start3A_1245 = arith.constant 0 : i32
      %dma_start3A_1246 = tpu.memref_slice %arg9[%add3A_1214, %dma_start3A_1245] : memref<40x64xi32, #tpu.memory_space<vmem>> -> memref<1x64xi32, #tpu.memory_space<vmem>>
      %dma_start3A_1247 = tpu.memref_squeeze %dma_start3A_1246 : memref<1x64xi32, #tpu.memory_space<vmem>> -> memref<64xi32, #tpu.memory_space<vmem>>
      %dma_start3A_1248 = arith.constant 0 : i32
      %dma_start3A_1249 = arith.constant 0 : i32
      %dma_start3A_1250 = tpu.memref_slice %arg16[%dma_start3A_1248, %dma_start3A_1249] : memref<10240x128xf32, #tpu.memory_space<vmem_shared>> -> memref<10240x128xf32, #tpu.memory_space<vmem_shared>>
      tpu.enqueue_indirect_dma source(%arg11 : memref<64x128xf32, #tpu.memory_space<vmem>>) target(%dma_start3A_1250 : memref<10240x128xf32, #tpu.memory_space<vmem_shared>>) offsets(%dma_start3A_1247 : memref<64xi32, #tpu.memory_space<vmem>>) semaphore(%arg23 : memref<!tpu.dma_semaphore, #tpu.memory_space<semaphore_mem>>) {add = true}
      %dma_start3A_1251 = arith.constant 0 : i32
      %dma_start3A_1252 = tpu.memref_slice %arg9[%add3A_1214, %dma_start3A_1251] : memref<40x64xi32, #tpu.memory_space<vmem>> -> memref<1x64xi32, #tpu.memory_space<vmem>>
      %dma_start3A_1253 = tpu.memref_squeeze %dma_start3A_1252 : memref<1x64xi32, #tpu.memory_space<vmem>> -> memref<64xi32, #tpu.memory_space<vmem>>
      %dma_start3A_1254 = arith.constant 0 : i32
      %dma_start3A_1255 = tpu.memref_slice %arg17[%dma_start3A_1254] : memref<10240xf32, #tpu.memory_space<vmem_shared>> -> memref<10240xf32, #tpu.memory_space<vmem_shared>>
      tpu.enqueue_indirect_dma source(%arg14 : memref<64xf32, #tpu.memory_space<vmem>>) target(%dma_start3A_1255 : memref<10240xf32, #tpu.memory_space<vmem_shared>>) offsets(%dma_start3A_1253 : memref<64xi32, #tpu.memory_space<vmem>>) semaphore(%arg27 : memref<!tpu.dma_semaphore, #tpu.memory_space<semaphore_mem>>) {add = true}
      %mul3A_1256 = arith.constant 4 : i32
      %mul3A_1257 = arith.muli %scan3A_1165, %mul3A_1256 : i32
      %add3A_1258 = arith.constant 2 : i32
      %add3A_1259 = arith.addi %mul3A_1257, %add3A_1258 : i32
      %dma_wait3A_1260 = arith.constant 0 : i32
      %dma_wait3A_1261 = arith.constant 0 : i32
      %dma_wait3A_1262 = tpu.memref_slice %arg9[%dma_wait3A_1260, %dma_wait3A_1261] : memref<40x64xi32, #tpu.memory_space<vmem>> -> memref<1x64xi32, #tpu.memory_space<vmem>>
      %dma_wait3A_1263 = tpu.memref_squeeze %dma_wait3A_1262 : memref<1x64xi32, #tpu.memory_space<vmem>> -> memref<64xi32, #tpu.memory_space<vmem>>
      %dma_wait3A_1264 = arith.constant 0 : i32
      %dma_wait3A_1265 = arith.constant 0 : i32
      %dma_wait3A_1266 = tpu.memref_slice %arg16[%dma_wait3A_1264, %dma_wait3A_1265] : memref<10240x128xf32, #tpu.memory_space<vmem_shared>> -> memref<10240x128xf32, #tpu.memory_space<vmem_shared>>
      tpu.wait_indirect_dma semaphore(%arg22 : memref<!tpu.dma_semaphore, #tpu.memory_space<semaphore_mem>>) src(%arg10 : memref<64x128xf32, #tpu.memory_space<vmem>>) dst(%dma_wait3A_1266 : memref<10240x128xf32, #tpu.memory_space<vmem_shared>>)
      %dma_wait3A_1267 = arith.constant 0 : i32
      %dma_wait3A_1268 = arith.constant 0 : i32
      %dma_wait3A_1269 = tpu.memref_slice %arg9[%dma_wait3A_1267, %dma_wait3A_1268] : memref<40x64xi32, #tpu.memory_space<vmem>> -> memref<1x64xi32, #tpu.memory_space<vmem>>
      %dma_wait3A_1270 = tpu.memref_squeeze %dma_wait3A_1269 : memref<1x64xi32, #tpu.memory_space<vmem>> -> memref<64xi32, #tpu.memory_space<vmem>>
      %dma_wait3A_1271 = arith.constant 0 : i32
      %dma_wait3A_1272 = tpu.memref_slice %arg17[%dma_wait3A_1271] : memref<10240xf32, #tpu.memory_space<vmem_shared>> -> memref<10240xf32, #tpu.memory_space<vmem_shared>>
      tpu.wait_indirect_dma semaphore(%arg26 : memref<!tpu.dma_semaphore, #tpu.memory_space<semaphore_mem>>) src(%arg14 : memref<64xf32, #tpu.memory_space<vmem>>) dst(%dma_wait3A_1272 : memref<10240xf32, #tpu.memory_space<vmem_shared>>)
      %add3A_1273 = arith.constant 2 : i32
      %add3A_1274 = arith.addi %add3A_1259, %add3A_1273 : i32
      %min3A_1275 = arith.constant 39 : i32
      %min3A_1276 = arith.minsi %add3A_1274, %min3A_1275 : i32
      %dma_start3A_1277 = arith.constant 0 : i32
      %dma_start3A_1278 = tpu.memref_slice %arg8[%min3A_1276, %dma_start3A_1277] : memref<40x64xi32, #tpu.memory_space<vmem>> -> memref<1x64xi32, #tpu.memory_space<vmem>>
      %dma_start3A_1279 = tpu.memref_squeeze %dma_start3A_1278 : memref<1x64xi32, #tpu.memory_space<vmem>> -> memref<64xi32, #tpu.memory_space<vmem>>
      %dma_start3A_1280 = arith.constant 0 : i32
      %dma_start3A_1281 = arith.constant 0 : i32
      %dma_start3A_1282 = tpu.memref_slice %arg2[%dma_start3A_1280, %dma_start3A_1281] : memref<10000x128xf32, #tpu.memory_space<hbm>> -> memref<10000x128xf32, #tpu.memory_space<hbm>>
      tpu.enqueue_indirect_dma source(%dma_start3A_1282 : memref<10000x128xf32, #tpu.memory_space<hbm>>) target(%arg10 : memref<64x128xf32, #tpu.memory_space<vmem>>) offsets(%dma_start3A_1279 : memref<64xi32, #tpu.memory_space<vmem>>) semaphore(%arg18 : memref<!tpu.dma_semaphore, #tpu.memory_space<semaphore_mem>>)
      %dma_wait3A_1283 = arith.constant 0 : i32
      %dma_wait3A_1284 = arith.constant 0 : i32
      %dma_wait3A_1285 = tpu.memref_slice %arg8[%dma_wait3A_1283, %dma_wait3A_1284] : memref<40x64xi32, #tpu.memory_space<vmem>> -> memref<1x64xi32, #tpu.memory_space<vmem>>
      %dma_wait3A_1286 = tpu.memref_squeeze %dma_wait3A_1285 : memref<1x64xi32, #tpu.memory_space<vmem>> -> memref<64xi32, #tpu.memory_space<vmem>>
      %dma_wait3A_1287 = arith.constant 0 : i32
      %dma_wait3A_1288 = arith.constant 0 : i32
      %dma_wait3A_1289 = tpu.memref_slice %arg2[%dma_wait3A_1287, %dma_wait3A_1288] : memref<10000x128xf32, #tpu.memory_space<hbm>> -> memref<10000x128xf32, #tpu.memory_space<hbm>>
      tpu.wait_indirect_dma semaphore(%arg20 : memref<!tpu.dma_semaphore, #tpu.memory_space<semaphore_mem>>) src(%dma_wait3A_1289 : memref<10000x128xf32, #tpu.memory_space<hbm>>) dst(%arg12 : memref<64x128xf32, #tpu.memory_space<vmem>>)
      %dma_start3A_1290 = arith.constant 0 : i32
      %dma_start3A_1291 = tpu.memref_slice %arg9[%add3A_1259, %dma_start3A_1290] : memref<40x64xi32, #tpu.memory_space<vmem>> -> memref<1x64xi32, #tpu.memory_space<vmem>>
      %dma_start3A_1292 = tpu.memref_squeeze %dma_start3A_1291 : memref<1x64xi32, #tpu.memory_space<vmem>> -> memref<64xi32, #tpu.memory_space<vmem>>
      %dma_start3A_1293 = arith.constant 0 : i32
      %dma_start3A_1294 = arith.constant 0 : i32
      %dma_start3A_1295 = tpu.memref_slice %arg16[%dma_start3A_1293, %dma_start3A_1294] : memref<10240x128xf32, #tpu.memory_space<vmem_shared>> -> memref<10240x128xf32, #tpu.memory_space<vmem_shared>>
      tpu.enqueue_indirect_dma source(%arg12 : memref<64x128xf32, #tpu.memory_space<vmem>>) target(%dma_start3A_1295 : memref<10240x128xf32, #tpu.memory_space<vmem_shared>>) offsets(%dma_start3A_1292 : memref<64xi32, #tpu.memory_space<vmem>>) semaphore(%arg24 : memref<!tpu.dma_semaphore, #tpu.memory_space<semaphore_mem>>) {add = true}
      %dma_start3A_1296 = arith.constant 0 : i32
      %dma_start3A_1297 = tpu.memref_slice %arg9[%add3A_1259, %dma_start3A_1296] : memref<40x64xi32, #tpu.memory_space<vmem>> -> memref<1x64xi32, #tpu.memory_space<vmem>>
      %dma_start3A_1298 = tpu.memref_squeeze %dma_start3A_1297 : memref<1x64xi32, #tpu.memory_space<vmem>> -> memref<64xi32, #tpu.memory_space<vmem>>
      %dma_start3A_1299 = arith.constant 0 : i32
      %dma_start3A_1300 = tpu.memref_slice %arg17[%dma_start3A_1299] : memref<10240xf32, #tpu.memory_space<vmem_shared>> -> memref<10240xf32, #tpu.memory_space<vmem_shared>>
      tpu.enqueue_indirect_dma source(%arg14 : memref<64xf32, #tpu.memory_space<vmem>>) target(%dma_start3A_1300 : memref<10240xf32, #tpu.memory_space<vmem_shared>>) offsets(%dma_start3A_1298 : memref<64xi32, #tpu.memory_space<vmem>>) semaphore(%arg28 : memref<!tpu.dma_semaphore, #tpu.memory_space<semaphore_mem>>) {add = true}
      %mul3A_1301 = arith.constant 4 : i32
      %mul3A_1302 = arith.muli %scan3A_1165, %mul3A_1301 : i32
      %add3A_1303 = arith.constant 3 : i32
      %add3A_1304 = arith.addi %mul3A_1302, %add3A_1303 : i32
      %dma_wait3A_1305 = arith.constant 0 : i32
      %dma_wait3A_1306 = arith.constant 0 : i32
      %dma_wait3A_1307 = tpu.memref_slice %arg9[%dma_wait3A_1305, %dma_wait3A_1306] : memref<40x64xi32, #tpu.memory_space<vmem>> -> memref<1x64xi32, #tpu.memory_space<vmem>>
      %dma_wait3A_1308 = tpu.memref_squeeze %dma_wait3A_1307 : memref<1x64xi32, #tpu.memory_space<vmem>> -> memref<64xi32, #tpu.memory_space<vmem>>
      %dma_wait3A_1309 = arith.constant 0 : i32
      %dma_wait3A_1310 = arith.constant 0 : i32
      %dma_wait3A_1311 = tpu.memref_slice %arg16[%dma_wait3A_1309, %dma_wait3A_1310] : memref<10240x128xf32, #tpu.memory_space<vmem_shared>> -> memref<10240x128xf32, #tpu.memory_space<vmem_shared>>
      tpu.wait_indirect_dma semaphore(%arg23 : memref<!tpu.dma_semaphore, #tpu.memory_space<semaphore_mem>>) src(%arg11 : memref<64x128xf32, #tpu.memory_space<vmem>>) dst(%dma_wait3A_1311 : memref<10240x128xf32, #tpu.memory_space<vmem_shared>>)
      %dma_wait3A_1312 = arith.constant 0 : i32
      %dma_wait3A_1313 = arith.constant 0 : i32
      %dma_wait3A_1314 = tpu.memref_slice %arg9[%dma_wait3A_1312, %dma_wait3A_1313] : memref<40x64xi32, #tpu.memory_space<vmem>> -> memref<1x64xi32, #tpu.memory_space<vmem>>
      %dma_wait3A_1315 = tpu.memref_squeeze %dma_wait3A_1314 : memref<1x64xi32, #tpu.memory_space<vmem>> -> memref<64xi32, #tpu.memory_space<vmem>>
      %dma_wait3A_1316 = arith.constant 0 : i32
      %dma_wait3A_1317 = tpu.memref_slice %arg17[%dma_wait3A_1316] : memref<10240xf32, #tpu.memory_space<vmem_shared>> -> memref<10240xf32, #tpu.memory_space<vmem_shared>>
      tpu.wait_indirect_dma semaphore(%arg27 : memref<!tpu.dma_semaphore, #tpu.memory_space<semaphore_mem>>) src(%arg14 : memref<64xf32, #tpu.memory_space<vmem>>) dst(%dma_wait3A_1317 : memref<10240xf32, #tpu.memory_space<vmem_shared>>)
      %add3A_1318 = arith.constant 2 : i32
      %add3A_1319 = arith.addi %add3A_1304, %add3A_1318 : i32
      %min3A_1320 = arith.constant 39 : i32
      %min3A_1321 = arith.minsi %add3A_1319, %min3A_1320 : i32
      %dma_start3A_1322 = arith.constant 0 : i32
      %dma_start3A_1323 = tpu.memref_slice %arg8[%min3A_1321, %dma_start3A_1322] : memref<40x64xi32, #tpu.memory_space<vmem>> -> memref<1x64xi32, #tpu.memory_space<vmem>>
      %dma_start3A_1324 = tpu.memref_squeeze %dma_start3A_1323 : memref<1x64xi32, #tpu.memory_space<vmem>> -> memref<64xi32, #tpu.memory_space<vmem>>
      %dma_start3A_1325 = arith.constant 0 : i32
      %dma_start3A_1326 = arith.constant 0 : i32
      %dma_start3A_1327 = tpu.memref_slice %arg2[%dma_start3A_1325, %dma_start3A_1326] : memref<10000x128xf32, #tpu.memory_space<hbm>> -> memref<10000x128xf32, #tpu.memory_space<hbm>>
      tpu.enqueue_indirect_dma source(%dma_start3A_1327 : memref<10000x128xf32, #tpu.memory_space<hbm>>) target(%arg11 : memref<64x128xf32, #tpu.memory_space<vmem>>) offsets(%dma_start3A_1324 : memref<64xi32, #tpu.memory_space<vmem>>) semaphore(%arg19 : memref<!tpu.dma_semaphore, #tpu.memory_space<semaphore_mem>>)
      %dma_wait3A_1328 = arith.constant 0 : i32
      %dma_wait3A_1329 = arith.constant 0 : i32
      %dma_wait3A_1330 = tpu.memref_slice %arg8[%dma_wait3A_1328, %dma_wait3A_1329] : memref<40x64xi32, #tpu.memory_space<vmem>> -> memref<1x64xi32, #tpu.memory_space<vmem>>
      %dma_wait3A_1331 = tpu.memref_squeeze %dma_wait3A_1330 : memref<1x64xi32, #tpu.memory_space<vmem>> -> memref<64xi32, #tpu.memory_space<vmem>>
      %dma_wait3A_1332 = arith.constant 0 : i32
      %dma_wait3A_1333 = arith.constant 0 : i32
      %dma_wait3A_1334 = tpu.memref_slice %arg2[%dma_wait3A_1332, %dma_wait3A_1333] : memref<10000x128xf32, #tpu.memory_space<hbm>> -> memref<10000x128xf32, #tpu.memory_space<hbm>>
      tpu.wait_indirect_dma semaphore(%arg21 : memref<!tpu.dma_semaphore, #tpu.memory_space<semaphore_mem>>) src(%dma_wait3A_1334 : memref<10000x128xf32, #tpu.memory_space<hbm>>) dst(%arg13 : memref<64x128xf32, #tpu.memory_space<vmem>>)
      %dma_start3A_1335 = arith.constant 0 : i32
      %dma_start3A_1336 = tpu.memref_slice %arg9[%add3A_1304, %dma_start3A_1335] : memref<40x64xi32, #tpu.memory_space<vmem>> -> memref<1x64xi32, #tpu.memory_space<vmem>>
      %dma_start3A_1337 = tpu.memref_squeeze %dma_start3A_1336 : memref<1x64xi32, #tpu.memory_space<vmem>> -> memref<64xi32, #tpu.memory_space<vmem>>
      %dma_start3A_1338 = arith.constant 0 : i32
      %dma_start3A_1339 = arith.constant 0 : i32
      %dma_start3A_1340 = tpu.memref_slice %arg16[%dma_start3A_1338, %dma_start3A_1339] : memref<10240x128xf32, #tpu.memory_space<vmem_shared>> -> memref<10240x128xf32, #tpu.memory_space<vmem_shared>>
      tpu.enqueue_indirect_dma source(%arg13 : memref<64x128xf32, #tpu.memory_space<vmem>>) target(%dma_start3A_1340 : memref<10240x128xf32, #tpu.memory_space<vmem_shared>>) offsets(%dma_start3A_1337 : memref<64xi32, #tpu.memory_space<vmem>>) semaphore(%arg25 : memref<!tpu.dma_semaphore, #tpu.memory_space<semaphore_mem>>) {add = true}
      %dma_start3A_1341 = arith.constant 0 : i32
      %dma_start3A_1342 = tpu.memref_slice %arg9[%add3A_1304, %dma_start3A_1341] : memref<40x64xi32, #tpu.memory_space<vmem>> -> memref<1x64xi32, #tpu.memory_space<vmem>>
      %dma_start3A_1343 = tpu.memref_squeeze %dma_start3A_1342 : memref<1x64xi32, #tpu.memory_space<vmem>> -> memref<64xi32, #tpu.memory_space<vmem>>
      %dma_start3A_1344 = arith.constant 0 : i32
      %dma_start3A_1345 = tpu.memref_slice %arg17[%dma_start3A_1344] : memref<10240xf32, #tpu.memory_space<vmem_shared>> -> memref<10240xf32, #tpu.memory_space<vmem_shared>>
      tpu.enqueue_indirect_dma source(%arg14 : memref<64xf32, #tpu.memory_space<vmem>>) target(%dma_start3A_1345 : memref<10240xf32, #tpu.memory_space<vmem_shared>>) offsets(%dma_start3A_1343 : memref<64xi32, #tpu.memory_space<vmem>>) semaphore(%arg29 : memref<!tpu.dma_semaphore, #tpu.memory_space<semaphore_mem>>) {add = true}
    }
    %scan3A_870 = arith.constant 9 : i32
    %dma_wait3A_871 = arith.constant 0 : i32
    %dma_wait3A_872 = arith.constant 0 : i32
    %dma_wait3A_873 = tpu.memref_slice %arg9[%dma_wait3A_871, %dma_wait3A_872] : memref<40x64xi32, #tpu.memory_space<vmem>> -> memref<1x64xi32, #tpu.memory_space<vmem>>
    %dma_wait3A_874 = tpu.memref_squeeze %dma_wait3A_873 : memref<1x64xi32, #tpu.memory_space<vmem>> -> memref<64xi32, #tpu.memory_space<vmem>>
    %dma_wait3A_875 = arith.constant 0 : i32
    %dma_wait3A_876 = arith.constant 0 : i32
    %dma_wait3A_877 = tpu.memref_slice %arg16[%dma_wait3A_875, %dma_wait3A_876] : memref<10240x128xf32, #tpu.memory_space<vmem_shared>> -> memref<10240x128xf32, #tpu.memory_space<vmem_shared>>
    tpu.wait_indirect_dma semaphore(%arg24 : memref<!tpu.dma_semaphore, #tpu.memory_space<semaphore_mem>>) src(%arg12 : memref<64x128xf32, #tpu.memory_space<vmem>>) dst(%dma_wait3A_877 : memref<10240x128xf32, #tpu.memory_space<vmem_shared>>)
    %dma_wait3A_878 = arith.constant 0 : i32
    %dma_wait3A_879 = arith.constant 0 : i32
    %dma_wait3A_880 = tpu.memref_slice %arg9[%dma_wait3A_878, %dma_wait3A_879] : memref<40x64xi32, #tpu.memory_space<vmem>> -> memref<1x64xi32, #tpu.memory_space<vmem>>
    %dma_wait3A_881 = tpu.memref_squeeze %dma_wait3A_880 : memref<1x64xi32, #tpu.memory_space<vmem>> -> memref<64xi32, #tpu.memory_space<vmem>>
    %dma_wait3A_882 = arith.constant 0 : i32
    %dma_wait3A_883 = tpu.memref_slice %arg17[%dma_wait3A_882] : memref<10240xf32, #tpu.memory_space<vmem_shared>> -> memref<10240xf32, #tpu.memory_space<vmem_shared>>
    tpu.wait_indirect_dma semaphore(%arg28 : memref<!tpu.dma_semaphore, #tpu.memory_space<semaphore_mem>>) src(%arg14 : memref<64xf32, #tpu.memory_space<vmem>>) dst(%dma_wait3A_883 : memref<10240xf32, #tpu.memory_space<vmem_shared>>)
    %dma_wait3A_884 = arith.constant 0 : i32
    %dma_wait3A_885 = arith.constant 0 : i32
    %dma_wait3A_886 = tpu.memref_slice %arg9[%dma_wait3A_884, %dma_wait3A_885] : memref<40x64xi32, #tpu.memory_space<vmem>> -> memref<1x64xi32, #tpu.memory_space<vmem>>
    %dma_wait3A_887 = tpu.memref_squeeze %dma_wait3A_886 : memref<1x64xi32, #tpu.memory_space<vmem>> -> memref<64xi32, #tpu.memory_space<vmem>>
    %dma_wait3A_888 = arith.constant 0 : i32
    %dma_wait3A_889 = arith.constant 0 : i32
    %dma_wait3A_890 = tpu.memref_slice %arg16[%dma_wait3A_888, %dma_wait3A_889] : memref<10240x128xf32, #tpu.memory_space<vmem_shared>> -> memref<10240x128xf32, #tpu.memory_space<vmem_shared>>
    tpu.wait_indirect_dma semaphore(%arg25 : memref<!tpu.dma_semaphore, #tpu.memory_space<semaphore_mem>>) src(%arg13 : memref<64x128xf32, #tpu.memory_space<vmem>>) dst(%dma_wait3A_890 : memref<10240x128xf32, #tpu.memory_space<vmem_shared>>)
    %dma_wait3A_891 = arith.constant 0 : i32
    %dma_wait3A_892 = arith.constant 0 : i32
    %dma_wait3A_893 = tpu.memref_slice %arg9[%dma_wait3A_891, %dma_wait3A_892] : memref<40x64xi32, #tpu.memory_space<vmem>> -> memref<1x64xi32, #tpu.memory_space<vmem>>
    %dma_wait3A_894 = tpu.memref_squeeze %dma_wait3A_893 : memref<1x64xi32, #tpu.memory_space<vmem>> -> memref<64xi32, #tpu.memory_space<vmem>>
    %dma_wait3A_895 = arith.constant 0 : i32
    %dma_wait3A_896 = tpu.memref_slice %arg17[%dma_wait3A_895] : memref<10240xf32, #tpu.memory_space<vmem_shared>> -> memref<10240xf32, #tpu.memory_space<vmem_shared>>
    tpu.wait_indirect_dma semaphore(%arg29 : memref<!tpu.dma_semaphore, #tpu.memory_space<semaphore_mem>>) src(%arg14 : memref<64xf32, #tpu.memory_space<vmem>>) dst(%dma_wait3A_896 : memref<10240xf32, #tpu.memory_space<vmem_shared>>)
    %dma_wait3A_897 = arith.constant 0 : i32
    %dma_wait3A_898 = arith.constant 0 : i32
    %dma_wait3A_899 = tpu.memref_slice %arg8[%dma_wait3A_897, %dma_wait3A_898] : memref<40x64xi32, #tpu.memory_space<vmem>> -> memref<1x64xi32, #tpu.memory_space<vmem>>
    %dma_wait3A_900 = tpu.memref_squeeze %dma_wait3A_899 : memref<1x64xi32, #tpu.memory_space<vmem>> -> memref<64xi32, #tpu.memory_space<vmem>>
    %dma_wait3A_901 = arith.constant 0 : i32
    %dma_wait3A_902 = arith.constant 0 : i32
    %dma_wait3A_903 = tpu.memref_slice %arg2[%dma_wait3A_901, %dma_wait3A_902] : memref<10000x128xf32, #tpu.memory_space<hbm>> -> memref<10000x128xf32, #tpu.memory_space<hbm>>
    tpu.wait_indirect_dma semaphore(%arg18 : memref<!tpu.dma_semaphore, #tpu.memory_space<semaphore_mem>>) src(%dma_wait3A_903 : memref<10000x128xf32, #tpu.memory_space<hbm>>) dst(%arg10 : memref<64x128xf32, #tpu.memory_space<vmem>>)
    %dma_wait3A_904 = arith.constant 0 : i32
    %dma_wait3A_905 = arith.constant 0 : i32
    %dma_wait3A_906 = tpu.memref_slice %arg8[%dma_wait3A_904, %dma_wait3A_905] : memref<40x64xi32, #tpu.memory_space<vmem>> -> memref<1x64xi32, #tpu.memory_space<vmem>>
    %dma_wait3A_907 = tpu.memref_squeeze %dma_wait3A_906 : memref<1x64xi32, #tpu.memory_space<vmem>> -> memref<64xi32, #tpu.memory_space<vmem>>
    %dma_wait3A_908 = arith.constant 0 : i32
    %dma_wait3A_909 = arith.constant 0 : i32
    %dma_wait3A_910 = tpu.memref_slice %arg2[%dma_wait3A_908, %dma_wait3A_909] : memref<10000x128xf32, #tpu.memory_space<hbm>> -> memref<10000x128xf32, #tpu.memory_space<hbm>>
    tpu.wait_indirect_dma semaphore(%arg19 : memref<!tpu.dma_semaphore, #tpu.memory_space<semaphore_mem>>) src(%dma_wait3A_910 : memref<10000x128xf32, #tpu.memory_space<hbm>>) dst(%arg11 : memref<64x128xf32, #tpu.memory_space<vmem>>)
    %mul3A_911 = arith.constant 160 : i32
    %mul3A_912 = arith.muli %add3A, %mul3A_911 : i32
    %add3A_913 = arith.constant 120 : i32
    %add3A_914 = arith.addi %mul3A_912, %add3A_913 : i32
    "tpu.region"() ({
      %run_scoped3A = tpu.sem_alloc : memref<!tpu.dma_semaphore, #tpu.memory_space<semaphore_mem>>
      %dma_start3A_1165 = arith.constant 0 : i32
      %dma_start3A_1166 = tpu.memref_slice %arg3[%add3A_914, %dma_start3A_1165] : memref<5120x64xi32, #tpu.memory_space<hbm>> -> memref<40x64xi32, #tpu.memory_space<hbm>>
      %dma_start3A_1167 = arith.constant 0 : i32
      %dma_start3A_1168 = tpu.memref_slice %arg3[%add3A_914, %dma_start3A_1167] : memref<5120x64xi32, #tpu.memory_space<hbm>> -> memref<40x64xi32, #tpu.memory_space<hbm>>
      tpu.enqueue_dma source(%dma_start3A_1168 : memref<40x64xi32, #tpu.memory_space<hbm>>) target(%arg8 : memref<40x64xi32, #tpu.memory_space<vmem>>) target_semaphore(%run_scoped3A : memref<!tpu.dma_semaphore, #tpu.memory_space<semaphore_mem>>)
      %dma_wait3A_1169 = arith.constant 0 : i32
      %dma_wait3A_1170 = tpu.memref_slice %arg3[%add3A_914, %dma_wait3A_1169] : memref<5120x64xi32, #tpu.memory_space<hbm>> -> memref<40x64xi32, #tpu.memory_space<hbm>>
      %dma_wait3A_1171 = arith.constant 0 : i32
      %dma_wait3A_1172 = tpu.memref_slice %arg3[%add3A_914, %dma_wait3A_1171] : memref<5120x64xi32, #tpu.memory_space<hbm>> -> memref<40x64xi32, #tpu.memory_space<hbm>>
      tpu.wait_dma2 semaphore(%run_scoped3A : memref<!tpu.dma_semaphore, #tpu.memory_space<semaphore_mem>>) src(%dma_wait3A_1172 : memref<40x64xi32, #tpu.memory_space<hbm>>) dst(%arg8 : memref<40x64xi32, #tpu.memory_space<vmem>>)
      tpu.yield
    }) : () -> ()
    "tpu.region"() ({
      %run_scoped3A = tpu.sem_alloc : memref<!tpu.dma_semaphore, #tpu.memory_space<semaphore_mem>>
      %dma_start3A_1165 = arith.constant 0 : i32
      %dma_start3A_1166 = tpu.memref_slice %arg4[%add3A_914, %dma_start3A_1165] : memref<5120x64xi32, #tpu.memory_space<hbm>> -> memref<40x64xi32, #tpu.memory_space<hbm>>
      %dma_start3A_1167 = arith.constant 0 : i32
      %dma_start3A_1168 = tpu.memref_slice %arg4[%add3A_914, %dma_start3A_1167] : memref<5120x64xi32, #tpu.memory_space<hbm>> -> memref<40x64xi32, #tpu.memory_space<hbm>>
      tpu.enqueue_dma source(%dma_start3A_1168 : memref<40x64xi32, #tpu.memory_space<hbm>>) target(%arg9 : memref<40x64xi32, #tpu.memory_space<vmem>>) target_semaphore(%run_scoped3A : memref<!tpu.dma_semaphore, #tpu.memory_space<semaphore_mem>>)
      %dma_wait3A_1169 = arith.constant 0 : i32
      %dma_wait3A_1170 = tpu.memref_slice %arg4[%add3A_914, %dma_wait3A_1169] : memref<5120x64xi32, #tpu.memory_space<hbm>> -> memref<40x64xi32, #tpu.memory_space<hbm>>
      %dma_wait3A_1171 = arith.constant 0 : i32
      %dma_wait3A_1172 = tpu.memref_slice %arg4[%add3A_914, %dma_wait3A_1171] : memref<5120x64xi32, #tpu.memory_space<hbm>> -> memref<40x64xi32, #tpu.memory_space<hbm>>
      tpu.wait_dma2 semaphore(%run_scoped3A : memref<!tpu.dma_semaphore, #tpu.memory_space<semaphore_mem>>) src(%dma_wait3A_1172 : memref<40x64xi32, #tpu.memory_space<hbm>>) dst(%arg9 : memref<40x64xi32, #tpu.memory_space<vmem>>)
      tpu.yield
    }) : () -> ()
    %min3A_915 = arith.constant 0 : i32
    %min3A_916 = arith.constant 39 : i32
    %min3A_917 = arith.minsi %min3A_915, %min3A_916 : i32
    %dma_start3A_918 = arith.constant 0 : i32
    %dma_start3A_919 = tpu.memref_slice %arg8[%min3A_917, %dma_start3A_918] : memref<40x64xi32, #tpu.memory_space<vmem>> -> memref<1x64xi32, #tpu.memory_space<vmem>>
    %dma_start3A_920 = tpu.memref_squeeze %dma_start3A_919 : memref<1x64xi32, #tpu.memory_space<vmem>> -> memref<64xi32, #tpu.memory_space<vmem>>
    %dma_start3A_921 = arith.constant 0 : i32
    %dma_start3A_922 = arith.constant 0 : i32
    %dma_start3A_923 = tpu.memref_slice %arg2[%dma_start3A_921, %dma_start3A_922] : memref<10000x128xf32, #tpu.memory_space<hbm>> -> memref<10000x128xf32, #tpu.memory_space<hbm>>
    tpu.enqueue_indirect_dma source(%dma_start3A_923 : memref<10000x128xf32, #tpu.memory_space<hbm>>) target(%arg10 : memref<64x128xf32, #tpu.memory_space<vmem>>) offsets(%dma_start3A_920 : memref<64xi32, #tpu.memory_space<vmem>>) semaphore(%arg18 : memref<!tpu.dma_semaphore, #tpu.memory_space<semaphore_mem>>)
    %min3A_924 = arith.constant 1 : i32
    %min3A_925 = arith.constant 39 : i32
    %min3A_926 = arith.minsi %min3A_924, %min3A_925 : i32
    %dma_start3A_927 = arith.constant 0 : i32
    %dma_start3A_928 = tpu.memref_slice %arg8[%min3A_926, %dma_start3A_927] : memref<40x64xi32, #tpu.memory_space<vmem>> -> memref<1x64xi32, #tpu.memory_space<vmem>>
    %dma_start3A_929 = tpu.memref_squeeze %dma_start3A_928 : memref<1x64xi32, #tpu.memory_space<vmem>> -> memref<64xi32, #tpu.memory_space<vmem>>
    %dma_start3A_930 = arith.constant 0 : i32
    %dma_start3A_931 = arith.constant 0 : i32
    %dma_start3A_932 = tpu.memref_slice %arg2[%dma_start3A_930, %dma_start3A_931] : memref<10000x128xf32, #tpu.memory_space<hbm>> -> memref<10000x128xf32, #tpu.memory_space<hbm>>
    tpu.enqueue_indirect_dma source(%dma_start3A_932 : memref<10000x128xf32, #tpu.memory_space<hbm>>) target(%arg11 : memref<64x128xf32, #tpu.memory_space<vmem>>) offsets(%dma_start3A_929 : memref<64xi32, #tpu.memory_space<vmem>>) semaphore(%arg19 : memref<!tpu.dma_semaphore, #tpu.memory_space<semaphore_mem>>)
    %min3A_933 = arith.constant 2 : i32
    %min3A_934 = arith.constant 39 : i32
    %min3A_935 = arith.minsi %min3A_933, %min3A_934 : i32
    %dma_start3A_936 = arith.constant 0 : i32
    %dma_start3A_937 = tpu.memref_slice %arg8[%min3A_935, %dma_start3A_936] : memref<40x64xi32, #tpu.memory_space<vmem>> -> memref<1x64xi32, #tpu.memory_space<vmem>>
    %dma_start3A_938 = tpu.memref_squeeze %dma_start3A_937 : memref<1x64xi32, #tpu.memory_space<vmem>> -> memref<64xi32, #tpu.memory_space<vmem>>
    %dma_start3A_939 = arith.constant 0 : i32
    %dma_start3A_940 = arith.constant 0 : i32
    %dma_start3A_941 = tpu.memref_slice %arg2[%dma_start3A_939, %dma_start3A_940] : memref<10000x128xf32, #tpu.memory_space<hbm>> -> memref<10000x128xf32, #tpu.memory_space<hbm>>
    tpu.enqueue_indirect_dma source(%dma_start3A_941 : memref<10000x128xf32, #tpu.memory_space<hbm>>) target(%arg12 : memref<64x128xf32, #tpu.memory_space<vmem>>) offsets(%dma_start3A_938 : memref<64xi32, #tpu.memory_space<vmem>>) semaphore(%arg20 : memref<!tpu.dma_semaphore, #tpu.memory_space<semaphore_mem>>)
    %dma_wait3A_942 = arith.constant 0 : i32
    %dma_wait3A_943 = arith.constant 0 : i32
    %dma_wait3A_944 = tpu.memref_slice %arg8[%dma_wait3A_942, %dma_wait3A_943] : memref<40x64xi32, #tpu.memory_space<vmem>> -> memref<1x64xi32, #tpu.memory_space<vmem>>
    %dma_wait3A_945 = tpu.memref_squeeze %dma_wait3A_944 : memref<1x64xi32, #tpu.memory_space<vmem>> -> memref<64xi32, #tpu.memory_space<vmem>>
    %dma_wait3A_946 = arith.constant 0 : i32
    %dma_wait3A_947 = arith.constant 0 : i32
    %dma_wait3A_948 = tpu.memref_slice %arg2[%dma_wait3A_946, %dma_wait3A_947] : memref<10000x128xf32, #tpu.memory_space<hbm>> -> memref<10000x128xf32, #tpu.memory_space<hbm>>
    tpu.wait_indirect_dma semaphore(%arg18 : memref<!tpu.dma_semaphore, #tpu.memory_space<semaphore_mem>>) src(%dma_wait3A_948 : memref<10000x128xf32, #tpu.memory_space<hbm>>) dst(%arg10 : memref<64x128xf32, #tpu.memory_space<vmem>>)
    %dma_start3A_949 = arith.constant 0 : i32
    %dma_start3A_950 = arith.constant 0 : i32
    %dma_start3A_951 = tpu.memref_slice %arg9[%dma_start3A_949, %dma_start3A_950] : memref<40x64xi32, #tpu.memory_space<vmem>> -> memref<1x64xi32, #tpu.memory_space<vmem>>
    %dma_start3A_952 = tpu.memref_squeeze %dma_start3A_951 : memref<1x64xi32, #tpu.memory_space<vmem>> -> memref<64xi32, #tpu.memory_space<vmem>>
    %dma_start3A_953 = arith.constant 0 : i32
    %dma_start3A_954 = arith.constant 0 : i32
    %dma_start3A_955 = tpu.memref_slice %arg16[%dma_start3A_953, %dma_start3A_954] : memref<10240x128xf32, #tpu.memory_space<vmem_shared>> -> memref<10240x128xf32, #tpu.memory_space<vmem_shared>>
    tpu.enqueue_indirect_dma source(%arg10 : memref<64x128xf32, #tpu.memory_space<vmem>>) target(%dma_start3A_955 : memref<10240x128xf32, #tpu.memory_space<vmem_shared>>) offsets(%dma_start3A_952 : memref<64xi32, #tpu.memory_space<vmem>>) semaphore(%arg22 : memref<!tpu.dma_semaphore, #tpu.memory_space<semaphore_mem>>) {add = true}
    %dma_start3A_956 = arith.constant 0 : i32
    %dma_start3A_957 = arith.constant 0 : i32
    %dma_start3A_958 = tpu.memref_slice %arg9[%dma_start3A_956, %dma_start3A_957] : memref<40x64xi32, #tpu.memory_space<vmem>> -> memref<1x64xi32, #tpu.memory_space<vmem>>
    %dma_start3A_959 = tpu.memref_squeeze %dma_start3A_958 : memref<1x64xi32, #tpu.memory_space<vmem>> -> memref<64xi32, #tpu.memory_space<vmem>>
    %dma_start3A_960 = arith.constant 0 : i32
    %dma_start3A_961 = tpu.memref_slice %arg17[%dma_start3A_960] : memref<10240xf32, #tpu.memory_space<vmem_shared>> -> memref<10240xf32, #tpu.memory_space<vmem_shared>>
    tpu.enqueue_indirect_dma source(%arg14 : memref<64xf32, #tpu.memory_space<vmem>>) target(%dma_start3A_961 : memref<10240xf32, #tpu.memory_space<vmem_shared>>) offsets(%dma_start3A_959 : memref<64xi32, #tpu.memory_space<vmem>>) semaphore(%arg26 : memref<!tpu.dma_semaphore, #tpu.memory_space<semaphore_mem>>) {add = true}
    %min3A_962 = arith.constant 3 : i32
    %min3A_963 = arith.constant 39 : i32
    %min3A_964 = arith.minsi %min3A_962, %min3A_963 : i32
    %dma_start3A_965 = arith.constant 0 : i32
    %dma_start3A_966 = tpu.memref_slice %arg8[%min3A_964, %dma_start3A_965] : memref<40x64xi32, #tpu.memory_space<vmem>> -> memref<1x64xi32, #tpu.memory_space<vmem>>
    %dma_start3A_967 = tpu.memref_squeeze %dma_start3A_966 : memref<1x64xi32, #tpu.memory_space<vmem>> -> memref<64xi32, #tpu.memory_space<vmem>>
    %dma_start3A_968 = arith.constant 0 : i32
    %dma_start3A_969 = arith.constant 0 : i32
    %dma_start3A_970 = tpu.memref_slice %arg2[%dma_start3A_968, %dma_start3A_969] : memref<10000x128xf32, #tpu.memory_space<hbm>> -> memref<10000x128xf32, #tpu.memory_space<hbm>>
    tpu.enqueue_indirect_dma source(%dma_start3A_970 : memref<10000x128xf32, #tpu.memory_space<hbm>>) target(%arg13 : memref<64x128xf32, #tpu.memory_space<vmem>>) offsets(%dma_start3A_967 : memref<64xi32, #tpu.memory_space<vmem>>) semaphore(%arg21 : memref<!tpu.dma_semaphore, #tpu.memory_space<semaphore_mem>>)
    %dma_wait3A_971 = arith.constant 0 : i32
    %dma_wait3A_972 = arith.constant 0 : i32
    %dma_wait3A_973 = tpu.memref_slice %arg8[%dma_wait3A_971, %dma_wait3A_972] : memref<40x64xi32, #tpu.memory_space<vmem>> -> memref<1x64xi32, #tpu.memory_space<vmem>>
    %dma_wait3A_974 = tpu.memref_squeeze %dma_wait3A_973 : memref<1x64xi32, #tpu.memory_space<vmem>> -> memref<64xi32, #tpu.memory_space<vmem>>
    %dma_wait3A_975 = arith.constant 0 : i32
    %dma_wait3A_976 = arith.constant 0 : i32
    %dma_wait3A_977 = tpu.memref_slice %arg2[%dma_wait3A_975, %dma_wait3A_976] : memref<10000x128xf32, #tpu.memory_space<hbm>> -> memref<10000x128xf32, #tpu.memory_space<hbm>>
    tpu.wait_indirect_dma semaphore(%arg19 : memref<!tpu.dma_semaphore, #tpu.memory_space<semaphore_mem>>) src(%dma_wait3A_977 : memref<10000x128xf32, #tpu.memory_space<hbm>>) dst(%arg11 : memref<64x128xf32, #tpu.memory_space<vmem>>)
    %dma_start3A_978 = arith.constant 1 : i32
    %dma_start3A_979 = arith.constant 0 : i32
    %dma_start3A_980 = tpu.memref_slice %arg9[%dma_start3A_978, %dma_start3A_979] : memref<40x64xi32, #tpu.memory_space<vmem>> -> memref<1x64xi32, #tpu.memory_space<vmem>>
    %dma_start3A_981 = tpu.memref_squeeze %dma_start3A_980 : memref<1x64xi32, #tpu.memory_space<vmem>> -> memref<64xi32, #tpu.memory_space<vmem>>
    %dma_start3A_982 = arith.constant 0 : i32
    %dma_start3A_983 = arith.constant 0 : i32
    %dma_start3A_984 = tpu.memref_slice %arg16[%dma_start3A_982, %dma_start3A_983] : memref<10240x128xf32, #tpu.memory_space<vmem_shared>> -> memref<10240x128xf32, #tpu.memory_space<vmem_shared>>
    tpu.enqueue_indirect_dma source(%arg11 : memref<64x128xf32, #tpu.memory_space<vmem>>) target(%dma_start3A_984 : memref<10240x128xf32, #tpu.memory_space<vmem_shared>>) offsets(%dma_start3A_981 : memref<64xi32, #tpu.memory_space<vmem>>) semaphore(%arg23 : memref<!tpu.dma_semaphore, #tpu.memory_space<semaphore_mem>>) {add = true}
    %dma_start3A_985 = arith.constant 1 : i32
    %dma_start3A_986 = arith.constant 0 : i32
    %dma_start3A_987 = tpu.memref_slice %arg9[%dma_start3A_985, %dma_start3A_986] : memref<40x64xi32, #tpu.memory_space<vmem>> -> memref<1x64xi32, #tpu.memory_space<vmem>>
    %dma_start3A_988 = tpu.memref_squeeze %dma_start3A_987 : memref<1x64xi32, #tpu.memory_space<vmem>> -> memref<64xi32, #tpu.memory_space<vmem>>
    %dma_start3A_989 = arith.constant 0 : i32
    %dma_start3A_990 = tpu.memref_slice %arg17[%dma_start3A_989] : memref<10240xf32, #tpu.memory_space<vmem_shared>> -> memref<10240xf32, #tpu.memory_space<vmem_shared>>
    tpu.enqueue_indirect_dma source(%arg14 : memref<64xf32, #tpu.memory_space<vmem>>) target(%dma_start3A_990 : memref<10240xf32, #tpu.memory_space<vmem_shared>>) offsets(%dma_start3A_988 : memref<64xi32, #tpu.memory_space<vmem>>) semaphore(%arg27 : memref<!tpu.dma_semaphore, #tpu.memory_space<semaphore_mem>>) {add = true}
    %dma_wait3A_991 = arith.constant 0 : i32
    %dma_wait3A_992 = arith.constant 0 : i32
    %dma_wait3A_993 = tpu.memref_slice %arg9[%dma_wait3A_991, %dma_wait3A_992] : memref<40x64xi32, #tpu.memory_space<vmem>> -> memref<1x64xi32, #tpu.memory_space<vmem>>
    %dma_wait3A_994 = tpu.memref_squeeze %dma_wait3A_993 : memref<1x64xi32, #tpu.memory_space<vmem>> -> memref<64xi32, #tpu.memory_space<vmem>>
    %dma_wait3A_995 = arith.constant 0 : i32
    %dma_wait3A_996 = arith.constant 0 : i32
    %dma_wait3A_997 = tpu.memref_slice %arg16[%dma_wait3A_995, %dma_wait3A_996] : memref<10240x128xf32, #tpu.memory_space<vmem_shared>> -> memref<10240x128xf32, #tpu.memory_space<vmem_shared>>
    tpu.wait_indirect_dma semaphore(%arg22 : memref<!tpu.dma_semaphore, #tpu.memory_space<semaphore_mem>>) src(%arg10 : memref<64x128xf32, #tpu.memory_space<vmem>>) dst(%dma_wait3A_997 : memref<10240x128xf32, #tpu.memory_space<vmem_shared>>)
    %dma_wait3A_998 = arith.constant 0 : i32
    %dma_wait3A_999 = arith.constant 0 : i32
    %dma_wait3A_1000 = tpu.memref_slice %arg9[%dma_wait3A_998, %dma_wait3A_999] : memref<40x64xi32, #tpu.memory_space<vmem>> -> memref<1x64xi32, #tpu.memory_space<vmem>>
    %dma_wait3A_1001 = tpu.memref_squeeze %dma_wait3A_1000 : memref<1x64xi32, #tpu.memory_space<vmem>> -> memref<64xi32, #tpu.memory_space<vmem>>
    %dma_wait3A_1002 = arith.constant 0 : i32
    %dma_wait3A_1003 = tpu.memref_slice %arg17[%dma_wait3A_1002] : memref<10240xf32, #tpu.memory_space<vmem_shared>> -> memref<10240xf32, #tpu.memory_space<vmem_shared>>
    tpu.wait_indirect_dma semaphore(%arg26 : memref<!tpu.dma_semaphore, #tpu.memory_space<semaphore_mem>>) src(%arg14 : memref<64xf32, #tpu.memory_space<vmem>>) dst(%dma_wait3A_1003 : memref<10240xf32, #tpu.memory_space<vmem_shared>>)
    %min3A_1004 = arith.constant 4 : i32
    %min3A_1005 = arith.constant 39 : i32
    %min3A_1006 = arith.minsi %min3A_1004, %min3A_1005 : i32
    %dma_start3A_1007 = arith.constant 0 : i32
    %dma_start3A_1008 = tpu.memref_slice %arg8[%min3A_1006, %dma_start3A_1007] : memref<40x64xi32, #tpu.memory_space<vmem>> -> memref<1x64xi32, #tpu.memory_space<vmem>>
    %dma_start3A_1009 = tpu.memref_squeeze %dma_start3A_1008 : memref<1x64xi32, #tpu.memory_space<vmem>> -> memref<64xi32, #tpu.memory_space<vmem>>
    %dma_start3A_1010 = arith.constant 0 : i32
    %dma_start3A_1011 = arith.constant 0 : i32
    %dma_start3A_1012 = tpu.memref_slice %arg2[%dma_start3A_1010, %dma_start3A_1011] : memref<10000x128xf32, #tpu.memory_space<hbm>> -> memref<10000x128xf32, #tpu.memory_space<hbm>>
    tpu.enqueue_indirect_dma source(%dma_start3A_1012 : memref<10000x128xf32, #tpu.memory_space<hbm>>) target(%arg10 : memref<64x128xf32, #tpu.memory_space<vmem>>) offsets(%dma_start3A_1009 : memref<64xi32, #tpu.memory_space<vmem>>) semaphore(%arg18 : memref<!tpu.dma_semaphore, #tpu.memory_space<semaphore_mem>>)
    %dma_wait3A_1013 = arith.constant 0 : i32
    %dma_wait3A_1014 = arith.constant 0 : i32
    %dma_wait3A_1015 = tpu.memref_slice %arg8[%dma_wait3A_1013, %dma_wait3A_1014] : memref<40x64xi32, #tpu.memory_space<vmem>> -> memref<1x64xi32, #tpu.memory_space<vmem>>
    %dma_wait3A_1016 = tpu.memref_squeeze %dma_wait3A_1015 : memref<1x64xi32, #tpu.memory_space<vmem>> -> memref<64xi32, #tpu.memory_space<vmem>>
    %dma_wait3A_1017 = arith.constant 0 : i32
    %dma_wait3A_1018 = arith.constant 0 : i32
    %dma_wait3A_1019 = tpu.memref_slice %arg2[%dma_wait3A_1017, %dma_wait3A_1018] : memref<10000x128xf32, #tpu.memory_space<hbm>> -> memref<10000x128xf32, #tpu.memory_space<hbm>>
    tpu.wait_indirect_dma semaphore(%arg20 : memref<!tpu.dma_semaphore, #tpu.memory_space<semaphore_mem>>) src(%dma_wait3A_1019 : memref<10000x128xf32, #tpu.memory_space<hbm>>) dst(%arg12 : memref<64x128xf32, #tpu.memory_space<vmem>>)
    %dma_start3A_1020 = arith.constant 2 : i32
    %dma_start3A_1021 = arith.constant 0 : i32
    %dma_start3A_1022 = tpu.memref_slice %arg9[%dma_start3A_1020, %dma_start3A_1021] : memref<40x64xi32, #tpu.memory_space<vmem>> -> memref<1x64xi32, #tpu.memory_space<vmem>>
    %dma_start3A_1023 = tpu.memref_squeeze %dma_start3A_1022 : memref<1x64xi32, #tpu.memory_space<vmem>> -> memref<64xi32, #tpu.memory_space<vmem>>
    %dma_start3A_1024 = arith.constant 0 : i32
    %dma_start3A_1025 = arith.constant 0 : i32
    %dma_start3A_1026 = tpu.memref_slice %arg16[%dma_start3A_1024, %dma_start3A_1025] : memref<10240x128xf32, #tpu.memory_space<vmem_shared>> -> memref<10240x128xf32, #tpu.memory_space<vmem_shared>>
    tpu.enqueue_indirect_dma source(%arg12 : memref<64x128xf32, #tpu.memory_space<vmem>>) target(%dma_start3A_1026 : memref<10240x128xf32, #tpu.memory_space<vmem_shared>>) offsets(%dma_start3A_1023 : memref<64xi32, #tpu.memory_space<vmem>>) semaphore(%arg24 : memref<!tpu.dma_semaphore, #tpu.memory_space<semaphore_mem>>) {add = true}
    %dma_start3A_1027 = arith.constant 2 : i32
    %dma_start3A_1028 = arith.constant 0 : i32
    %dma_start3A_1029 = tpu.memref_slice %arg9[%dma_start3A_1027, %dma_start3A_1028] : memref<40x64xi32, #tpu.memory_space<vmem>> -> memref<1x64xi32, #tpu.memory_space<vmem>>
    %dma_start3A_1030 = tpu.memref_squeeze %dma_start3A_1029 : memref<1x64xi32, #tpu.memory_space<vmem>> -> memref<64xi32, #tpu.memory_space<vmem>>
    %dma_start3A_1031 = arith.constant 0 : i32
    %dma_start3A_1032 = tpu.memref_slice %arg17[%dma_start3A_1031] : memref<10240xf32, #tpu.memory_space<vmem_shared>> -> memref<10240xf32, #tpu.memory_space<vmem_shared>>
    tpu.enqueue_indirect_dma source(%arg14 : memref<64xf32, #tpu.memory_space<vmem>>) target(%dma_start3A_1032 : memref<10240xf32, #tpu.memory_space<vmem_shared>>) offsets(%dma_start3A_1030 : memref<64xi32, #tpu.memory_space<vmem>>) semaphore(%arg28 : memref<!tpu.dma_semaphore, #tpu.memory_space<semaphore_mem>>) {add = true}
    %dma_wait3A_1033 = arith.constant 0 : i32
    %dma_wait3A_1034 = arith.constant 0 : i32
    %dma_wait3A_1035 = tpu.memref_slice %arg9[%dma_wait3A_1033, %dma_wait3A_1034] : memref<40x64xi32, #tpu.memory_space<vmem>> -> memref<1x64xi32, #tpu.memory_space<vmem>>
    %dma_wait3A_1036 = tpu.memref_squeeze %dma_wait3A_1035 : memref<1x64xi32, #tpu.memory_space<vmem>> -> memref<64xi32, #tpu.memory_space<vmem>>
    %dma_wait3A_1037 = arith.constant 0 : i32
    %dma_wait3A_1038 = arith.constant 0 : i32
    %dma_wait3A_1039 = tpu.memref_slice %arg16[%dma_wait3A_1037, %dma_wait3A_1038] : memref<10240x128xf32, #tpu.memory_space<vmem_shared>> -> memref<10240x128xf32, #tpu.memory_space<vmem_shared>>
    tpu.wait_indirect_dma semaphore(%arg23 : memref<!tpu.dma_semaphore, #tpu.memory_space<semaphore_mem>>) src(%arg11 : memref<64x128xf32, #tpu.memory_space<vmem>>) dst(%dma_wait3A_1039 : memref<10240x128xf32, #tpu.memory_space<vmem_shared>>)
    %dma_wait3A_1040 = arith.constant 0 : i32
    %dma_wait3A_1041 = arith.constant 0 : i32
    %dma_wait3A_1042 = tpu.memref_slice %arg9[%dma_wait3A_1040, %dma_wait3A_1041] : memref<40x64xi32, #tpu.memory_space<vmem>> -> memref<1x64xi32, #tpu.memory_space<vmem>>
    %dma_wait3A_1043 = tpu.memref_squeeze %dma_wait3A_1042 : memref<1x64xi32, #tpu.memory_space<vmem>> -> memref<64xi32, #tpu.memory_space<vmem>>
    %dma_wait3A_1044 = arith.constant 0 : i32
    %dma_wait3A_1045 = tpu.memref_slice %arg17[%dma_wait3A_1044] : memref<10240xf32, #tpu.memory_space<vmem_shared>> -> memref<10240xf32, #tpu.memory_space<vmem_shared>>
    tpu.wait_indirect_dma semaphore(%arg27 : memref<!tpu.dma_semaphore, #tpu.memory_space<semaphore_mem>>) src(%arg14 : memref<64xf32, #tpu.memory_space<vmem>>) dst(%dma_wait3A_1045 : memref<10240xf32, #tpu.memory_space<vmem_shared>>)
    %min3A_1046 = arith.constant 5 : i32
    %min3A_1047 = arith.constant 39 : i32
    %min3A_1048 = arith.minsi %min3A_1046, %min3A_1047 : i32
    %dma_start3A_1049 = arith.constant 0 : i32
    %dma_start3A_1050 = tpu.memref_slice %arg8[%min3A_1048, %dma_start3A_1049] : memref<40x64xi32, #tpu.memory_space<vmem>> -> memref<1x64xi32, #tpu.memory_space<vmem>>
    %dma_start3A_1051 = tpu.memref_squeeze %dma_start3A_1050 : memref<1x64xi32, #tpu.memory_space<vmem>> -> memref<64xi32, #tpu.memory_space<vmem>>
    %dma_start3A_1052 = arith.constant 0 : i32
    %dma_start3A_1053 = arith.constant 0 : i32
    %dma_start3A_1054 = tpu.memref_slice %arg2[%dma_start3A_1052, %dma_start3A_1053] : memref<10000x128xf32, #tpu.memory_space<hbm>> -> memref<10000x128xf32, #tpu.memory_space<hbm>>
    tpu.enqueue_indirect_dma source(%dma_start3A_1054 : memref<10000x128xf32, #tpu.memory_space<hbm>>) target(%arg11 : memref<64x128xf32, #tpu.memory_space<vmem>>) offsets(%dma_start3A_1051 : memref<64xi32, #tpu.memory_space<vmem>>) semaphore(%arg19 : memref<!tpu.dma_semaphore, #tpu.memory_space<semaphore_mem>>)
    %dma_wait3A_1055 = arith.constant 0 : i32
    %dma_wait3A_1056 = arith.constant 0 : i32
    %dma_wait3A_1057 = tpu.memref_slice %arg8[%dma_wait3A_1055, %dma_wait3A_1056] : memref<40x64xi32, #tpu.memory_space<vmem>> -> memref<1x64xi32, #tpu.memory_space<vmem>>
    %dma_wait3A_1058 = tpu.memref_squeeze %dma_wait3A_1057 : memref<1x64xi32, #tpu.memory_space<vmem>> -> memref<64xi32, #tpu.memory_space<vmem>>
    %dma_wait3A_1059 = arith.constant 0 : i32
    %dma_wait3A_1060 = arith.constant 0 : i32
    %dma_wait3A_1061 = tpu.memref_slice %arg2[%dma_wait3A_1059, %dma_wait3A_1060] : memref<10000x128xf32, #tpu.memory_space<hbm>> -> memref<10000x128xf32, #tpu.memory_space<hbm>>
    tpu.wait_indirect_dma semaphore(%arg21 : memref<!tpu.dma_semaphore, #tpu.memory_space<semaphore_mem>>) src(%dma_wait3A_1061 : memref<10000x128xf32, #tpu.memory_space<hbm>>) dst(%arg13 : memref<64x128xf32, #tpu.memory_space<vmem>>)
    %dma_start3A_1062 = arith.constant 3 : i32
    %dma_start3A_1063 = arith.constant 0 : i32
    %dma_start3A_1064 = tpu.memref_slice %arg9[%dma_start3A_1062, %dma_start3A_1063] : memref<40x64xi32, #tpu.memory_space<vmem>> -> memref<1x64xi32, #tpu.memory_space<vmem>>
    %dma_start3A_1065 = tpu.memref_squeeze %dma_start3A_1064 : memref<1x64xi32, #tpu.memory_space<vmem>> -> memref<64xi32, #tpu.memory_space<vmem>>
    %dma_start3A_1066 = arith.constant 0 : i32
    %dma_start3A_1067 = arith.constant 0 : i32
    %dma_start3A_1068 = tpu.memref_slice %arg16[%dma_start3A_1066, %dma_start3A_1067] : memref<10240x128xf32, #tpu.memory_space<vmem_shared>> -> memref<10240x128xf32, #tpu.memory_space<vmem_shared>>
    tpu.enqueue_indirect_dma source(%arg13 : memref<64x128xf32, #tpu.memory_space<vmem>>) target(%dma_start3A_1068 : memref<10240x128xf32, #tpu.memory_space<vmem_shared>>) offsets(%dma_start3A_1065 : memref<64xi32, #tpu.memory_space<vmem>>) semaphore(%arg25 : memref<!tpu.dma_semaphore, #tpu.memory_space<semaphore_mem>>) {add = true}
    %dma_start3A_1069 = arith.constant 3 : i32
    %dma_start3A_1070 = arith.constant 0 : i32
    %dma_start3A_1071 = tpu.memref_slice %arg9[%dma_start3A_1069, %dma_start3A_1070] : memref<40x64xi32, #tpu.memory_space<vmem>> -> memref<1x64xi32, #tpu.memory_space<vmem>>
    %dma_start3A_1072 = tpu.memref_squeeze %dma_start3A_1071 : memref<1x64xi32, #tpu.memory_space<vmem>> -> memref<64xi32, #tpu.memory_space<vmem>>
    %dma_start3A_1073 = arith.constant 0 : i32
    %dma_start3A_1074 = tpu.memref_slice %arg17[%dma_start3A_1073] : memref<10240xf32, #tpu.memory_space<vmem_shared>> -> memref<10240xf32, #tpu.memory_space<vmem_shared>>
    tpu.enqueue_indirect_dma source(%arg14 : memref<64xf32, #tpu.memory_space<vmem>>) target(%dma_start3A_1074 : memref<10240xf32, #tpu.memory_space<vmem_shared>>) offsets(%dma_start3A_1072 : memref<64xi32, #tpu.memory_space<vmem>>) semaphore(%arg29 : memref<!tpu.dma_semaphore, #tpu.memory_space<semaphore_mem>>) {add = true}
    %scan3A_1075 = arith.constant 0 : i32
    %scan3A_1076 = arith.constant 1 : i32
    %scan3A_1077 = arith.constant 9 : i32
    %scan3A_1078 = arith.addi %scan3A_1076, %scan3A_1077 : i32
    %scan3A_1079 = arith.constant 1 : i32
    scf.for %scan3A_1165 = %scan3A_1076 to %scan3A_1078 step %scan3A_1079  : i32 {
      %mul3A_1166 = arith.constant 4 : i32
      %mul3A_1167 = arith.muli %scan3A_1165, %mul3A_1166 : i32
      %add3A_1168 = arith.constant 0 : i32
      %add3A_1169 = arith.addi %mul3A_1167, %add3A_1168 : i32
      %dma_wait3A_1170 = arith.constant 0 : i32
      %dma_wait3A_1171 = arith.constant 0 : i32
      %dma_wait3A_1172 = tpu.memref_slice %arg9[%dma_wait3A_1170, %dma_wait3A_1171] : memref<40x64xi32, #tpu.memory_space<vmem>> -> memref<1x64xi32, #tpu.memory_space<vmem>>
      %dma_wait3A_1173 = tpu.memref_squeeze %dma_wait3A_1172 : memref<1x64xi32, #tpu.memory_space<vmem>> -> memref<64xi32, #tpu.memory_space<vmem>>
      %dma_wait3A_1174 = arith.constant 0 : i32
      %dma_wait3A_1175 = arith.constant 0 : i32
      %dma_wait3A_1176 = tpu.memref_slice %arg16[%dma_wait3A_1174, %dma_wait3A_1175] : memref<10240x128xf32, #tpu.memory_space<vmem_shared>> -> memref<10240x128xf32, #tpu.memory_space<vmem_shared>>
      tpu.wait_indirect_dma semaphore(%arg24 : memref<!tpu.dma_semaphore, #tpu.memory_space<semaphore_mem>>) src(%arg12 : memref<64x128xf32, #tpu.memory_space<vmem>>) dst(%dma_wait3A_1176 : memref<10240x128xf32, #tpu.memory_space<vmem_shared>>)
      %dma_wait3A_1177 = arith.constant 0 : i32
      %dma_wait3A_1178 = arith.constant 0 : i32
      %dma_wait3A_1179 = tpu.memref_slice %arg9[%dma_wait3A_1177, %dma_wait3A_1178] : memref<40x64xi32, #tpu.memory_space<vmem>> -> memref<1x64xi32, #tpu.memory_space<vmem>>
      %dma_wait3A_1180 = tpu.memref_squeeze %dma_wait3A_1179 : memref<1x64xi32, #tpu.memory_space<vmem>> -> memref<64xi32, #tpu.memory_space<vmem>>
      %dma_wait3A_1181 = arith.constant 0 : i32
      %dma_wait3A_1182 = tpu.memref_slice %arg17[%dma_wait3A_1181] : memref<10240xf32, #tpu.memory_space<vmem_shared>> -> memref<10240xf32, #tpu.memory_space<vmem_shared>>
      tpu.wait_indirect_dma semaphore(%arg28 : memref<!tpu.dma_semaphore, #tpu.memory_space<semaphore_mem>>) src(%arg14 : memref<64xf32, #tpu.memory_space<vmem>>) dst(%dma_wait3A_1182 : memref<10240xf32, #tpu.memory_space<vmem_shared>>)
      %add3A_1183 = arith.constant 2 : i32
      %add3A_1184 = arith.addi %add3A_1169, %add3A_1183 : i32
      %min3A_1185 = arith.constant 39 : i32
      %min3A_1186 = arith.minsi %add3A_1184, %min3A_1185 : i32
      %dma_start3A_1187 = arith.constant 0 : i32
      %dma_start3A_1188 = tpu.memref_slice %arg8[%min3A_1186, %dma_start3A_1187] : memref<40x64xi32, #tpu.memory_space<vmem>> -> memref<1x64xi32, #tpu.memory_space<vmem>>
      %dma_start3A_1189 = tpu.memref_squeeze %dma_start3A_1188 : memref<1x64xi32, #tpu.memory_space<vmem>> -> memref<64xi32, #tpu.memory_space<vmem>>
      %dma_start3A_1190 = arith.constant 0 : i32
      %dma_start3A_1191 = arith.constant 0 : i32
      %dma_start3A_1192 = tpu.memref_slice %arg2[%dma_start3A_1190, %dma_start3A_1191] : memref<10000x128xf32, #tpu.memory_space<hbm>> -> memref<10000x128xf32, #tpu.memory_space<hbm>>
      tpu.enqueue_indirect_dma source(%dma_start3A_1192 : memref<10000x128xf32, #tpu.memory_space<hbm>>) target(%arg12 : memref<64x128xf32, #tpu.memory_space<vmem>>) offsets(%dma_start3A_1189 : memref<64xi32, #tpu.memory_space<vmem>>) semaphore(%arg20 : memref<!tpu.dma_semaphore, #tpu.memory_space<semaphore_mem>>)
      %dma_wait3A_1193 = arith.constant 0 : i32
      %dma_wait3A_1194 = arith.constant 0 : i32
      %dma_wait3A_1195 = tpu.memref_slice %arg8[%dma_wait3A_1193, %dma_wait3A_1194] : memref<40x64xi32, #tpu.memory_space<vmem>> -> memref<1x64xi32, #tpu.memory_space<vmem>>
      %dma_wait3A_1196 = tpu.memref_squeeze %dma_wait3A_1195 : memref<1x64xi32, #tpu.memory_space<vmem>> -> memref<64xi32, #tpu.memory_space<vmem>>
      %dma_wait3A_1197 = arith.constant 0 : i32
      %dma_wait3A_1198 = arith.constant 0 : i32
      %dma_wait3A_1199 = tpu.memref_slice %arg2[%dma_wait3A_1197, %dma_wait3A_1198] : memref<10000x128xf32, #tpu.memory_space<hbm>> -> memref<10000x128xf32, #tpu.memory_space<hbm>>
      tpu.wait_indirect_dma semaphore(%arg18 : memref<!tpu.dma_semaphore, #tpu.memory_space<semaphore_mem>>) src(%dma_wait3A_1199 : memref<10000x128xf32, #tpu.memory_space<hbm>>) dst(%arg10 : memref<64x128xf32, #tpu.memory_space<vmem>>)
      %dma_start3A_1200 = arith.constant 0 : i32
      %dma_start3A_1201 = tpu.memref_slice %arg9[%add3A_1169, %dma_start3A_1200] : memref<40x64xi32, #tpu.memory_space<vmem>> -> memref<1x64xi32, #tpu.memory_space<vmem>>
      %dma_start3A_1202 = tpu.memref_squeeze %dma_start3A_1201 : memref<1x64xi32, #tpu.memory_space<vmem>> -> memref<64xi32, #tpu.memory_space<vmem>>
      %dma_start3A_1203 = arith.constant 0 : i32
      %dma_start3A_1204 = arith.constant 0 : i32
      %dma_start3A_1205 = tpu.memref_slice %arg16[%dma_start3A_1203, %dma_start3A_1204] : memref<10240x128xf32, #tpu.memory_space<vmem_shared>> -> memref<10240x128xf32, #tpu.memory_space<vmem_shared>>
      tpu.enqueue_indirect_dma source(%arg10 : memref<64x128xf32, #tpu.memory_space<vmem>>) target(%dma_start3A_1205 : memref<10240x128xf32, #tpu.memory_space<vmem_shared>>) offsets(%dma_start3A_1202 : memref<64xi32, #tpu.memory_space<vmem>>) semaphore(%arg22 : memref<!tpu.dma_semaphore, #tpu.memory_space<semaphore_mem>>) {add = true}
      %dma_start3A_1206 = arith.constant 0 : i32
      %dma_start3A_1207 = tpu.memref_slice %arg9[%add3A_1169, %dma_start3A_1206] : memref<40x64xi32, #tpu.memory_space<vmem>> -> memref<1x64xi32, #tpu.memory_space<vmem>>
      %dma_start3A_1208 = tpu.memref_squeeze %dma_start3A_1207 : memref<1x64xi32, #tpu.memory_space<vmem>> -> memref<64xi32, #tpu.memory_space<vmem>>
      %dma_start3A_1209 = arith.constant 0 : i32
      %dma_start3A_1210 = tpu.memref_slice %arg17[%dma_start3A_1209] : memref<10240xf32, #tpu.memory_space<vmem_shared>> -> memref<10240xf32, #tpu.memory_space<vmem_shared>>
      tpu.enqueue_indirect_dma source(%arg14 : memref<64xf32, #tpu.memory_space<vmem>>) target(%dma_start3A_1210 : memref<10240xf32, #tpu.memory_space<vmem_shared>>) offsets(%dma_start3A_1208 : memref<64xi32, #tpu.memory_space<vmem>>) semaphore(%arg26 : memref<!tpu.dma_semaphore, #tpu.memory_space<semaphore_mem>>) {add = true}
      %mul3A_1211 = arith.constant 4 : i32
      %mul3A_1212 = arith.muli %scan3A_1165, %mul3A_1211 : i32
      %add3A_1213 = arith.constant 1 : i32
      %add3A_1214 = arith.addi %mul3A_1212, %add3A_1213 : i32
      %dma_wait3A_1215 = arith.constant 0 : i32
      %dma_wait3A_1216 = arith.constant 0 : i32
      %dma_wait3A_1217 = tpu.memref_slice %arg9[%dma_wait3A_1215, %dma_wait3A_1216] : memref<40x64xi32, #tpu.memory_space<vmem>> -> memref<1x64xi32, #tpu.memory_space<vmem>>
      %dma_wait3A_1218 = tpu.memref_squeeze %dma_wait3A_1217 : memref<1x64xi32, #tpu.memory_space<vmem>> -> memref<64xi32, #tpu.memory_space<vmem>>
      %dma_wait3A_1219 = arith.constant 0 : i32
      %dma_wait3A_1220 = arith.constant 0 : i32
      %dma_wait3A_1221 = tpu.memref_slice %arg16[%dma_wait3A_1219, %dma_wait3A_1220] : memref<10240x128xf32, #tpu.memory_space<vmem_shared>> -> memref<10240x128xf32, #tpu.memory_space<vmem_shared>>
      tpu.wait_indirect_dma semaphore(%arg25 : memref<!tpu.dma_semaphore, #tpu.memory_space<semaphore_mem>>) src(%arg13 : memref<64x128xf32, #tpu.memory_space<vmem>>) dst(%dma_wait3A_1221 : memref<10240x128xf32, #tpu.memory_space<vmem_shared>>)
      %dma_wait3A_1222 = arith.constant 0 : i32
      %dma_wait3A_1223 = arith.constant 0 : i32
      %dma_wait3A_1224 = tpu.memref_slice %arg9[%dma_wait3A_1222, %dma_wait3A_1223] : memref<40x64xi32, #tpu.memory_space<vmem>> -> memref<1x64xi32, #tpu.memory_space<vmem>>
      %dma_wait3A_1225 = tpu.memref_squeeze %dma_wait3A_1224 : memref<1x64xi32, #tpu.memory_space<vmem>> -> memref<64xi32, #tpu.memory_space<vmem>>
      %dma_wait3A_1226 = arith.constant 0 : i32
      %dma_wait3A_1227 = tpu.memref_slice %arg17[%dma_wait3A_1226] : memref<10240xf32, #tpu.memory_space<vmem_shared>> -> memref<10240xf32, #tpu.memory_space<vmem_shared>>
      tpu.wait_indirect_dma semaphore(%arg29 : memref<!tpu.dma_semaphore, #tpu.memory_space<semaphore_mem>>) src(%arg14 : memref<64xf32, #tpu.memory_space<vmem>>) dst(%dma_wait3A_1227 : memref<10240xf32, #tpu.memory_space<vmem_shared>>)
      %add3A_1228 = arith.constant 2 : i32
      %add3A_1229 = arith.addi %add3A_1214, %add3A_1228 : i32
      %min3A_1230 = arith.constant 39 : i32
      %min3A_1231 = arith.minsi %add3A_1229, %min3A_1230 : i32
      %dma_start3A_1232 = arith.constant 0 : i32
      %dma_start3A_1233 = tpu.memref_slice %arg8[%min3A_1231, %dma_start3A_1232] : memref<40x64xi32, #tpu.memory_space<vmem>> -> memref<1x64xi32, #tpu.memory_space<vmem>>
      %dma_start3A_1234 = tpu.memref_squeeze %dma_start3A_1233 : memref<1x64xi32, #tpu.memory_space<vmem>> -> memref<64xi32, #tpu.memory_space<vmem>>
      %dma_start3A_1235 = arith.constant 0 : i32
      %dma_start3A_1236 = arith.constant 0 : i32
      %dma_start3A_1237 = tpu.memref_slice %arg2[%dma_start3A_1235, %dma_start3A_1236] : memref<10000x128xf32, #tpu.memory_space<hbm>> -> memref<10000x128xf32, #tpu.memory_space<hbm>>
      tpu.enqueue_indirect_dma source(%dma_start3A_1237 : memref<10000x128xf32, #tpu.memory_space<hbm>>) target(%arg13 : memref<64x128xf32, #tpu.memory_space<vmem>>) offsets(%dma_start3A_1234 : memref<64xi32, #tpu.memory_space<vmem>>) semaphore(%arg21 : memref<!tpu.dma_semaphore, #tpu.memory_space<semaphore_mem>>)
      %dma_wait3A_1238 = arith.constant 0 : i32
      %dma_wait3A_1239 = arith.constant 0 : i32
      %dma_wait3A_1240 = tpu.memref_slice %arg8[%dma_wait3A_1238, %dma_wait3A_1239] : memref<40x64xi32, #tpu.memory_space<vmem>> -> memref<1x64xi32, #tpu.memory_space<vmem>>
      %dma_wait3A_1241 = tpu.memref_squeeze %dma_wait3A_1240 : memref<1x64xi32, #tpu.memory_space<vmem>> -> memref<64xi32, #tpu.memory_space<vmem>>
      %dma_wait3A_1242 = arith.constant 0 : i32
      %dma_wait3A_1243 = arith.constant 0 : i32
      %dma_wait3A_1244 = tpu.memref_slice %arg2[%dma_wait3A_1242, %dma_wait3A_1243] : memref<10000x128xf32, #tpu.memory_space<hbm>> -> memref<10000x128xf32, #tpu.memory_space<hbm>>
      tpu.wait_indirect_dma semaphore(%arg19 : memref<!tpu.dma_semaphore, #tpu.memory_space<semaphore_mem>>) src(%dma_wait3A_1244 : memref<10000x128xf32, #tpu.memory_space<hbm>>) dst(%arg11 : memref<64x128xf32, #tpu.memory_space<vmem>>)
      %dma_start3A_1245 = arith.constant 0 : i32
      %dma_start3A_1246 = tpu.memref_slice %arg9[%add3A_1214, %dma_start3A_1245] : memref<40x64xi32, #tpu.memory_space<vmem>> -> memref<1x64xi32, #tpu.memory_space<vmem>>
      %dma_start3A_1247 = tpu.memref_squeeze %dma_start3A_1246 : memref<1x64xi32, #tpu.memory_space<vmem>> -> memref<64xi32, #tpu.memory_space<vmem>>
      %dma_start3A_1248 = arith.constant 0 : i32
      %dma_start3A_1249 = arith.constant 0 : i32
      %dma_start3A_1250 = tpu.memref_slice %arg16[%dma_start3A_1248, %dma_start3A_1249] : memref<10240x128xf32, #tpu.memory_space<vmem_shared>> -> memref<10240x128xf32, #tpu.memory_space<vmem_shared>>
      tpu.enqueue_indirect_dma source(%arg11 : memref<64x128xf32, #tpu.memory_space<vmem>>) target(%dma_start3A_1250 : memref<10240x128xf32, #tpu.memory_space<vmem_shared>>) offsets(%dma_start3A_1247 : memref<64xi32, #tpu.memory_space<vmem>>) semaphore(%arg23 : memref<!tpu.dma_semaphore, #tpu.memory_space<semaphore_mem>>) {add = true}
      %dma_start3A_1251 = arith.constant 0 : i32
      %dma_start3A_1252 = tpu.memref_slice %arg9[%add3A_1214, %dma_start3A_1251] : memref<40x64xi32, #tpu.memory_space<vmem>> -> memref<1x64xi32, #tpu.memory_space<vmem>>
      %dma_start3A_1253 = tpu.memref_squeeze %dma_start3A_1252 : memref<1x64xi32, #tpu.memory_space<vmem>> -> memref<64xi32, #tpu.memory_space<vmem>>
      %dma_start3A_1254 = arith.constant 0 : i32
      %dma_start3A_1255 = tpu.memref_slice %arg17[%dma_start3A_1254] : memref<10240xf32, #tpu.memory_space<vmem_shared>> -> memref<10240xf32, #tpu.memory_space<vmem_shared>>
      tpu.enqueue_indirect_dma source(%arg14 : memref<64xf32, #tpu.memory_space<vmem>>) target(%dma_start3A_1255 : memref<10240xf32, #tpu.memory_space<vmem_shared>>) offsets(%dma_start3A_1253 : memref<64xi32, #tpu.memory_space<vmem>>) semaphore(%arg27 : memref<!tpu.dma_semaphore, #tpu.memory_space<semaphore_mem>>) {add = true}
      %mul3A_1256 = arith.constant 4 : i32
      %mul3A_1257 = arith.muli %scan3A_1165, %mul3A_1256 : i32
      %add3A_1258 = arith.constant 2 : i32
      %add3A_1259 = arith.addi %mul3A_1257, %add3A_1258 : i32
      %dma_wait3A_1260 = arith.constant 0 : i32
      %dma_wait3A_1261 = arith.constant 0 : i32
      %dma_wait3A_1262 = tpu.memref_slice %arg9[%dma_wait3A_1260, %dma_wait3A_1261] : memref<40x64xi32, #tpu.memory_space<vmem>> -> memref<1x64xi32, #tpu.memory_space<vmem>>
      %dma_wait3A_1263 = tpu.memref_squeeze %dma_wait3A_1262 : memref<1x64xi32, #tpu.memory_space<vmem>> -> memref<64xi32, #tpu.memory_space<vmem>>
      %dma_wait3A_1264 = arith.constant 0 : i32
      %dma_wait3A_1265 = arith.constant 0 : i32
      %dma_wait3A_1266 = tpu.memref_slice %arg16[%dma_wait3A_1264, %dma_wait3A_1265] : memref<10240x128xf32, #tpu.memory_space<vmem_shared>> -> memref<10240x128xf32, #tpu.memory_space<vmem_shared>>
      tpu.wait_indirect_dma semaphore(%arg22 : memref<!tpu.dma_semaphore, #tpu.memory_space<semaphore_mem>>) src(%arg10 : memref<64x128xf32, #tpu.memory_space<vmem>>) dst(%dma_wait3A_1266 : memref<10240x128xf32, #tpu.memory_space<vmem_shared>>)
      %dma_wait3A_1267 = arith.constant 0 : i32
      %dma_wait3A_1268 = arith.constant 0 : i32
      %dma_wait3A_1269 = tpu.memref_slice %arg9[%dma_wait3A_1267, %dma_wait3A_1268] : memref<40x64xi32, #tpu.memory_space<vmem>> -> memref<1x64xi32, #tpu.memory_space<vmem>>
      %dma_wait3A_1270 = tpu.memref_squeeze %dma_wait3A_1269 : memref<1x64xi32, #tpu.memory_space<vmem>> -> memref<64xi32, #tpu.memory_space<vmem>>
      %dma_wait3A_1271 = arith.constant 0 : i32
      %dma_wait3A_1272 = tpu.memref_slice %arg17[%dma_wait3A_1271] : memref<10240xf32, #tpu.memory_space<vmem_shared>> -> memref<10240xf32, #tpu.memory_space<vmem_shared>>
      tpu.wait_indirect_dma semaphore(%arg26 : memref<!tpu.dma_semaphore, #tpu.memory_space<semaphore_mem>>) src(%arg14 : memref<64xf32, #tpu.memory_space<vmem>>) dst(%dma_wait3A_1272 : memref<10240xf32, #tpu.memory_space<vmem_shared>>)
      %add3A_1273 = arith.constant 2 : i32
      %add3A_1274 = arith.addi %add3A_1259, %add3A_1273 : i32
      %min3A_1275 = arith.constant 39 : i32
      %min3A_1276 = arith.minsi %add3A_1274, %min3A_1275 : i32
      %dma_start3A_1277 = arith.constant 0 : i32
      %dma_start3A_1278 = tpu.memref_slice %arg8[%min3A_1276, %dma_start3A_1277] : memref<40x64xi32, #tpu.memory_space<vmem>> -> memref<1x64xi32, #tpu.memory_space<vmem>>
      %dma_start3A_1279 = tpu.memref_squeeze %dma_start3A_1278 : memref<1x64xi32, #tpu.memory_space<vmem>> -> memref<64xi32, #tpu.memory_space<vmem>>
      %dma_start3A_1280 = arith.constant 0 : i32
      %dma_start3A_1281 = arith.constant 0 : i32
      %dma_start3A_1282 = tpu.memref_slice %arg2[%dma_start3A_1280, %dma_start3A_1281] : memref<10000x128xf32, #tpu.memory_space<hbm>> -> memref<10000x128xf32, #tpu.memory_space<hbm>>
      tpu.enqueue_indirect_dma source(%dma_start3A_1282 : memref<10000x128xf32, #tpu.memory_space<hbm>>) target(%arg10 : memref<64x128xf32, #tpu.memory_space<vmem>>) offsets(%dma_start3A_1279 : memref<64xi32, #tpu.memory_space<vmem>>) semaphore(%arg18 : memref<!tpu.dma_semaphore, #tpu.memory_space<semaphore_mem>>)
      %dma_wait3A_1283 = arith.constant 0 : i32
      %dma_wait3A_1284 = arith.constant 0 : i32
      %dma_wait3A_1285 = tpu.memref_slice %arg8[%dma_wait3A_1283, %dma_wait3A_1284] : memref<40x64xi32, #tpu.memory_space<vmem>> -> memref<1x64xi32, #tpu.memory_space<vmem>>
      %dma_wait3A_1286 = tpu.memref_squeeze %dma_wait3A_1285 : memref<1x64xi32, #tpu.memory_space<vmem>> -> memref<64xi32, #tpu.memory_space<vmem>>
      %dma_wait3A_1287 = arith.constant 0 : i32
      %dma_wait3A_1288 = arith.constant 0 : i32
      %dma_wait3A_1289 = tpu.memref_slice %arg2[%dma_wait3A_1287, %dma_wait3A_1288] : memref<10000x128xf32, #tpu.memory_space<hbm>> -> memref<10000x128xf32, #tpu.memory_space<hbm>>
      tpu.wait_indirect_dma semaphore(%arg20 : memref<!tpu.dma_semaphore, #tpu.memory_space<semaphore_mem>>) src(%dma_wait3A_1289 : memref<10000x128xf32, #tpu.memory_space<hbm>>) dst(%arg12 : memref<64x128xf32, #tpu.memory_space<vmem>>)
      %dma_start3A_1290 = arith.constant 0 : i32
      %dma_start3A_1291 = tpu.memref_slice %arg9[%add3A_1259, %dma_start3A_1290] : memref<40x64xi32, #tpu.memory_space<vmem>> -> memref<1x64xi32, #tpu.memory_space<vmem>>
      %dma_start3A_1292 = tpu.memref_squeeze %dma_start3A_1291 : memref<1x64xi32, #tpu.memory_space<vmem>> -> memref<64xi32, #tpu.memory_space<vmem>>
      %dma_start3A_1293 = arith.constant 0 : i32
      %dma_start3A_1294 = arith.constant 0 : i32
      %dma_start3A_1295 = tpu.memref_slice %arg16[%dma_start3A_1293, %dma_start3A_1294] : memref<10240x128xf32, #tpu.memory_space<vmem_shared>> -> memref<10240x128xf32, #tpu.memory_space<vmem_shared>>
      tpu.enqueue_indirect_dma source(%arg12 : memref<64x128xf32, #tpu.memory_space<vmem>>) target(%dma_start3A_1295 : memref<10240x128xf32, #tpu.memory_space<vmem_shared>>) offsets(%dma_start3A_1292 : memref<64xi32, #tpu.memory_space<vmem>>) semaphore(%arg24 : memref<!tpu.dma_semaphore, #tpu.memory_space<semaphore_mem>>) {add = true}
      %dma_start3A_1296 = arith.constant 0 : i32
      %dma_start3A_1297 = tpu.memref_slice %arg9[%add3A_1259, %dma_start3A_1296] : memref<40x64xi32, #tpu.memory_space<vmem>> -> memref<1x64xi32, #tpu.memory_space<vmem>>
      %dma_start3A_1298 = tpu.memref_squeeze %dma_start3A_1297 : memref<1x64xi32, #tpu.memory_space<vmem>> -> memref<64xi32, #tpu.memory_space<vmem>>
      %dma_start3A_1299 = arith.constant 0 : i32
      %dma_start3A_1300 = tpu.memref_slice %arg17[%dma_start3A_1299] : memref<10240xf32, #tpu.memory_space<vmem_shared>> -> memref<10240xf32, #tpu.memory_space<vmem_shared>>
      tpu.enqueue_indirect_dma source(%arg14 : memref<64xf32, #tpu.memory_space<vmem>>) target(%dma_start3A_1300 : memref<10240xf32, #tpu.memory_space<vmem_shared>>) offsets(%dma_start3A_1298 : memref<64xi32, #tpu.memory_space<vmem>>) semaphore(%arg28 : memref<!tpu.dma_semaphore, #tpu.memory_space<semaphore_mem>>) {add = true}
      %mul3A_1301 = arith.constant 4 : i32
      %mul3A_1302 = arith.muli %scan3A_1165, %mul3A_1301 : i32
      %add3A_1303 = arith.constant 3 : i32
      %add3A_1304 = arith.addi %mul3A_1302, %add3A_1303 : i32
      %dma_wait3A_1305 = arith.constant 0 : i32
      %dma_wait3A_1306 = arith.constant 0 : i32
      %dma_wait3A_1307 = tpu.memref_slice %arg9[%dma_wait3A_1305, %dma_wait3A_1306] : memref<40x64xi32, #tpu.memory_space<vmem>> -> memref<1x64xi32, #tpu.memory_space<vmem>>
      %dma_wait3A_1308 = tpu.memref_squeeze %dma_wait3A_1307 : memref<1x64xi32, #tpu.memory_space<vmem>> -> memref<64xi32, #tpu.memory_space<vmem>>
      %dma_wait3A_1309 = arith.constant 0 : i32
      %dma_wait3A_1310 = arith.constant 0 : i32
      %dma_wait3A_1311 = tpu.memref_slice %arg16[%dma_wait3A_1309, %dma_wait3A_1310] : memref<10240x128xf32, #tpu.memory_space<vmem_shared>> -> memref<10240x128xf32, #tpu.memory_space<vmem_shared>>
      tpu.wait_indirect_dma semaphore(%arg23 : memref<!tpu.dma_semaphore, #tpu.memory_space<semaphore_mem>>) src(%arg11 : memref<64x128xf32, #tpu.memory_space<vmem>>) dst(%dma_wait3A_1311 : memref<10240x128xf32, #tpu.memory_space<vmem_shared>>)
      %dma_wait3A_1312 = arith.constant 0 : i32
      %dma_wait3A_1313 = arith.constant 0 : i32
      %dma_wait3A_1314 = tpu.memref_slice %arg9[%dma_wait3A_1312, %dma_wait3A_1313] : memref<40x64xi32, #tpu.memory_space<vmem>> -> memref<1x64xi32, #tpu.memory_space<vmem>>
      %dma_wait3A_1315 = tpu.memref_squeeze %dma_wait3A_1314 : memref<1x64xi32, #tpu.memory_space<vmem>> -> memref<64xi32, #tpu.memory_space<vmem>>
      %dma_wait3A_1316 = arith.constant 0 : i32
      %dma_wait3A_1317 = tpu.memref_slice %arg17[%dma_wait3A_1316] : memref<10240xf32, #tpu.memory_space<vmem_shared>> -> memref<10240xf32, #tpu.memory_space<vmem_shared>>
      tpu.wait_indirect_dma semaphore(%arg27 : memref<!tpu.dma_semaphore, #tpu.memory_space<semaphore_mem>>) src(%arg14 : memref<64xf32, #tpu.memory_space<vmem>>) dst(%dma_wait3A_1317 : memref<10240xf32, #tpu.memory_space<vmem_shared>>)
      %add3A_1318 = arith.constant 2 : i32
      %add3A_1319 = arith.addi %add3A_1304, %add3A_1318 : i32
      %min3A_1320 = arith.constant 39 : i32
      %min3A_1321 = arith.minsi %add3A_1319, %min3A_1320 : i32
      %dma_start3A_1322 = arith.constant 0 : i32
      %dma_start3A_1323 = tpu.memref_slice %arg8[%min3A_1321, %dma_start3A_1322] : memref<40x64xi32, #tpu.memory_space<vmem>> -> memref<1x64xi32, #tpu.memory_space<vmem>>
      %dma_start3A_1324 = tpu.memref_squeeze %dma_start3A_1323 : memref<1x64xi32, #tpu.memory_space<vmem>> -> memref<64xi32, #tpu.memory_space<vmem>>
      %dma_start3A_1325 = arith.constant 0 : i32
      %dma_start3A_1326 = arith.constant 0 : i32
      %dma_start3A_1327 = tpu.memref_slice %arg2[%dma_start3A_1325, %dma_start3A_1326] : memref<10000x128xf32, #tpu.memory_space<hbm>> -> memref<10000x128xf32, #tpu.memory_space<hbm>>
      tpu.enqueue_indirect_dma source(%dma_start3A_1327 : memref<10000x128xf32, #tpu.memory_space<hbm>>) target(%arg11 : memref<64x128xf32, #tpu.memory_space<vmem>>) offsets(%dma_start3A_1324 : memref<64xi32, #tpu.memory_space<vmem>>) semaphore(%arg19 : memref<!tpu.dma_semaphore, #tpu.memory_space<semaphore_mem>>)
      %dma_wait3A_1328 = arith.constant 0 : i32
      %dma_wait3A_1329 = arith.constant 0 : i32
      %dma_wait3A_1330 = tpu.memref_slice %arg8[%dma_wait3A_1328, %dma_wait3A_1329] : memref<40x64xi32, #tpu.memory_space<vmem>> -> memref<1x64xi32, #tpu.memory_space<vmem>>
      %dma_wait3A_1331 = tpu.memref_squeeze %dma_wait3A_1330 : memref<1x64xi32, #tpu.memory_space<vmem>> -> memref<64xi32, #tpu.memory_space<vmem>>
      %dma_wait3A_1332 = arith.constant 0 : i32
      %dma_wait3A_1333 = arith.constant 0 : i32
      %dma_wait3A_1334 = tpu.memref_slice %arg2[%dma_wait3A_1332, %dma_wait3A_1333] : memref<10000x128xf32, #tpu.memory_space<hbm>> -> memref<10000x128xf32, #tpu.memory_space<hbm>>
      tpu.wait_indirect_dma semaphore(%arg21 : memref<!tpu.dma_semaphore, #tpu.memory_space<semaphore_mem>>) src(%dma_wait3A_1334 : memref<10000x128xf32, #tpu.memory_space<hbm>>) dst(%arg13 : memref<64x128xf32, #tpu.memory_space<vmem>>)
      %dma_start3A_1335 = arith.constant 0 : i32
      %dma_start3A_1336 = tpu.memref_slice %arg9[%add3A_1304, %dma_start3A_1335] : memref<40x64xi32, #tpu.memory_space<vmem>> -> memref<1x64xi32, #tpu.memory_space<vmem>>
      %dma_start3A_1337 = tpu.memref_squeeze %dma_start3A_1336 : memref<1x64xi32, #tpu.memory_space<vmem>> -> memref<64xi32, #tpu.memory_space<vmem>>
      %dma_start3A_1338 = arith.constant 0 : i32
      %dma_start3A_1339 = arith.constant 0 : i32
      %dma_start3A_1340 = tpu.memref_slice %arg16[%dma_start3A_1338, %dma_start3A_1339] : memref<10240x128xf32, #tpu.memory_space<vmem_shared>> -> memref<10240x128xf32, #tpu.memory_space<vmem_shared>>
      tpu.enqueue_indirect_dma source(%arg13 : memref<64x128xf32, #tpu.memory_space<vmem>>) target(%dma_start3A_1340 : memref<10240x128xf32, #tpu.memory_space<vmem_shared>>) offsets(%dma_start3A_1337 : memref<64xi32, #tpu.memory_space<vmem>>) semaphore(%arg25 : memref<!tpu.dma_semaphore, #tpu.memory_space<semaphore_mem>>) {add = true}
      %dma_start3A_1341 = arith.constant 0 : i32
      %dma_start3A_1342 = tpu.memref_slice %arg9[%add3A_1304, %dma_start3A_1341] : memref<40x64xi32, #tpu.memory_space<vmem>> -> memref<1x64xi32, #tpu.memory_space<vmem>>
      %dma_start3A_1343 = tpu.memref_squeeze %dma_start3A_1342 : memref<1x64xi32, #tpu.memory_space<vmem>> -> memref<64xi32, #tpu.memory_space<vmem>>
      %dma_start3A_1344 = arith.constant 0 : i32
      %dma_start3A_1345 = tpu.memref_slice %arg17[%dma_start3A_1344] : memref<10240xf32, #tpu.memory_space<vmem_shared>> -> memref<10240xf32, #tpu.memory_space<vmem_shared>>
      tpu.enqueue_indirect_dma source(%arg14 : memref<64xf32, #tpu.memory_space<vmem>>) target(%dma_start3A_1345 : memref<10240xf32, #tpu.memory_space<vmem_shared>>) offsets(%dma_start3A_1343 : memref<64xi32, #tpu.memory_space<vmem>>) semaphore(%arg29 : memref<!tpu.dma_semaphore, #tpu.memory_space<semaphore_mem>>) {add = true}
    }
    %scan3A_1080 = arith.constant 9 : i32
    %dma_wait3A_1081 = arith.constant 0 : i32
    %dma_wait3A_1082 = arith.constant 0 : i32
    %dma_wait3A_1083 = tpu.memref_slice %arg9[%dma_wait3A_1081, %dma_wait3A_1082] : memref<40x64xi32, #tpu.memory_space<vmem>> -> memref<1x64xi32, #tpu.memory_space<vmem>>
    %dma_wait3A_1084 = tpu.memref_squeeze %dma_wait3A_1083 : memref<1x64xi32, #tpu.memory_space<vmem>> -> memref<64xi32, #tpu.memory_space<vmem>>
    %dma_wait3A_1085 = arith.constant 0 : i32
    %dma_wait3A_1086 = arith.constant 0 : i32
    %dma_wait3A_1087 = tpu.memref_slice %arg16[%dma_wait3A_1085, %dma_wait3A_1086] : memref<10240x128xf32, #tpu.memory_space<vmem_shared>> -> memref<10240x128xf32, #tpu.memory_space<vmem_shared>>
    tpu.wait_indirect_dma semaphore(%arg24 : memref<!tpu.dma_semaphore, #tpu.memory_space<semaphore_mem>>) src(%arg12 : memref<64x128xf32, #tpu.memory_space<vmem>>) dst(%dma_wait3A_1087 : memref<10240x128xf32, #tpu.memory_space<vmem_shared>>)
    %dma_wait3A_1088 = arith.constant 0 : i32
    %dma_wait3A_1089 = arith.constant 0 : i32
    %dma_wait3A_1090 = tpu.memref_slice %arg9[%dma_wait3A_1088, %dma_wait3A_1089] : memref<40x64xi32, #tpu.memory_space<vmem>> -> memref<1x64xi32, #tpu.memory_space<vmem>>
    %dma_wait3A_1091 = tpu.memref_squeeze %dma_wait3A_1090 : memref<1x64xi32, #tpu.memory_space<vmem>> -> memref<64xi32, #tpu.memory_space<vmem>>
    %dma_wait3A_1092 = arith.constant 0 : i32
    %dma_wait3A_1093 = tpu.memref_slice %arg17[%dma_wait3A_1092] : memref<10240xf32, #tpu.memory_space<vmem_shared>> -> memref<10240xf32, #tpu.memory_space<vmem_shared>>
    tpu.wait_indirect_dma semaphore(%arg28 : memref<!tpu.dma_semaphore, #tpu.memory_space<semaphore_mem>>) src(%arg14 : memref<64xf32, #tpu.memory_space<vmem>>) dst(%dma_wait3A_1093 : memref<10240xf32, #tpu.memory_space<vmem_shared>>)
    %dma_wait3A_1094 = arith.constant 0 : i32
    %dma_wait3A_1095 = arith.constant 0 : i32
    %dma_wait3A_1096 = tpu.memref_slice %arg9[%dma_wait3A_1094, %dma_wait3A_1095] : memref<40x64xi32, #tpu.memory_space<vmem>> -> memref<1x64xi32, #tpu.memory_space<vmem>>
    %dma_wait3A_1097 = tpu.memref_squeeze %dma_wait3A_1096 : memref<1x64xi32, #tpu.memory_space<vmem>> -> memref<64xi32, #tpu.memory_space<vmem>>
    %dma_wait3A_1098 = arith.constant 0 : i32
    %dma_wait3A_1099 = arith.constant 0 : i32
    %dma_wait3A_1100 = tpu.memref_slice %arg16[%dma_wait3A_1098, %dma_wait3A_1099] : memref<10240x128xf32, #tpu.memory_space<vmem_shared>> -> memref<10240x128xf32, #tpu.memory_space<vmem_shared>>
    tpu.wait_indirect_dma semaphore(%arg25 : memref<!tpu.dma_semaphore, #tpu.memory_space<semaphore_mem>>) src(%arg13 : memref<64x128xf32, #tpu.memory_space<vmem>>) dst(%dma_wait3A_1100 : memref<10240x128xf32, #tpu.memory_space<vmem_shared>>)
    %dma_wait3A_1101 = arith.constant 0 : i32
    %dma_wait3A_1102 = arith.constant 0 : i32
    %dma_wait3A_1103 = tpu.memref_slice %arg9[%dma_wait3A_1101, %dma_wait3A_1102] : memref<40x64xi32, #tpu.memory_space<vmem>> -> memref<1x64xi32, #tpu.memory_space<vmem>>
    %dma_wait3A_1104 = tpu.memref_squeeze %dma_wait3A_1103 : memref<1x64xi32, #tpu.memory_space<vmem>> -> memref<64xi32, #tpu.memory_space<vmem>>
    %dma_wait3A_1105 = arith.constant 0 : i32
    %dma_wait3A_1106 = tpu.memref_slice %arg17[%dma_wait3A_1105] : memref<10240xf32, #tpu.memory_space<vmem_shared>> -> memref<10240xf32, #tpu.memory_space<vmem_shared>>
    tpu.wait_indirect_dma semaphore(%arg29 : memref<!tpu.dma_semaphore, #tpu.memory_space<semaphore_mem>>) src(%arg14 : memref<64xf32, #tpu.memory_space<vmem>>) dst(%dma_wait3A_1106 : memref<10240xf32, #tpu.memory_space<vmem_shared>>)
    %dma_wait3A_1107 = arith.constant 0 : i32
    %dma_wait3A_1108 = arith.constant 0 : i32
    %dma_wait3A_1109 = tpu.memref_slice %arg8[%dma_wait3A_1107, %dma_wait3A_1108] : memref<40x64xi32, #tpu.memory_space<vmem>> -> memref<1x64xi32, #tpu.memory_space<vmem>>
    %dma_wait3A_1110 = tpu.memref_squeeze %dma_wait3A_1109 : memref<1x64xi32, #tpu.memory_space<vmem>> -> memref<64xi32, #tpu.memory_space<vmem>>
    %dma_wait3A_1111 = arith.constant 0 : i32
    %dma_wait3A_1112 = arith.constant 0 : i32
    %dma_wait3A_1113 = tpu.memref_slice %arg2[%dma_wait3A_1111, %dma_wait3A_1112] : memref<10000x128xf32, #tpu.memory_space<hbm>> -> memref<10000x128xf32, #tpu.memory_space<hbm>>
    tpu.wait_indirect_dma semaphore(%arg18 : memref<!tpu.dma_semaphore, #tpu.memory_space<semaphore_mem>>) src(%dma_wait3A_1113 : memref<10000x128xf32, #tpu.memory_space<hbm>>) dst(%arg10 : memref<64x128xf32, #tpu.memory_space<vmem>>)
    %dma_wait3A_1114 = arith.constant 0 : i32
    %dma_wait3A_1115 = arith.constant 0 : i32
    %dma_wait3A_1116 = tpu.memref_slice %arg8[%dma_wait3A_1114, %dma_wait3A_1115] : memref<40x64xi32, #tpu.memory_space<vmem>> -> memref<1x64xi32, #tpu.memory_space<vmem>>
    %dma_wait3A_1117 = tpu.memref_squeeze %dma_wait3A_1116 : memref<1x64xi32, #tpu.memory_space<vmem>> -> memref<64xi32, #tpu.memory_space<vmem>>
    %dma_wait3A_1118 = arith.constant 0 : i32
    %dma_wait3A_1119 = arith.constant 0 : i32
    %dma_wait3A_1120 = tpu.memref_slice %arg2[%dma_wait3A_1118, %dma_wait3A_1119] : memref<10000x128xf32, #tpu.memory_space<hbm>> -> memref<10000x128xf32, #tpu.memory_space<hbm>>
    tpu.wait_indirect_dma semaphore(%arg19 : memref<!tpu.dma_semaphore, #tpu.memory_space<semaphore_mem>>) src(%dma_wait3A_1120 : memref<10000x128xf32, #tpu.memory_space<hbm>>) dst(%arg11 : memref<64x128xf32, #tpu.memory_space<vmem>>)
    %barrier3A_1121 = arith.constant 0 : index
    tpu.barrier barrier_id(%barrier3A_1121)
    %add3A_1122 = arith.constant 0 : i32
    %add3A_1123 = arith.addi %mul3A_2, %add3A_1122 : i32
    "tpu.region"() ({
      %run_scoped3A = tpu.sem_alloc : memref<!tpu.dma_semaphore, #tpu.memory_space<semaphore_mem>>
      %dma_start3A_1165 = arith.constant 0 : i32
      %dma_start3A_1166 = tpu.memref_slice %arg16[%add3A_1123, %dma_start3A_1165] : memref<10240x128xf32, #tpu.memory_space<vmem_shared>> -> memref<64x128xf32, #tpu.memory_space<vmem_shared>>
      %dma_start3A_1167 = arith.constant 0 : i32
      %dma_start3A_1168 = tpu.memref_slice %arg16[%add3A_1123, %dma_start3A_1167] : memref<10240x128xf32, #tpu.memory_space<vmem_shared>> -> memref<64x128xf32, #tpu.memory_space<vmem_shared>>
      tpu.enqueue_dma source(%dma_start3A_1168 : memref<64x128xf32, #tpu.memory_space<vmem_shared>>) target(%arg10 : memref<64x128xf32, #tpu.memory_space<vmem>>) target_semaphore(%run_scoped3A : memref<!tpu.dma_semaphore, #tpu.memory_space<semaphore_mem>>)
      %dma_wait3A_1169 = arith.constant 0 : i32
      %dma_wait3A_1170 = tpu.memref_slice %arg16[%add3A_1123, %dma_wait3A_1169] : memref<10240x128xf32, #tpu.memory_space<vmem_shared>> -> memref<64x128xf32, #tpu.memory_space<vmem_shared>>
      %dma_wait3A_1171 = arith.constant 0 : i32
      %dma_wait3A_1172 = tpu.memref_slice %arg16[%add3A_1123, %dma_wait3A_1171] : memref<10240x128xf32, #tpu.memory_space<vmem_shared>> -> memref<64x128xf32, #tpu.memory_space<vmem_shared>>
      tpu.wait_dma2 semaphore(%run_scoped3A : memref<!tpu.dma_semaphore, #tpu.memory_space<semaphore_mem>>) src(%dma_wait3A_1172 : memref<64x128xf32, #tpu.memory_space<vmem_shared>>) dst(%arg10 : memref<64x128xf32, #tpu.memory_space<vmem>>)
      tpu.yield
    }) : () -> ()
    %add3A_1124 = arith.constant 0 : i32
    %add3A_1125 = arith.addi %mul3A_2, %add3A_1124 : i32
    "tpu.region"() ({
      %run_scoped3A = tpu.sem_alloc : memref<!tpu.dma_semaphore, #tpu.memory_space<semaphore_mem>>
      %dma_start3A_1165 = arith.constant 0 : i32
      %dma_start3A_1166 = tpu.memref_slice %arg6[%arg0, %add3A_1125, %dma_start3A_1165] : memref<2x10240x128xf32, #tpu.memory_space<hbm>> -> memref<1x64x128xf32, #tpu.memory_space<hbm>>
      %dma_start3A_1167 = tpu.memref_squeeze %dma_start3A_1166 : memref<1x64x128xf32, #tpu.memory_space<hbm>> -> memref<64x128xf32, #tpu.memory_space<hbm>>
      %dma_start3A_1168 = arith.constant 0 : i32
      %dma_start3A_1169 = tpu.memref_slice %arg6[%arg0, %add3A_1125, %dma_start3A_1168] : memref<2x10240x128xf32, #tpu.memory_space<hbm>> -> memref<1x64x128xf32, #tpu.memory_space<hbm>>
      %dma_start3A_1170 = tpu.memref_squeeze %dma_start3A_1169 : memref<1x64x128xf32, #tpu.memory_space<hbm>> -> memref<64x128xf32, #tpu.memory_space<hbm>>
      tpu.enqueue_dma source(%arg10 : memref<64x128xf32, #tpu.memory_space<vmem>>) target(%dma_start3A_1170 : memref<64x128xf32, #tpu.memory_space<hbm>>) target_semaphore(%run_scoped3A : memref<!tpu.dma_semaphore, #tpu.memory_space<semaphore_mem>>)
      %dma_wait3A_1171 = arith.constant 0 : i32
      %dma_wait3A_1172 = tpu.memref_slice %arg6[%arg0, %add3A_1125, %dma_wait3A_1171] : memref<2x10240x128xf32, #tpu.memory_space<hbm>> -> memref<1x64x128xf32, #tpu.memory_space<hbm>>
      %dma_wait3A_1173 = tpu.memref_squeeze %dma_wait3A_1172 : memref<1x64x128xf32, #tpu.memory_space<hbm>> -> memref<64x128xf32, #tpu.memory_space<hbm>>
      %dma_wait3A_1174 = arith.constant 0 : i32
      %dma_wait3A_1175 = tpu.memref_slice %arg6[%arg0, %add3A_1125, %dma_wait3A_1174] : memref<2x10240x128xf32, #tpu.memory_space<hbm>> -> memref<1x64x128xf32, #tpu.memory_space<hbm>>
      %dma_wait3A_1176 = tpu.memref_squeeze %dma_wait3A_1175 : memref<1x64x128xf32, #tpu.memory_space<hbm>> -> memref<64x128xf32, #tpu.memory_space<hbm>>
      tpu.wait_dma2 semaphore(%run_scoped3A : memref<!tpu.dma_semaphore, #tpu.memory_space<semaphore_mem>>) src(%arg10 : memref<64x128xf32, #tpu.memory_space<vmem>>) dst(%dma_wait3A_1176 : memref<64x128xf32, #tpu.memory_space<hbm>>)
      tpu.yield
    }) : () -> ()
    %add3A_1126 = arith.constant 64 : i32
    %add3A_1127 = arith.addi %mul3A_2, %add3A_1126 : i32
    "tpu.region"() ({
      %run_scoped3A = tpu.sem_alloc : memref<!tpu.dma_semaphore, #tpu.memory_space<semaphore_mem>>
      %dma_start3A_1165 = arith.constant 0 : i32
      %dma_start3A_1166 = tpu.memref_slice %arg16[%add3A_1127, %dma_start3A_1165] : memref<10240x128xf32, #tpu.memory_space<vmem_shared>> -> memref<64x128xf32, #tpu.memory_space<vmem_shared>>
      %dma_start3A_1167 = arith.constant 0 : i32
      %dma_start3A_1168 = tpu.memref_slice %arg16[%add3A_1127, %dma_start3A_1167] : memref<10240x128xf32, #tpu.memory_space<vmem_shared>> -> memref<64x128xf32, #tpu.memory_space<vmem_shared>>
      tpu.enqueue_dma source(%dma_start3A_1168 : memref<64x128xf32, #tpu.memory_space<vmem_shared>>) target(%arg10 : memref<64x128xf32, #tpu.memory_space<vmem>>) target_semaphore(%run_scoped3A : memref<!tpu.dma_semaphore, #tpu.memory_space<semaphore_mem>>)
      %dma_wait3A_1169 = arith.constant 0 : i32
      %dma_wait3A_1170 = tpu.memref_slice %arg16[%add3A_1127, %dma_wait3A_1169] : memref<10240x128xf32, #tpu.memory_space<vmem_shared>> -> memref<64x128xf32, #tpu.memory_space<vmem_shared>>
      %dma_wait3A_1171 = arith.constant 0 : i32
      %dma_wait3A_1172 = tpu.memref_slice %arg16[%add3A_1127, %dma_wait3A_1171] : memref<10240x128xf32, #tpu.memory_space<vmem_shared>> -> memref<64x128xf32, #tpu.memory_space<vmem_shared>>
      tpu.wait_dma2 semaphore(%run_scoped3A : memref<!tpu.dma_semaphore, #tpu.memory_space<semaphore_mem>>) src(%dma_wait3A_1172 : memref<64x128xf32, #tpu.memory_space<vmem_shared>>) dst(%arg10 : memref<64x128xf32, #tpu.memory_space<vmem>>)
      tpu.yield
    }) : () -> ()
    %add3A_1128 = arith.constant 64 : i32
    %add3A_1129 = arith.addi %mul3A_2, %add3A_1128 : i32
    "tpu.region"() ({
      %run_scoped3A = tpu.sem_alloc : memref<!tpu.dma_semaphore, #tpu.memory_space<semaphore_mem>>
      %dma_start3A_1165 = arith.constant 0 : i32
      %dma_start3A_1166 = tpu.memref_slice %arg6[%arg0, %add3A_1129, %dma_start3A_1165] : memref<2x10240x128xf32, #tpu.memory_space<hbm>> -> memref<1x64x128xf32, #tpu.memory_space<hbm>>
      %dma_start3A_1167 = tpu.memref_squeeze %dma_start3A_1166 : memref<1x64x128xf32, #tpu.memory_space<hbm>> -> memref<64x128xf32, #tpu.memory_space<hbm>>
      %dma_start3A_1168 = arith.constant 0 : i32
      %dma_start3A_1169 = tpu.memref_slice %arg6[%arg0, %add3A_1129, %dma_start3A_1168] : memref<2x10240x128xf32, #tpu.memory_space<hbm>> -> memref<1x64x128xf32, #tpu.memory_space<hbm>>
      %dma_start3A_1170 = tpu.memref_squeeze %dma_start3A_1169 : memref<1x64x128xf32, #tpu.memory_space<hbm>> -> memref<64x128xf32, #tpu.memory_space<hbm>>
      tpu.enqueue_dma source(%arg10 : memref<64x128xf32, #tpu.memory_space<vmem>>) target(%dma_start3A_1170 : memref<64x128xf32, #tpu.memory_space<hbm>>) target_semaphore(%run_scoped3A : memref<!tpu.dma_semaphore, #tpu.memory_space<semaphore_mem>>)
      %dma_wait3A_1171 = arith.constant 0 : i32
      %dma_wait3A_1172 = tpu.memref_slice %arg6[%arg0, %add3A_1129, %dma_wait3A_1171] : memref<2x10240x128xf32, #tpu.memory_space<hbm>> -> memref<1x64x128xf32, #tpu.memory_space<hbm>>
      %dma_wait3A_1173 = tpu.memref_squeeze %dma_wait3A_1172 : memref<1x64x128xf32, #tpu.memory_space<hbm>> -> memref<64x128xf32, #tpu.memory_space<hbm>>
      %dma_wait3A_1174 = arith.constant 0 : i32
      %dma_wait3A_1175 = tpu.memref_slice %arg6[%arg0, %add3A_1129, %dma_wait3A_1174] : memref<2x10240x128xf32, #tpu.memory_space<hbm>> -> memref<1x64x128xf32, #tpu.memory_space<hbm>>
      %dma_wait3A_1176 = tpu.memref_squeeze %dma_wait3A_1175 : memref<1x64x128xf32, #tpu.memory_space<hbm>> -> memref<64x128xf32, #tpu.memory_space<hbm>>
      tpu.wait_dma2 semaphore(%run_scoped3A : memref<!tpu.dma_semaphore, #tpu.memory_space<semaphore_mem>>) src(%arg10 : memref<64x128xf32, #tpu.memory_space<vmem>>) dst(%dma_wait3A_1176 : memref<64x128xf32, #tpu.memory_space<hbm>>)
      tpu.yield
    }) : () -> ()
    %add3A_1130 = arith.constant 128 : i32
    %add3A_1131 = arith.addi %mul3A_2, %add3A_1130 : i32
    "tpu.region"() ({
      %run_scoped3A = tpu.sem_alloc : memref<!tpu.dma_semaphore, #tpu.memory_space<semaphore_mem>>
      %dma_start3A_1165 = arith.constant 0 : i32
      %dma_start3A_1166 = tpu.memref_slice %arg16[%add3A_1131, %dma_start3A_1165] : memref<10240x128xf32, #tpu.memory_space<vmem_shared>> -> memref<64x128xf32, #tpu.memory_space<vmem_shared>>
      %dma_start3A_1167 = arith.constant 0 : i32
      %dma_start3A_1168 = tpu.memref_slice %arg16[%add3A_1131, %dma_start3A_1167] : memref<10240x128xf32, #tpu.memory_space<vmem_shared>> -> memref<64x128xf32, #tpu.memory_space<vmem_shared>>
      tpu.enqueue_dma source(%dma_start3A_1168 : memref<64x128xf32, #tpu.memory_space<vmem_shared>>) target(%arg10 : memref<64x128xf32, #tpu.memory_space<vmem>>) target_semaphore(%run_scoped3A : memref<!tpu.dma_semaphore, #tpu.memory_space<semaphore_mem>>)
      %dma_wait3A_1169 = arith.constant 0 : i32
      %dma_wait3A_1170 = tpu.memref_slice %arg16[%add3A_1131, %dma_wait3A_1169] : memref<10240x128xf32, #tpu.memory_space<vmem_shared>> -> memref<64x128xf32, #tpu.memory_space<vmem_shared>>
      %dma_wait3A_1171 = arith.constant 0 : i32
      %dma_wait3A_1172 = tpu.memref_slice %arg16[%add3A_1131, %dma_wait3A_1171] : memref<10240x128xf32, #tpu.memory_space<vmem_shared>> -> memref<64x128xf32, #tpu.memory_space<vmem_shared>>
      tpu.wait_dma2 semaphore(%run_scoped3A : memref<!tpu.dma_semaphore, #tpu.memory_space<semaphore_mem>>) src(%dma_wait3A_1172 : memref<64x128xf32, #tpu.memory_space<vmem_shared>>) dst(%arg10 : memref<64x128xf32, #tpu.memory_space<vmem>>)
      tpu.yield
    }) : () -> ()
    %add3A_1132 = arith.constant 128 : i32
    %add3A_1133 = arith.addi %mul3A_2, %add3A_1132 : i32
    "tpu.region"() ({
      %run_scoped3A = tpu.sem_alloc : memref<!tpu.dma_semaphore, #tpu.memory_space<semaphore_mem>>
      %dma_start3A_1165 = arith.constant 0 : i32
      %dma_start3A_1166 = tpu.memref_slice %arg6[%arg0, %add3A_1133, %dma_start3A_1165] : memref<2x10240x128xf32, #tpu.memory_space<hbm>> -> memref<1x64x128xf32, #tpu.memory_space<hbm>>
      %dma_start3A_1167 = tpu.memref_squeeze %dma_start3A_1166 : memref<1x64x128xf32, #tpu.memory_space<hbm>> -> memref<64x128xf32, #tpu.memory_space<hbm>>
      %dma_start3A_1168 = arith.constant 0 : i32
      %dma_start3A_1169 = tpu.memref_slice %arg6[%arg0, %add3A_1133, %dma_start3A_1168] : memref<2x10240x128xf32, #tpu.memory_space<hbm>> -> memref<1x64x128xf32, #tpu.memory_space<hbm>>
      %dma_start3A_1170 = tpu.memref_squeeze %dma_start3A_1169 : memref<1x64x128xf32, #tpu.memory_space<hbm>> -> memref<64x128xf32, #tpu.memory_space<hbm>>
      tpu.enqueue_dma source(%arg10 : memref<64x128xf32, #tpu.memory_space<vmem>>) target(%dma_start3A_1170 : memref<64x128xf32, #tpu.memory_space<hbm>>) target_semaphore(%run_scoped3A : memref<!tpu.dma_semaphore, #tpu.memory_space<semaphore_mem>>)
      %dma_wait3A_1171 = arith.constant 0 : i32
      %dma_wait3A_1172 = tpu.memref_slice %arg6[%arg0, %add3A_1133, %dma_wait3A_1171] : memref<2x10240x128xf32, #tpu.memory_space<hbm>> -> memref<1x64x128xf32, #tpu.memory_space<hbm>>
      %dma_wait3A_1173 = tpu.memref_squeeze %dma_wait3A_1172 : memref<1x64x128xf32, #tpu.memory_space<hbm>> -> memref<64x128xf32, #tpu.memory_space<hbm>>
      %dma_wait3A_1174 = arith.constant 0 : i32
      %dma_wait3A_1175 = tpu.memref_slice %arg6[%arg0, %add3A_1133, %dma_wait3A_1174] : memref<2x10240x128xf32, #tpu.memory_space<hbm>> -> memref<1x64x128xf32, #tpu.memory_space<hbm>>
      %dma_wait3A_1176 = tpu.memref_squeeze %dma_wait3A_1175 : memref<1x64x128xf32, #tpu.memory_space<hbm>> -> memref<64x128xf32, #tpu.memory_space<hbm>>
      tpu.wait_dma2 semaphore(%run_scoped3A : memref<!tpu.dma_semaphore, #tpu.memory_space<semaphore_mem>>) src(%arg10 : memref<64x128xf32, #tpu.memory_space<vmem>>) dst(%dma_wait3A_1176 : memref<64x128xf32, #tpu.memory_space<hbm>>)
      tpu.yield
    }) : () -> ()
    %add3A_1134 = arith.constant 192 : i32
    %add3A_1135 = arith.addi %mul3A_2, %add3A_1134 : i32
    "tpu.region"() ({
      %run_scoped3A = tpu.sem_alloc : memref<!tpu.dma_semaphore, #tpu.memory_space<semaphore_mem>>
      %dma_start3A_1165 = arith.constant 0 : i32
      %dma_start3A_1166 = tpu.memref_slice %arg16[%add3A_1135, %dma_start3A_1165] : memref<10240x128xf32, #tpu.memory_space<vmem_shared>> -> memref<64x128xf32, #tpu.memory_space<vmem_shared>>
      %dma_start3A_1167 = arith.constant 0 : i32
      %dma_start3A_1168 = tpu.memref_slice %arg16[%add3A_1135, %dma_start3A_1167] : memref<10240x128xf32, #tpu.memory_space<vmem_shared>> -> memref<64x128xf32, #tpu.memory_space<vmem_shared>>
      tpu.enqueue_dma source(%dma_start3A_1168 : memref<64x128xf32, #tpu.memory_space<vmem_shared>>) target(%arg10 : memref<64x128xf32, #tpu.memory_space<vmem>>) target_semaphore(%run_scoped3A : memref<!tpu.dma_semaphore, #tpu.memory_space<semaphore_mem>>)
      %dma_wait3A_1169 = arith.constant 0 : i32
      %dma_wait3A_1170 = tpu.memref_slice %arg16[%add3A_1135, %dma_wait3A_1169] : memref<10240x128xf32, #tpu.memory_space<vmem_shared>> -> memref<64x128xf32, #tpu.memory_space<vmem_shared>>
      %dma_wait3A_1171 = arith.constant 0 : i32
      %dma_wait3A_1172 = tpu.memref_slice %arg16[%add3A_1135, %dma_wait3A_1171] : memref<10240x128xf32, #tpu.memory_space<vmem_shared>> -> memref<64x128xf32, #tpu.memory_space<vmem_shared>>
      tpu.wait_dma2 semaphore(%run_scoped3A : memref<!tpu.dma_semaphore, #tpu.memory_space<semaphore_mem>>) src(%dma_wait3A_1172 : memref<64x128xf32, #tpu.memory_space<vmem_shared>>) dst(%arg10 : memref<64x128xf32, #tpu.memory_space<vmem>>)
      tpu.yield
    }) : () -> ()
    %add3A_1136 = arith.constant 192 : i32
    %add3A_1137 = arith.addi %mul3A_2, %add3A_1136 : i32
    "tpu.region"() ({
      %run_scoped3A = tpu.sem_alloc : memref<!tpu.dma_semaphore, #tpu.memory_space<semaphore_mem>>
      %dma_start3A_1165 = arith.constant 0 : i32
      %dma_start3A_1166 = tpu.memref_slice %arg6[%arg0, %add3A_1137, %dma_start3A_1165] : memref<2x10240x128xf32, #tpu.memory_space<hbm>> -> memref<1x64x128xf32, #tpu.memory_space<hbm>>
      %dma_start3A_1167 = tpu.memref_squeeze %dma_start3A_1166 : memref<1x64x128xf32, #tpu.memory_space<hbm>> -> memref<64x128xf32, #tpu.memory_space<hbm>>
      %dma_start3A_1168 = arith.constant 0 : i32
      %dma_start3A_1169 = tpu.memref_slice %arg6[%arg0, %add3A_1137, %dma_start3A_1168] : memref<2x10240x128xf32, #tpu.memory_space<hbm>> -> memref<1x64x128xf32, #tpu.memory_space<hbm>>
      %dma_start3A_1170 = tpu.memref_squeeze %dma_start3A_1169 : memref<1x64x128xf32, #tpu.memory_space<hbm>> -> memref<64x128xf32, #tpu.memory_space<hbm>>
      tpu.enqueue_dma source(%arg10 : memref<64x128xf32, #tpu.memory_space<vmem>>) target(%dma_start3A_1170 : memref<64x128xf32, #tpu.memory_space<hbm>>) target_semaphore(%run_scoped3A : memref<!tpu.dma_semaphore, #tpu.memory_space<semaphore_mem>>)
      %dma_wait3A_1171 = arith.constant 0 : i32
      %dma_wait3A_1172 = tpu.memref_slice %arg6[%arg0, %add3A_1137, %dma_wait3A_1171] : memref<2x10240x128xf32, #tpu.memory_space<hbm>> -> memref<1x64x128xf32, #tpu.memory_space<hbm>>
      %dma_wait3A_1173 = tpu.memref_squeeze %dma_wait3A_1172 : memref<1x64x128xf32, #tpu.memory_space<hbm>> -> memref<64x128xf32, #tpu.memory_space<hbm>>
      %dma_wait3A_1174 = arith.constant 0 : i32
      %dma_wait3A_1175 = tpu.memref_slice %arg6[%arg0, %add3A_1137, %dma_wait3A_1174] : memref<2x10240x128xf32, #tpu.memory_space<hbm>> -> memref<1x64x128xf32, #tpu.memory_space<hbm>>
      %dma_wait3A_1176 = tpu.memref_squeeze %dma_wait3A_1175 : memref<1x64x128xf32, #tpu.memory_space<hbm>> -> memref<64x128xf32, #tpu.memory_space<hbm>>
      tpu.wait_dma2 semaphore(%run_scoped3A : memref<!tpu.dma_semaphore, #tpu.memory_space<semaphore_mem>>) src(%arg10 : memref<64x128xf32, #tpu.memory_space<vmem>>) dst(%dma_wait3A_1176 : memref<64x128xf32, #tpu.memory_space<hbm>>)
      tpu.yield
    }) : () -> ()
    %add3A_1138 = arith.constant 256 : i32
    %add3A_1139 = arith.addi %mul3A_2, %add3A_1138 : i32
    "tpu.region"() ({
      %run_scoped3A = tpu.sem_alloc : memref<!tpu.dma_semaphore, #tpu.memory_space<semaphore_mem>>
      %dma_start3A_1165 = arith.constant 0 : i32
      %dma_start3A_1166 = tpu.memref_slice %arg16[%add3A_1139, %dma_start3A_1165] : memref<10240x128xf32, #tpu.memory_space<vmem_shared>> -> memref<64x128xf32, #tpu.memory_space<vmem_shared>>
      %dma_start3A_1167 = arith.constant 0 : i32
      %dma_start3A_1168 = tpu.memref_slice %arg16[%add3A_1139, %dma_start3A_1167] : memref<10240x128xf32, #tpu.memory_space<vmem_shared>> -> memref<64x128xf32, #tpu.memory_space<vmem_shared>>
      tpu.enqueue_dma source(%dma_start3A_1168 : memref<64x128xf32, #tpu.memory_space<vmem_shared>>) target(%arg10 : memref<64x128xf32, #tpu.memory_space<vmem>>) target_semaphore(%run_scoped3A : memref<!tpu.dma_semaphore, #tpu.memory_space<semaphore_mem>>)
      %dma_wait3A_1169 = arith.constant 0 : i32
      %dma_wait3A_1170 = tpu.memref_slice %arg16[%add3A_1139, %dma_wait3A_1169] : memref<10240x128xf32, #tpu.memory_space<vmem_shared>> -> memref<64x128xf32, #tpu.memory_space<vmem_shared>>
      %dma_wait3A_1171 = arith.constant 0 : i32
      %dma_wait3A_1172 = tpu.memref_slice %arg16[%add3A_1139, %dma_wait3A_1171] : memref<10240x128xf32, #tpu.memory_space<vmem_shared>> -> memref<64x128xf32, #tpu.memory_space<vmem_shared>>
      tpu.wait_dma2 semaphore(%run_scoped3A : memref<!tpu.dma_semaphore, #tpu.memory_space<semaphore_mem>>) src(%dma_wait3A_1172 : memref<64x128xf32, #tpu.memory_space<vmem_shared>>) dst(%arg10 : memref<64x128xf32, #tpu.memory_space<vmem>>)
      tpu.yield
    }) : () -> ()
    %add3A_1140 = arith.constant 256 : i32
    %add3A_1141 = arith.addi %mul3A_2, %add3A_1140 : i32
    "tpu.region"() ({
      %run_scoped3A = tpu.sem_alloc : memref<!tpu.dma_semaphore, #tpu.memory_space<semaphore_mem>>
      %dma_start3A_1165 = arith.constant 0 : i32
      %dma_start3A_1166 = tpu.memref_slice %arg6[%arg0, %add3A_1141, %dma_start3A_1165] : memref<2x10240x128xf32, #tpu.memory_space<hbm>> -> memref<1x64x128xf32, #tpu.memory_space<hbm>>
      %dma_start3A_1167 = tpu.memref_squeeze %dma_start3A_1166 : memref<1x64x128xf32, #tpu.memory_space<hbm>> -> memref<64x128xf32, #tpu.memory_space<hbm>>
      %dma_start3A_1168 = arith.constant 0 : i32
      %dma_start3A_1169 = tpu.memref_slice %arg6[%arg0, %add3A_1141, %dma_start3A_1168] : memref<2x10240x128xf32, #tpu.memory_space<hbm>> -> memref<1x64x128xf32, #tpu.memory_space<hbm>>
      %dma_start3A_1170 = tpu.memref_squeeze %dma_start3A_1169 : memref<1x64x128xf32, #tpu.memory_space<hbm>> -> memref<64x128xf32, #tpu.memory_space<hbm>>
      tpu.enqueue_dma source(%arg10 : memref<64x128xf32, #tpu.memory_space<vmem>>) target(%dma_start3A_1170 : memref<64x128xf32, #tpu.memory_space<hbm>>) target_semaphore(%run_scoped3A : memref<!tpu.dma_semaphore, #tpu.memory_space<semaphore_mem>>)
      %dma_wait3A_1171 = arith.constant 0 : i32
      %dma_wait3A_1172 = tpu.memref_slice %arg6[%arg0, %add3A_1141, %dma_wait3A_1171] : memref<2x10240x128xf32, #tpu.memory_space<hbm>> -> memref<1x64x128xf32, #tpu.memory_space<hbm>>
      %dma_wait3A_1173 = tpu.memref_squeeze %dma_wait3A_1172 : memref<1x64x128xf32, #tpu.memory_space<hbm>> -> memref<64x128xf32, #tpu.memory_space<hbm>>
      %dma_wait3A_1174 = arith.constant 0 : i32
      %dma_wait3A_1175 = tpu.memref_slice %arg6[%arg0, %add3A_1141, %dma_wait3A_1174] : memref<2x10240x128xf32, #tpu.memory_space<hbm>> -> memref<1x64x128xf32, #tpu.memory_space<hbm>>
      %dma_wait3A_1176 = tpu.memref_squeeze %dma_wait3A_1175 : memref<1x64x128xf32, #tpu.memory_space<hbm>> -> memref<64x128xf32, #tpu.memory_space<hbm>>
      tpu.wait_dma2 semaphore(%run_scoped3A : memref<!tpu.dma_semaphore, #tpu.memory_space<semaphore_mem>>) src(%arg10 : memref<64x128xf32, #tpu.memory_space<vmem>>) dst(%dma_wait3A_1176 : memref<64x128xf32, #tpu.memory_space<hbm>>)
      tpu.yield
    }) : () -> ()
    %add3A_1142 = arith.constant 320 : i32
    %add3A_1143 = arith.addi %mul3A_2, %add3A_1142 : i32
    "tpu.region"() ({
      %run_scoped3A = tpu.sem_alloc : memref<!tpu.dma_semaphore, #tpu.memory_space<semaphore_mem>>
      %dma_start3A_1165 = arith.constant 0 : i32
      %dma_start3A_1166 = tpu.memref_slice %arg16[%add3A_1143, %dma_start3A_1165] : memref<10240x128xf32, #tpu.memory_space<vmem_shared>> -> memref<64x128xf32, #tpu.memory_space<vmem_shared>>
      %dma_start3A_1167 = arith.constant 0 : i32
      %dma_start3A_1168 = tpu.memref_slice %arg16[%add3A_1143, %dma_start3A_1167] : memref<10240x128xf32, #tpu.memory_space<vmem_shared>> -> memref<64x128xf32, #tpu.memory_space<vmem_shared>>
      tpu.enqueue_dma source(%dma_start3A_1168 : memref<64x128xf32, #tpu.memory_space<vmem_shared>>) target(%arg10 : memref<64x128xf32, #tpu.memory_space<vmem>>) target_semaphore(%run_scoped3A : memref<!tpu.dma_semaphore, #tpu.memory_space<semaphore_mem>>)
      %dma_wait3A_1169 = arith.constant 0 : i32
      %dma_wait3A_1170 = tpu.memref_slice %arg16[%add3A_1143, %dma_wait3A_1169] : memref<10240x128xf32, #tpu.memory_space<vmem_shared>> -> memref<64x128xf32, #tpu.memory_space<vmem_shared>>
      %dma_wait3A_1171 = arith.constant 0 : i32
      %dma_wait3A_1172 = tpu.memref_slice %arg16[%add3A_1143, %dma_wait3A_1171] : memref<10240x128xf32, #tpu.memory_space<vmem_shared>> -> memref<64x128xf32, #tpu.memory_space<vmem_shared>>
      tpu.wait_dma2 semaphore(%run_scoped3A : memref<!tpu.dma_semaphore, #tpu.memory_space<semaphore_mem>>) src(%dma_wait3A_1172 : memref<64x128xf32, #tpu.memory_space<vmem_shared>>) dst(%arg10 : memref<64x128xf32, #tpu.memory_space<vmem>>)
      tpu.yield
    }) : () -> ()
    %add3A_1144 = arith.constant 320 : i32
    %add3A_1145 = arith.addi %mul3A_2, %add3A_1144 : i32
    "tpu.region"() ({
      %run_scoped3A = tpu.sem_alloc : memref<!tpu.dma_semaphore, #tpu.memory_space<semaphore_mem>>
      %dma_start3A_1165 = arith.constant 0 : i32
      %dma_start3A_1166 = tpu.memref_slice %arg6[%arg0, %add3A_1145, %dma_start3A_1165] : memref<2x10240x128xf32, #tpu.memory_space<hbm>> -> memref<1x64x128xf32, #tpu.memory_space<hbm>>
      %dma_start3A_1167 = tpu.memref_squeeze %dma_start3A_1166 : memref<1x64x128xf32, #tpu.memory_space<hbm>> -> memref<64x128xf32, #tpu.memory_space<hbm>>
      %dma_start3A_1168 = arith.constant 0 : i32
      %dma_start3A_1169 = tpu.memref_slice %arg6[%arg0, %add3A_1145, %dma_start3A_1168] : memref<2x10240x128xf32, #tpu.memory_space<hbm>> -> memref<1x64x128xf32, #tpu.memory_space<hbm>>
      %dma_start3A_1170 = tpu.memref_squeeze %dma_start3A_1169 : memref<1x64x128xf32, #tpu.memory_space<hbm>> -> memref<64x128xf32, #tpu.memory_space<hbm>>
      tpu.enqueue_dma source(%arg10 : memref<64x128xf32, #tpu.memory_space<vmem>>) target(%dma_start3A_1170 : memref<64x128xf32, #tpu.memory_space<hbm>>) target_semaphore(%run_scoped3A : memref<!tpu.dma_semaphore, #tpu.memory_space<semaphore_mem>>)
      %dma_wait3A_1171 = arith.constant 0 : i32
      %dma_wait3A_1172 = tpu.memref_slice %arg6[%arg0, %add3A_1145, %dma_wait3A_1171] : memref<2x10240x128xf32, #tpu.memory_space<hbm>> -> memref<1x64x128xf32, #tpu.memory_space<hbm>>
      %dma_wait3A_1173 = tpu.memref_squeeze %dma_wait3A_1172 : memref<1x64x128xf32, #tpu.memory_space<hbm>> -> memref<64x128xf32, #tpu.memory_space<hbm>>
      %dma_wait3A_1174 = arith.constant 0 : i32
      %dma_wait3A_1175 = tpu.memref_slice %arg6[%arg0, %add3A_1145, %dma_wait3A_1174] : memref<2x10240x128xf32, #tpu.memory_space<hbm>> -> memref<1x64x128xf32, #tpu.memory_space<hbm>>
      %dma_wait3A_1176 = tpu.memref_squeeze %dma_wait3A_1175 : memref<1x64x128xf32, #tpu.memory_space<hbm>> -> memref<64x128xf32, #tpu.memory_space<hbm>>
      tpu.wait_dma2 semaphore(%run_scoped3A : memref<!tpu.dma_semaphore, #tpu.memory_space<semaphore_mem>>) src(%arg10 : memref<64x128xf32, #tpu.memory_space<vmem>>) dst(%dma_wait3A_1176 : memref<64x128xf32, #tpu.memory_space<hbm>>)
      tpu.yield
    }) : () -> ()
    %add3A_1146 = arith.constant 384 : i32
    %add3A_1147 = arith.addi %mul3A_2, %add3A_1146 : i32
    "tpu.region"() ({
      %run_scoped3A = tpu.sem_alloc : memref<!tpu.dma_semaphore, #tpu.memory_space<semaphore_mem>>
      %dma_start3A_1165 = arith.constant 0 : i32
      %dma_start3A_1166 = tpu.memref_slice %arg16[%add3A_1147, %dma_start3A_1165] : memref<10240x128xf32, #tpu.memory_space<vmem_shared>> -> memref<64x128xf32, #tpu.memory_space<vmem_shared>>
      %dma_start3A_1167 = arith.constant 0 : i32
      %dma_start3A_1168 = tpu.memref_slice %arg16[%add3A_1147, %dma_start3A_1167] : memref<10240x128xf32, #tpu.memory_space<vmem_shared>> -> memref<64x128xf32, #tpu.memory_space<vmem_shared>>
      tpu.enqueue_dma source(%dma_start3A_1168 : memref<64x128xf32, #tpu.memory_space<vmem_shared>>) target(%arg10 : memref<64x128xf32, #tpu.memory_space<vmem>>) target_semaphore(%run_scoped3A : memref<!tpu.dma_semaphore, #tpu.memory_space<semaphore_mem>>)
      %dma_wait3A_1169 = arith.constant 0 : i32
      %dma_wait3A_1170 = tpu.memref_slice %arg16[%add3A_1147, %dma_wait3A_1169] : memref<10240x128xf32, #tpu.memory_space<vmem_shared>> -> memref<64x128xf32, #tpu.memory_space<vmem_shared>>
      %dma_wait3A_1171 = arith.constant 0 : i32
      %dma_wait3A_1172 = tpu.memref_slice %arg16[%add3A_1147, %dma_wait3A_1171] : memref<10240x128xf32, #tpu.memory_space<vmem_shared>> -> memref<64x128xf32, #tpu.memory_space<vmem_shared>>
      tpu.wait_dma2 semaphore(%run_scoped3A : memref<!tpu.dma_semaphore, #tpu.memory_space<semaphore_mem>>) src(%dma_wait3A_1172 : memref<64x128xf32, #tpu.memory_space<vmem_shared>>) dst(%arg10 : memref<64x128xf32, #tpu.memory_space<vmem>>)
      tpu.yield
    }) : () -> ()
    %add3A_1148 = arith.constant 384 : i32
    %add3A_1149 = arith.addi %mul3A_2, %add3A_1148 : i32
    "tpu.region"() ({
      %run_scoped3A = tpu.sem_alloc : memref<!tpu.dma_semaphore, #tpu.memory_space<semaphore_mem>>
      %dma_start3A_1165 = arith.constant 0 : i32
      %dma_start3A_1166 = tpu.memref_slice %arg6[%arg0, %add3A_1149, %dma_start3A_1165] : memref<2x10240x128xf32, #tpu.memory_space<hbm>> -> memref<1x64x128xf32, #tpu.memory_space<hbm>>
      %dma_start3A_1167 = tpu.memref_squeeze %dma_start3A_1166 : memref<1x64x128xf32, #tpu.memory_space<hbm>> -> memref<64x128xf32, #tpu.memory_space<hbm>>
      %dma_start3A_1168 = arith.constant 0 : i32
      %dma_start3A_1169 = tpu.memref_slice %arg6[%arg0, %add3A_1149, %dma_start3A_1168] : memref<2x10240x128xf32, #tpu.memory_space<hbm>> -> memref<1x64x128xf32, #tpu.memory_space<hbm>>
      %dma_start3A_1170 = tpu.memref_squeeze %dma_start3A_1169 : memref<1x64x128xf32, #tpu.memory_space<hbm>> -> memref<64x128xf32, #tpu.memory_space<hbm>>
      tpu.enqueue_dma source(%arg10 : memref<64x128xf32, #tpu.memory_space<vmem>>) target(%dma_start3A_1170 : memref<64x128xf32, #tpu.memory_space<hbm>>) target_semaphore(%run_scoped3A : memref<!tpu.dma_semaphore, #tpu.memory_space<semaphore_mem>>)
      %dma_wait3A_1171 = arith.constant 0 : i32
      %dma_wait3A_1172 = tpu.memref_slice %arg6[%arg0, %add3A_1149, %dma_wait3A_1171] : memref<2x10240x128xf32, #tpu.memory_space<hbm>> -> memref<1x64x128xf32, #tpu.memory_space<hbm>>
      %dma_wait3A_1173 = tpu.memref_squeeze %dma_wait3A_1172 : memref<1x64x128xf32, #tpu.memory_space<hbm>> -> memref<64x128xf32, #tpu.memory_space<hbm>>
      %dma_wait3A_1174 = arith.constant 0 : i32
      %dma_wait3A_1175 = tpu.memref_slice %arg6[%arg0, %add3A_1149, %dma_wait3A_1174] : memref<2x10240x128xf32, #tpu.memory_space<hbm>> -> memref<1x64x128xf32, #tpu.memory_space<hbm>>
      %dma_wait3A_1176 = tpu.memref_squeeze %dma_wait3A_1175 : memref<1x64x128xf32, #tpu.memory_space<hbm>> -> memref<64x128xf32, #tpu.memory_space<hbm>>
      tpu.wait_dma2 semaphore(%run_scoped3A : memref<!tpu.dma_semaphore, #tpu.memory_space<semaphore_mem>>) src(%arg10 : memref<64x128xf32, #tpu.memory_space<vmem>>) dst(%dma_wait3A_1176 : memref<64x128xf32, #tpu.memory_space<hbm>>)
      tpu.yield
    }) : () -> ()
    %add3A_1150 = arith.constant 448 : i32
    %add3A_1151 = arith.addi %mul3A_2, %add3A_1150 : i32
    "tpu.region"() ({
      %run_scoped3A = tpu.sem_alloc : memref<!tpu.dma_semaphore, #tpu.memory_space<semaphore_mem>>
      %dma_start3A_1165 = arith.constant 0 : i32
      %dma_start3A_1166 = tpu.memref_slice %arg16[%add3A_1151, %dma_start3A_1165] : memref<10240x128xf32, #tpu.memory_space<vmem_shared>> -> memref<64x128xf32, #tpu.memory_space<vmem_shared>>
      %dma_start3A_1167 = arith.constant 0 : i32
      %dma_start3A_1168 = tpu.memref_slice %arg16[%add3A_1151, %dma_start3A_1167] : memref<10240x128xf32, #tpu.memory_space<vmem_shared>> -> memref<64x128xf32, #tpu.memory_space<vmem_shared>>
      tpu.enqueue_dma source(%dma_start3A_1168 : memref<64x128xf32, #tpu.memory_space<vmem_shared>>) target(%arg10 : memref<64x128xf32, #tpu.memory_space<vmem>>) target_semaphore(%run_scoped3A : memref<!tpu.dma_semaphore, #tpu.memory_space<semaphore_mem>>)
      %dma_wait3A_1169 = arith.constant 0 : i32
      %dma_wait3A_1170 = tpu.memref_slice %arg16[%add3A_1151, %dma_wait3A_1169] : memref<10240x128xf32, #tpu.memory_space<vmem_shared>> -> memref<64x128xf32, #tpu.memory_space<vmem_shared>>
      %dma_wait3A_1171 = arith.constant 0 : i32
      %dma_wait3A_1172 = tpu.memref_slice %arg16[%add3A_1151, %dma_wait3A_1171] : memref<10240x128xf32, #tpu.memory_space<vmem_shared>> -> memref<64x128xf32, #tpu.memory_space<vmem_shared>>
      tpu.wait_dma2 semaphore(%run_scoped3A : memref<!tpu.dma_semaphore, #tpu.memory_space<semaphore_mem>>) src(%dma_wait3A_1172 : memref<64x128xf32, #tpu.memory_space<vmem_shared>>) dst(%arg10 : memref<64x128xf32, #tpu.memory_space<vmem>>)
      tpu.yield
    }) : () -> ()
    %add3A_1152 = arith.constant 448 : i32
    %add3A_1153 = arith.addi %mul3A_2, %add3A_1152 : i32
    "tpu.region"() ({
      %run_scoped3A = tpu.sem_alloc : memref<!tpu.dma_semaphore, #tpu.memory_space<semaphore_mem>>
      %dma_start3A_1165 = arith.constant 0 : i32
      %dma_start3A_1166 = tpu.memref_slice %arg6[%arg0, %add3A_1153, %dma_start3A_1165] : memref<2x10240x128xf32, #tpu.memory_space<hbm>> -> memref<1x64x128xf32, #tpu.memory_space<hbm>>
      %dma_start3A_1167 = tpu.memref_squeeze %dma_start3A_1166 : memref<1x64x128xf32, #tpu.memory_space<hbm>> -> memref<64x128xf32, #tpu.memory_space<hbm>>
      %dma_start3A_1168 = arith.constant 0 : i32
      %dma_start3A_1169 = tpu.memref_slice %arg6[%arg0, %add3A_1153, %dma_start3A_1168] : memref<2x10240x128xf32, #tpu.memory_space<hbm>> -> memref<1x64x128xf32, #tpu.memory_space<hbm>>
      %dma_start3A_1170 = tpu.memref_squeeze %dma_start3A_1169 : memref<1x64x128xf32, #tpu.memory_space<hbm>> -> memref<64x128xf32, #tpu.memory_space<hbm>>
      tpu.enqueue_dma source(%arg10 : memref<64x128xf32, #tpu.memory_space<vmem>>) target(%dma_start3A_1170 : memref<64x128xf32, #tpu.memory_space<hbm>>) target_semaphore(%run_scoped3A : memref<!tpu.dma_semaphore, #tpu.memory_space<semaphore_mem>>)
      %dma_wait3A_1171 = arith.constant 0 : i32
      %dma_wait3A_1172 = tpu.memref_slice %arg6[%arg0, %add3A_1153, %dma_wait3A_1171] : memref<2x10240x128xf32, #tpu.memory_space<hbm>> -> memref<1x64x128xf32, #tpu.memory_space<hbm>>
      %dma_wait3A_1173 = tpu.memref_squeeze %dma_wait3A_1172 : memref<1x64x128xf32, #tpu.memory_space<hbm>> -> memref<64x128xf32, #tpu.memory_space<hbm>>
      %dma_wait3A_1174 = arith.constant 0 : i32
      %dma_wait3A_1175 = tpu.memref_slice %arg6[%arg0, %add3A_1153, %dma_wait3A_1174] : memref<2x10240x128xf32, #tpu.memory_space<hbm>> -> memref<1x64x128xf32, #tpu.memory_space<hbm>>
      %dma_wait3A_1176 = tpu.memref_squeeze %dma_wait3A_1175 : memref<1x64x128xf32, #tpu.memory_space<hbm>> -> memref<64x128xf32, #tpu.memory_space<hbm>>
      tpu.wait_dma2 semaphore(%run_scoped3A : memref<!tpu.dma_semaphore, #tpu.memory_space<semaphore_mem>>) src(%arg10 : memref<64x128xf32, #tpu.memory_space<vmem>>) dst(%dma_wait3A_1176 : memref<64x128xf32, #tpu.memory_space<hbm>>)
      tpu.yield
    }) : () -> ()
    %add3A_1154 = arith.constant 512 : i32
    %add3A_1155 = arith.addi %mul3A_2, %add3A_1154 : i32
    "tpu.region"() ({
      %run_scoped3A = tpu.sem_alloc : memref<!tpu.dma_semaphore, #tpu.memory_space<semaphore_mem>>
      %dma_start3A_1165 = arith.constant 0 : i32
      %dma_start3A_1166 = tpu.memref_slice %arg16[%add3A_1155, %dma_start3A_1165] : memref<10240x128xf32, #tpu.memory_space<vmem_shared>> -> memref<64x128xf32, #tpu.memory_space<vmem_shared>>
      %dma_start3A_1167 = arith.constant 0 : i32
      %dma_start3A_1168 = tpu.memref_slice %arg16[%add3A_1155, %dma_start3A_1167] : memref<10240x128xf32, #tpu.memory_space<vmem_shared>> -> memref<64x128xf32, #tpu.memory_space<vmem_shared>>
      tpu.enqueue_dma source(%dma_start3A_1168 : memref<64x128xf32, #tpu.memory_space<vmem_shared>>) target(%arg10 : memref<64x128xf32, #tpu.memory_space<vmem>>) target_semaphore(%run_scoped3A : memref<!tpu.dma_semaphore, #tpu.memory_space<semaphore_mem>>)
      %dma_wait3A_1169 = arith.constant 0 : i32
      %dma_wait3A_1170 = tpu.memref_slice %arg16[%add3A_1155, %dma_wait3A_1169] : memref<10240x128xf32, #tpu.memory_space<vmem_shared>> -> memref<64x128xf32, #tpu.memory_space<vmem_shared>>
      %dma_wait3A_1171 = arith.constant 0 : i32
      %dma_wait3A_1172 = tpu.memref_slice %arg16[%add3A_1155, %dma_wait3A_1171] : memref<10240x128xf32, #tpu.memory_space<vmem_shared>> -> memref<64x128xf32, #tpu.memory_space<vmem_shared>>
      tpu.wait_dma2 semaphore(%run_scoped3A : memref<!tpu.dma_semaphore, #tpu.memory_space<semaphore_mem>>) src(%dma_wait3A_1172 : memref<64x128xf32, #tpu.memory_space<vmem_shared>>) dst(%arg10 : memref<64x128xf32, #tpu.memory_space<vmem>>)
      tpu.yield
    }) : () -> ()
    %add3A_1156 = arith.constant 512 : i32
    %add3A_1157 = arith.addi %mul3A_2, %add3A_1156 : i32
    "tpu.region"() ({
      %run_scoped3A = tpu.sem_alloc : memref<!tpu.dma_semaphore, #tpu.memory_space<semaphore_mem>>
      %dma_start3A_1165 = arith.constant 0 : i32
      %dma_start3A_1166 = tpu.memref_slice %arg6[%arg0, %add3A_1157, %dma_start3A_1165] : memref<2x10240x128xf32, #tpu.memory_space<hbm>> -> memref<1x64x128xf32, #tpu.memory_space<hbm>>
      %dma_start3A_1167 = tpu.memref_squeeze %dma_start3A_1166 : memref<1x64x128xf32, #tpu.memory_space<hbm>> -> memref<64x128xf32, #tpu.memory_space<hbm>>
      %dma_start3A_1168 = arith.constant 0 : i32
      %dma_start3A_1169 = tpu.memref_slice %arg6[%arg0, %add3A_1157, %dma_start3A_1168] : memref<2x10240x128xf32, #tpu.memory_space<hbm>> -> memref<1x64x128xf32, #tpu.memory_space<hbm>>
      %dma_start3A_1170 = tpu.memref_squeeze %dma_start3A_1169 : memref<1x64x128xf32, #tpu.memory_space<hbm>> -> memref<64x128xf32, #tpu.memory_space<hbm>>
      tpu.enqueue_dma source(%arg10 : memref<64x128xf32, #tpu.memory_space<vmem>>) target(%dma_start3A_1170 : memref<64x128xf32, #tpu.memory_space<hbm>>) target_semaphore(%run_scoped3A : memref<!tpu.dma_semaphore, #tpu.memory_space<semaphore_mem>>)
      %dma_wait3A_1171 = arith.constant 0 : i32
      %dma_wait3A_1172 = tpu.memref_slice %arg6[%arg0, %add3A_1157, %dma_wait3A_1171] : memref<2x10240x128xf32, #tpu.memory_space<hbm>> -> memref<1x64x128xf32, #tpu.memory_space<hbm>>
      %dma_wait3A_1173 = tpu.memref_squeeze %dma_wait3A_1172 : memref<1x64x128xf32, #tpu.memory_space<hbm>> -> memref<64x128xf32, #tpu.memory_space<hbm>>
      %dma_wait3A_1174 = arith.constant 0 : i32
      %dma_wait3A_1175 = tpu.memref_slice %arg6[%arg0, %add3A_1157, %dma_wait3A_1174] : memref<2x10240x128xf32, #tpu.memory_space<hbm>> -> memref<1x64x128xf32, #tpu.memory_space<hbm>>
      %dma_wait3A_1176 = tpu.memref_squeeze %dma_wait3A_1175 : memref<1x64x128xf32, #tpu.memory_space<hbm>> -> memref<64x128xf32, #tpu.memory_space<hbm>>
      tpu.wait_dma2 semaphore(%run_scoped3A : memref<!tpu.dma_semaphore, #tpu.memory_space<semaphore_mem>>) src(%arg10 : memref<64x128xf32, #tpu.memory_space<vmem>>) dst(%dma_wait3A_1176 : memref<64x128xf32, #tpu.memory_space<hbm>>)
      tpu.yield
    }) : () -> ()
    %add3A_1158 = arith.constant 576 : i32
    %add3A_1159 = arith.addi %mul3A_2, %add3A_1158 : i32
    "tpu.region"() ({
      %run_scoped3A = tpu.sem_alloc : memref<!tpu.dma_semaphore, #tpu.memory_space<semaphore_mem>>
      %dma_start3A_1165 = arith.constant 0 : i32
      %dma_start3A_1166 = tpu.memref_slice %arg16[%add3A_1159, %dma_start3A_1165] : memref<10240x128xf32, #tpu.memory_space<vmem_shared>> -> memref<64x128xf32, #tpu.memory_space<vmem_shared>>
      %dma_start3A_1167 = arith.constant 0 : i32
      %dma_start3A_1168 = tpu.memref_slice %arg16[%add3A_1159, %dma_start3A_1167] : memref<10240x128xf32, #tpu.memory_space<vmem_shared>> -> memref<64x128xf32, #tpu.memory_space<vmem_shared>>
      tpu.enqueue_dma source(%dma_start3A_1168 : memref<64x128xf32, #tpu.memory_space<vmem_shared>>) target(%arg10 : memref<64x128xf32, #tpu.memory_space<vmem>>) target_semaphore(%run_scoped3A : memref<!tpu.dma_semaphore, #tpu.memory_space<semaphore_mem>>)
      %dma_wait3A_1169 = arith.constant 0 : i32
      %dma_wait3A_1170 = tpu.memref_slice %arg16[%add3A_1159, %dma_wait3A_1169] : memref<10240x128xf32, #tpu.memory_space<vmem_shared>> -> memref<64x128xf32, #tpu.memory_space<vmem_shared>>
      %dma_wait3A_1171 = arith.constant 0 : i32
      %dma_wait3A_1172 = tpu.memref_slice %arg16[%add3A_1159, %dma_wait3A_1171] : memref<10240x128xf32, #tpu.memory_space<vmem_shared>> -> memref<64x128xf32, #tpu.memory_space<vmem_shared>>
      tpu.wait_dma2 semaphore(%run_scoped3A : memref<!tpu.dma_semaphore, #tpu.memory_space<semaphore_mem>>) src(%dma_wait3A_1172 : memref<64x128xf32, #tpu.memory_space<vmem_shared>>) dst(%arg10 : memref<64x128xf32, #tpu.memory_space<vmem>>)
      tpu.yield
    }) : () -> ()
    %add3A_1160 = arith.constant 576 : i32
    %add3A_1161 = arith.addi %mul3A_2, %add3A_1160 : i32
    "tpu.region"() ({
      %run_scoped3A = tpu.sem_alloc : memref<!tpu.dma_semaphore, #tpu.memory_space<semaphore_mem>>
      %dma_start3A_1165 = arith.constant 0 : i32
      %dma_start3A_1166 = tpu.memref_slice %arg6[%arg0, %add3A_1161, %dma_start3A_1165] : memref<2x10240x128xf32, #tpu.memory_space<hbm>> -> memref<1x64x128xf32, #tpu.memory_space<hbm>>
      %dma_start3A_1167 = tpu.memref_squeeze %dma_start3A_1166 : memref<1x64x128xf32, #tpu.memory_space<hbm>> -> memref<64x128xf32, #tpu.memory_space<hbm>>
      %dma_start3A_1168 = arith.constant 0 : i32
      %dma_start3A_1169 = tpu.memref_slice %arg6[%arg0, %add3A_1161, %dma_start3A_1168] : memref<2x10240x128xf32, #tpu.memory_space<hbm>> -> memref<1x64x128xf32, #tpu.memory_space<hbm>>
      %dma_start3A_1170 = tpu.memref_squeeze %dma_start3A_1169 : memref<1x64x128xf32, #tpu.memory_space<hbm>> -> memref<64x128xf32, #tpu.memory_space<hbm>>
      tpu.enqueue_dma source(%arg10 : memref<64x128xf32, #tpu.memory_space<vmem>>) target(%dma_start3A_1170 : memref<64x128xf32, #tpu.memory_space<hbm>>) target_semaphore(%run_scoped3A : memref<!tpu.dma_semaphore, #tpu.memory_space<semaphore_mem>>)
      %dma_wait3A_1171 = arith.constant 0 : i32
      %dma_wait3A_1172 = tpu.memref_slice %arg6[%arg0, %add3A_1161, %dma_wait3A_1171] : memref<2x10240x128xf32, #tpu.memory_space<hbm>> -> memref<1x64x128xf32, #tpu.memory_space<hbm>>
      %dma_wait3A_1173 = tpu.memref_squeeze %dma_wait3A_1172 : memref<1x64x128xf32, #tpu.memory_space<hbm>> -> memref<64x128xf32, #tpu.memory_space<hbm>>
      %dma_wait3A_1174 = arith.constant 0 : i32
      %dma_wait3A_1175 = tpu.memref_slice %arg6[%arg0, %add3A_1161, %dma_wait3A_1174] : memref<2x10240x128xf32, #tpu.memory_space<hbm>> -> memref<1x64x128xf32, #tpu.memory_space<hbm>>
      %dma_wait3A_1176 = tpu.memref_squeeze %dma_wait3A_1175 : memref<1x64x128xf32, #tpu.memory_space<hbm>> -> memref<64x128xf32, #tpu.memory_space<hbm>>
      tpu.wait_dma2 semaphore(%run_scoped3A : memref<!tpu.dma_semaphore, #tpu.memory_space<semaphore_mem>>) src(%arg10 : memref<64x128xf32, #tpu.memory_space<vmem>>) dst(%dma_wait3A_1176 : memref<64x128xf32, #tpu.memory_space<hbm>>)
      tpu.yield
    }) : () -> ()
    "tpu.region"() ({
      %run_scoped3A = tpu.sem_alloc : memref<!tpu.dma_semaphore, #tpu.memory_space<semaphore_mem>>
      %dma_start3A_1165 = tpu.memref_slice %arg17[%mul3A_2] : memref<10240xf32, #tpu.memory_space<vmem_shared>> -> memref<640xf32, #tpu.memory_space<vmem_shared>>
      %dma_start3A_1166 = tpu.memref_slice %arg17[%mul3A_2] : memref<10240xf32, #tpu.memory_space<vmem_shared>> -> memref<640xf32, #tpu.memory_space<vmem_shared>>
      tpu.enqueue_dma source(%dma_start3A_1166 : memref<640xf32, #tpu.memory_space<vmem_shared>>) target(%arg15 : memref<640xf32, #tpu.memory_space<vmem>>) target_semaphore(%run_scoped3A : memref<!tpu.dma_semaphore, #tpu.memory_space<semaphore_mem>>)
      %dma_wait3A_1167 = tpu.memref_slice %arg17[%mul3A_2] : memref<10240xf32, #tpu.memory_space<vmem_shared>> -> memref<640xf32, #tpu.memory_space<vmem_shared>>
      %dma_wait3A_1168 = tpu.memref_slice %arg17[%mul3A_2] : memref<10240xf32, #tpu.memory_space<vmem_shared>> -> memref<640xf32, #tpu.memory_space<vmem_shared>>
      tpu.wait_dma2 semaphore(%run_scoped3A : memref<!tpu.dma_semaphore, #tpu.memory_space<semaphore_mem>>) src(%dma_wait3A_1168 : memref<640xf32, #tpu.memory_space<vmem_shared>>) dst(%arg15 : memref<640xf32, #tpu.memory_space<vmem>>)
      tpu.yield
    }) : () -> ()
    %mul3A_1162 = arith.constant 10240 : i32
    %mul3A_1163 = arith.muli %arg0, %mul3A_1162 : i32
    %add3A_1164 = arith.addi %mul3A_1163, %mul3A_2 : i32
    "tpu.region"() ({
      %run_scoped3A = tpu.sem_alloc : memref<!tpu.dma_semaphore, #tpu.memory_space<semaphore_mem>>
      %dma_start3A_1165 = tpu.memref_slice %arg7[%add3A_1164] : memref<20480xf32, #tpu.memory_space<hbm>> -> memref<640xf32, #tpu.memory_space<hbm>>
      %dma_start3A_1166 = tpu.memref_slice %arg7[%add3A_1164] : memref<20480xf32, #tpu.memory_space<hbm>> -> memref<640xf32, #tpu.memory_space<hbm>>
      tpu.enqueue_dma source(%arg15 : memref<640xf32, #tpu.memory_space<vmem>>) target(%dma_start3A_1166 : memref<640xf32, #tpu.memory_space<hbm>>) target_semaphore(%run_scoped3A : memref<!tpu.dma_semaphore, #tpu.memory_space<semaphore_mem>>)
      %dma_wait3A_1167 = tpu.memref_slice %arg7[%add3A_1164] : memref<20480xf32, #tpu.memory_space<hbm>> -> memref<640xf32, #tpu.memory_space<hbm>>
      %dma_wait3A_1168 = tpu.memref_slice %arg7[%add3A_1164] : memref<20480xf32, #tpu.memory_space<hbm>> -> memref<640xf32, #tpu.memory_space<hbm>>
      tpu.wait_dma2 semaphore(%run_scoped3A : memref<!tpu.dma_semaphore, #tpu.memory_space<semaphore_mem>>) src(%arg15 : memref<640xf32, #tpu.memory_space<vmem>>) dst(%dma_wait3A_1168 : memref<640xf32, #tpu.memory_space<hbm>>)
      tpu.yield
    }) : () -> ()
    return
  }
}

module attributes {stable_mosaic.version = 14 : i64} {
  func.func @_combine_body(%arg0: i32, %arg1: memref<2x1000x128xf32, #tpu.memory_space<vmem>>, %arg2: memref<2x1000x1xf32, #tpu.memory_space<vmem>>, %arg3: memref<128x128xf32, #tpu.memory_space<vmem>>, %arg4: memref<1x128xf32, #tpu.memory_space<vmem>>, %arg5: memref<1000x128xf32, #tpu.memory_space<vmem>>) attributes {dimension_semantics = [#tpu.dimension_semantics<arbitrary>], iteration_bounds = array<i64: 10>, scalar_prefetch = 0 : i64, scratch_operands = 0 : i64, tpu.core_type = #tpu.core_type<tc>, window_params = [{transform_indices = @transform_0, window_bounds = array<i64: 2, 1000, 128>}, {transform_indices = @transform_1, window_bounds = array<i64: 2, 1000, 1>}, {pipeline_mode = #tpu.pipeline_mode<synchronous>, transform_indices = @transform_2, window_bounds = array<i64: 128, 128>}, {pipeline_mode = #tpu.pipeline_mode<synchronous>, transform_indices = @transform_3, window_bounds = array<i64: 1, 128>}, {transform_indices = @transform_4, window_bounds = array<i64: 1000, 128>}]} {
    %get3A = arith.constant 0 : index
    %get3A_0 = arith.constant 0 : index
    %get3A_1 = arith.constant 0 : index
    %get3A_2 = vector.load %arg1[%get3A, %get3A_0, %get3A_1] : memref<2x1000x128xf32, #tpu.memory_space<vmem>>, vector<1x1000x128xf32>
    %get3A_3 = vector.shape_cast %get3A_2 : vector<1x1000x128xf32> to vector<1000x128xf32>
    %get3A_4 = arith.constant 1 : index
    %get3A_5 = arith.constant 0 : index
    %get3A_6 = arith.constant 0 : index
    %get3A_7 = vector.load %arg1[%get3A_4, %get3A_5, %get3A_6] : memref<2x1000x128xf32, #tpu.memory_space<vmem>>, vector<1x1000x128xf32>
    %get3A_8 = vector.shape_cast %get3A_7 : vector<1x1000x128xf32> to vector<1000x128xf32>
    %add3A = arith.addf %get3A_3, %get3A_8 : vector<1000x128xf32>
    %get3A_9 = arith.constant 0 : index
    %get3A_10 = arith.constant 0 : index
    %get3A_11 = arith.constant 0 : index
    %get3A_12 = vector.load %arg2[%get3A_9, %get3A_10, %get3A_11] : memref<2x1000x1xf32, #tpu.memory_space<vmem>>, vector<1x1000x1xf32>
    %get3A_13 = vector.shape_cast %get3A_12 : vector<1x1000x1xf32> to vector<1000xf32>
    %get3A_14 = arith.constant 1 : index
    %get3A_15 = arith.constant 0 : index
    %get3A_16 = arith.constant 0 : index
    %get3A_17 = vector.load %arg2[%get3A_14, %get3A_15, %get3A_16] : memref<2x1000x1xf32, #tpu.memory_space<vmem>>, vector<1x1000x1xf32>
    %get3A_18 = vector.shape_cast %get3A_17 : vector<1x1000x1xf32> to vector<1000xf32>
    %add3A_19 = arith.addf %get3A_13, %get3A_18 : vector<1000xf32>
    %broadcast_in_dim3A = vector.shape_cast %add3A_19 : vector<1000xf32> to vector<1000x1xf32>
    %get3A_20 = arith.constant 0 : index
    %get3A_21 = arith.constant 0 : index
    %get3A_22 = vector.load %arg3[%get3A_20, %get3A_21] : memref<128x128xf32, #tpu.memory_space<vmem>>, vector<128x128xf32>
    %dot_general3A = arith.constant dense<0.000000e+00> : vector<1000x128xf32>
    %dot_general3A_23 = tpu.matmul %add3A, %get3A_22, %dot_general3A {dimension_numbers = #tpu.dot_dimension_numbers<[1], [0], [0], [1], [0, 0, 1, 1], [], []>, transpose_lhs_hint = false} : vector<1000x128xf32>, vector<128x128xf32>, vector<1000x128xf32> -> vector<1000x128xf32>
    %get3A_24 = arith.constant 0 : index
    %get3A_25 = arith.constant 0 : index
    %get3A_26 = vector.load %arg4[%get3A_24, %get3A_25] : memref<1x128xf32, #tpu.memory_space<vmem>>, vector<1x128xf32>
    %mul3A = vector.broadcast %broadcast_in_dim3A : vector<1000x1xf32> to vector<1000x128xf32>
    %mul3A_27 = vector.broadcast %get3A_26 : vector<1x128xf32> to vector<1000x128xf32>
    %mul3A_28 = arith.mulf %mul3A, %mul3A_27 : vector<1000x128xf32>
    %add3A_29 = arith.addf %dot_general3A_23, %mul3A_28 : vector<1000x128xf32>
    %max3A = arith.constant 1.000000e+00 : f32
    %max3A_30 = vector.broadcast %max3A : f32 to vector<1000x1xf32>
    %max3A_31 = arith.maximumf %broadcast_in_dim3A, %max3A_30 : vector<1000x1xf32>
    %div3A = vector.broadcast %max3A_31 : vector<1000x1xf32> to vector<1000x128xf32>
    %div3A_32 = arith.divf %add3A_29, %div3A : vector<1000x128xf32>
    %max3A_33 = arith.constant 0.000000e+00 : f32
    %max3A_34 = vector.broadcast %max3A_33 : f32 to vector<1000x128xf32>
    %max3A_35 = arith.maximumf %div3A_32, %max3A_34 : vector<1000x128xf32>
    %swap3A = arith.constant 0 : index
    %swap3A_36 = arith.constant 0 : index
    %swap3A_37 = vector.load %arg5[%swap3A, %swap3A_36] : memref<1000x128xf32, #tpu.memory_space<vmem>>, vector<1000x128xf32>
    tpu.vector_store %arg5[%swap3A, %swap3A_36], %max3A_35 {strides = array<i32>} : memref<1000x128xf32, #tpu.memory_space<vmem>>, vector<1000x128xf32>,
    return
  }
  func.func @transform_0(%arg0: i32) -> (i32, i32, i32) {
    %c0_i32 = arith.constant 0 : i32
    %c0_i32_0 = arith.constant 0 : i32
    %c0_i32_1 = arith.constant 0 : i32
    return %c0_i32, %arg0, %c0_i32_0 : i32, i32, i32
  }
  func.func @transform_1(%arg0: i32) -> (i32, i32, i32) {
    %c0_i32 = arith.constant 0 : i32
    %c0_i32_0 = arith.constant 0 : i32
    %c0_i32_1 = arith.constant 0 : i32
    return %c0_i32, %arg0, %c0_i32_0 : i32, i32, i32
  }
  func.func @transform_2(%arg0: i32) -> (i32, i32) {
    %c0_i32 = arith.constant 0 : i32
    %c0_i32_0 = arith.constant 0 : i32
    %c0_i32_1 = arith.constant 0 : i32
    return %c0_i32, %c0_i32_0 : i32, i32
  }
  func.func @transform_3(%arg0: i32) -> (i32, i32) {
    %c0_i32 = arith.constant 0 : i32
    %c0_i32_0 = arith.constant 0 : i32
    %c0_i32_1 = arith.constant 0 : i32
    return %c0_i32, %c0_i32_0 : i32, i32
  }
  func.func @transform_4(%arg0: i32) -> (i32, i32) {
    %c0_i32 = arith.constant 0 : i32
    %c0_i32_0 = arith.constant 0 : i32
    return %arg0, %c0_i32 : i32, i32
  }
}

</mosaic_0001>

<sc_bundles>
// kernel: kernel.4.cloned.1.call-start
scs
__scs_entry_jumppad:
0x0: {  	(pc) =	sbr.rel $0x88, $3  }
0x1: {  	(tag) =	ssettag $0x0;
	lr =	simm.s32 $0x1  }
0x2: {  	[smem:$0x3F9D] =	sst lr;
	_ =	strace $0xD0000000  }
0x3: {  	_ = 	snop  }
0x4: {  	_ = 	snop  }
0x5: {  	_ = 	snop  }
0x6: {  	_ = 	snop  }
0x7: {  	_ = 	snop  }
__scs_overlays_trampoline_lowered:
0x8: {  	[smem:$0x3FAC] =	sst s0  }
0x9: {  	[smem:$0x3FAD] =	sst s1  }
0xa: {  	[smem:$0x3FAE] =	sst s2  }
0xb: {  	[smem:$0x3FAF] =	sst s3  }
0xc: {  	[smem:$0x3FB0] =	sst s4  }
0xd: {  	[smem:$0x3FB1] =	sst s5  }
0xe: {  	[smem:$0x3FB2] =	sst s6  }
0xf: {  	[smem:$0x3FB3] =	sst s7  }
0x10: {  	[smem:$0x3FB4] =	sst s8  }
0x11: {  	[smem:$0x3FB5] =	sst s9;
	s0 =	simm.s32 @!p0 $0x0  }
0x12: {  	s1 =	sld [smem:$0x3F9B];
	s0 =	simm.s32 @p0 $0x1  }
0x13: {  	[smem:$0x3FB6] =	sst s0;
	s0 =	simm.s32 @!p1 $0x0  }
0x14: {  	s2 =	sld [smem:$0x3F9A];
	s0 =	simm.s32 @p1 $0x1  }
0x15: {  	[smem:$0x3FB7] =	sst s0;
	s0 =	simm.s32 @!p2 $0x0  }
0x16: {  	s3 =	sld [smem:$0x3FDB];
	s0 =	simm.s32 @p2 $0x1  }
0x17: {  	s4 =	simm.s32 $0x1BF5;
	[smem:$0x3FB9] =	sst s0  }
0x18: {  	s0 =	sld [smem:$0x3F9C];
	_ =	swait.ge [sflag:s4], $0x0  }
0x19: {  	s7 =	sld [smem:$0x3F9D]  }
0x1a: {  	s8 =	sadd.s32 $0xFFFFE003, lr  }
0x1b: {  	s9 =	sadd.s32 $0xFFFFFEF7, lr;
	s5 =	simm.s32 $0xFFFFFFFF;
	p2 =	slt.u32 s8, $0xFFFFF086  }
0x1c: {  	p1 =	slt.u32 s9, $0xF7A;
	s5 =	simm.s32 @!p2 $0x0  }
0x1d: {  	s5 =	simm.s32 @p1 $0x1;
	p0 =	seq.s32 s7, s2  }
0x1e: {  	s7 =	smul.u32 @!p0 $0xF7A, s2;
	p2 =	seq.s32 @!p0 s5, $0x0  }
0x1f: {  	s9 =	smul.u32 $0xF7A, s1;
	s8 =	simm.s32 @!p0 $0x1BF5;
	p2 =	por !p2, p0  }
0x20: {  	[sflag:s8] =	ssyncset.s32 @!p0 $0xFFFFF086;
	s6 =	sadd.s32 @!p0 s3, s7;
	s7 =	simm.s32 @!p0 $0x108  }
0x21: {  	s3 =	sadd.s32 s3, s9;
	s6 =	sadd.s32 @!p0 $0x88, s6;
	s7 =	simm.s32 @p2 $0x1082  }
0x22: {  	[simem:s7], [sflag:s8] =	dma.local @!p0 [hbm:s6], $0xF7A  }
0x23: {  	s9 =	sor.u32 $0xD0000000, s2;
	s6 =	simm.s32 $0x108;
	_ =	swait.ge @!p0 [sflag:s8], $0x0  }
0x24: {  	s3 =	sadd.s32 $0x88, s3;
	s6 =	simm.s32 @!p1 $0x1082;
	[sflag:s4] =	ssyncset.s32 $0xFFFFF086  }
0x25: {  	[simem:s6], [sflag:s4] =	dma.local [hbm:s3], $0xF7A  }
0x26: {  	[smem:$0x3F9D] =	sst s1;
	(tag) =	ssettag s2;
	_ =	strace s9  }
0x27: {  	s1 =	sld [smem:$0x3FAD]  }
0x28: {  	s2 =	sld [smem:$0x3FAE]  }
0x29: {  	s4 =	sld [smem:$0x3FB0]  }
0x2a: {  	p0 =	seq.s32 s5, $0x0;
	s5 =	sld [smem:$0x3FB1]  }
0x2b: {  	s6 =	sld [smem:$0x3FB2]  }
0x2c: {  	s7 =	sld [smem:$0x3FB3]  }
0x2d: {  	s3 =	simm.s32 $0x108;
	s8 =	sld [smem:$0x3FB4]  }
0x2e: {  	s3 =	simm.s32 @!p0 $0x1082;
	s9 =	sld [smem:$0x3FB5]  }
0x2f: {  	lr =	sadd.s32 s0, s3;
	s0 =	sld [smem:$0x3FAC]  }
0x30: {  	s3 =	sld [smem:$0x3FAF]  }
0x31: {  	[smem:$0x3FB8] =	sst s10  }
0x32: {  	s10 =	sld [smem:$0x3FB6];
	_ =	sdelay $0x3  }
0x33: {  	p0 =	seq.s32 s10, $0x1;
	s10 =	sld [smem:$0x3FB8];
	_ =	sdelay $0x3  }
0x34: {  	[smem:$0x3FB8] =	sst s10  }
0x35: {  	s10 =	sld [smem:$0x3FB7];
	_ =	sdelay $0x3  }
0x36: {  	p1 =	seq.s32 s10, $0x1;
	s10 =	sld [smem:$0x3FB8];
	_ =	sdelay $0x3  }
0x37: {  	[smem:$0x3FB8] =	sst s10  }
0x38: {  	s10 =	sld [smem:$0x3FB9]  }
0x39: {  	_ = 	snop;
	(pc) =	sbr.ind lr, $3  }
0x3a: {  	_ = 	snop  }
0x3b: {  	_ = 	snop  }
0x3c: {  	p2 =	seq.s32 s10, $0x1;
	s10 =	sld [smem:$0x3FB8]  }
0x3d: {  	_ =	shalt  }
0x3e: {  	_ =	shalt  }
0x3f: {  	_ =	shalt  }
0x40: {  	_ =	shalt  }
0x41: {  	_ =	shalt  }
0x42: {  	_ =	shalt  }
0x43: {  	_ =	shalt  }
0x44: {  	_ =	shalt  }
0x45: {  	_ =	shalt  }
0x46: {  	_ =	shalt  }
0x47: {  	_ =	shalt  }
0x48: {  	_ =	shalt  }
0x49: {  	_ =	shalt  }
0x4a: {  	_ =	shalt  }
0x4b: {  	_ =	shalt  }
0x4c: {  	_ =	shalt  }
0x4d: {  	_ =	shalt  }
0x4e: {  	_ =	shalt  }
0x4f: {  	_ =	shalt  }
0x50: {  	_ =	shalt  }
0x51: {  	_ =	shalt  }
0x52: {  	_ =	shalt  }
0x53: {  	_ =	shalt  }
0x54: {  	_ =	shalt  }
0x55: {  	_ =	shalt  }
0x56: {  	_ =	shalt  }
0x57: {  	_ =	shalt  }
0x58: {  	_ =	shalt  }
0x59: {  	_ =	shalt  }
0x5a: {  	_ =	shalt  }
0x5b: {  	_ =	shalt  }
0x5c: {  	_ =	shalt  }
0x5d: {  	_ =	shalt  }
0x5e: {  	_ =	shalt  }
0x5f: {  	_ =	shalt  }
0x60: {  	_ =	shalt  }
0x61: {  	_ =	shalt  }
0x62: {  	_ =	shalt  }
0x63: {  	_ =	shalt  }
0x64: {  	_ =	shalt  }
0x65: {  	_ =	shalt  }
0x66: {  	_ =	shalt  }
0x67: {  	_ =	shalt  }
0x68: {  	_ =	shalt  }
0x69: {  	_ =	shalt  }
0x6a: {  	_ =	shalt  }
0x6b: {  	_ =	shalt  }
0x6c: {  	_ =	shalt  }
0x6d: {  	_ =	shalt  }
0x6e: {  	_ =	shalt  }
0x6f: {  	_ =	shalt  }
0x70: {  	_ =	shalt  }
0x71: {  	_ =	shalt  }
0x72: {  	_ =	shalt  }
0x73: {  	_ =	shalt  }
0x74: {  	_ =	shalt  }
0x75: {  	_ =	shalt  }
0x76: {  	_ =	shalt  }
0x77: {  	_ =	shalt  }
0x78: {  	_ =	shalt  }
0x79: {  	_ =	shalt  }
0x7a: {  	_ =	shalt  }
0x7b: {  	_ =	shalt  }
0x7c: {  	_ =	shalt  }
0x7d: {  	_ =	shalt  }
0x7e: {  	_ =	shalt  }
0x7f: {  	_ =	shalt  }
0x80: {  	_ =	shalt  }
0x81: {  	_ =	shalt  }
0x82: {  	_ =	shalt  }
0x83: {  	_ =	shalt  }
0x84: {  	_ =	shalt  }
0x85: {  	_ =	shalt  }
0x86: {  	_ =	shalt  }
0x87: {  	_ =	shalt  }
.Lfunc_end0:
.L_simem_size_0:
called_computation_lowered:
.L_overlay_start_0:
0x88: {  	s2 =	sld [smem:$0x3FD9]  }
0x89: {  	s3 =	sld [smem:$0x3FFE];
	_ =	sdelay $0x1  }
0x8a: {  	s1 =	srdreg.scid  }
0x8b: {  	s0 =	sand.u32 $0x1, s1  }
0x8c: {  	s17 =	sshll.u32 s0, $0xA;
	s2 =	sadd.s32 s3, s2  }
0x8d: {  	s2 =	sadd.s32 s2, s17  }
0x8e: {  	[smem:$0x3FC4] =	sst s2  }
0x8f: {  	_ = 	snop  }
0x90: {  	s2 =	sld [smem:$0x3FC9]  }
0x91: {  	s18 =	sld [smem:$0x3FD0];
	(tm) =	ssettm $0x1  }
0x92: {  	s4 =	sld [smem:$0x3FFB];
	_ =	sdelay $0x3  }
0x93: {  	_ =	strace s4  }
0x94: {  	s4 =	sld [smem:$0x3FFC];
	_ =	sdelay $0x3  }
0x95: {  	_ =	strace s4  }
0x96: {  	s4 =	sld [smem:$0x3FFD];
	_ =	sdelay $0x3  }
0x97: {  	_ =	strace s4  }
0x98: {  	_ =	strace $0x8FFFFFFF  }
0x99: {  	s19 =	sld [smem:$0x3FDB];
	_ =	sdelay $0x1  }
0x9a: {  	s5 =	simm.s32 $_scs_section_size  }
0x9b: {  	s6 =	simm.s32 $_size__tile_overlayer_lowered;
	s7 =	simm.s32 $_tile_overlayer_lowered  }
0x9c: {  	s22 =	simm.s32 $0x1BFF;
	s21 =	sshll.u32 s7, $0x1;
	s4 =	sadd.s32 s5, s19  }
0x9d: {  	s8 =	simm.s32 $0x0;
	s20 =	sshll.u32 s6, $0x1;
	s6 =	sadd.s32 s21, s4  }
0x9e: {  	[timem:s8], [sflag:s22] =	dma.local [hbm:s6], s20  }
0x9f: {  	_ =	swait.ge [sflag:s22], s20  }
0xa0: {  	s5 =	ssub.s32 $0x0, s20;
	[sflag:s22] =	ssyncset.done $0x0  }
0xa1: {  	[sflag:s22] =	ssyncadd.s32 s5;
	_ =	sdelay $0x1  }
0xa2: {  	s23 =	simm.s32 $0x1B8B  }
0xa3: {  	_ =	swait.ge [sflag:s23], $0x1  }
0xa4: {  	[sflag:s23] =	ssyncset.done $0x0  }
0xa5: {  	s25 =	simm.s32 $0x1B8E;
	s24 =	sld [smem:$0x3FFE];
	[sflag:s23] =	ssyncadd.s32 $0xFFFFFFFF  }
0xa6: {  	s26 =	simm.s32 $execute0_lowered;
	[smem:$0x3FD2] =	sst s25  }
0xa7: {  	s6 =	sshll.u32 s26, $0x1;
	_ =	strace $0x80000046;
	[dreg:$0x1] =	wrdreg $0xFFFFFFFF  }
0xa8: {  	s28 =	simm.s32 $_size_execute0_lowered;
	s4 =	sadd.s32 s4, s6;
	[dreg:$0x0] =	wrdreg $0x0  }
0xa9: {  	s6 =	sshll.u32 s28, $0x1;
	[dreg:$0x2] =	wrdreg s4  }
0xaa: {  	[dreg:$0x3] =	wrdreg s6  }
0xab: {  	[dreg:$0x4] =	wrdreg $0xC0  }
0xac: {  	_ =	task [dreg:s8], $0x5FFFF  }
0xad: {  	[dreg:$0x1] =	wrdreg $0xFFFFFFFF  }
0xae: {  	[dreg:$0x0] =	wrdreg $0x60  }
0xaf: {  	[dreg:$0x2] =	wrdreg s2  }
0xb0: {  	[dreg:$0x3] =	wrdreg s18  }
0xb1: {  	[dreg:$0x4] =	wrdreg s24  }
0xb2: {  	[dreg:$0x5] =	wrdreg $0xAB000  }
0xb3: {  	[dreg:$0x6] =	wrdreg $0x1EB000  }
0xb4: {  	[dreg:$0x7] =	wrdreg $0x9  }
0xb5: {  	_ =	task.clear_ibuf [dreg:s8], $0x8FFFF;
	_ =	strace $0x90000046  }
0xb6: {  	s29 =	simm.s32 $0x9;
	_ =	strace $0x80000048  }
0xb7: {  	_ =	swait.ge [sflag:s29], $0x1  }
0xb8: {  	[sflag:s29] =	ssyncadd.s32 $0xFFFFFFFF  }
0xb9: {  	_ =	strace $0x90000048  }
0xba: {  	_ =	sfence  }
0xbb: {  	s30 =	sld [smem:$0x0];
	_ =	sdelay $0x2  }
0xbc: {  	s31 =	sshll.u32 s1, $0xD;
	s1 =	sshrl.u32 s1, $0x2  }
0xbd: {  	s3 =	sand.u32 $0x4000, s31;
	s1 =	sadd.s32 s1, s30  }
0xbe: {  	s0 =	sor.u32 s3, s0;
	s1 =	sshll.u32 s1, $0x11  }
0xbf: {  	s0 =	sor.u32 s1, s0  }
0xc0: {  	s0 =	sadd.s32 $0x8F2B, s0  }
0xc1: {  	[sflag:s0] =	ssyncadd.remote.s32 $0x1  }
0xc2: {  	_ =	sfence.sel $0xFFFF  }
0xc3: {  	[dreg:$0x0] =	wrdreg $0xFFFFFFFF;
	(pc) =	sbr.abs _section_cstart, $3  }
0xc4: {  	[dreg:$0x1] =	wrdreg $0xFFFFFFFF  }
0xc5: {  	_ =	task.clear_ibuf [dreg:s8], $0x2FFFF;
	_ =	strace $0x9FFFFFFF  }
0xc6: {  	(tm) =	ssettm $0x7FFFFFFF  }
0xc7: {  	_ =	shalt  }
tec
execute0_lowered:
.L_overlay_start_1:
0x0: {  	(tag) =	ssettag $0x1  }
0x1: {  	s0 =	srdreg.scid;
	s13 =	rddreg [dreg:$0x1]  }
0x2: {  	s21 =	stileid.u32;
	s3 =	rddreg [dreg:$0x2]  }
0x3: {  	s28 =	simm.s32 $0x0;
	s14 =	sand.u32 $0x1, s0;
	s0 =	smul.u32 $0x280, s21  }
0x4: {  	s29 =	simm.s32 $0x6;
	s30 =	simm.s32 $0xA;
	s20 =	smul.u32 $0x14000, s21  }
0x5: {  	[smem:$0x7FF] =	sst s28;
	s6 =	sshll.u32 s21, $0x1;
	s2 =	smul.u32 $0x2800, s14  }
0x6: {  	s24 =	ssub.s32 $0x2, s14;
	s9 =	sor.u32 s14, s6;
	s14 =	smul.u32 $0x140000, s14  }
0x7: {  	s15 =	sadd.s32 $0x800, s3;
	s4 =	sadd.s32 $0x15600, s3;
	s17 =	smul.u32 $0xA00, s9  }
0x8: {  	s7 =	sshrl.u32 s24, $0x1;
	s16 =	sshll.u32 s0, $0x7;
	s18 =	smul.u32 $0x5000, s9  }
0x9: {  	s2 =	sadd.s32 s0, s2;
	s6 =	sor.u32 $0x2000, s16;
	s8 =	sadd.s32 $0x6000, s16  }
0xa: {  	s9 =	sadd.s32 $0x8000, s16;
	s23 =	sadd.s32 $0xA000, s16;
	s11 =	sadd.s32 $0xC000, s16  }
0xb: {  	s12 =	sadd.s32 $0xE000, s16;
	s19 =	sadd.s32 s13, s17;
	s18 =	sshrl.u32 s18, $0x3  }
0xc: {  	s17 =	sadd.s32 s15, s17;
	[dreg:$0x6] =	wrdreg s19;
	s25 =	sadd.s32 $0x280, s18  }
0xd: {  	s5 =	sshrl.u32 s2, $0x3;
	[dreg:$0x7] =	wrdreg s17;
	s26 =	sadd.s32 s13, s25  }
0xe: {  	s1 =	sadd.s32 $0x500, s18;
	s17 =	sadd.s32 s15, s25;
	[dreg:$0x8] =	wrdreg s26  }
0xf: {  	s2 =	ssub.s32 s24, s7;
	s10 =	sadd.s32 s13, s1;
	[dreg:$0x9] =	wrdreg s17  }
0x10: {  	s22 =	sadd.s32 $0x780, s18;
	s24 =	sadd.s32 s15, s1;
	[dreg:$0xa] =	wrdreg s10  }
0x11: {  	s7 =	sadd.s32 $0x4000, s16;
	s13 =	sadd.s32 s13, s22;
	[dreg:$0xb] =	wrdreg s24  }
0x12: {  	s25 =	sadd.s32 s20, s14;
	s15 =	sadd.s32 s15, s22;
	[dreg:$0xc] =	wrdreg s13  }
0x13: {  	s1 =	sadd.s32 s14, s7;
	[dreg:$0xd] =	wrdreg s15;
	s15 =	sadd.s32 $0x10000, s16  }
0x14: {  	s13 =	sshrl.u32 s25, $0x3;
	s16 =	sadd.s32 $0x12000, s16;
	s26 =	sadd.s32 s14, s6  }
0x15: {  	s10 =	sadd.s32 s14, s8;
	s19 =	sshrl.u32 s1, $0x3;
	s24 =	sadd.s32 s14, s9  }
0x16: {  	s25 =	sadd.s32 s14, s23;
	s17 =	rddreg [dreg:$0x0];
	s13 =	sadd.s32 s4, s13  }
0x17: {  	s20 =	sshrl.u32 s10, $0x3;
	s1 =	sshrl.u32 s25, $0x3;
	s25 =	smul.u32 $0x50000, s21  }
0x18: {  	[dreg:$0xe] =	wrdreg s13;
	s13 =	sshrl.u32 s26, $0x3;
	s22 =	sadd.s32 s4, s20  }
0x19: {  	s26 =	sadd.s32 s14, s11;
	s20 =	sadd.s32 s14, s15;
	[dreg:$0x11] =	wrdreg s22  }
0x1a: {  	s13 =	sadd.s32 s4, s13;
	s22 =	sshrl.u32 s20, $0x3;
	s20 =	rddreg [dreg:$0x3]  }
0x1b: {  	s10 =	sshrl.u32 s26, $0x3;
	[dreg:$0xf] =	wrdreg s13;
	s13 =	sadd.s32 s4, s19  }
0x1c: {  	s26 =	sadd.s32 s5, s3;
	[dreg:$0x10] =	wrdreg s13;
	s13 =	sshrl.u32 s24, $0x3  }
0x1d: {  	s3 =	sadd.s32 $0x14800, s3;
	s18 =	sadd.s32 s4, s10;
	s13 =	sadd.s32 s4, s13  }
0x1e: {  	s19 =	sadd.s32 s14, s12;
	[dreg:$0x12] =	wrdreg s13;
	s13 =	sadd.s32 s4, s1  }
0x1f: {  	s10 =	sshrl.u32 s25, $0x2;
	[dreg:$0x13] =	wrdreg s13;
	s13 =	sshrl.u32 s19, $0x3  }
0x20: {  	s5 =	sadd.s32 s16, s20;
	[dreg:$0x14] =	wrdreg s18;
	s13 =	sadd.s32 s4, s13  }
0x21: {  	s24 =	sadd.s32 s14, s16;
	[dreg:$0x15] =	wrdreg s13;
	s13 =	sadd.s32 s4, s22  }
0x22: {  	s25 =	sadd.s32 $0x14C00, s26;
	[dreg:$0x16] =	wrdreg s13;
	s13 =	sshrl.u32 s24, $0x3  }
0x23: {  	s26 =	smax.u32 s2, $0x1;
	s22 =	rddreg [dreg:$0x4];
	s4 =	sadd.s32 s4, s13  }
0x24: {  	s2 =	simm.s32 $0xB;
	s31 =	sadd.s32 s10, s20;
	[dreg:$0x17] =	wrdreg s4  }
0x25: {  	s14 =	sadd.s32 s7, s20;
	_ =	strace $0x80000047;
	[dreg:$0x18] =	wrdreg s3  }
0x26: {  	s10 =	sadd.s32 s8, s20;
	s18 =	sadd.s32 s9, s20;
	[smem:$0x7F8] =	sst s14  }
0x27: {  	s8 =	simm.s32 $0xD;
	s19 =	sadd.s32 s23, s20;
	[smem:$0x7F9] =	sst s18  }
0x28: {  	s9 =	simm.s32 $0x2800;
	s23 =	sadd.s32 s12, s20;
	[dreg:$0x1d] =	wrdreg s19  }
0x29: {  	s16 =	simm.s32 $0x1;
	s24 =	sadd.s32 s15, s20;
	[dreg:$0x1f] =	wrdreg s23  }
0x2a: {  	s7 =	simm.s32 $0x9;
	s1 =	sadd.s32 s11, s20;
	[smem:$0x7FA] =	sst s24  }
0x2b: {  	s11 =	simm.s32 $0x40;
	s12 =	simm.s32 $0x7;
	[smem:$0x7FB] =	sst s25  }
0x2c: {  	s21 =	sadd.s32 s0, s22;
	s0 =	simm.s32 $0xA880;
	[smem:$0x7FC] =	sst s26  }
0x2d: {  	s15 =	simm.s32 $0x6800;
	s13 =	simm.s32 $0x4800;
	[dreg:$0x19] =	wrdreg s21  }
0x2e: {  	s4 =	sadd.s32 s6, s20;
	s6 =	simm.s32 $0x5;
	[dreg:$0x1a] =	wrdreg s31  }
0x2f: {  	s18 =	simm.s32 $0xA800;
	s23 =	simm.s32 $0x8800;
	[dreg:$0x1b] =	wrdreg s4  }
0x30: {  	s24 =	simm.s32 $0x2;
	s26 =	simm.s32 $0x3;
	[dreg:$0x1c] =	wrdreg s10  }
0x31: {  	s19 =	simm.s32 $0x4;
	s3 =	simm.s32 $0x8;
	[dreg:$0x1e] =	wrdreg s1  }
0x32: {  	v0 =	vimm.f32 $1.000000000e+00;
	v1 =	vimm.f32 $0.0e+00;
	s14 =	simm.s32 $0xC;
	s25 =	simm.s32 $0x0;
	[smem:$0x7FD] =	sst s5  }
.LBB2_1:
0x33: {  	[tilespmem:$0xA800] =	vst v0  }
0x34: {  	[tilespmem:$0xA810] =	vst v0  }
0x35: {  	[tilespmem:$0xA820] =	vst v0  }
0x36: {  	[tilespmem:$0xA830] =	vst v0  }
0x37: {  	[tilespmem:$0xA880] =	vst v1  }
0x38: {  	[tilespmem:$0xA890] =	vst v1  }
0x39: {  	[tilespmem:$0xA8A0] =	vst v1  }
0x3a: {  	[tilespmem:$0xA8B0] =	vst v1  }
0x3b: {  	[tilespmem:$0xA8C0] =	vst v1  }
0x3c: {  	[tilespmem:$0xA8D0] =	vst v1  }
0x3d: {  	[tilespmem:$0xA8E0] =	vst v1  }
0x3e: {  	[tilespmem:$0xA8F0] =	vst v1  }
0x3f: {  	[tilespmem:$0xA900] =	vst v1  }
0x40: {  	[tilespmem:$0xA910] =	vst v1  }
0x41: {  	[tilespmem:$0xA920] =	vst v1  }
0x42: {  	[tilespmem:$0xA930] =	vst v1  }
0x43: {  	[tilespmem:$0xA940] =	vst v1  }
0x44: {  	[tilespmem:$0xA950] =	vst v1  }
0x45: {  	[tilespmem:$0xA960] =	vst v1  }
0x46: {  	[tilespmem:$0xA970] =	vst v1  }
0x47: {  	[tilespmem:$0xA980] =	vst v1  }
0x48: {  	[tilespmem:$0xA990] =	vst v1  }
0x49: {  	[tilespmem:$0xA9A0] =	vst v1  }
0x4a: {  	[tilespmem:$0xA9B0] =	vst v1  }
0x4b: {  	[tilespmem:$0xA9C0] =	vst v1  }
0x4c: {  	[tilespmem:$0xA9D0] =	vst v1  }
0x4d: {  	[tilespmem:$0xA9E0] =	vst v1  }
0x4e: {  	[tilespmem:$0xA9F0] =	vst v1  }
0x4f: {  	[tilespmem:$0xAA00] =	vst v1  }
0x50: {  	[tilespmem:$0xAA10] =	vst v1  }
0x51: {  	[tilespmem:$0xAA20] =	vst v1  }
0x52: {  	[tilespmem:$0xAA30] =	vst v1  }
0x53: {  	[tilespmem:$0xAA40] =	vst v1  }
0x54: {  	[tilespmem:$0xAA50] =	vst v1  }
0x55: {  	[tilespmem:$0xAA60] =	vst v1  }
0x56: {  	[tilespmem:$0xAA70] =	vst v1  }
0x57: {  	[tilespmem:$0xAA80] =	vst v1  }
0x58: {  	[tilespmem:$0xAA90] =	vst v1  }
0x59: {  	[tilespmem:$0xAAA0] =	vst v1  }
0x5a: {  	[tilespmem:$0xAAB0] =	vst v1  }
0x5b: {  	[tilespmem:$0xAAC0] =	vst v1  }
0x5c: {  	[tilespmem:$0xAAD0] =	vst v1  }
0x5d: {  	[tilespmem:$0xAAE0] =	vst v1  }
0x5e: {  	[smem:$0x7F7] =	sst s25;
	[tilespmem:$0xAAF0] =	vst v1  }
0x5f: {  	[spmem:s21] =	stream.linear.scatter [tilespmem:s0], [sflag:$0xD], $0x280, $0x38;
	[tilespmem:$0x1ED80] =	vst v63  }
0x60: {  	_ =	swait.ge [sflag:s8], $0x280  }
0x61: {  	[sflag:s8] =	ssyncset.done $0x0  }
0x62: {  	s21 =	rddreg [dreg:$0x18];
	[sflag:s8] =	ssyncadd.s32 $0xFFFFFD80  }
0x63: {  	[tilespmem:s9], [sflag:$0xD] =	stream.linear.gather [hbm4b:s21+s28], $0x2000, $0x38;
	[tilespmem:$0x1ED80] =	vst v63  }
0x64: {  	_ =	swait.ge [sflag:s8], $0x2000  }
0x65: {  	[sflag:s8] =	ssyncset.done $0x0  }
0x66: {  	[sflag:s8] =	ssyncadd.s32 $0xFFFFE000  }
0x67: {  	[spmem:s31] =	stream.linear.scatter [tilespmem:s9], [sflag:$0xD], $0x2000, $0x38;
	[tilespmem:$0x1ED80] =	vst v63  }
0x68: {  	_ =	swait.ge [sflag:s8], $0x2000  }
0x69: {  	[sflag:s8] =	ssyncset.done $0x0  }
0x6a: {  	[sflag:s8] =	ssyncadd.s32 $0xFFFFE000  }
0x6b: {  	[spmem:s4] =	stream.linear.scatter [tilespmem:s9], [sflag:$0xD], $0x2000, $0x38;
	[tilespmem:$0x1ED80] =	vst v63  }
0x6c: {  	_ =	swait.ge [sflag:s8], $0x2000  }
0x6d: {  	s25 =	sld [smem:$0x7F8]  }
0x6e: {  	[sflag:s8] =	ssyncset.done $0x0  }
0x6f: {  	[sflag:s8] =	ssyncadd.s32 $0xFFFFE000  }
0x70: {  	[spmem:s25] =	stream.linear.scatter [tilespmem:s9], [sflag:$0xD], $0x2000, $0x38;
	[tilespmem:$0x1ED80] =	vst v63  }
0x71: {  	_ =	swait.ge [sflag:s8], $0x2000  }
0x72: {  	[sflag:s8] =	ssyncset.done $0x0  }
0x73: {  	[sflag:s8] =	ssyncadd.s32 $0xFFFFE000  }
0x74: {  	[spmem:s10] =	stream.linear.scatter [tilespmem:s9], [sflag:$0xD], $0x2000, $0x38;
	[tilespmem:$0x1ED80] =	vst v63  }
0x75: {  	_ =	swait.ge [sflag:s8], $0x2000  }
0x76: {  	s4 =	sld [smem:$0x7F9]  }
0x77: {  	[sflag:s8] =	ssyncset.done $0x0  }
0x78: {  	[sflag:s8] =	ssyncadd.s32 $0xFFFFE000  }
0x79: {  	[spmem:s4] =	stream.linear.scatter [tilespmem:s9], [sflag:$0xD], $0x2000, $0x38;
	[tilespmem:$0x1ED80] =	vst v63  }
0x7a: {  	_ =	swait.ge [sflag:s8], $0x2000  }
0x7b: {  	[sflag:s8] =	ssyncset.done $0x0  }
0x7c: {  	s31 =	rddreg [dreg:$0x1d];
	[sflag:s8] =	ssyncadd.s32 $0xFFFFE000  }
0x7d: {  	[spmem:s31] =	stream.linear.scatter [tilespmem:s9], [sflag:$0xD], $0x2000, $0x38;
	[tilespmem:$0x1ED80] =	vst v63  }
0x7e: {  	_ =	swait.ge [sflag:s8], $0x2000  }
0x7f: {  	[sflag:s8] =	ssyncset.done $0x0  }
0x80: {  	[sflag:s8] =	ssyncadd.s32 $0xFFFFE000  }
0x81: {  	[spmem:s1] =	stream.linear.scatter [tilespmem:s9], [sflag:$0xD], $0x2000, $0x38;
	[tilespmem:$0x1ED80] =	vst v63  }
0x82: {  	_ =	swait.ge [sflag:s8], $0x2000  }
0x83: {  	[sflag:s8] =	ssyncset.done $0x0  }
0x84: {  	s0 =	rddreg [dreg:$0x1f];
	[sflag:s8] =	ssyncadd.s32 $0xFFFFE000  }
0x85: {  	[spmem:s0] =	stream.linear.scatter [tilespmem:s9], [sflag:$0xD], $0x2000, $0x38;
	[tilespmem:$0x1ED80] =	vst v63  }
0x86: {  	_ =	swait.ge [sflag:s8], $0x2000  }
0x87: {  	s1 =	sld [smem:$0x7FA]  }
0x88: {  	[sflag:s8] =	ssyncset.done $0x0  }
0x89: {  	[sflag:s8] =	ssyncadd.s32 $0xFFFFE000  }
0x8a: {  	[spmem:s1] =	stream.linear.scatter [tilespmem:s9], [sflag:$0xD], $0x2000, $0x38;
	[tilespmem:$0x1ED80] =	vst v63  }
0x8b: {  	_ =	swait.ge [sflag:s8], $0x2000  }
0x8c: {  	[sflag:s8] =	ssyncset.done $0x0  }
0x8d: {  	[sflag:s8] =	ssyncadd.s32 $0xFFFFE000  }
0x8e: {  	[spmem:s5] =	stream.linear.scatter [tilespmem:s9], [sflag:$0xD], $0x2000, $0x38;
	[tilespmem:$0x1ED80] =	vst v63  }
0x8f: {  	_ =	swait.ge [sflag:s8], $0x2000  }
0x90: {  	[sflag:s8] =	ssyncset.done $0x0  }
0x91: {  	[sflag:s8] =	ssyncadd.s32 $0xFFFFE000  }
0x92: {  	[bflag:$0x0] =	sbarrier.arrive $0xFFFF  }
0x93: {  	s10 =	rddreg [dreg:$0x6]  }
0x94: {  	[tilespmem:s28], [sflag:$0xD] =	stream.linear.gather [hbm4b:s10+s28], $0x1400, $0x38;
	[tilespmem:$0x1ED80] =	vst v63  }
0x95: {  	_ =	swait.ge [sflag:s8], $0x1400  }
0x96: {  	[sflag:s8] =	ssyncset.done $0x0  }
0x97: {  	s25 =	simm.s32 $0x1400;
	s21 =	rddreg [dreg:$0x7];
	[sflag:s8] =	ssyncadd.s32 $0xFFFFEC00  }
0x98: {  	[tilespmem:s25], [sflag:$0xD] =	stream.linear.gather [hbm4b:s21+s28], $0x1400, $0x38;
	[tilespmem:$0x1ED80] =	vst v63  }
0x99: {  	_ =	swait.ge [sflag:s8], $0x1400  }
0x9a: {  	[sflag:s8] =	ssyncset.done $0x0  }
0x9b: {  	[sflag:s8] =	ssyncadd.s32 $0xFFFFEC00  }
0x9c: {  	[tilespmem:s9], [sflag:$0x1] =	stream.indirect.gather [hbm4b:s17+s11], $0x80, s28, s11, $0xb8;
	[tilespmem:$0x1ED80] =	vst v63  }
0x9d: {  	s28 =	simm.s32 $0x80  }
0x9e: {  	[tilespmem:s13], [sflag:$0x2] =	stream.indirect.gather [hbm4b:s17+s11], $0x80, s28, s11, $0xb8;
	[tilespmem:$0x1ED80] =	vst v63  }
0x9f: {  	s31 =	simm.s32 $0x100  }
0xa0: {  	[tilespmem:s15], [sflag:$0x3] =	stream.indirect.gather [hbm4b:s17+s11], $0x80, s31, s11, $0xb8;
	[tilespmem:$0x1ED80] =	vst v63  }
0xa1: {  	_ =	swait.ge [sflag:s16], $0x2000  }
0xa2: {  	[sflag:s16] =	ssyncset.done $0x0  }
0xa3: {  	[sflag:s16] =	ssyncadd.s32 $0xFFFFE000  }
0xa4: {  	[spmem:s20] =	stream.indirect.scatter.add.f32 [tilespmem:s9], [sflag:$0x5], $0x80, s25, s11, $0xb8;
	[tilespmem:$0x1ED80] =	vst v63  }
0xa5: {  	_ = 	snop  }
0xa6: {  	[spmem:s22] =	stream.indirect.scatter.add.f32 [tilespmem:s18], [sflag:$0x9], $0x1, s25, s11, $0xb8;
	[tilespmem:$0x1ED80] =	vst v63  }
0xa7: {  	s5 =	simm.s32 $0x180  }
0xa8: {  	[tilespmem:s23], [sflag:$0x4] =	stream.indirect.gather [hbm4b:s17+s11], $0x80, s5, s11, $0xb8;
	[tilespmem:$0x1ED80] =	vst v63  }
0xa9: {  	_ =	swait.ge [sflag:s24], $0x2000  }
0xaa: {  	[sflag:s24] =	ssyncset.done $0x0  }
0xab: {  	s10 =	simm.s32 $0x1480;
	[sflag:s24] =	ssyncadd.s32 $0xFFFFE000  }
0xac: {  	[spmem:s20] =	stream.indirect.scatter.add.f32 [tilespmem:s13], [sflag:$0x6], $0x80, s10, s11, $0xb8;
	[tilespmem:$0x1ED80] =	vst v63  }
0xad: {  	_ = 	snop  }
0xae: {  	[spmem:s22] =	stream.indirect.scatter.add.f32 [tilespmem:s18], [sflag:$0xA], $0x1, s10, s11, $0xb8;
	[tilespmem:$0x1ED80] =	vst v63  }
0xaf: {  	_ =	swait.ge [sflag:s6], $0x2000  }
0xb0: {  	[sflag:s6] =	ssyncset.done $0x0  }
0xb1: {  	[sflag:s6] =	ssyncadd.s32 $0xFFFFE000  }
0xb2: {  	_ =	swait.ge [sflag:s7], $0x40  }
0xb3: {  	[sflag:s7] =	ssyncset.done $0x0  }
0xb4: {  	s21 =	simm.s32 $0x200;
	[sflag:s7] =	ssyncadd.s32 $0xFFFFFFC0  }
0xb5: {  	[tilespmem:s9], [sflag:$0x1] =	stream.indirect.gather [hbm4b:s17+s11], $0x80, s21, s11, $0xb8;
	[tilespmem:$0x1ED80] =	vst v63  }
0xb6: {  	_ =	swait.ge [sflag:s26], $0x2000  }
0xb7: {  	[sflag:s26] =	ssyncset.done $0x0  }
0xb8: {  	s25 =	simm.s32 $0x1500;
	[sflag:s26] =	ssyncadd.s32 $0xFFFFE000  }
0xb9: {  	[spmem:s20] =	stream.indirect.scatter.add.f32 [tilespmem:s15], [sflag:$0x7], $0x80, s25, s11, $0xb8;
	[tilespmem:$0x1ED80] =	vst v63  }
0xba: {  	_ = 	snop  }
0xbb: {  	[spmem:s22] =	stream.indirect.scatter.add.f32 [tilespmem:s18], [sflag:$0xB], $0x1, s25, s11, $0xb8;
	[tilespmem:$0x1ED80] =	vst v63  }
0xbc: {  	_ =	swait.ge [sflag:s29], $0x2000  }
0xbd: {  	[sflag:s29] =	ssyncset.done $0x0  }
0xbe: {  	[sflag:s29] =	ssyncadd.s32 $0xFFFFE000  }
0xbf: {  	_ =	swait.ge [sflag:s30], $0x40  }
0xc0: {  	[sflag:s30] =	ssyncset.done $0x0  }
0xc1: {  	s28 =	simm.s32 $0x280;
	[sflag:s30] =	ssyncadd.s32 $0xFFFFFFC0  }
0xc2: {  	[tilespmem:s13], [sflag:$0x2] =	stream.indirect.gather [hbm4b:s17+s11], $0x80, s28, s11, $0xb8;
	[tilespmem:$0x1ED80] =	vst v63  }
0xc3: {  	_ =	swait.ge [sflag:s19], $0x2000  }
0xc4: {  	[sflag:s19] =	ssyncset.done $0x0  }
0xc5: {  	s31 =	simm.s32 $0x1580;
	[sflag:s19] =	ssyncadd.s32 $0xFFFFE000  }
0xc6: {  	[spmem:s20] =	stream.indirect.scatter.add.f32 [tilespmem:s23], [sflag:$0x8], $0x80, s31, s11, $0xb8;
	[tilespmem:$0x1ED80] =	vst v63  }
0xc7: {  	_ = 	snop  }
0xc8: {  	[spmem:s22] =	stream.indirect.scatter.add.f32 [tilespmem:s18], [sflag:$0xC], $0x1, s31, s11, $0xb8;
	[tilespmem:$0x1ED80] =	vst v63  }
0xc9: {  	_ =	swait.ge [sflag:s12], $0x2000  }
0xca: {  	[sflag:s12] =	ssyncset.done $0x0  }
0xcb: {  	[sflag:s12] =	ssyncadd.s32 $0xFFFFE000  }
0xcc: {  	_ =	swait.ge [sflag:s2], $0x40  }
0xcd: {  	[sflag:s2] =	ssyncset.done $0x0  }
0xce: {  	s1 =	simm.s32 $0x300;
	[sflag:s2] =	ssyncadd.s32 $0xFFFFFFC0  }
0xcf: {  	[tilespmem:s15], [sflag:$0x3] =	stream.indirect.gather [hbm4b:s17+s11], $0x80, s1, s11, $0xb8;
	[tilespmem:$0x1ED80] =	vst v63  }
0xd0: {  	_ =	swait.ge [sflag:s16], $0x2000  }
0xd1: {  	[sflag:s16] =	ssyncset.done $0x0  }
0xd2: {  	s5 =	simm.s32 $0x1600;
	[sflag:s16] =	ssyncadd.s32 $0xFFFFE000  }
0xd3: {  	[spmem:s20] =	stream.indirect.scatter.add.f32 [tilespmem:s9], [sflag:$0x5], $0x80, s5, s11, $0xb8;
	[tilespmem:$0x1ED80] =	vst v63  }
0xd4: {  	_ = 	snop  }
0xd5: {  	[spmem:s22] =	stream.indirect.scatter.add.f32 [tilespmem:s18], [sflag:$0x9], $0x1, s5, s11, $0xb8;
	[tilespmem:$0x1ED80] =	vst v63  }
0xd6: {  	_ =	swait.ge [sflag:s3], $0x2000  }
0xd7: {  	[sflag:s3] =	ssyncset.done $0x0  }
0xd8: {  	[sflag:s3] =	ssyncadd.s32 $0xFFFFE000  }
0xd9: {  	_ =	swait.ge [sflag:s14], $0x40  }
0xda: {  	[sflag:s14] =	ssyncset.done $0x0  }
0xdb: {  	s10 =	simm.s32 $0x380;
	[sflag:s14] =	ssyncadd.s32 $0xFFFFFFC0  }
0xdc: {  	[tilespmem:s23], [sflag:$0x4] =	stream.indirect.gather [hbm4b:s17+s11], $0x80, s10, s11, $0xb8;
	[tilespmem:$0x1ED80] =	vst v63  }
0xdd: {  	_ =	swait.ge [sflag:s24], $0x2000  }
0xde: {  	[sflag:s24] =	ssyncset.done $0x0  }
0xdf: {  	s21 =	simm.s32 $0x1680;
	[sflag:s24] =	ssyncadd.s32 $0xFFFFE000  }
0xe0: {  	[spmem:s20] =	stream.indirect.scatter.add.f32 [tilespmem:s13], [sflag:$0x6], $0x80, s21, s11, $0xb8;
	[tilespmem:$0x1ED80] =	vst v63  }
0xe1: {  	_ = 	snop  }
0xe2: {  	[spmem:s22] =	stream.indirect.scatter.add.f32 [tilespmem:s18], [sflag:$0xA], $0x1, s21, s11, $0xb8;
	[tilespmem:$0x1ED80] =	vst v63  }
0xe3: {  	_ =	swait.ge [sflag:s6], $0x2000  }
0xe4: {  	[sflag:s6] =	ssyncset.done $0x0  }
0xe5: {  	[sflag:s6] =	ssyncadd.s32 $0xFFFFE000  }
0xe6: {  	_ =	swait.ge [sflag:s7], $0x40  }
0xe7: {  	[sflag:s7] =	ssyncset.done $0x0  }
0xe8: {  	s25 =	simm.s32 $0x400;
	[sflag:s7] =	ssyncadd.s32 $0xFFFFFFC0  }
0xe9: {  	[tilespmem:s9], [sflag:$0x1] =	stream.indirect.gather [hbm4b:s17+s11], $0x80, s25, s11, $0xb8;
	[tilespmem:$0x1ED80] =	vst v63  }
0xea: {  	_ =	swait.ge [sflag:s26], $0x2000  }
0xeb: {  	[sflag:s26] =	ssyncset.done $0x0  }
0xec: {  	s28 =	simm.s32 $0x1700;
	[sflag:s26] =	ssyncadd.s32 $0xFFFFE000  }
0xed: {  	[spmem:s20] =	stream.indirect.scatter.add.f32 [tilespmem:s15], [sflag:$0x7], $0x80, s28, s11, $0xb8;
	[tilespmem:$0x1ED80] =	vst v63  }
0xee: {  	_ = 	snop  }
0xef: {  	[spmem:s22] =	stream.indirect.scatter.add.f32 [tilespmem:s18], [sflag:$0xB], $0x1, s28, s11, $0xb8;
	[tilespmem:$0x1ED80] =	vst v63  }
0xf0: {  	_ =	swait.ge [sflag:s29], $0x2000  }
0xf1: {  	[sflag:s29] =	ssyncset.done $0x0  }
0xf2: {  	[sflag:s29] =	ssyncadd.s32 $0xFFFFE000  }
0xf3: {  	_ =	swait.ge [sflag:s30], $0x40  }
0xf4: {  	[sflag:s30] =	ssyncset.done $0x0  }
0xf5: {  	s31 =	simm.s32 $0x480;
	[sflag:s30] =	ssyncadd.s32 $0xFFFFFFC0  }
0xf6: {  	[tilespmem:s13], [sflag:$0x2] =	stream.indirect.gather [hbm4b:s17+s11], $0x80, s31, s11, $0xb8;
	[tilespmem:$0x1ED80] =	vst v63  }
0xf7: {  	_ =	swait.ge [sflag:s19], $0x2000  }
0xf8: {  	[sflag:s19] =	ssyncset.done $0x0  }
0xf9: {  	s0 =	simm.s32 $0x800;
	s21 =	simm.s32 $0x1780;
	[sflag:s19] =	ssyncadd.s32 $0xFFFFE000  }
0xfa: {  	[spmem:s20] =	stream.indirect.scatter.add.f32 [tilespmem:s23], [sflag:$0x8], $0x80, s21, s11, $0xb8;
	[tilespmem:$0x1ED80] =	vst v63  }
.LBB2_2:
0xfb: {  	[spmem:s22] =	stream.indirect.scatter.add.f32 [tilespmem:s18], [sflag:$0xC], $0x1, s21, s11, $0xb8;
	[tilespmem:$0x1ED80] =	vst v63  }
0xfc: {  	s21 =	smov.u32 s0  }
0xfd: {  	p0 =	sne.s32 s0, $0x3800;
	s0 =	sadd.s32 $0x800, s0;
	_ =	swait.ge [sflag:s12], $0x2000  }
0xfe: {  	[sflag:s12] =	ssyncset.done $0x0  }
0xff: {  	[sflag:s12] =	ssyncadd.s32 $0xFFFFE000  }
0x100: {  	_ =	swait.ge [sflag:s2], $0x40  }
0x101: {  	s21 =	sshra.s32 s21, $0x2;
	[sflag:s2] =	ssyncset.done $0x0  }
0x102: {  	s31 =	sadd.s32 $0x300, s21;
	[sflag:s2] =	ssyncadd.s32 $0xFFFFFFC0  }
0x103: {  	[tilespmem:s15], [sflag:$0x3] =	stream.indirect.gather [hbm4b:s17+s11], $0x80, s31, s11, $0xb8;
	[tilespmem:$0x1ED80] =	vst v63  }
0x104: {  	_ =	swait.ge [sflag:s16], $0x2000  }
0x105: {  	[sflag:s16] =	ssyncset.done $0x0  }
0x106: {  	s31 =	sadd.s32 $0x1600, s21;
	[sflag:s16] =	ssyncadd.s32 $0xFFFFE000  }
0x107: {  	[spmem:s20] =	stream.indirect.scatter.add.f32 [tilespmem:s9], [sflag:$0x5], $0x80, s31, s11, $0xb8;
	[tilespmem:$0x1ED80] =	vst v63  }
0x108: {  	_ = 	snop  }
0x109: {  	[spmem:s22] =	stream.indirect.scatter.add.f32 [tilespmem:s18], [sflag:$0x9], $0x1, s31, s11, $0xb8;
	[tilespmem:$0x1ED80] =	vst v63  }
0x10a: {  	_ =	swait.ge [sflag:s3], $0x2000  }
0x10b: {  	[sflag:s3] =	ssyncset.done $0x0  }
0x10c: {  	[sflag:s3] =	ssyncadd.s32 $0xFFFFE000  }
0x10d: {  	_ =	swait.ge [sflag:s14], $0x40  }
0x10e: {  	[sflag:s14] =	ssyncset.done $0x0  }
0x10f: {  	s31 =	sadd.s32 $0x380, s21;
	[sflag:s14] =	ssyncadd.s32 $0xFFFFFFC0  }
0x110: {  	[tilespmem:s23], [sflag:$0x4] =	stream.indirect.gather [hbm4b:s17+s11], $0x80, s31, s11, $0xb8;
	[tilespmem:$0x1ED80] =	vst v63  }
0x111: {  	_ =	swait.ge [sflag:s24], $0x2000  }
0x112: {  	[sflag:s24] =	ssyncset.done $0x0  }
0x113: {  	s31 =	sadd.s32 $0x1680, s21;
	[sflag:s24] =	ssyncadd.s32 $0xFFFFE000  }
0x114: {  	[spmem:s20] =	stream.indirect.scatter.add.f32 [tilespmem:s13], [sflag:$0x6], $0x80, s31, s11, $0xb8;
	[tilespmem:$0x1ED80] =	vst v63  }
0x115: {  	_ = 	snop  }
0x116: {  	[spmem:s22] =	stream.indirect.scatter.add.f32 [tilespmem:s18], [sflag:$0xA], $0x1, s31, s11, $0xb8;
	[tilespmem:$0x1ED80] =	vst v63  }
0x117: {  	_ =	swait.ge [sflag:s6], $0x2000  }
0x118: {  	[sflag:s6] =	ssyncset.done $0x0  }
0x119: {  	[sflag:s6] =	ssyncadd.s32 $0xFFFFE000  }
0x11a: {  	_ =	swait.ge [sflag:s7], $0x40  }
0x11b: {  	[sflag:s7] =	ssyncset.done $0x0  }
0x11c: {  	s31 =	sadd.s32 $0x400, s21;
	[sflag:s7] =	ssyncadd.s32 $0xFFFFFFC0  }
0x11d: {  	[tilespmem:s9], [sflag:$0x1] =	stream.indirect.gather [hbm4b:s17+s11], $0x80, s31, s11, $0xb8;
	[tilespmem:$0x1ED80] =	vst v63  }
0x11e: {  	_ =	swait.ge [sflag:s26], $0x2000  }
0x11f: {  	[sflag:s26] =	ssyncset.done $0x0  }
0x120: {  	s31 =	sadd.s32 $0x1700, s21;
	[sflag:s26] =	ssyncadd.s32 $0xFFFFE000  }
0x121: {  	[spmem:s20] =	stream.indirect.scatter.add.f32 [tilespmem:s15], [sflag:$0x7], $0x80, s31, s11, $0xb8;
	[tilespmem:$0x1ED80] =	vst v63  }
0x122: {  	_ = 	snop  }
0x123: {  	[spmem:s22] =	stream.indirect.scatter.add.f32 [tilespmem:s18], [sflag:$0xB], $0x1, s31, s11, $0xb8;
	[tilespmem:$0x1ED80] =	vst v63  }
0x124: {  	_ =	swait.ge [sflag:s29], $0x2000  }
0x125: {  	[sflag:s29] =	ssyncset.done $0x0  }
0x126: {  	[sflag:s29] =	ssyncadd.s32 $0xFFFFE000  }
0x127: {  	_ =	swait.ge [sflag:s30], $0x40  }
0x128: {  	[sflag:s30] =	ssyncset.done $0x0  }
0x129: {  	s31 =	sadd.s32 $0x480, s21;
	[sflag:s30] =	ssyncadd.s32 $0xFFFFFFC0  }
0x12a: {  	[tilespmem:s13], [sflag:$0x2] =	stream.indirect.gather [hbm4b:s17+s11], $0x80, s31, s11, $0xb8;
	[tilespmem:$0x1ED80] =	vst v63  }
.Ltmp0:
0x12b: {  	_ = 	snop;
	(pc) =	sbr.rel @p0 .LBB2_2-.Ltmp0, $4  }
0x12c: {  	_ =	swait.ge [sflag:s19], $0x2000  }
0x12d: {  	[sflag:s19] =	ssyncset.done $0x0  }
0x12e: {  	s21 =	sadd.s32 $0x1780, s21;
	[sflag:s19] =	ssyncadd.s32 $0xFFFFE000  }
0x12f: {  	[spmem:s20] =	stream.indirect.scatter.add.f32 [tilespmem:s23], [sflag:$0x8], $0x80, s21, s11, $0xb8;
	[tilespmem:$0x1ED80] =	vst v63  }
0x130: {  	[spmem:s22] =	stream.indirect.scatter.add.f32 [tilespmem:s18], [sflag:$0xC], $0x1, s21, s11, $0xb8;
	[tilespmem:$0x1ED80] =	vst v63  }
0x131: {  	_ =	swait.ge [sflag:s12], $0x2000  }
0x132: {  	[sflag:s12] =	ssyncset.done $0x0  }
0x133: {  	[sflag:s12] =	ssyncadd.s32 $0xFFFFE000  }
0x134: {  	_ =	swait.ge [sflag:s2], $0x40  }
0x135: {  	[sflag:s2] =	ssyncset.done $0x0  }
0x136: {  	s0 =	simm.s32 $0x1300;
	[sflag:s2] =	ssyncadd.s32 $0xFFFFFFC0  }
0x137: {  	[tilespmem:s15], [sflag:$0x3] =	stream.indirect.gather [hbm4b:s17+s11], $0x80, s0, s11, $0xb8;
	[tilespmem:$0x1ED80] =	vst v63  }
0x138: {  	_ =	swait.ge [sflag:s16], $0x2000  }
0x139: {  	[sflag:s16] =	ssyncset.done $0x0  }
0x13a: {  	s21 =	simm.s32 $0x2600;
	[sflag:s16] =	ssyncadd.s32 $0xFFFFE000  }
0x13b: {  	[spmem:s20] =	stream.indirect.scatter.add.f32 [tilespmem:s9], [sflag:$0x5], $0x80, s21, s11, $0xb8;
	[tilespmem:$0x1ED80] =	vst v63  }
0x13c: {  	_ = 	snop  }
0x13d: {  	[spmem:s22] =	stream.indirect.scatter.add.f32 [tilespmem:s18], [sflag:$0x9], $0x1, s21, s11, $0xb8;
	[tilespmem:$0x1ED80] =	vst v63  }
0x13e: {  	_ =	swait.ge [sflag:s3], $0x2000  }
0x13f: {  	[sflag:s3] =	ssyncset.done $0x0  }
0x140: {  	[sflag:s3] =	ssyncadd.s32 $0xFFFFE000  }
0x141: {  	_ =	swait.ge [sflag:s14], $0x40  }
0x142: {  	[sflag:s14] =	ssyncset.done $0x0  }
0x143: {  	s25 =	simm.s32 $0x1380;
	[sflag:s14] =	ssyncadd.s32 $0xFFFFFFC0  }
0x144: {  	[tilespmem:s23], [sflag:$0x4] =	stream.indirect.gather [hbm4b:s17+s11], $0x80, s25, s11, $0xb8;
	[tilespmem:$0x1ED80] =	vst v63  }
0x145: {  	_ =	swait.ge [sflag:s24], $0x2000  }
0x146: {  	[sflag:s24] =	ssyncset.done $0x0  }
0x147: {  	s1 =	simm.s32 $0x2680;
	[sflag:s24] =	ssyncadd.s32 $0xFFFFE000  }
0x148: {  	[spmem:s20] =	stream.indirect.scatter.add.f32 [tilespmem:s13], [sflag:$0x6], $0x80, s1, s11, $0xb8;
	[tilespmem:$0x1ED80] =	vst v63  }
0x149: {  	_ = 	snop  }
0x14a: {  	[spmem:s22] =	stream.indirect.scatter.add.f32 [tilespmem:s18], [sflag:$0xA], $0x1, s1, s11, $0xb8;
	[tilespmem:$0x1ED80] =	vst v63  }
0x14b: {  	_ =	swait.ge [sflag:s6], $0x2000  }
0x14c: {  	[sflag:s6] =	ssyncset.done $0x0  }
0x14d: {  	[sflag:s6] =	ssyncadd.s32 $0xFFFFE000  }
0x14e: {  	_ =	swait.ge [sflag:s7], $0x40  }
0x14f: {  	[sflag:s7] =	ssyncset.done $0x0  }
0x150: {  	[sflag:s7] =	ssyncadd.s32 $0xFFFFFFC0  }
0x151: {  	[tilespmem:s9], [sflag:$0x1] =	stream.indirect.gather [hbm4b:s17+s11], $0x80, s25, s11, $0xb8;
	[tilespmem:$0x1ED80] =	vst v63  }
0x152: {  	_ =	swait.ge [sflag:s26], $0x2000  }
0x153: {  	[sflag:s26] =	ssyncset.done $0x0  }
0x154: {  	s28 =	simm.s32 $0x2700;
	[sflag:s26] =	ssyncadd.s32 $0xFFFFE000  }
0x155: {  	[spmem:s20] =	stream.indirect.scatter.add.f32 [tilespmem:s15], [sflag:$0x7], $0x80, s28, s11, $0xb8;
	[tilespmem:$0x1ED80] =	vst v63  }
0x156: {  	_ = 	snop  }
0x157: {  	[spmem:s22] =	stream.indirect.scatter.add.f32 [tilespmem:s18], [sflag:$0xB], $0x1, s28, s11, $0xb8;
	[tilespmem:$0x1ED80] =	vst v63  }
0x158: {  	_ =	swait.ge [sflag:s29], $0x2000  }
0x159: {  	[sflag:s29] =	ssyncset.done $0x0  }
0x15a: {  	[sflag:s29] =	ssyncadd.s32 $0xFFFFE000  }
0x15b: {  	_ =	swait.ge [sflag:s30], $0x40  }
0x15c: {  	[sflag:s30] =	ssyncset.done $0x0  }
0x15d: {  	[sflag:s30] =	ssyncadd.s32 $0xFFFFFFC0  }
0x15e: {  	[tilespmem:s13], [sflag:$0x2] =	stream.indirect.gather [hbm4b:s17+s11], $0x80, s25, s11, $0xb8;
	[tilespmem:$0x1ED80] =	vst v63  }
0x15f: {  	_ =	swait.ge [sflag:s19], $0x2000  }
0x160: {  	[sflag:s19] =	ssyncset.done $0x0  }
0x161: {  	s31 =	simm.s32 $0x2780;
	[sflag:s19] =	ssyncadd.s32 $0xFFFFE000  }
0x162: {  	[spmem:s20] =	stream.indirect.scatter.add.f32 [tilespmem:s23], [sflag:$0x8], $0x80, s31, s11, $0xb8;
	[tilespmem:$0x1ED80] =	vst v63  }
0x163: {  	_ = 	snop  }
0x164: {  	[spmem:s22] =	stream.indirect.scatter.add.f32 [tilespmem:s18], [sflag:$0xC], $0x1, s31, s11, $0xb8;
	[tilespmem:$0x1ED80] =	vst v63  }
0x165: {  	_ =	swait.ge [sflag:s12], $0x2000  }
0x166: {  	[sflag:s12] =	ssyncset.done $0x0  }
0x167: {  	[sflag:s12] =	ssyncadd.s32 $0xFFFFE000  }
0x168: {  	_ =	swait.ge [sflag:s2], $0x40  }
0x169: {  	[sflag:s2] =	ssyncset.done $0x0  }
0x16a: {  	[sflag:s2] =	ssyncadd.s32 $0xFFFFFFC0  }
0x16b: {  	_ =	swait.ge [sflag:s3], $0x2000  }
0x16c: {  	[sflag:s3] =	ssyncset.done $0x0  }
0x16d: {  	[sflag:s3] =	ssyncadd.s32 $0xFFFFE000  }
0x16e: {  	_ =	swait.ge [sflag:s14], $0x40  }
0x16f: {  	[sflag:s14] =	ssyncset.done $0x0  }
0x170: {  	[sflag:s14] =	ssyncadd.s32 $0xFFFFFFC0  }
0x171: {  	_ =	swait.ge [sflag:s16], $0x2000  }
0x172: {  	[sflag:s16] =	ssyncset.done $0x0  }
0x173: {  	[sflag:s16] =	ssyncadd.s32 $0xFFFFE000  }
0x174: {  	_ =	swait.ge [sflag:s24], $0x2000  }
0x175: {  	[sflag:s24] =	ssyncset.done $0x0  }
0x176: {  	s1 =	simm.s32 $0x0;
	s5 =	rddreg [dreg:$0x8];
	[sflag:s24] =	ssyncadd.s32 $0xFFFFE000  }
0x177: {  	[tilespmem:s1], [sflag:$0xD] =	stream.linear.gather [hbm4b:s5+s1], $0x1400, $0x38;
	[tilespmem:$0x1ED80] =	vst v63  }
0x178: {  	_ =	swait.ge [sflag:s8], $0x1400  }
0x179: {  	[sflag:s8] =	ssyncset.done $0x0  }
0x17a: {  	s25 =	simm.s32 $0x1400;
	s10 =	rddreg [dreg:$0x9];
	[sflag:s8] =	ssyncadd.s32 $0xFFFFEC00  }
0x17b: {  	[tilespmem:s25], [sflag:$0xD] =	stream.linear.gather [hbm4b:s10+s1], $0x1400, $0x38;
	[tilespmem:$0x1ED80] =	vst v63  }
0x17c: {  	_ =	swait.ge [sflag:s8], $0x1400  }
0x17d: {  	[sflag:s8] =	ssyncset.done $0x0  }
0x17e: {  	[sflag:s8] =	ssyncadd.s32 $0xFFFFEC00  }
0x17f: {  	[tilespmem:s9], [sflag:$0x1] =	stream.indirect.gather [hbm4b:s17+s11], $0x80, s1, s11, $0xb8;
	[tilespmem:$0x1ED80] =	vst v63  }
0x180: {  	s28 =	simm.s32 $0x80  }
0x181: {  	[tilespmem:s13], [sflag:$0x2] =	stream.indirect.gather [hbm4b:s17+s11], $0x80, s28, s11, $0xb8;
	[tilespmem:$0x1ED80] =	vst v63  }
0x182: {  	s31 =	simm.s32 $0x100  }
0x183: {  	[tilespmem:s15], [sflag:$0x3] =	stream.indirect.gather [hbm4b:s17+s11], $0x80, s31, s11, $0xb8;
	[tilespmem:$0x1ED80] =	vst v63  }
0x184: {  	_ =	swait.ge [sflag:s16], $0x2000  }
0x185: {  	[sflag:s16] =	ssyncset.done $0x0  }
0x186: {  	[sflag:s16] =	ssyncadd.s32 $0xFFFFE000  }
0x187: {  	[spmem:s20] =	stream.indirect.scatter.add.f32 [tilespmem:s9], [sflag:$0x5], $0x80, s25, s11, $0xb8;
	[tilespmem:$0x1ED80] =	vst v63  }
0x188: {  	_ = 	snop  }
0x189: {  	[spmem:s22] =	stream.indirect.scatter.add.f32 [tilespmem:s18], [sflag:$0x9], $0x1, s25, s11, $0xb8;
	[tilespmem:$0x1ED80] =	vst v63  }
0x18a: {  	s5 =	simm.s32 $0x180  }
0x18b: {  	[tilespmem:s23], [sflag:$0x4] =	stream.indirect.gather [hbm4b:s17+s11], $0x80, s5, s11, $0xb8;
	[tilespmem:$0x1ED80] =	vst v63  }
0x18c: {  	_ =	swait.ge [sflag:s24], $0x2000  }
0x18d: {  	[sflag:s24] =	ssyncset.done $0x0  }
0x18e: {  	s10 =	simm.s32 $0x1480;
	[sflag:s24] =	ssyncadd.s32 $0xFFFFE000  }
0x18f: {  	[spmem:s20] =	stream.indirect.scatter.add.f32 [tilespmem:s13], [sflag:$0x6], $0x80, s10, s11, $0xb8;
	[tilespmem:$0x1ED80] =	vst v63  }
0x190: {  	_ = 	snop  }
0x191: {  	[spmem:s22] =	stream.indirect.scatter.add.f32 [tilespmem:s18], [sflag:$0xA], $0x1, s10, s11, $0xb8;
	[tilespmem:$0x1ED80] =	vst v63  }
0x192: {  	_ =	swait.ge [sflag:s6], $0x2000  }
0x193: {  	[sflag:s6] =	ssyncset.done $0x0  }
0x194: {  	[sflag:s6] =	ssyncadd.s32 $0xFFFFE000  }
0x195: {  	_ =	swait.ge [sflag:s7], $0x40  }
0x196: {  	[sflag:s7] =	ssyncset.done $0x0  }
0x197: {  	s21 =	simm.s32 $0x200;
	[sflag:s7] =	ssyncadd.s32 $0xFFFFFFC0  }
0x198: {  	[tilespmem:s9], [sflag:$0x1] =	stream.indirect.gather [hbm4b:s17+s11], $0x80, s21, s11, $0xb8;
	[tilespmem:$0x1ED80] =	vst v63  }
0x199: {  	_ =	swait.ge [sflag:s26], $0x2000  }
0x19a: {  	[sflag:s26] =	ssyncset.done $0x0  }
0x19b: {  	s25 =	simm.s32 $0x1500;
	[sflag:s26] =	ssyncadd.s32 $0xFFFFE000  }
0x19c: {  	[spmem:s20] =	stream.indirect.scatter.add.f32 [tilespmem:s15], [sflag:$0x7], $0x80, s25, s11, $0xb8;
	[tilespmem:$0x1ED80] =	vst v63  }
0x19d: {  	_ = 	snop  }
0x19e: {  	[spmem:s22] =	stream.indirect.scatter.add.f32 [tilespmem:s18], [sflag:$0xB], $0x1, s25, s11, $0xb8;
	[tilespmem:$0x1ED80] =	vst v63  }
0x19f: {  	_ =	swait.ge [sflag:s29], $0x2000  }
0x1a0: {  	[sflag:s29] =	ssyncset.done $0x0  }
0x1a1: {  	[sflag:s29] =	ssyncadd.s32 $0xFFFFE000  }
0x1a2: {  	_ =	swait.ge [sflag:s30], $0x40  }
0x1a3: {  	[sflag:s30] =	ssyncset.done $0x0  }
0x1a4: {  	s28 =	simm.s32 $0x280;
	[sflag:s30] =	ssyncadd.s32 $0xFFFFFFC0  }
0x1a5: {  	[tilespmem:s13], [sflag:$0x2] =	stream.indirect.gather [hbm4b:s17+s11], $0x80, s28, s11, $0xb8;
	[tilespmem:$0x1ED80] =	vst v63  }
0x1a6: {  	_ =	swait.ge [sflag:s19], $0x2000  }
0x1a7: {  	[sflag:s19] =	ssyncset.done $0x0  }
0x1a8: {  	s31 =	simm.s32 $0x1580;
	[sflag:s19] =	ssyncadd.s32 $0xFFFFE000  }
0x1a9: {  	[spmem:s20] =	stream.indirect.scatter.add.f32 [tilespmem:s23], [sflag:$0x8], $0x80, s31, s11, $0xb8;
	[tilespmem:$0x1ED80] =	vst v63  }
0x1aa: {  	_ = 	snop  }
0x1ab: {  	[spmem:s22] =	stream.indirect.scatter.add.f32 [tilespmem:s18], [sflag:$0xC], $0x1, s31, s11, $0xb8;
	[tilespmem:$0x1ED80] =	vst v63  }
0x1ac: {  	_ =	swait.ge [sflag:s12], $0x2000  }
0x1ad: {  	[sflag:s12] =	ssyncset.done $0x0  }
0x1ae: {  	[sflag:s12] =	ssyncadd.s32 $0xFFFFE000  }
0x1af: {  	_ =	swait.ge [sflag:s2], $0x40  }
0x1b0: {  	[sflag:s2] =	ssyncset.done $0x0  }
0x1b1: {  	s1 =	simm.s32 $0x300;
	[sflag:s2] =	ssyncadd.s32 $0xFFFFFFC0  }
0x1b2: {  	[tilespmem:s15], [sflag:$0x3] =	stream.indirect.gather [hbm4b:s17+s11], $0x80, s1, s11, $0xb8;
	[tilespmem:$0x1ED80] =	vst v63  }
0x1b3: {  	_ =	swait.ge [sflag:s16], $0x2000  }
0x1b4: {  	[sflag:s16] =	ssyncset.done $0x0  }
0x1b5: {  	s5 =	simm.s32 $0x1600;
	[sflag:s16] =	ssyncadd.s32 $0xFFFFE000  }
0x1b6: {  	[spmem:s20] =	stream.indirect.scatter.add.f32 [tilespmem:s9], [sflag:$0x5], $0x80, s5, s11, $0xb8;
	[tilespmem:$0x1ED80] =	vst v63  }
0x1b7: {  	_ = 	snop  }
0x1b8: {  	[spmem:s22] =	stream.indirect.scatter.add.f32 [tilespmem:s18], [sflag:$0x9], $0x1, s5, s11, $0xb8;
	[tilespmem:$0x1ED80] =	vst v63  }
0x1b9: {  	_ =	swait.ge [sflag:s3], $0x2000  }
0x1ba: {  	[sflag:s3] =	ssyncset.done $0x0  }
0x1bb: {  	[sflag:s3] =	ssyncadd.s32 $0xFFFFE000  }
0x1bc: {  	_ =	swait.ge [sflag:s14], $0x40  }
0x1bd: {  	[sflag:s14] =	ssyncset.done $0x0  }
0x1be: {  	s10 =	simm.s32 $0x380;
	[sflag:s14] =	ssyncadd.s32 $0xFFFFFFC0  }
0x1bf: {  	[tilespmem:s23], [sflag:$0x4] =	stream.indirect.gather [hbm4b:s17+s11], $0x80, s10, s11, $0xb8;
	[tilespmem:$0x1ED80] =	vst v63  }
0x1c0: {  	_ =	swait.ge [sflag:s24], $0x2000  }
0x1c1: {  	[sflag:s24] =	ssyncset.done $0x0  }
0x1c2: {  	s21 =	simm.s32 $0x1680;
	[sflag:s24] =	ssyncadd.s32 $0xFFFFE000  }
0x1c3: {  	[spmem:s20] =	stream.indirect.scatter.add.f32 [tilespmem:s13], [sflag:$0x6], $0x80, s21, s11, $0xb8;
	[tilespmem:$0x1ED80] =	vst v63  }
0x1c4: {  	_ = 	snop  }
0x1c5: {  	[spmem:s22] =	stream.indirect.scatter.add.f32 [tilespmem:s18], [sflag:$0xA], $0x1, s21, s11, $0xb8;
	[tilespmem:$0x1ED80] =	vst v63  }
0x1c6: {  	_ =	swait.ge [sflag:s6], $0x2000  }
0x1c7: {  	[sflag:s6] =	ssyncset.done $0x0  }
0x1c8: {  	[sflag:s6] =	ssyncadd.s32 $0xFFFFE000  }
0x1c9: {  	_ =	swait.ge [sflag:s7], $0x40  }
0x1ca: {  	[sflag:s7] =	ssyncset.done $0x0  }
0x1cb: {  	s25 =	simm.s32 $0x400;
	[sflag:s7] =	ssyncadd.s32 $0xFFFFFFC0  }
0x1cc: {  	[tilespmem:s9], [sflag:$0x1] =	stream.indirect.gather [hbm4b:s17+s11], $0x80, s25, s11, $0xb8;
	[tilespmem:$0x1ED80] =	vst v63  }
0x1cd: {  	_ =	swait.ge [sflag:s26], $0x2000  }
0x1ce: {  	[sflag:s26] =	ssyncset.done $0x0  }
0x1cf: {  	s28 =	simm.s32 $0x1700;
	[sflag:s26] =	ssyncadd.s32 $0xFFFFE000  }
0x1d0: {  	[spmem:s20] =	stream.indirect.scatter.add.f32 [tilespmem:s15], [sflag:$0x7], $0x80, s28, s11, $0xb8;
	[tilespmem:$0x1ED80] =	vst v63  }
0x1d1: {  	_ = 	snop  }
0x1d2: {  	[spmem:s22] =	stream.indirect.scatter.add.f32 [tilespmem:s18], [sflag:$0xB], $0x1, s28, s11, $0xb8;
	[tilespmem:$0x1ED80] =	vst v63  }
0x1d3: {  	_ =	swait.ge [sflag:s29], $0x2000  }
0x1d4: {  	[sflag:s29] =	ssyncset.done $0x0  }
0x1d5: {  	[sflag:s29] =	ssyncadd.s32 $0xFFFFE000  }
0x1d6: {  	_ =	swait.ge [sflag:s30], $0x40  }
0x1d7: {  	[sflag:s30] =	ssyncset.done $0x0  }
0x1d8: {  	s31 =	simm.s32 $0x480;
	[sflag:s30] =	ssyncadd.s32 $0xFFFFFFC0  }
0x1d9: {  	[tilespmem:s13], [sflag:$0x2] =	stream.indirect.gather [hbm4b:s17+s11], $0x80, s31, s11, $0xb8;
	[tilespmem:$0x1ED80] =	vst v63  }
0x1da: {  	_ =	swait.ge [sflag:s19], $0x2000  }
0x1db: {  	[sflag:s19] =	ssyncset.done $0x0  }
0x1dc: {  	s0 =	simm.s32 $0x800;
	s21 =	simm.s32 $0x1780;
	[sflag:s19] =	ssyncadd.s32 $0xFFFFE000  }
0x1dd: {  	[spmem:s20] =	stream.indirect.scatter.add.f32 [tilespmem:s23], [sflag:$0x8], $0x80, s21, s11, $0xb8;
	[tilespmem:$0x1ED80] =	vst v63  }
.LBB2_4:
0x1de: {  	[spmem:s22] =	stream.indirect.scatter.add.f32 [tilespmem:s18], [sflag:$0xC], $0x1, s21, s11, $0xb8;
	[tilespmem:$0x1ED80] =	vst v63  }
0x1df: {  	s21 =	smov.u32 s0  }
0x1e0: {  	p0 =	sne.s32 s0, $0x3800;
	s0 =	sadd.s32 $0x800, s0;
	_ =	swait.ge [sflag:s12], $0x2000  }
0x1e1: {  	[sflag:s12] =	ssyncset.done $0x0  }
0x1e2: {  	[sflag:s12] =	ssyncadd.s32 $0xFFFFE000  }
0x1e3: {  	_ =	swait.ge [sflag:s2], $0x40  }
0x1e4: {  	s21 =	sshra.s32 s21, $0x2;
	[sflag:s2] =	ssyncset.done $0x0  }
0x1e5: {  	s31 =	sadd.s32 $0x300, s21;
	[sflag:s2] =	ssyncadd.s32 $0xFFFFFFC0  }
0x1e6: {  	[tilespmem:s15], [sflag:$0x3] =	stream.indirect.gather [hbm4b:s17+s11], $0x80, s31, s11, $0xb8;
	[tilespmem:$0x1ED80] =	vst v63  }
0x1e7: {  	_ =	swait.ge [sflag:s16], $0x2000  }
0x1e8: {  	[sflag:s16] =	ssyncset.done $0x0  }
0x1e9: {  	s31 =	sadd.s32 $0x1600, s21;
	[sflag:s16] =	ssyncadd.s32 $0xFFFFE000  }
0x1ea: {  	[spmem:s20] =	stream.indirect.scatter.add.f32 [tilespmem:s9], [sflag:$0x5], $0x80, s31, s11, $0xb8;
	[tilespmem:$0x1ED80] =	vst v63  }
0x1eb: {  	_ = 	snop  }
0x1ec: {  	[spmem:s22] =	stream.indirect.scatter.add.f32 [tilespmem:s18], [sflag:$0x9], $0x1, s31, s11, $0xb8;
	[tilespmem:$0x1ED80] =	vst v63  }
0x1ed: {  	_ =	swait.ge [sflag:s3], $0x2000  }
0x1ee: {  	[sflag:s3] =	ssyncset.done $0x0  }
0x1ef: {  	[sflag:s3] =	ssyncadd.s32 $0xFFFFE000  }
0x1f0: {  	_ =	swait.ge [sflag:s14], $0x40  }
0x1f1: {  	[sflag:s14] =	ssyncset.done $0x0  }
0x1f2: {  	s31 =	sadd.s32 $0x380, s21;
	[sflag:s14] =	ssyncadd.s32 $0xFFFFFFC0  }
0x1f3: {  	[tilespmem:s23], [sflag:$0x4] =	stream.indirect.gather [hbm4b:s17+s11], $0x80, s31, s11, $0xb8;
	[tilespmem:$0x1ED80] =	vst v63  }
0x1f4: {  	_ =	swait.ge [sflag:s24], $0x2000  }
0x1f5: {  	[sflag:s24] =	ssyncset.done $0x0  }
0x1f6: {  	s31 =	sadd.s32 $0x1680, s21;
	[sflag:s24] =	ssyncadd.s32 $0xFFFFE000  }
0x1f7: {  	[spmem:s20] =	stream.indirect.scatter.add.f32 [tilespmem:s13], [sflag:$0x6], $0x80, s31, s11, $0xb8;
	[tilespmem:$0x1ED80] =	vst v63  }
0x1f8: {  	_ = 	snop  }
0x1f9: {  	[spmem:s22] =	stream.indirect.scatter.add.f32 [tilespmem:s18], [sflag:$0xA], $0x1, s31, s11, $0xb8;
	[tilespmem:$0x1ED80] =	vst v63  }
0x1fa: {  	_ =	swait.ge [sflag:s6], $0x2000  }
0x1fb: {  	[sflag:s6] =	ssyncset.done $0x0  }
0x1fc: {  	[sflag:s6] =	ssyncadd.s32 $0xFFFFE000  }
0x1fd: {  	_ =	swait.ge [sflag:s7], $0x40  }
0x1fe: {  	[sflag:s7] =	ssyncset.done $0x0  }
0x1ff: {  	s31 =	sadd.s32 $0x400, s21;
	[sflag:s7] =	ssyncadd.s32 $0xFFFFFFC0  }
0x200: {  	[tilespmem:s9], [sflag:$0x1] =	stream.indirect.gather [hbm4b:s17+s11], $0x80, s31, s11, $0xb8;
	[tilespmem:$0x1ED80] =	vst v63  }
0x201: {  	_ =	swait.ge [sflag:s26], $0x2000  }
0x202: {  	[sflag:s26] =	ssyncset.done $0x0  }
0x203: {  	s31 =	sadd.s32 $0x1700, s21;
	[sflag:s26] =	ssyncadd.s32 $0xFFFFE000  }
0x204: {  	[spmem:s20] =	stream.indirect.scatter.add.f32 [tilespmem:s15], [sflag:$0x7], $0x80, s31, s11, $0xb8;
	[tilespmem:$0x1ED80] =	vst v63  }
0x205: {  	_ = 	snop  }
0x206: {  	[spmem:s22] =	stream.indirect.scatter.add.f32 [tilespmem:s18], [sflag:$0xB], $0x1, s31, s11, $0xb8;
	[tilespmem:$0x1ED80] =	vst v63  }
0x207: {  	_ =	swait.ge [sflag:s29], $0x2000  }
0x208: {  	[sflag:s29] =	ssyncset.done $0x0  }
0x209: {  	[sflag:s29] =	ssyncadd.s32 $0xFFFFE000  }
0x20a: {  	_ =	swait.ge [sflag:s30], $0x40  }
0x20b: {  	[sflag:s30] =	ssyncset.done $0x0  }
0x20c: {  	s31 =	sadd.s32 $0x480, s21;
	[sflag:s30] =	ssyncadd.s32 $0xFFFFFFC0  }
0x20d: {  	[tilespmem:s13], [sflag:$0x2] =	stream.indirect.gather [hbm4b:s17+s11], $0x80, s31, s11, $0xb8;
	[tilespmem:$0x1ED80] =	vst v63  }
.Ltmp1:
0x20e: {  	_ = 	snop;
	(pc) =	sbr.rel @p0 .LBB2_4-.Ltmp1, $4  }
0x20f: {  	_ =	swait.ge [sflag:s19], $0x2000  }
0x210: {  	[sflag:s19] =	ssyncset.done $0x0  }
0x211: {  	s21 =	sadd.s32 $0x1780, s21;
	[sflag:s19] =	ssyncadd.s32 $0xFFFFE000  }
0x212: {  	[spmem:s20] =	stream.indirect.scatter.add.f32 [tilespmem:s23], [sflag:$0x8], $0x80, s21, s11, $0xb8;
	[tilespmem:$0x1ED80] =	vst v63  }
0x213: {  	[spmem:s22] =	stream.indirect.scatter.add.f32 [tilespmem:s18], [sflag:$0xC], $0x1, s21, s11, $0xb8;
	[tilespmem:$0x1ED80] =	vst v63  }
0x214: {  	_ =	swait.ge [sflag:s12], $0x2000  }
0x215: {  	[sflag:s12] =	ssyncset.done $0x0  }
0x216: {  	[sflag:s12] =	ssyncadd.s32 $0xFFFFE000  }
0x217: {  	_ =	swait.ge [sflag:s2], $0x40  }
0x218: {  	[sflag:s2] =	ssyncset.done $0x0  }
0x219: {  	s0 =	simm.s32 $0x1300;
	[sflag:s2] =	ssyncadd.s32 $0xFFFFFFC0  }
0x21a: {  	[tilespmem:s15], [sflag:$0x3] =	stream.indirect.gather [hbm4b:s17+s11], $0x80, s0, s11, $0xb8;
	[tilespmem:$0x1ED80] =	vst v63  }
0x21b: {  	_ =	swait.ge [sflag:s16], $0x2000  }
0x21c: {  	[sflag:s16] =	ssyncset.done $0x0  }
0x21d: {  	s21 =	simm.s32 $0x2600;
	[sflag:s16] =	ssyncadd.s32 $0xFFFFE000  }
0x21e: {  	[spmem:s20] =	stream.indirect.scatter.add.f32 [tilespmem:s9], [sflag:$0x5], $0x80, s21, s11, $0xb8;
	[tilespmem:$0x1ED80] =	vst v63  }
0x21f: {  	_ = 	snop  }
0x220: {  	[spmem:s22] =	stream.indirect.scatter.add.f32 [tilespmem:s18], [sflag:$0x9], $0x1, s21, s11, $0xb8;
	[tilespmem:$0x1ED80] =	vst v63  }
0x221: {  	_ =	swait.ge [sflag:s3], $0x2000  }
0x222: {  	[sflag:s3] =	ssyncset.done $0x0  }
0x223: {  	[sflag:s3] =	ssyncadd.s32 $0xFFFFE000  }
0x224: {  	_ =	swait.ge [sflag:s14], $0x40  }
0x225: {  	[sflag:s14] =	ssyncset.done $0x0  }
0x226: {  	s25 =	simm.s32 $0x1380;
	[sflag:s14] =	ssyncadd.s32 $0xFFFFFFC0  }
0x227: {  	[tilespmem:s23], [sflag:$0x4] =	stream.indirect.gather [hbm4b:s17+s11], $0x80, s25, s11, $0xb8;
	[tilespmem:$0x1ED80] =	vst v63  }
0x228: {  	_ =	swait.ge [sflag:s24], $0x2000  }
0x229: {  	[sflag:s24] =	ssyncset.done $0x0  }
0x22a: {  	s1 =	simm.s32 $0x2680;
	[sflag:s24] =	ssyncadd.s32 $0xFFFFE000  }
0x22b: {  	[spmem:s20] =	stream.indirect.scatter.add.f32 [tilespmem:s13], [sflag:$0x6], $0x80, s1, s11, $0xb8;
	[tilespmem:$0x1ED80] =	vst v63  }
0x22c: {  	_ = 	snop  }
0x22d: {  	[spmem:s22] =	stream.indirect.scatter.add.f32 [tilespmem:s18], [sflag:$0xA], $0x1, s1, s11, $0xb8;
	[tilespmem:$0x1ED80] =	vst v63  }
0x22e: {  	_ =	swait.ge [sflag:s6], $0x2000  }
0x22f: {  	[sflag:s6] =	ssyncset.done $0x0  }
0x230: {  	[sflag:s6] =	ssyncadd.s32 $0xFFFFE000  }
0x231: {  	_ =	swait.ge [sflag:s7], $0x40  }
0x232: {  	[sflag:s7] =	ssyncset.done $0x0  }
0x233: {  	[sflag:s7] =	ssyncadd.s32 $0xFFFFFFC0  }
0x234: {  	[tilespmem:s9], [sflag:$0x1] =	stream.indirect.gather [hbm4b:s17+s11], $0x80, s25, s11, $0xb8;
	[tilespmem:$0x1ED80] =	vst v63  }
0x235: {  	_ =	swait.ge [sflag:s26], $0x2000  }
0x236: {  	[sflag:s26] =	ssyncset.done $0x0  }
0x237: {  	s28 =	simm.s32 $0x2700;
	[sflag:s26] =	ssyncadd.s32 $0xFFFFE000  }
0x238: {  	[spmem:s20] =	stream.indirect.scatter.add.f32 [tilespmem:s15], [sflag:$0x7], $0x80, s28, s11, $0xb8;
	[tilespmem:$0x1ED80] =	vst v63  }
0x239: {  	_ = 	snop  }
0x23a: {  	[spmem:s22] =	stream.indirect.scatter.add.f32 [tilespmem:s18], [sflag:$0xB], $0x1, s28, s11, $0xb8;
	[tilespmem:$0x1ED80] =	vst v63  }
0x23b: {  	_ =	swait.ge [sflag:s29], $0x2000  }
0x23c: {  	[sflag:s29] =	ssyncset.done $0x0  }
0x23d: {  	[sflag:s29] =	ssyncadd.s32 $0xFFFFE000  }
0x23e: {  	_ =	swait.ge [sflag:s30], $0x40  }
0x23f: {  	[sflag:s30] =	ssyncset.done $0x0  }
0x240: {  	[sflag:s30] =	ssyncadd.s32 $0xFFFFFFC0  }
0x241: {  	[tilespmem:s13], [sflag:$0x2] =	stream.indirect.gather [hbm4b:s17+s11], $0x80, s25, s11, $0xb8;
	[tilespmem:$0x1ED80] =	vst v63  }
0x242: {  	_ =	swait.ge [sflag:s19], $0x2000  }
0x243: {  	[sflag:s19] =	ssyncset.done $0x0  }
0x244: {  	s31 =	simm.s32 $0x2780;
	[sflag:s19] =	ssyncadd.s32 $0xFFFFE000  }
0x245: {  	[spmem:s20] =	stream.indirect.scatter.add.f32 [tilespmem:s23], [sflag:$0x8], $0x80, s31, s11, $0xb8;
	[tilespmem:$0x1ED80] =	vst v63  }
0x246: {  	_ = 	snop  }
0x247: {  	[spmem:s22] =	stream.indirect.scatter.add.f32 [tilespmem:s18], [sflag:$0xC], $0x1, s31, s11, $0xb8;
	[tilespmem:$0x1ED80] =	vst v63  }
0x248: {  	_ =	swait.ge [sflag:s12], $0x2000  }
0x249: {  	[sflag:s12] =	ssyncset.done $0x0  }
0x24a: {  	[sflag:s12] =	ssyncadd.s32 $0xFFFFE000  }
0x24b: {  	_ =	swait.ge [sflag:s2], $0x40  }
0x24c: {  	[sflag:s2] =	ssyncset.done $0x0  }
0x24d: {  	[sflag:s2] =	ssyncadd.s32 $0xFFFFFFC0  }
0x24e: {  	_ =	swait.ge [sflag:s3], $0x2000  }
0x24f: {  	[sflag:s3] =	ssyncset.done $0x0  }
0x250: {  	[sflag:s3] =	ssyncadd.s32 $0xFFFFE000  }
0x251: {  	_ =	swait.ge [sflag:s14], $0x40  }
0x252: {  	[sflag:s14] =	ssyncset.done $0x0  }
0x253: {  	[sflag:s14] =	ssyncadd.s32 $0xFFFFFFC0  }
0x254: {  	_ =	swait.ge [sflag:s16], $0x2000  }
0x255: {  	[sflag:s16] =	ssyncset.done $0x0  }
0x256: {  	[sflag:s16] =	ssyncadd.s32 $0xFFFFE000  }
0x257: {  	_ =	swait.ge [sflag:s24], $0x2000  }
0x258: {  	[sflag:s24] =	ssyncset.done $0x0  }
0x259: {  	s1 =	simm.s32 $0x0;
	s5 =	rddreg [dreg:$0xa];
	[sflag:s24] =	ssyncadd.s32 $0xFFFFE000  }
0x25a: {  	[tilespmem:s1], [sflag:$0xD] =	stream.linear.gather [hbm4b:s5+s1], $0x1400, $0x38;
	[tilespmem:$0x1ED80] =	vst v63  }
0x25b: {  	_ =	swait.ge [sflag:s8], $0x1400  }
0x25c: {  	[sflag:s8] =	ssyncset.done $0x0  }
0x25d: {  	s25 =	simm.s32 $0x1400;
	s10 =	rddreg [dreg:$0xb];
	[sflag:s8] =	ssyncadd.s32 $0xFFFFEC00  }
0x25e: {  	[tilespmem:s25], [sflag:$0xD] =	stream.linear.gather [hbm4b:s10+s1], $0x1400, $0x38;
	[tilespmem:$0x1ED80] =	vst v63  }
0x25f: {  	_ =	swait.ge [sflag:s8], $0x1400  }
0x260: {  	[sflag:s8] =	ssyncset.done $0x0  }
0x261: {  	[sflag:s8] =	ssyncadd.s32 $0xFFFFEC00  }
0x262: {  	[tilespmem:s9], [sflag:$0x1] =	stream.indirect.gather [hbm4b:s17+s11], $0x80, s1, s11, $0xb8;
	[tilespmem:$0x1ED80] =	vst v63  }
0x263: {  	s28 =	simm.s32 $0x80  }
0x264: {  	[tilespmem:s13], [sflag:$0x2] =	stream.indirect.gather [hbm4b:s17+s11], $0x80, s28, s11, $0xb8;
	[tilespmem:$0x1ED80] =	vst v63  }
0x265: {  	s31 =	simm.s32 $0x100  }
0x266: {  	[tilespmem:s15], [sflag:$0x3] =	stream.indirect.gather [hbm4b:s17+s11], $0x80, s31, s11, $0xb8;
	[tilespmem:$0x1ED80] =	vst v63  }
0x267: {  	_ =	swait.ge [sflag:s16], $0x2000  }
0x268: {  	[sflag:s16] =	ssyncset.done $0x0  }
0x269: {  	[sflag:s16] =	ssyncadd.s32 $0xFFFFE000  }
0x26a: {  	[spmem:s20] =	stream.indirect.scatter.add.f32 [tilespmem:s9], [sflag:$0x5], $0x80, s25, s11, $0xb8;
	[tilespmem:$0x1ED80] =	vst v63  }
0x26b: {  	_ = 	snop  }
0x26c: {  	[spmem:s22] =	stream.indirect.scatter.add.f32 [tilespmem:s18], [sflag:$0x9], $0x1, s25, s11, $0xb8;
	[tilespmem:$0x1ED80] =	vst v63  }
0x26d: {  	s5 =	simm.s32 $0x180  }
0x26e: {  	[tilespmem:s23], [sflag:$0x4] =	stream.indirect.gather [hbm4b:s17+s11], $0x80, s5, s11, $0xb8;
	[tilespmem:$0x1ED80] =	vst v63  }
0x26f: {  	_ =	swait.ge [sflag:s24], $0x2000  }
0x270: {  	[sflag:s24] =	ssyncset.done $0x0  }
0x271: {  	s10 =	simm.s32 $0x1480;
	[sflag:s24] =	ssyncadd.s32 $0xFFFFE000  }
0x272: {  	[spmem:s20] =	stream.indirect.scatter.add.f32 [tilespmem:s13], [sflag:$0x6], $0x80, s10, s11, $0xb8;
	[tilespmem:$0x1ED80] =	vst v63  }
0x273: {  	_ = 	snop  }
0x274: {  	[spmem:s22] =	stream.indirect.scatter.add.f32 [tilespmem:s18], [sflag:$0xA], $0x1, s10, s11, $0xb8;
	[tilespmem:$0x1ED80] =	vst v63  }
0x275: {  	_ =	swait.ge [sflag:s6], $0x2000  }
0x276: {  	[sflag:s6] =	ssyncset.done $0x0  }
0x277: {  	[sflag:s6] =	ssyncadd.s32 $0xFFFFE000  }
0x278: {  	_ =	swait.ge [sflag:s7], $0x40  }
0x279: {  	[sflag:s7] =	ssyncset.done $0x0  }
0x27a: {  	s21 =	simm.s32 $0x200;
	[sflag:s7] =	ssyncadd.s32 $0xFFFFFFC0  }
0x27b: {  	[tilespmem:s9], [sflag:$0x1] =	stream.indirect.gather [hbm4b:s17+s11], $0x80, s21, s11, $0xb8;
	[tilespmem:$0x1ED80] =	vst v63  }
0x27c: {  	_ =	swait.ge [sflag:s26], $0x2000  }
0x27d: {  	[sflag:s26] =	ssyncset.done $0x0  }
0x27e: {  	s25 =	simm.s32 $0x1500;
	[sflag:s26] =	ssyncadd.s32 $0xFFFFE000  }
0x27f: {  	[spmem:s20] =	stream.indirect.scatter.add.f32 [tilespmem:s15], [sflag:$0x7], $0x80, s25, s11, $0xb8;
	[tilespmem:$0x1ED80] =	vst v63  }
0x280: {  	_ = 	snop  }
0x281: {  	[spmem:s22] =	stream.indirect.scatter.add.f32 [tilespmem:s18], [sflag:$0xB], $0x1, s25, s11, $0xb8;
	[tilespmem:$0x1ED80] =	vst v63  }
0x282: {  	_ =	swait.ge [sflag:s29], $0x2000  }
0x283: {  	[sflag:s29] =	ssyncset.done $0x0  }
0x284: {  	[sflag:s29] =	ssyncadd.s32 $0xFFFFE000  }
0x285: {  	_ =	swait.ge [sflag:s30], $0x40  }
0x286: {  	[sflag:s30] =	ssyncset.done $0x0  }
0x287: {  	s28 =	simm.s32 $0x280;
	[sflag:s30] =	ssyncadd.s32 $0xFFFFFFC0  }
0x288: {  	[tilespmem:s13], [sflag:$0x2] =	stream.indirect.gather [hbm4b:s17+s11], $0x80, s28, s11, $0xb8;
	[tilespmem:$0x1ED80] =	vst v63  }
0x289: {  	_ =	swait.ge [sflag:s19], $0x2000  }
0x28a: {  	[sflag:s19] =	ssyncset.done $0x0  }
0x28b: {  	s31 =	simm.s32 $0x1580;
	[sflag:s19] =	ssyncadd.s32 $0xFFFFE000  }
0x28c: {  	[spmem:s20] =	stream.indirect.scatter.add.f32 [tilespmem:s23], [sflag:$0x8], $0x80, s31, s11, $0xb8;
	[tilespmem:$0x1ED80] =	vst v63  }
0x28d: {  	_ = 	snop  }
0x28e: {  	[spmem:s22] =	stream.indirect.scatter.add.f32 [tilespmem:s18], [sflag:$0xC], $0x1, s31, s11, $0xb8;
	[tilespmem:$0x1ED80] =	vst v63  }
0x28f: {  	_ =	swait.ge [sflag:s12], $0x2000  }
0x290: {  	[sflag:s12] =	ssyncset.done $0x0  }
0x291: {  	[sflag:s12] =	ssyncadd.s32 $0xFFFFE000  }
0x292: {  	_ =	swait.ge [sflag:s2], $0x40  }
0x293: {  	[sflag:s2] =	ssyncset.done $0x0  }
0x294: {  	s1 =	simm.s32 $0x300;
	[sflag:s2] =	ssyncadd.s32 $0xFFFFFFC0  }
0x295: {  	[tilespmem:s15], [sflag:$0x3] =	stream.indirect.gather [hbm4b:s17+s11], $0x80, s1, s11, $0xb8;
	[tilespmem:$0x1ED80] =	vst v63  }
0x296: {  	_ =	swait.ge [sflag:s16], $0x2000  }
0x297: {  	[sflag:s16] =	ssyncset.done $0x0  }
0x298: {  	s5 =	simm.s32 $0x1600;
	[sflag:s16] =	ssyncadd.s32 $0xFFFFE000  }
0x299: {  	[spmem:s20] =	stream.indirect.scatter.add.f32 [tilespmem:s9], [sflag:$0x5], $0x80, s5, s11, $0xb8;
	[tilespmem:$0x1ED80] =	vst v63  }
0x29a: {  	_ = 	snop  }
0x29b: {  	[spmem:s22] =	stream.indirect.scatter.add.f32 [tilespmem:s18], [sflag:$0x9], $0x1, s5, s11, $0xb8;
	[tilespmem:$0x1ED80] =	vst v63  }
0x29c: {  	_ =	swait.ge [sflag:s3], $0x2000  }
0x29d: {  	[sflag:s3] =	ssyncset.done $0x0  }
0x29e: {  	[sflag:s3] =	ssyncadd.s32 $0xFFFFE000  }
0x29f: {  	_ =	swait.ge [sflag:s14], $0x40  }
0x2a0: {  	[sflag:s14] =	ssyncset.done $0x0  }
0x2a1: {  	s10 =	simm.s32 $0x380;
	[sflag:s14] =	ssyncadd.s32 $0xFFFFFFC0  }
0x2a2: {  	[tilespmem:s23], [sflag:$0x4] =	stream.indirect.gather [hbm4b:s17+s11], $0x80, s10, s11, $0xb8;
	[tilespmem:$0x1ED80] =	vst v63  }
0x2a3: {  	_ =	swait.ge [sflag:s24], $0x2000  }
0x2a4: {  	[sflag:s24] =	ssyncset.done $0x0  }
0x2a5: {  	s21 =	simm.s32 $0x1680;
	[sflag:s24] =	ssyncadd.s32 $0xFFFFE000  }
0x2a6: {  	[spmem:s20] =	stream.indirect.scatter.add.f32 [tilespmem:s13], [sflag:$0x6], $0x80, s21, s11, $0xb8;
	[tilespmem:$0x1ED80] =	vst v63  }
0x2a7: {  	_ = 	snop  }
0x2a8: {  	[spmem:s22] =	stream.indirect.scatter.add.f32 [tilespmem:s18], [sflag:$0xA], $0x1, s21, s11, $0xb8;
	[tilespmem:$0x1ED80] =	vst v63  }
0x2a9: {  	_ =	swait.ge [sflag:s6], $0x2000  }
0x2aa: {  	[sflag:s6] =	ssyncset.done $0x0  }
0x2ab: {  	[sflag:s6] =	ssyncadd.s32 $0xFFFFE000  }
0x2ac: {  	_ =	swait.ge [sflag:s7], $0x40  }
0x2ad: {  	[sflag:s7] =	ssyncset.done $0x0  }
0x2ae: {  	s25 =	simm.s32 $0x400;
	[sflag:s7] =	ssyncadd.s32 $0xFFFFFFC0  }
0x2af: {  	[tilespmem:s9], [sflag:$0x1] =	stream.indirect.gather [hbm4b:s17+s11], $0x80, s25, s11, $0xb8;
	[tilespmem:$0x1ED80] =	vst v63  }
0x2b0: {  	_ =	swait.ge [sflag:s26], $0x2000  }
0x2b1: {  	[sflag:s26] =	ssyncset.done $0x0  }
0x2b2: {  	s28 =	simm.s32 $0x1700;
	[sflag:s26] =	ssyncadd.s32 $0xFFFFE000  }
0x2b3: {  	[spmem:s20] =	stream.indirect.scatter.add.f32 [tilespmem:s15], [sflag:$0x7], $0x80, s28, s11, $0xb8;
	[tilespmem:$0x1ED80] =	vst v63  }
0x2b4: {  	_ = 	snop  }
0x2b5: {  	[spmem:s22] =	stream.indirect.scatter.add.f32 [tilespmem:s18], [sflag:$0xB], $0x1, s28, s11, $0xb8;
	[tilespmem:$0x1ED80] =	vst v63  }
0x2b6: {  	_ =	swait.ge [sflag:s29], $0x2000  }
0x2b7: {  	[sflag:s29] =	ssyncset.done $0x0  }
0x2b8: {  	[sflag:s29] =	ssyncadd.s32 $0xFFFFE000  }
0x2b9: {  	_ =	swait.ge [sflag:s30], $0x40  }
0x2ba: {  	[sflag:s30] =	ssyncset.done $0x0  }
0x2bb: {  	s31 =	simm.s32 $0x480;
	[sflag:s30] =	ssyncadd.s32 $0xFFFFFFC0  }
0x2bc: {  	[tilespmem:s13], [sflag:$0x2] =	stream.indirect.gather [hbm4b:s17+s11], $0x80, s31, s11, $0xb8;
	[tilespmem:$0x1ED80] =	vst v63  }
0x2bd: {  	_ =	swait.ge [sflag:s19], $0x2000  }
0x2be: {  	s0 =	simm.s32 $0x800;
	[sflag:s19] =	ssyncset.done $0x0  }
0x2bf: {  	s1 =	simm.s32 $0x0;
	s21 =	simm.s32 $0x1780;
	[sflag:s19] =	ssyncadd.s32 $0xFFFFE000  }
0x2c0: {  	[spmem:s20] =	stream.indirect.scatter.add.f32 [tilespmem:s23], [sflag:$0x8], $0x80, s21, s11, $0xb8;
	[tilespmem:$0x1ED80] =	vst v63  }
.LBB2_6:
0x2c1: {  	[spmem:s22] =	stream.indirect.scatter.add.f32 [tilespmem:s18], [sflag:$0xC], $0x1, s21, s11, $0xb8;
	[tilespmem:$0x1ED80] =	vst v63  }
0x2c2: {  	s21 =	smov.u32 s0  }
0x2c3: {  	p0 =	sne.s32 s0, $0x3800;
	s0 =	sadd.s32 $0x800, s0;
	_ =	swait.ge [sflag:s12], $0x2000  }
0x2c4: {  	[sflag:s12] =	ssyncset.done $0x0  }
0x2c5: {  	[sflag:s12] =	ssyncadd.s32 $0xFFFFE000  }
0x2c6: {  	_ =	swait.ge [sflag:s2], $0x40  }
0x2c7: {  	s21 =	sshra.s32 s21, $0x2;
	[sflag:s2] =	ssyncset.done $0x0  }
0x2c8: {  	s31 =	sadd.s32 $0x300, s21;
	[sflag:s2] =	ssyncadd.s32 $0xFFFFFFC0  }
0x2c9: {  	[tilespmem:s15], [sflag:$0x3] =	stream.indirect.gather [hbm4b:s17+s11], $0x80, s31, s11, $0xb8;
	[tilespmem:$0x1ED80] =	vst v63  }
0x2ca: {  	_ =	swait.ge [sflag:s16], $0x2000  }
0x2cb: {  	[sflag:s16] =	ssyncset.done $0x0  }
0x2cc: {  	s31 =	sadd.s32 $0x1600, s21;
	[sflag:s16] =	ssyncadd.s32 $0xFFFFE000  }
0x2cd: {  	[spmem:s20] =	stream.indirect.scatter.add.f32 [tilespmem:s9], [sflag:$0x5], $0x80, s31, s11, $0xb8;
	[tilespmem:$0x1ED80] =	vst v63  }
0x2ce: {  	_ = 	snop  }
0x2cf: {  	[spmem:s22] =	stream.indirect.scatter.add.f32 [tilespmem:s18], [sflag:$0x9], $0x1, s31, s11, $0xb8;
	[tilespmem:$0x1ED80] =	vst v63  }
0x2d0: {  	_ =	swait.ge [sflag:s3], $0x2000  }
0x2d1: {  	[sflag:s3] =	ssyncset.done $0x0  }
0x2d2: {  	[sflag:s3] =	ssyncadd.s32 $0xFFFFE000  }
0x2d3: {  	_ =	swait.ge [sflag:s14], $0x40  }
0x2d4: {  	[sflag:s14] =	ssyncset.done $0x0  }
0x2d5: {  	s31 =	sadd.s32 $0x380, s21;
	[sflag:s14] =	ssyncadd.s32 $0xFFFFFFC0  }
0x2d6: {  	[tilespmem:s23], [sflag:$0x4] =	stream.indirect.gather [hbm4b:s17+s11], $0x80, s31, s11, $0xb8;
	[tilespmem:$0x1ED80] =	vst v63  }
0x2d7: {  	_ =	swait.ge [sflag:s24], $0x2000  }
0x2d8: {  	[sflag:s24] =	ssyncset.done $0x0  }
0x2d9: {  	s31 =	sadd.s32 $0x1680, s21;
	[sflag:s24] =	ssyncadd.s32 $0xFFFFE000  }
0x2da: {  	[spmem:s20] =	stream.indirect.scatter.add.f32 [tilespmem:s13], [sflag:$0x6], $0x80, s31, s11, $0xb8;
	[tilespmem:$0x1ED80] =	vst v63  }
0x2db: {  	_ = 	snop  }
0x2dc: {  	[spmem:s22] =	stream.indirect.scatter.add.f32 [tilespmem:s18], [sflag:$0xA], $0x1, s31, s11, $0xb8;
	[tilespmem:$0x1ED80] =	vst v63  }
0x2dd: {  	_ =	swait.ge [sflag:s6], $0x2000  }
0x2de: {  	[sflag:s6] =	ssyncset.done $0x0  }
0x2df: {  	[sflag:s6] =	ssyncadd.s32 $0xFFFFE000  }
0x2e0: {  	_ =	swait.ge [sflag:s7], $0x40  }
0x2e1: {  	[sflag:s7] =	ssyncset.done $0x0  }
0x2e2: {  	s31 =	sadd.s32 $0x400, s21;
	[sflag:s7] =	ssyncadd.s32 $0xFFFFFFC0  }
0x2e3: {  	[tilespmem:s9], [sflag:$0x1] =	stream.indirect.gather [hbm4b:s17+s11], $0x80, s31, s11, $0xb8;
	[tilespmem:$0x1ED80] =	vst v63  }
0x2e4: {  	_ =	swait.ge [sflag:s26], $0x2000  }
0x2e5: {  	[sflag:s26] =	ssyncset.done $0x0  }
0x2e6: {  	s31 =	sadd.s32 $0x1700, s21;
	[sflag:s26] =	ssyncadd.s32 $0xFFFFE000  }
0x2e7: {  	[spmem:s20] =	stream.indirect.scatter.add.f32 [tilespmem:s15], [sflag:$0x7], $0x80, s31, s11, $0xb8;
	[tilespmem:$0x1ED80] =	vst v63  }
0x2e8: {  	_ = 	snop  }
0x2e9: {  	[spmem:s22] =	stream.indirect.scatter.add.f32 [tilespmem:s18], [sflag:$0xB], $0x1, s31, s11, $0xb8;
	[tilespmem:$0x1ED80] =	vst v63  }
0x2ea: {  	_ =	swait.ge [sflag:s29], $0x2000  }
0x2eb: {  	[sflag:s29] =	ssyncset.done $0x0  }
0x2ec: {  	[sflag:s29] =	ssyncadd.s32 $0xFFFFE000  }
0x2ed: {  	_ =	swait.ge [sflag:s30], $0x40  }
0x2ee: {  	[sflag:s30] =	ssyncset.done $0x0  }
0x2ef: {  	s31 =	sadd.s32 $0x480, s21;
	[sflag:s30] =	ssyncadd.s32 $0xFFFFFFC0  }
0x2f0: {  	[tilespmem:s13], [sflag:$0x2] =	stream.indirect.gather [hbm4b:s17+s11], $0x80, s31, s11, $0xb8;
	[tilespmem:$0x1ED80] =	vst v63  }
.Ltmp2:
0x2f1: {  	_ = 	snop;
	(pc) =	sbr.rel @p0 .LBB2_6-.Ltmp2, $4  }
0x2f2: {  	_ =	swait.ge [sflag:s19], $0x2000  }
0x2f3: {  	[sflag:s19] =	ssyncset.done $0x0  }
0x2f4: {  	s21 =	sadd.s32 $0x1780, s21;
	[sflag:s19] =	ssyncadd.s32 $0xFFFFE000  }
0x2f5: {  	[spmem:s20] =	stream.indirect.scatter.add.f32 [tilespmem:s23], [sflag:$0x8], $0x80, s21, s11, $0xb8;
	[tilespmem:$0x1ED80] =	vst v63  }
0x2f6: {  	[spmem:s22] =	stream.indirect.scatter.add.f32 [tilespmem:s18], [sflag:$0xC], $0x1, s21, s11, $0xb8;
	[tilespmem:$0x1ED80] =	vst v63  }
0x2f7: {  	s5 =	sld [smem:$0x7F8];
	_ =	swait.ge [sflag:s12], $0x2000  }
0x2f8: {  	[sflag:s12] =	ssyncset.done $0x0  }
0x2f9: {  	[sflag:s12] =	ssyncadd.s32 $0xFFFFE000  }
0x2fa: {  	_ =	swait.ge [sflag:s2], $0x40  }
0x2fb: {  	[sflag:s2] =	ssyncset.done $0x0  }
0x2fc: {  	s0 =	simm.s32 $0x1300;
	[sflag:s2] =	ssyncadd.s32 $0xFFFFFFC0  }
0x2fd: {  	[tilespmem:s15], [sflag:$0x3] =	stream.indirect.gather [hbm4b:s17+s11], $0x80, s0, s11, $0xb8;
	[tilespmem:$0x1ED80] =	vst v63  }
0x2fe: {  	_ =	swait.ge [sflag:s16], $0x2000  }
0x2ff: {  	[sflag:s16] =	ssyncset.done $0x0  }
0x300: {  	s28 =	simm.s32 $0x2600;
	[sflag:s16] =	ssyncadd.s32 $0xFFFFE000  }
0x301: {  	[spmem:s20] =	stream.indirect.scatter.add.f32 [tilespmem:s9], [sflag:$0x5], $0x80, s28, s11, $0xb8;
	[tilespmem:$0x1ED80] =	vst v63  }
0x302: {  	_ = 	snop  }
0x303: {  	[spmem:s22] =	stream.indirect.scatter.add.f32 [tilespmem:s18], [sflag:$0x9], $0x1, s28, s11, $0xb8;
	[tilespmem:$0x1ED80] =	vst v63  }
0x304: {  	_ =	swait.ge [sflag:s3], $0x2000  }
0x305: {  	[sflag:s3] =	ssyncset.done $0x0  }
0x306: {  	[sflag:s3] =	ssyncadd.s32 $0xFFFFE000  }
0x307: {  	_ =	swait.ge [sflag:s14], $0x40  }
0x308: {  	[sflag:s14] =	ssyncset.done $0x0  }
0x309: {  	s31 =	simm.s32 $0x1380;
	[sflag:s14] =	ssyncadd.s32 $0xFFFFFFC0  }
0x30a: {  	[tilespmem:s23], [sflag:$0x4] =	stream.indirect.gather [hbm4b:s17+s11], $0x80, s31, s11, $0xb8;
	[tilespmem:$0x1ED80] =	vst v63  }
0x30b: {  	_ =	swait.ge [sflag:s24], $0x2000  }
0x30c: {  	[sflag:s24] =	ssyncset.done $0x0  }
0x30d: {  	s10 =	simm.s32 $0x2680;
	[sflag:s24] =	ssyncadd.s32 $0xFFFFE000  }
0x30e: {  	[spmem:s20] =	stream.indirect.scatter.add.f32 [tilespmem:s13], [sflag:$0x6], $0x80, s10, s11, $0xb8;
	[tilespmem:$0x1ED80] =	vst v63  }
0x30f: {  	_ = 	snop  }
0x310: {  	[spmem:s22] =	stream.indirect.scatter.add.f32 [tilespmem:s18], [sflag:$0xA], $0x1, s10, s11, $0xb8;
	[tilespmem:$0x1ED80] =	vst v63  }
0x311: {  	_ =	swait.ge [sflag:s6], $0x2000  }
0x312: {  	[sflag:s6] =	ssyncset.done $0x0  }
0x313: {  	[sflag:s6] =	ssyncadd.s32 $0xFFFFE000  }
0x314: {  	_ =	swait.ge [sflag:s7], $0x40  }
0x315: {  	[sflag:s7] =	ssyncset.done $0x0  }
0x316: {  	[sflag:s7] =	ssyncadd.s32 $0xFFFFFFC0  }
0x317: {  	[tilespmem:s9], [sflag:$0x1] =	stream.indirect.gather [hbm4b:s17+s11], $0x80, s31, s11, $0xb8;
	[tilespmem:$0x1ED80] =	vst v63  }
0x318: {  	_ =	swait.ge [sflag:s26], $0x2000  }
0x319: {  	[sflag:s26] =	ssyncset.done $0x0  }
0x31a: {  	s21 =	simm.s32 $0x2700;
	[sflag:s26] =	ssyncadd.s32 $0xFFFFE000  }
0x31b: {  	[spmem:s20] =	stream.indirect.scatter.add.f32 [tilespmem:s15], [sflag:$0x7], $0x80, s21, s11, $0xb8;
	[tilespmem:$0x1ED80] =	vst v63  }
0x31c: {  	_ = 	snop  }
0x31d: {  	[spmem:s22] =	stream.indirect.scatter.add.f32 [tilespmem:s18], [sflag:$0xB], $0x1, s21, s11, $0xb8;
	[tilespmem:$0x1ED80] =	vst v63  }
0x31e: {  	_ =	swait.ge [sflag:s29], $0x2000  }
0x31f: {  	[sflag:s29] =	ssyncset.done $0x0  }
0x320: {  	[sflag:s29] =	ssyncadd.s32 $0xFFFFE000  }
0x321: {  	_ =	swait.ge [sflag:s30], $0x40  }
0x322: {  	[sflag:s30] =	ssyncset.done $0x0  }
0x323: {  	[sflag:s30] =	ssyncadd.s32 $0xFFFFFFC0  }
0x324: {  	[tilespmem:s13], [sflag:$0x2] =	stream.indirect.gather [hbm4b:s17+s11], $0x80, s31, s11, $0xb8;
	[tilespmem:$0x1ED80] =	vst v63  }
0x325: {  	_ =	swait.ge [sflag:s19], $0x2000  }
0x326: {  	[sflag:s19] =	ssyncset.done $0x0  }
0x327: {  	s28 =	simm.s32 $0x2780;
	[sflag:s19] =	ssyncadd.s32 $0xFFFFE000  }
0x328: {  	[spmem:s20] =	stream.indirect.scatter.add.f32 [tilespmem:s23], [sflag:$0x8], $0x80, s28, s11, $0xb8;
	[tilespmem:$0x1ED80] =	vst v63  }
0x329: {  	_ = 	snop  }
0x32a: {  	[spmem:s22] =	stream.indirect.scatter.add.f32 [tilespmem:s18], [sflag:$0xC], $0x1, s28, s11, $0xb8;
	[tilespmem:$0x1ED80] =	vst v63  }
0x32b: {  	_ =	swait.ge [sflag:s12], $0x2000  }
0x32c: {  	[sflag:s12] =	ssyncset.done $0x0  }
0x32d: {  	[sflag:s12] =	ssyncadd.s32 $0xFFFFE000  }
0x32e: {  	_ =	swait.ge [sflag:s2], $0x40  }
0x32f: {  	[sflag:s2] =	ssyncset.done $0x0  }
0x330: {  	[sflag:s2] =	ssyncadd.s32 $0xFFFFFFC0  }
0x331: {  	_ =	swait.ge [sflag:s3], $0x2000  }
0x332: {  	[sflag:s3] =	ssyncset.done $0x0  }
0x333: {  	[sflag:s3] =	ssyncadd.s32 $0xFFFFE000  }
0x334: {  	_ =	swait.ge [sflag:s14], $0x40  }
0x335: {  	[sflag:s14] =	ssyncset.done $0x0  }
0x336: {  	[sflag:s14] =	ssyncadd.s32 $0xFFFFFFC0  }
0x337: {  	_ =	swait.ge [sflag:s16], $0x2000  }
0x338: {  	[sflag:s16] =	ssyncset.done $0x0  }
0x339: {  	[sflag:s16] =	ssyncadd.s32 $0xFFFFE000  }
0x33a: {  	_ =	swait.ge [sflag:s24], $0x2000  }
0x33b: {  	s25 =	smov.u32 s4;
	[sflag:s24] =	ssyncset.done $0x0  }
0x33c: {  	s31 =	simm.s32 $0x0;
	s4 =	rddreg [dreg:$0xc];
	[sflag:s24] =	ssyncadd.s32 $0xFFFFE000  }
0x33d: {  	[tilespmem:s31], [sflag:$0xD] =	stream.linear.gather [hbm4b:s4+s31], $0x1400, $0x38;
	[tilespmem:$0x1ED80] =	vst v63  }
0x33e: {  	_ =	swait.ge [sflag:s8], $0x1400  }
0x33f: {  	[sflag:s8] =	ssyncset.done $0x0  }
0x340: {  	s28 =	simm.s32 $0x1400;
	s10 =	rddreg [dreg:$0xd];
	[sflag:s8] =	ssyncadd.s32 $0xFFFFEC00  }
0x341: {  	[tilespmem:s28], [sflag:$0xD] =	stream.linear.gather [hbm4b:s10+s31], $0x1400, $0x38;
	[tilespmem:$0x1ED80] =	vst v63  }
0x342: {  	_ =	swait.ge [sflag:s8], $0x1400  }
0x343: {  	[sflag:s8] =	ssyncset.done $0x0  }
0x344: {  	[sflag:s8] =	ssyncadd.s32 $0xFFFFEC00  }
0x345: {  	[tilespmem:s9], [sflag:$0x1] =	stream.indirect.gather [hbm4b:s17+s11], $0x80, s31, s11, $0xb8;
	[tilespmem:$0x1ED80] =	vst v63  }
0x346: {  	s31 =	simm.s32 $0x80  }
0x347: {  	[tilespmem:s13], [sflag:$0x2] =	stream.indirect.gather [hbm4b:s17+s11], $0x80, s31, s11, $0xb8;
	[tilespmem:$0x1ED80] =	vst v63  }
0x348: {  	s10 =	simm.s32 $0x100  }
0x349: {  	[tilespmem:s15], [sflag:$0x3] =	stream.indirect.gather [hbm4b:s17+s11], $0x80, s10, s11, $0xb8;
	[tilespmem:$0x1ED80] =	vst v63  }
0x34a: {  	_ =	swait.ge [sflag:s16], $0x2000  }
0x34b: {  	[sflag:s16] =	ssyncset.done $0x0  }
0x34c: {  	[sflag:s16] =	ssyncadd.s32 $0xFFFFE000  }
0x34d: {  	[spmem:s20] =	stream.indirect.scatter.add.f32 [tilespmem:s9], [sflag:$0x5], $0x80, s28, s11, $0xb8;
	[tilespmem:$0x1ED80] =	vst v63  }
0x34e: {  	_ = 	snop  }
0x34f: {  	[spmem:s22] =	stream.indirect.scatter.add.f32 [tilespmem:s18], [sflag:$0x9], $0x1, s28, s11, $0xb8;
	[tilespmem:$0x1ED80] =	vst v63  }
0x350: {  	s21 =	simm.s32 $0x180  }
0x351: {  	[tilespmem:s23], [sflag:$0x4] =	stream.indirect.gather [hbm4b:s17+s11], $0x80, s21, s11, $0xb8;
	[tilespmem:$0x1ED80] =	vst v63  }
0x352: {  	_ =	swait.ge [sflag:s24], $0x2000  }
0x353: {  	[sflag:s24] =	ssyncset.done $0x0  }
0x354: {  	s28 =	simm.s32 $0x1480;
	[sflag:s24] =	ssyncadd.s32 $0xFFFFE000  }
0x355: {  	[spmem:s20] =	stream.indirect.scatter.add.f32 [tilespmem:s13], [sflag:$0x6], $0x80, s28, s11, $0xb8;
	[tilespmem:$0x1ED80] =	vst v63  }
0x356: {  	_ = 	snop  }
0x357: {  	[spmem:s22] =	stream.indirect.scatter.add.f32 [tilespmem:s18], [sflag:$0xA], $0x1, s28, s11, $0xb8;
	[tilespmem:$0x1ED80] =	vst v63  }
0x358: {  	_ =	swait.ge [sflag:s6], $0x2000  }
0x359: {  	[sflag:s6] =	ssyncset.done $0x0  }
0x35a: {  	[sflag:s6] =	ssyncadd.s32 $0xFFFFE000  }
0x35b: {  	_ =	swait.ge [sflag:s7], $0x40  }
0x35c: {  	[sflag:s7] =	ssyncset.done $0x0  }
0x35d: {  	s31 =	simm.s32 $0x200;
	[sflag:s7] =	ssyncadd.s32 $0xFFFFFFC0  }
0x35e: {  	[tilespmem:s9], [sflag:$0x1] =	stream.indirect.gather [hbm4b:s17+s11], $0x80, s31, s11, $0xb8;
	[tilespmem:$0x1ED80] =	vst v63  }
0x35f: {  	_ =	swait.ge [sflag:s26], $0x2000  }
0x360: {  	[sflag:s26] =	ssyncset.done $0x0  }
0x361: {  	s4 =	simm.s32 $0x1500;
	[sflag:s26] =	ssyncadd.s32 $0xFFFFE000  }
0x362: {  	[spmem:s20] =	stream.indirect.scatter.add.f32 [tilespmem:s15], [sflag:$0x7], $0x80, s4, s11, $0xb8;
	[tilespmem:$0x1ED80] =	vst v63  }
0x363: {  	_ = 	snop  }
0x364: {  	[spmem:s22] =	stream.indirect.scatter.add.f32 [tilespmem:s18], [sflag:$0xB], $0x1, s4, s11, $0xb8;
	[tilespmem:$0x1ED80] =	vst v63  }
0x365: {  	_ =	swait.ge [sflag:s29], $0x2000  }
0x366: {  	[sflag:s29] =	ssyncset.done $0x0  }
0x367: {  	[sflag:s29] =	ssyncadd.s32 $0xFFFFE000  }
0x368: {  	_ =	swait.ge [sflag:s30], $0x40  }
0x369: {  	[sflag:s30] =	ssyncset.done $0x0  }
0x36a: {  	s10 =	simm.s32 $0x280;
	[sflag:s30] =	ssyncadd.s32 $0xFFFFFFC0  }
0x36b: {  	[tilespmem:s13], [sflag:$0x2] =	stream.indirect.gather [hbm4b:s17+s11], $0x80, s10, s11, $0xb8;
	[tilespmem:$0x1ED80] =	vst v63  }
0x36c: {  	_ =	swait.ge [sflag:s19], $0x2000  }
0x36d: {  	[sflag:s19] =	ssyncset.done $0x0  }
0x36e: {  	s21 =	simm.s32 $0x1580;
	[sflag:s19] =	ssyncadd.s32 $0xFFFFE000  }
0x36f: {  	[spmem:s20] =	stream.indirect.scatter.add.f32 [tilespmem:s23], [sflag:$0x8], $0x80, s21, s11, $0xb8;
	[tilespmem:$0x1ED80] =	vst v63  }
0x370: {  	_ = 	snop  }
0x371: {  	[spmem:s22] =	stream.indirect.scatter.add.f32 [tilespmem:s18], [sflag:$0xC], $0x1, s21, s11, $0xb8;
	[tilespmem:$0x1ED80] =	vst v63  }
0x372: {  	_ =	swait.ge [sflag:s12], $0x2000  }
0x373: {  	[sflag:s12] =	ssyncset.done $0x0  }
0x374: {  	[sflag:s12] =	ssyncadd.s32 $0xFFFFE000  }
0x375: {  	_ =	swait.ge [sflag:s2], $0x40  }
0x376: {  	[sflag:s2] =	ssyncset.done $0x0  }
0x377: {  	s28 =	simm.s32 $0x300;
	[sflag:s2] =	ssyncadd.s32 $0xFFFFFFC0  }
0x378: {  	[tilespmem:s15], [sflag:$0x3] =	stream.indirect.gather [hbm4b:s17+s11], $0x80, s28, s11, $0xb8;
	[tilespmem:$0x1ED80] =	vst v63  }
0x379: {  	_ =	swait.ge [sflag:s16], $0x2000  }
0x37a: {  	[sflag:s16] =	ssyncset.done $0x0  }
0x37b: {  	s31 =	simm.s32 $0x1600;
	[sflag:s16] =	ssyncadd.s32 $0xFFFFE000  }
0x37c: {  	[spmem:s20] =	stream.indirect.scatter.add.f32 [tilespmem:s9], [sflag:$0x5], $0x80, s31, s11, $0xb8;
	[tilespmem:$0x1ED80] =	vst v63  }
0x37d: {  	_ = 	snop  }
0x37e: {  	[spmem:s22] =	stream.indirect.scatter.add.f32 [tilespmem:s18], [sflag:$0x9], $0x1, s31, s11, $0xb8;
	[tilespmem:$0x1ED80] =	vst v63  }
0x37f: {  	_ =	swait.ge [sflag:s3], $0x2000  }
0x380: {  	[sflag:s3] =	ssyncset.done $0x0  }
0x381: {  	[sflag:s3] =	ssyncadd.s32 $0xFFFFE000  }
0x382: {  	_ =	swait.ge [sflag:s14], $0x40  }
0x383: {  	[sflag:s14] =	ssyncset.done $0x0  }
0x384: {  	s4 =	simm.s32 $0x380;
	[sflag:s14] =	ssyncadd.s32 $0xFFFFFFC0  }
0x385: {  	[tilespmem:s23], [sflag:$0x4] =	stream.indirect.gather [hbm4b:s17+s11], $0x80, s4, s11, $0xb8;
	[tilespmem:$0x1ED80] =	vst v63  }
0x386: {  	_ =	swait.ge [sflag:s24], $0x2000  }
0x387: {  	[sflag:s24] =	ssyncset.done $0x0  }
0x388: {  	s10 =	simm.s32 $0x1680;
	[sflag:s24] =	ssyncadd.s32 $0xFFFFE000  }
0x389: {  	[spmem:s20] =	stream.indirect.scatter.add.f32 [tilespmem:s13], [sflag:$0x6], $0x80, s10, s11, $0xb8;
	[tilespmem:$0x1ED80] =	vst v63  }
0x38a: {  	_ = 	snop  }
0x38b: {  	[spmem:s22] =	stream.indirect.scatter.add.f32 [tilespmem:s18], [sflag:$0xA], $0x1, s10, s11, $0xb8;
	[tilespmem:$0x1ED80] =	vst v63  }
0x38c: {  	_ =	swait.ge [sflag:s6], $0x2000  }
0x38d: {  	[sflag:s6] =	ssyncset.done $0x0  }
0x38e: {  	[sflag:s6] =	ssyncadd.s32 $0xFFFFE000  }
0x38f: {  	_ =	swait.ge [sflag:s7], $0x40  }
0x390: {  	[sflag:s7] =	ssyncset.done $0x0  }
0x391: {  	s21 =	simm.s32 $0x400;
	[sflag:s7] =	ssyncadd.s32 $0xFFFFFFC0  }
0x392: {  	[tilespmem:s9], [sflag:$0x1] =	stream.indirect.gather [hbm4b:s17+s11], $0x80, s21, s11, $0xb8;
	[tilespmem:$0x1ED80] =	vst v63  }
0x393: {  	_ =	swait.ge [sflag:s26], $0x2000  }
0x394: {  	[sflag:s26] =	ssyncset.done $0x0  }
0x395: {  	s28 =	simm.s32 $0x1700;
	[sflag:s26] =	ssyncadd.s32 $0xFFFFE000  }
0x396: {  	[spmem:s20] =	stream.indirect.scatter.add.f32 [tilespmem:s15], [sflag:$0x7], $0x80, s28, s11, $0xb8;
	[tilespmem:$0x1ED80] =	vst v63  }
0x397: {  	_ = 	snop  }
0x398: {  	[spmem:s22] =	stream.indirect.scatter.add.f32 [tilespmem:s18], [sflag:$0xB], $0x1, s28, s11, $0xb8;
	[tilespmem:$0x1ED80] =	vst v63  }
0x399: {  	_ =	swait.ge [sflag:s29], $0x2000  }
0x39a: {  	[sflag:s29] =	ssyncset.done $0x0  }
0x39b: {  	[sflag:s29] =	ssyncadd.s32 $0xFFFFE000  }
0x39c: {  	_ =	swait.ge [sflag:s30], $0x40  }
0x39d: {  	[sflag:s30] =	ssyncset.done $0x0  }
0x39e: {  	s31 =	simm.s32 $0x480;
	[sflag:s30] =	ssyncadd.s32 $0xFFFFFFC0  }
0x39f: {  	[tilespmem:s13], [sflag:$0x2] =	stream.indirect.gather [hbm4b:s17+s11], $0x80, s31, s11, $0xb8;
	[tilespmem:$0x1ED80] =	vst v63  }
0x3a0: {  	_ =	swait.ge [sflag:s19], $0x2000  }
0x3a1: {  	[sflag:s19] =	ssyncset.done $0x0  }
0x3a2: {  	s0 =	simm.s32 $0x800;
	s21 =	simm.s32 $0x1780;
	[sflag:s19] =	ssyncadd.s32 $0xFFFFE000  }
0x3a3: {  	[spmem:s20] =	stream.indirect.scatter.add.f32 [tilespmem:s23], [sflag:$0x8], $0x80, s21, s11, $0xb8;
	[tilespmem:$0x1ED80] =	vst v63  }
.LBB2_8:
0x3a4: {  	[spmem:s22] =	stream.indirect.scatter.add.f32 [tilespmem:s18], [sflag:$0xC], $0x1, s21, s11, $0xb8;
	[tilespmem:$0x1ED80] =	vst v63  }
0x3a5: {  	s21 =	smov.u32 s0  }
0x3a6: {  	p0 =	sne.s32 s0, $0x3800;
	s0 =	sadd.s32 $0x800, s0;
	_ =	swait.ge [sflag:s12], $0x2000  }
0x3a7: {  	[sflag:s12] =	ssyncset.done $0x0  }
0x3a8: {  	[sflag:s12] =	ssyncadd.s32 $0xFFFFE000  }
0x3a9: {  	_ =	swait.ge [sflag:s2], $0x40  }
0x3aa: {  	s21 =	sshra.s32 s21, $0x2;
	[sflag:s2] =	ssyncset.done $0x0  }
0x3ab: {  	s31 =	sadd.s32 $0x300, s21;
	[sflag:s2] =	ssyncadd.s32 $0xFFFFFFC0  }
0x3ac: {  	[tilespmem:s15], [sflag:$0x3] =	stream.indirect.gather [hbm4b:s17+s11], $0x80, s31, s11, $0xb8;
	[tilespmem:$0x1ED80] =	vst v63  }
0x3ad: {  	_ =	swait.ge [sflag:s16], $0x2000  }
0x3ae: {  	[sflag:s16] =	ssyncset.done $0x0  }
0x3af: {  	s31 =	sadd.s32 $0x1600, s21;
	[sflag:s16] =	ssyncadd.s32 $0xFFFFE000  }
0x3b0: {  	[spmem:s20] =	stream.indirect.scatter.add.f32 [tilespmem:s9], [sflag:$0x5], $0x80, s31, s11, $0xb8;
	[tilespmem:$0x1ED80] =	vst v63  }
0x3b1: {  	_ = 	snop  }
0x3b2: {  	[spmem:s22] =	stream.indirect.scatter.add.f32 [tilespmem:s18], [sflag:$0x9], $0x1, s31, s11, $0xb8;
	[tilespmem:$0x1ED80] =	vst v63  }
0x3b3: {  	_ =	swait.ge [sflag:s3], $0x2000  }
0x3b4: {  	[sflag:s3] =	ssyncset.done $0x0  }
0x3b5: {  	[sflag:s3] =	ssyncadd.s32 $0xFFFFE000  }
0x3b6: {  	_ =	swait.ge [sflag:s14], $0x40  }
0x3b7: {  	[sflag:s14] =	ssyncset.done $0x0  }
0x3b8: {  	s31 =	sadd.s32 $0x380, s21;
	[sflag:s14] =	ssyncadd.s32 $0xFFFFFFC0  }
0x3b9: {  	[tilespmem:s23], [sflag:$0x4] =	stream.indirect.gather [hbm4b:s17+s11], $0x80, s31, s11, $0xb8;
	[tilespmem:$0x1ED80] =	vst v63  }
0x3ba: {  	_ =	swait.ge [sflag:s24], $0x2000  }
0x3bb: {  	[sflag:s24] =	ssyncset.done $0x0  }
0x3bc: {  	s31 =	sadd.s32 $0x1680, s21;
	[sflag:s24] =	ssyncadd.s32 $0xFFFFE000  }
0x3bd: {  	[spmem:s20] =	stream.indirect.scatter.add.f32 [tilespmem:s13], [sflag:$0x6], $0x80, s31, s11, $0xb8;
	[tilespmem:$0x1ED80] =	vst v63  }
0x3be: {  	_ = 	snop  }
0x3bf: {  	[spmem:s22] =	stream.indirect.scatter.add.f32 [tilespmem:s18], [sflag:$0xA], $0x1, s31, s11, $0xb8;
	[tilespmem:$0x1ED80] =	vst v63  }
0x3c0: {  	_ =	swait.ge [sflag:s6], $0x2000  }
0x3c1: {  	[sflag:s6] =	ssyncset.done $0x0  }
0x3c2: {  	[sflag:s6] =	ssyncadd.s32 $0xFFFFE000  }
0x3c3: {  	_ =	swait.ge [sflag:s7], $0x40  }
0x3c4: {  	[sflag:s7] =	ssyncset.done $0x0  }
0x3c5: {  	s31 =	sadd.s32 $0x400, s21;
	[sflag:s7] =	ssyncadd.s32 $0xFFFFFFC0  }
0x3c6: {  	[tilespmem:s9], [sflag:$0x1] =	stream.indirect.gather [hbm4b:s17+s11], $0x80, s31, s11, $0xb8;
	[tilespmem:$0x1ED80] =	vst v63  }
0x3c7: {  	_ =	swait.ge [sflag:s26], $0x2000  }
0x3c8: {  	[sflag:s26] =	ssyncset.done $0x0  }
0x3c9: {  	s31 =	sadd.s32 $0x1700, s21;
	[sflag:s26] =	ssyncadd.s32 $0xFFFFE000  }
0x3ca: {  	[spmem:s20] =	stream.indirect.scatter.add.f32 [tilespmem:s15], [sflag:$0x7], $0x80, s31, s11, $0xb8;
	[tilespmem:$0x1ED80] =	vst v63  }
0x3cb: {  	_ = 	snop  }
0x3cc: {  	[spmem:s22] =	stream.indirect.scatter.add.f32 [tilespmem:s18], [sflag:$0xB], $0x1, s31, s11, $0xb8;
	[tilespmem:$0x1ED80] =	vst v63  }
0x3cd: {  	_ =	swait.ge [sflag:s29], $0x2000  }
0x3ce: {  	[sflag:s29] =	ssyncset.done $0x0  }
0x3cf: {  	[sflag:s29] =	ssyncadd.s32 $0xFFFFE000  }
0x3d0: {  	_ =	swait.ge [sflag:s30], $0x40  }
0x3d1: {  	[sflag:s30] =	ssyncset.done $0x0  }
0x3d2: {  	s31 =	sadd.s32 $0x480, s21;
	[sflag:s30] =	ssyncadd.s32 $0xFFFFFFC0  }
0x3d3: {  	[tilespmem:s13], [sflag:$0x2] =	stream.indirect.gather [hbm4b:s17+s11], $0x80, s31, s11, $0xb8;
	[tilespmem:$0x1ED80] =	vst v63  }
.Ltmp3:
0x3d4: {  	_ = 	snop;
	(pc) =	sbr.rel @p0 .LBB2_8-.Ltmp3, $4  }
0x3d5: {  	_ =	swait.ge [sflag:s19], $0x2000  }
0x3d6: {  	[sflag:s19] =	ssyncset.done $0x0  }
0x3d7: {  	s21 =	sadd.s32 $0x1780, s21;
	[sflag:s19] =	ssyncadd.s32 $0xFFFFE000  }
0x3d8: {  	[spmem:s20] =	stream.indirect.scatter.add.f32 [tilespmem:s23], [sflag:$0x8], $0x80, s21, s11, $0xb8;
	[tilespmem:$0x1ED80] =	vst v63  }
0x3d9: {  	[spmem:s22] =	stream.indirect.scatter.add.f32 [tilespmem:s18], [sflag:$0xC], $0x1, s21, s11, $0xb8;
	[tilespmem:$0x1ED80] =	vst v63  }
0x3da: {  	_ =	swait.ge [sflag:s12], $0x2000  }
0x3db: {  	[sflag:s12] =	ssyncset.done $0x0  }
0x3dc: {  	[sflag:s12] =	ssyncadd.s32 $0xFFFFE000  }
0x3dd: {  	_ =	swait.ge [sflag:s2], $0x40  }
0x3de: {  	[sflag:s2] =	ssyncset.done $0x0  }
0x3df: {  	s0 =	simm.s32 $0x1300;
	[sflag:s2] =	ssyncadd.s32 $0xFFFFFFC0  }
0x3e0: {  	[tilespmem:s15], [sflag:$0x3] =	stream.indirect.gather [hbm4b:s17+s11], $0x80, s0, s11, $0xb8;
	[tilespmem:$0x1ED80] =	vst v63  }
0x3e1: {  	_ =	swait.ge [sflag:s16], $0x2000  }
0x3e2: {  	[sflag:s16] =	ssyncset.done $0x0  }
0x3e3: {  	s4 =	simm.s32 $0x2600;
	[sflag:s16] =	ssyncadd.s32 $0xFFFFE000  }
0x3e4: {  	[spmem:s20] =	stream.indirect.scatter.add.f32 [tilespmem:s9], [sflag:$0x5], $0x80, s4, s11, $0xb8;
	[tilespmem:$0x1ED80] =	vst v63  }
0x3e5: {  	_ = 	snop  }
0x3e6: {  	[spmem:s22] =	stream.indirect.scatter.add.f32 [tilespmem:s18], [sflag:$0x9], $0x1, s4, s11, $0xb8;
	[tilespmem:$0x1ED80] =	vst v63  }
0x3e7: {  	_ =	swait.ge [sflag:s3], $0x2000  }
0x3e8: {  	[sflag:s3] =	ssyncset.done $0x0  }
0x3e9: {  	[sflag:s3] =	ssyncadd.s32 $0xFFFFE000  }
0x3ea: {  	_ =	swait.ge [sflag:s14], $0x40  }
0x3eb: {  	[sflag:s14] =	ssyncset.done $0x0  }
0x3ec: {  	s10 =	simm.s32 $0x1380;
	[sflag:s14] =	ssyncadd.s32 $0xFFFFFFC0  }
0x3ed: {  	[tilespmem:s23], [sflag:$0x4] =	stream.indirect.gather [hbm4b:s17+s11], $0x80, s10, s11, $0xb8;
	[tilespmem:$0x1ED80] =	vst v63  }
0x3ee: {  	_ =	swait.ge [sflag:s24], $0x2000  }
0x3ef: {  	[sflag:s24] =	ssyncset.done $0x0  }
0x3f0: {  	s4 =	simm.s32 $0x2680;
	[sflag:s24] =	ssyncadd.s32 $0xFFFFE000  }
0x3f1: {  	[spmem:s20] =	stream.indirect.scatter.add.f32 [tilespmem:s13], [sflag:$0x6], $0x80, s4, s11, $0xb8;
	[tilespmem:$0x1ED80] =	vst v63  }
0x3f2: {  	_ = 	snop  }
0x3f3: {  	[spmem:s22] =	stream.indirect.scatter.add.f32 [tilespmem:s18], [sflag:$0xA], $0x1, s4, s11, $0xb8;
	[tilespmem:$0x1ED80] =	vst v63  }
0x3f4: {  	_ =	swait.ge [sflag:s6], $0x2000  }
0x3f5: {  	[sflag:s6] =	ssyncset.done $0x0  }
0x3f6: {  	[sflag:s6] =	ssyncadd.s32 $0xFFFFE000  }
0x3f7: {  	_ =	swait.ge [sflag:s7], $0x40  }
0x3f8: {  	[sflag:s7] =	ssyncset.done $0x0  }
0x3f9: {  	[sflag:s7] =	ssyncadd.s32 $0xFFFFFFC0  }
0x3fa: {  	[tilespmem:s9], [sflag:$0x1] =	stream.indirect.gather [hbm4b:s17+s11], $0x80, s10, s11, $0xb8;
	[tilespmem:$0x1ED80] =	vst v63  }
0x3fb: {  	_ =	swait.ge [sflag:s26], $0x2000  }
0x3fc: {  	[sflag:s26] =	ssyncset.done $0x0  }
0x3fd: {  	s21 =	simm.s32 $0x2700;
	[sflag:s26] =	ssyncadd.s32 $0xFFFFE000  }
0x3fe: {  	[spmem:s20] =	stream.indirect.scatter.add.f32 [tilespmem:s15], [sflag:$0x7], $0x80, s21, s11, $0xb8;
	[tilespmem:$0x1ED80] =	vst v63  }
0x3ff: {  	_ = 	snop  }
0x400: {  	[spmem:s22] =	stream.indirect.scatter.add.f32 [tilespmem:s18], [sflag:$0xB], $0x1, s21, s11, $0xb8;
	[tilespmem:$0x1ED80] =	vst v63  }
0x401: {  	_ =	swait.ge [sflag:s29], $0x2000  }
0x402: {  	[sflag:s29] =	ssyncset.done $0x0  }
0x403: {  	[sflag:s29] =	ssyncadd.s32 $0xFFFFE000  }
0x404: {  	_ =	swait.ge [sflag:s30], $0x40  }
0x405: {  	[sflag:s30] =	ssyncset.done $0x0  }
0x406: {  	[sflag:s30] =	ssyncadd.s32 $0xFFFFFFC0  }
0x407: {  	[tilespmem:s13], [sflag:$0x2] =	stream.indirect.gather [hbm4b:s17+s11], $0x80, s10, s11, $0xb8;
	[tilespmem:$0x1ED80] =	vst v63  }
0x408: {  	_ =	swait.ge [sflag:s19], $0x2000  }
0x409: {  	[sflag:s19] =	ssyncset.done $0x0  }
0x40a: {  	s4 =	simm.s32 $0x2780;
	[sflag:s19] =	ssyncadd.s32 $0xFFFFE000  }
0x40b: {  	[spmem:s20] =	stream.indirect.scatter.add.f32 [tilespmem:s23], [sflag:$0x8], $0x80, s4, s11, $0xb8;
	[tilespmem:$0x1ED80] =	vst v63  }
0x40c: {  	_ = 	snop  }
0x40d: {  	[spmem:s22] =	stream.indirect.scatter.add.f32 [tilespmem:s18], [sflag:$0xC], $0x1, s4, s11, $0xb8;
	[tilespmem:$0x1ED80] =	vst v63  }
0x40e: {  	_ =	swait.ge [sflag:s12], $0x2000  }
0x40f: {  	[sflag:s12] =	ssyncset.done $0x0  }
0x410: {  	[sflag:s12] =	ssyncadd.s32 $0xFFFFE000  }
0x411: {  	_ =	swait.ge [sflag:s2], $0x40  }
0x412: {  	[sflag:s2] =	ssyncset.done $0x0  }
0x413: {  	[sflag:s2] =	ssyncadd.s32 $0xFFFFFFC0  }
0x414: {  	_ =	swait.ge [sflag:s3], $0x2000  }
0x415: {  	[sflag:s3] =	ssyncset.done $0x0  }
0x416: {  	[sflag:s3] =	ssyncadd.s32 $0xFFFFE000  }
0x417: {  	_ =	swait.ge [sflag:s14], $0x40  }
0x418: {  	[sflag:s14] =	ssyncset.done $0x0  }
0x419: {  	[sflag:s14] =	ssyncadd.s32 $0xFFFFFFC0  }
0x41a: {  	_ =	swait.ge [sflag:s16], $0x2000  }
0x41b: {  	[sflag:s16] =	ssyncset.done $0x0  }
0x41c: {  	[sflag:s16] =	ssyncadd.s32 $0xFFFFE000  }
0x41d: {  	_ =	swait.ge [sflag:s24], $0x2000  }
0x41e: {  	[sflag:s24] =	ssyncset.done $0x0  }
0x41f: {  	[sflag:s24] =	ssyncadd.s32 $0xFFFFE000  }
0x420: {  	[bflag:$0x0] =	sbarrier.arrive $0xFFFF  }
0x421: {  	s31 =	rddreg [dreg:$0x1a]  }
0x422: {  	[tilespmem:s9], [sflag:$0xD] =	stream.linear.gather [spmem:s31], $0x2000, $0x38;
	[tilespmem:$0x1ED80] =	vst v63  }
0x423: {  	_ =	swait.ge [sflag:s8], $0x2000  }
0x424: {  	[sflag:s8] =	ssyncset.done $0x0  }
0x425: {  	s10 =	rddreg [dreg:$0xe];
	[sflag:s8] =	ssyncadd.s32 $0xFFFFE000  }
0x426: {  	[hbm4b:s10+s1] =	stream.linear.scatter [tilespmem:s9], [sflag:$0xD], $0x2000, $0x38;
	[tilespmem:$0x1ED80] =	vst v63  }
0x427: {  	_ =	swait.ge [sflag:s8], $0x2000  }
0x428: {  	[sflag:s8] =	ssyncset.done $0x0  }
0x429: {  	s4 =	rddreg [dreg:$0x1b];
	[sflag:s8] =	ssyncadd.s32 $0xFFFFE000  }
0x42a: {  	[tilespmem:s9], [sflag:$0xD] =	stream.linear.gather [spmem:s4], $0x2000, $0x38;
	[tilespmem:$0x1ED80] =	vst v63  }
0x42b: {  	_ =	swait.ge [sflag:s8], $0x2000  }
0x42c: {  	[sflag:s8] =	ssyncset.done $0x0  }
0x42d: {  	s21 =	rddreg [dreg:$0xf];
	[sflag:s8] =	ssyncadd.s32 $0xFFFFE000  }
0x42e: {  	[hbm4b:s21+s1] =	stream.linear.scatter [tilespmem:s9], [sflag:$0xD], $0x2000, $0x38;
	[tilespmem:$0x1ED80] =	vst v63  }
0x42f: {  	_ =	swait.ge [sflag:s8], $0x2000  }
0x430: {  	[sflag:s8] =	ssyncset.done $0x0  }
0x431: {  	[sflag:s8] =	ssyncadd.s32 $0xFFFFE000  }
0x432: {  	[tilespmem:s9], [sflag:$0xD] =	stream.linear.gather [spmem:s5], $0x2000, $0x38;
	[tilespmem:$0x1ED80] =	vst v63  }
0x433: {  	_ =	swait.ge [sflag:s8], $0x2000  }
0x434: {  	[sflag:s8] =	ssyncset.done $0x0  }
0x435: {  	s10 =	rddreg [dreg:$0x10];
	[sflag:s8] =	ssyncadd.s32 $0xFFFFE000  }
0x436: {  	[hbm4b:s10+s1] =	stream.linear.scatter [tilespmem:s9], [sflag:$0xD], $0x2000, $0x38;
	[tilespmem:$0x1ED80] =	vst v63  }
0x437: {  	_ =	swait.ge [sflag:s8], $0x2000  }
0x438: {  	[sflag:s8] =	ssyncset.done $0x0  }
0x439: {  	s10 =	rddreg [dreg:$0x1c];
	[sflag:s8] =	ssyncadd.s32 $0xFFFFE000  }
0x43a: {  	[tilespmem:s9], [sflag:$0xD] =	stream.linear.gather [spmem:s10], $0x2000, $0x38;
	[tilespmem:$0x1ED80] =	vst v63  }
0x43b: {  	_ =	swait.ge [sflag:s8], $0x2000  }
0x43c: {  	[sflag:s8] =	ssyncset.done $0x0  }
0x43d: {  	s21 =	rddreg [dreg:$0x11];
	[sflag:s8] =	ssyncadd.s32 $0xFFFFE000  }
0x43e: {  	[hbm4b:s21+s1] =	stream.linear.scatter [tilespmem:s9], [sflag:$0xD], $0x2000, $0x38;
	[tilespmem:$0x1ED80] =	vst v63  }
0x43f: {  	_ =	swait.ge [sflag:s8], $0x2000  }
0x440: {  	[sflag:s8] =	ssyncset.done $0x0  }
0x441: {  	[sflag:s8] =	ssyncadd.s32 $0xFFFFE000  }
0x442: {  	[tilespmem:s9], [sflag:$0xD] =	stream.linear.gather [spmem:s25], $0x2000, $0x38;
	[tilespmem:$0x1ED80] =	vst v63  }
0x443: {  	_ =	swait.ge [sflag:s8], $0x2000  }
0x444: {  	[sflag:s8] =	ssyncset.done $0x0  }
0x445: {  	s25 =	rddreg [dreg:$0x12];
	[sflag:s8] =	ssyncadd.s32 $0xFFFFE000  }
0x446: {  	[hbm4b:s25+s1] =	stream.linear.scatter [tilespmem:s9], [sflag:$0xD], $0x2000, $0x38;
	[tilespmem:$0x1ED80] =	vst v63  }
0x447: {  	_ =	swait.ge [sflag:s8], $0x2000  }
0x448: {  	[sflag:s8] =	ssyncset.done $0x0  }
0x449: {  	s5 =	rddreg [dreg:$0x1d];
	[sflag:s8] =	ssyncadd.s32 $0xFFFFE000  }
0x44a: {  	[tilespmem:s9], [sflag:$0xD] =	stream.linear.gather [spmem:s5], $0x2000, $0x38;
	[tilespmem:$0x1ED80] =	vst v63  }
0x44b: {  	_ =	swait.ge [sflag:s8], $0x2000  }
0x44c: {  	[sflag:s8] =	ssyncset.done $0x0  }
0x44d: {  	s28 =	simm.s32 $0x0;
	s21 =	rddreg [dreg:$0x13];
	[sflag:s8] =	ssyncadd.s32 $0xFFFFE000  }
0x44e: {  	[hbm4b:s21+s28] =	stream.linear.scatter [tilespmem:s9], [sflag:$0xD], $0x2000, $0x38;
	[tilespmem:$0x1ED80] =	vst v63  }
0x44f: {  	_ =	swait.ge [sflag:s8], $0x2000  }
0x450: {  	[sflag:s8] =	ssyncset.done $0x0  }
0x451: {  	s1 =	rddreg [dreg:$0x1e];
	[sflag:s8] =	ssyncadd.s32 $0xFFFFE000  }
0x452: {  	[tilespmem:s9], [sflag:$0xD] =	stream.linear.gather [spmem:s1], $0x2000, $0x38;
	[tilespmem:$0x1ED80] =	vst v63  }
0x453: {  	_ =	swait.ge [sflag:s8], $0x2000  }
0x454: {  	[sflag:s8] =	ssyncset.done $0x0  }
0x455: {  	s25 =	rddreg [dreg:$0x14];
	[sflag:s8] =	ssyncadd.s32 $0xFFFFE000  }
0x456: {  	[hbm4b:s25+s28] =	stream.linear.scatter [tilespmem:s9], [sflag:$0xD], $0x2000, $0x38;
	[tilespmem:$0x1ED80] =	vst v63  }
0x457: {  	_ =	swait.ge [sflag:s8], $0x2000  }
0x458: {  	[sflag:s8] =	ssyncset.done $0x0  }
0x459: {  	s5 =	rddreg [dreg:$0x1f];
	[sflag:s8] =	ssyncadd.s32 $0xFFFFE000  }
0x45a: {  	[tilespmem:s9], [sflag:$0xD] =	stream.linear.gather [spmem:s5], $0x2000, $0x38;
	[tilespmem:$0x1ED80] =	vst v63  }
0x45b: {  	_ =	swait.ge [sflag:s8], $0x2000  }
0x45c: {  	[sflag:s8] =	ssyncset.done $0x0  }
0x45d: {  	s21 =	rddreg [dreg:$0x15];
	[sflag:s8] =	ssyncadd.s32 $0xFFFFE000  }
0x45e: {  	[hbm4b:s21+s28] =	stream.linear.scatter [tilespmem:s9], [sflag:$0xD], $0x2000, $0x38;
	[tilespmem:$0x1ED80] =	vst v63  }
0x45f: {  	_ =	swait.ge [sflag:s8], $0x2000  }
0x460: {  	s25 =	sld [smem:$0x7FA]  }
0x461: {  	[sflag:s8] =	ssyncset.done $0x0  }
0x462: {  	[sflag:s8] =	ssyncadd.s32 $0xFFFFE000  }
0x463: {  	[tilespmem:s9], [sflag:$0xD] =	stream.linear.gather [spmem:s25], $0x2000, $0x38;
	[tilespmem:$0x1ED80] =	vst v63  }
0x464: {  	_ =	swait.ge [sflag:s8], $0x2000  }
0x465: {  	[sflag:s8] =	ssyncset.done $0x0  }
0x466: {  	s5 =	rddreg [dreg:$0x16];
	[sflag:s8] =	ssyncadd.s32 $0xFFFFE000  }
0x467: {  	[hbm4b:s5+s28] =	stream.linear.scatter [tilespmem:s9], [sflag:$0xD], $0x2000, $0x38;
	[tilespmem:$0x1ED80] =	vst v63  }
0x468: {  	_ =	swait.ge [sflag:s8], $0x2000  }
0x469: {  	s21 =	sld [smem:$0x7FD]  }
0x46a: {  	[sflag:s8] =	ssyncset.done $0x0  }
0x46b: {  	[sflag:s8] =	ssyncadd.s32 $0xFFFFE000  }
0x46c: {  	[tilespmem:s9], [sflag:$0xD] =	stream.linear.gather [spmem:s21], $0x2000, $0x38;
	[tilespmem:$0x1ED80] =	vst v63  }
0x46d: {  	_ =	swait.ge [sflag:s8], $0x2000  }
0x46e: {  	[sflag:s8] =	ssyncset.done $0x0  }
0x46f: {  	s25 =	rddreg [dreg:$0x17];
	[sflag:s8] =	ssyncadd.s32 $0xFFFFE000  }
0x470: {  	[hbm4b:s25+s28] =	stream.linear.scatter [tilespmem:s9], [sflag:$0xD], $0x2000, $0x38;
	[tilespmem:$0x1ED80] =	vst v63  }
0x471: {  	_ =	swait.ge [sflag:s8], $0x2000  }
0x472: {  	s5 =	smov.u32 s21;
	[sflag:s8] =	ssyncset.done $0x0  }
0x473: {  	s25 =	simm.s32 $0xA880;
	s21 =	rddreg [dreg:$0x19];
	[sflag:s8] =	ssyncadd.s32 $0xFFFFE000  }
0x474: {  	[tilespmem:s25], [sflag:$0xD] =	stream.linear.gather [spmem:s21], $0x280, $0x38;
	[tilespmem:$0x1ED80] =	vst v63  }
0x475: {  	_ =	swait.ge [sflag:s8], $0x280  }
0x476: {  	s0 =	sld [smem:$0x7FB]  }
0x477: {  	[sflag:s8] =	ssyncset.done $0x0  }
0x478: {  	[sflag:s8] =	ssyncadd.s32 $0xFFFFFD80  }
0x479: {  	[hbm4b:s0+s28] =	stream.linear.scatter [tilespmem:s25], [sflag:$0xD], $0x280, $0x38;
	[tilespmem:$0x1ED80] =	vst v63  }
0x47a: {  	_ =	swait.ge [sflag:s8], $0x280  }
0x47b: {  	s0 =	sld [smem:$0x7F7];
	_ =	sdelay $0x2  }
0x47c: {  	s25 =	sadd.s32 $0x1, s0;
	s0 =	sld [smem:$0x7FC];
	_ =	sdelay $0x2  }
0x47d: {  	p0 =	sne.s32 s25, s0  }
.Ltmp4:
0x47e: {  	_ = 	snop;
	(pc) =	sbr.rel @p0 .LBB2_1-.Ltmp4, $3  }
0x47f: {  	_ =	sdelay $0x1  }
0x480: {  	[sflag:s8] =	ssyncset.done $0x0  }
0x481: {  	[sflag:s8] =	ssyncadd.s32 $0xFFFFFD80;
	s0 =	simm.s32 $0xA880  }
0x482: {  	_ =	sfence.sel $0x180000  }
0x483: {  	[bflag:$0x0] =	sbarrier.arrive $0xFFFF  }
0x484: {  	_ =	strace $0x90000047  }
0x485: {  	s0 =	stileid.u32;
	[bflag:$0x2] =	sbarrier.arrive $0xFFFF  }
0x486: {  	p0 =	sne.s32 s0, $0x0;
	s0 =	rddreg [dreg:$0x5]  }
0x487: {  	s0 =	sadd.s32 @!p0 $0x100000, s0  }
0x488: {  	[sflag:s0] =	ssyncadd.tile.s32 @!p0 $0x1;
	_ =	shalt  }
.Lfunc_end2:
_tile_overlayer_lowered:
.L_overlay_start_2:
0x489: {  	(tag) =	ssettag $0x2  }
0x48a: {  	s0 =	rddreg [dreg:$0x0];
	s2 =	stileid.u32  }
0x48b: {  	s1 =	rddreg [dreg:$0x1];
	p0 =	sne.s32 s2, $0x0  }
0x48c: {  	s3 =	rddreg [dreg:$0x2];
	[bflag:$0x3] =	sbarrier.arrive $0xFFFF;
	s2 =	simm.s32 @!p0 $0x1C0D  }
0x48d: {  	[timem:s3], [sflag:s2] =	dma.local @!p0 [hbm:s0], s1  }
0x48e: {  	s0 =	simm.s32 @!p0 $0xD  }
0x48f: {  	_ =	swait.ge @!p0 [sflag:s0], s1  }
0x490: {  	s1 =	ssub.s32 @!p0 $0x0, s1;
	[sflag:s0] =	ssyncset.done @!p0 $0x0  }
0x491: {  	[sflag:s0] =	ssyncadd.s32 @!p0 s1  }
0x492: {  	[bflag:$0x3] =	sbarrier.arrive $0xFFFF  }
0x493: {  	_ =	shalt  }

</sc_bundles>
